<compile_context>
chip_gen: v7x
topology: tpu7x:2x2x1
jax: 0.10.2.dev20260603
libtpu: 0.0.44.dev20260713+nightly
codegen_flags: <defaults>
</compile_context>

<pallas_src>
import jax
import jax.numpy as jnp
from jax import lax
from jax.experimental import pallas as pl
from jax.experimental.pallas import tpu as pltpu
from jax.experimental.pallas import tpu_sc as plsc

K = 100000
M = 64
B = 4096
L = 50

NC, NS = 2, 16
NW = NC * NS
NJ = B // 128
NPASS = M // NW


def _gather_body(yt_hbm, tt_hbm, out_hbm, row_v, yt_v, stg_v, yts, ysem, ssem,
                 rsem):
    w = lax.axis_index("s") * NC + lax.axis_index("c")

    pltpu.async_copy(tt_hbm.at[w], row_v, rsem)

    @pl.when(lax.axis_index("s") == 0)
    def _():
        pltpu.sync_copy(yt_hbm, yts)

    plsc.subcore_barrier()

    def fire_yt(l, b):
        pltpu.async_copy(yts.at[l], yt_v.at[b], ysem.at[b])

    def wait_yt(b):
        pltpu.make_async_copy(yts.at[0], yt_v.at[b], ysem.at[b]).wait()

    def fire_out(l, i, r, b):
        dst = out_hbm.at[l, i, :, pl.ds(pl.multiple_of(r * 128, 128), 128)]
        pltpu.async_copy(stg_v.at[b], dst, ssem.at[b])

    def wait_out(b):
        pltpu.make_async_copy(stg_v.at[b], out_hbm.at[0, 0, :, pl.ds(0, 128)],
                              ssem.at[b]).wait()

    def gather_one_l(b):
        @plsc.parallel_loop(0, NJ, unroll=16)
        def jstep(j):
            dstrow = stg_v.at[b, j]
            for q in range(8):
                idx = yt_v.at[b][pl.ds(j * 128 + q * 16, 16)]
                dstrow[pl.ds(q * 16, 16)] = plsc.load_gather(row_v, [idx])

    for p in range(NPASS):
        m = NW * p + w
        i = m // 8
        r = m % 8
        fire_yt(0, 0)
        fire_yt(1, 1)
        if p == 0:
            pltpu.make_async_copy(tt_hbm.at[0], row_v, rsem).wait()
        else:
            pltpu.sync_copy(tt_hbm.at[m], row_v)

        for b in range(2):
            wait_yt(b)
            gather_one_l(b)
            fire_yt(b + 2, b)
            fire_out(b, i, r, b)

        def group(g, _):
            for b in range(2):
                l = 2 * g + b
                wait_yt(b)
                wait_out(b)
                gather_one_l(b)

                @pl.when(g < L // 2 - 1)
                def _():
                    fire_yt(l + 2, b)

                fire_out(l, i, r, b)
            return 0

        lax.fori_loop(1, L // 2, group, 0)
        wait_out(0)
        wait_out(1)


@jax.jit
def _embed(table_t, y_t):
    mesh = plsc.VectorSubcoreMesh(core_axis_name="c", subcore_axis_name="s")
    f = pl.kernel(
        _gather_body,
        out_type=jax.ShapeDtypeStruct((L, M // 8, NJ, 8 * 128), jnp.float32),
        mesh=mesh,
        scratch_types=[
            pltpu.VMEM((K,), jnp.float32),
            pltpu.VMEM((2, B), jnp.int32),
            pltpu.VMEM((2, NJ, 128), jnp.float32),
            pltpu.VMEM_SHARED((L, B), jnp.int32),
            pltpu.SemaphoreType.DMA((2,)),
            pltpu.SemaphoreType.DMA((2,)),
            pltpu.SemaphoreType.DMA,
        ],
        compiler_params=pltpu.CompilerParams(
            use_tc_tiling_on_sc=False, needs_layout_passes=False),
    )
    return f(y_t, table_t)


def kernel(params, y, table):
    y_t = jnp.transpose(y).astype(jnp.int32)
    table_t = jnp.transpose(table)
    x = _embed(table_t, y_t)
    x = x.reshape(L, M // 8, NJ, 8, 128)
    return x.transpose(2, 4, 0, 1, 3).reshape(B, L, M)

# --- scband reference (transcript-rebuilt; emitter-appended) ---
"""Pipeline reference for scband-embedding-17910013624562 (READ-ONLY COPY).

The authoritative reference and input builder live on the scoring server;
editing this copy changes nothing except your own understanding.
"""

import jax, jax.numpy as jnp
import numpy as np

K = 100000
M = 64
B = 4096
L = 50

def setup_inputs(seed: int = 0) -> dict:
    key = jax.random.key(seed)
    k1, k2 = jax.random.split(key)
    # nn.Embedding weight init ~ N(0, 1)
    table = jax.random.normal(k1, (K, M), dtype=jnp.float32)
    y = jax.random.randint(k2, (B, L), 0, K, dtype=jnp.int64 if jax.config.jax_enable_x64 else jnp.int32)
    params = 0  # unused placeholder mirroring the torch forward signature
    return {"params": params, "y": y, "table": table}

def reference(params, y, table):
    # emb = self.embedding(y)
    emb = jnp.take(table, y, axis=0)
    return emb

if __name__ == "__main__":
    import jax
    _d = setup_inputs()
    print(jax.jit(kernel)(*tuple(_d.values())))

</pallas_src>

<mosaic_0001>
#map = affine_map<(d0, d1) -> (0, 0)>
#map1 = affine_map<(d0, d1) -> (0, 0, 0, 0)>
module attributes {stable_mosaic.version = 14 : i64} {
  func.func @_gather_body(%arg0: i32, %arg1: i32, %arg2: memref<50x4096xi32, #tpu.memory_space<hbm>>, %arg3: memref<64x100000xf32, #tpu.memory_space<hbm>>, %arg4: memref<50x8x32x1024xf32, #tpu.memory_space<hbm>>, %arg5: memref<100000xf32, #tpu.memory_space<vmem>>, %arg6: memref<2x4096xi32, #tpu.memory_space<vmem>>, %arg7: memref<2x32x128xf32, #tpu.memory_space<vmem>>, %arg8: memref<50x4096xi32, #tpu.memory_space<vmem_shared>>, %arg9: memref<2x!tpu.dma_semaphore, #tpu.memory_space<semaphore_mem>>, %arg10: memref<2x!tpu.dma_semaphore, #tpu.memory_space<semaphore_mem>>, %arg11: memref<!tpu.dma_semaphore, #tpu.memory_space<semaphore_mem>>) attributes {dimension_semantics = [#tpu.dimension_semantics<core_parallel>, #tpu.dimension_semantics<subcore_parallel>], iteration_bounds = array<i64: 2, 16>, scalar_prefetch = 0 : i64, scratch_operands = 7 : i64, tpu.core_type = #tpu.core_type<sc_vector_subcore>, window_params = [{transform_indices = #map}, {transform_indices = #map}, {transform_indices = #map1}]} {
    %mul3A = arith.constant 2 : i32
    %mul3A_0 = arith.muli %arg1, %mul3A : i32
    %add3A = arith.addi %mul3A_0, %arg0 : i32
    %dma_start3A = arith.constant 0 : i32
    %dma_start3A_1 = tpu.memref_slice %arg3[%add3A, %dma_start3A] : memref<64x100000xf32, #tpu.memory_space<hbm>> -> memref<1x100000xf32, #tpu.memory_space<hbm>>
    %dma_start3A_2 = tpu.memref_squeeze %dma_start3A_1 : memref<1x100000xf32, #tpu.memory_space<hbm>> -> memref<100000xf32, #tpu.memory_space<hbm>>
    %dma_start3A_3 = arith.constant 0 : i32
    %dma_start3A_4 = tpu.memref_slice %arg3[%add3A, %dma_start3A_3] : memref<64x100000xf32, #tpu.memory_space<hbm>> -> memref<1x100000xf32, #tpu.memory_space<hbm>>
    %dma_start3A_5 = tpu.memref_squeeze %dma_start3A_4 : memref<1x100000xf32, #tpu.memory_space<hbm>> -> memref<100000xf32, #tpu.memory_space<hbm>>
    tpu.enqueue_dma source(%dma_start3A_5 : memref<100000xf32, #tpu.memory_space<hbm>>) target(%arg5 : memref<100000xf32, #tpu.memory_space<vmem>>) target_semaphore(%arg11 : memref<!tpu.dma_semaphore, #tpu.memory_space<semaphore_mem>>)
    %eq3A = arith.constant 0 : i32
    %eq3A_6 = arith.cmpi eq, %arg1, %eq3A : i32
    %convert_element_type3A = arith.extui %eq3A_6 : i1 to i32
    %cond3A = arith.constant 0 : i32
    %cond3A_7 = arith.cmpi ne, %convert_element_type3A, %cond3A : i32
    scf.if %cond3A_7 {
      "tpu.region"() ({
        %run_scoped3A = tpu.sem_alloc : memref<!tpu.dma_semaphore, #tpu.memory_space<semaphore_mem>>
        tpu.enqueue_dma source(%arg2 : memref<50x4096xi32, #tpu.memory_space<hbm>>) target(%arg8 : memref<50x4096xi32, #tpu.memory_space<vmem_shared>>) target_semaphore(%run_scoped3A : memref<!tpu.dma_semaphore, #tpu.memory_space<semaphore_mem>>)
        tpu.wait_dma2 semaphore(%run_scoped3A : memref<!tpu.dma_semaphore, #tpu.memory_space<semaphore_mem>>) src(%arg2 : memref<50x4096xi32, #tpu.memory_space<hbm>>) dst(%arg8 : memref<50x4096xi32, #tpu.memory_space<vmem_shared>>)
        tpu.yield
      }) : () -> ()
    } else {
    }
    %barrier3A = arith.constant 0 : index
    tpu.barrier barrier_id(%barrier3A)
    %add3A_8 = arith.constant 0 : i32
    %add3A_9 = arith.addi %add3A_8, %add3A : i32
    %jit3A = arith.constant 8 : i32
    %div3A = arith.divsi %add3A_9, %jit3A : i32
    %sign3A = arith.constant 0 : i32
    %sign3A_10 = arith.cmpi sgt, %add3A_9, %sign3A : i32
    %sign3A_11 = arith.extui %sign3A_10 : i1 to i32
    %sign3A_12 = arith.constant 0 : i32
    %sign3A_13 = arith.cmpi slt, %add3A_9, %sign3A_12 : i32
    %sign3A_14 = arith.extui %sign3A_13 : i1 to i32
    %sign3A_15 = arith.subi %sign3A_11, %sign3A_14 : i32
    %sign3A_16 = arith.constant 0 : i32
    %sign3A_17 = arith.cmpi sgt, %jit3A, %sign3A_16 : i32
    %sign3A_18 = arith.extui %sign3A_17 : i1 to i32
    %sign3A_19 = arith.constant 0 : i32
    %sign3A_20 = arith.cmpi slt, %jit3A, %sign3A_19 : i32
    %sign3A_21 = arith.extui %sign3A_20 : i1 to i32
    %sign3A_22 = arith.subi %sign3A_18, %sign3A_21 : i32
    %ne3A = arith.cmpi ne, %sign3A_15, %sign3A_22 : i32
    %rem3A = arith.remsi %add3A_9, %jit3A : i32
    %ne3A_23 = arith.constant 0 : i32
    %ne3A_24 = arith.cmpi ne, %rem3A, %ne3A_23 : i32
    %and3A = arith.andi %ne3A, %ne3A_24 : i1
    %sub3A = arith.constant 1 : i32
    %sub3A_25 = arith.subi %div3A, %sub3A : i32
    %select_n3A = arith.select %and3A, %sub3A_25, %div3A : i32
    %jit3A_26 = arith.constant 8 : i32
    %eq3A_27 = arith.constant 0 : i32
    %eq3A_28 = arith.cmpi eq, %jit3A_26, %eq3A_27 : i32
    %jit3A_29 = arith.constant 1 : i32
    %select_n3A_30 = arith.select %eq3A_28, %jit3A_29, %jit3A_26 : i32
    %rem3A_31 = arith.remsi %add3A_9, %select_n3A_30 : i32
    %ne3A_32 = arith.constant 0 : i32
    %ne3A_33 = arith.cmpi ne, %rem3A_31, %ne3A_32 : i32
    %lt3A = arith.constant 0 : i32
    %lt3A_34 = arith.cmpi slt, %rem3A_31, %lt3A : i32
    %lt3A_35 = arith.constant 0 : i32
    %lt3A_36 = arith.cmpi slt, %select_n3A_30, %lt3A_35 : i32
    %ne3A_37 = arith.xori %lt3A_34, %lt3A_36 : i1
    %and3A_38 = arith.andi %ne3A_37, %ne3A_33 : i1
    %add3A_39 = arith.addi %rem3A_31, %select_n3A_30 : i32
    %select_n3A_40 = arith.select %and3A_38, %add3A_39, %rem3A_31 : i32
    %dma_start3A_41 = arith.constant 0 : i32
    %dma_start3A_42 = arith.constant 0 : i32
    %dma_start3A_43 = arith.constant 0 : i32
    %dma_start3A_44 = arith.constant 0 : i32
    %dma_start3A_45 = tpu.memref_slice %arg6[%dma_start3A_42, %dma_start3A_44] : memref<2x4096xi32, #tpu.memory_space<vmem>> -> memref<1x4096xi32, #tpu.memory_space<vmem>>
    %dma_start3A_46 = tpu.memref_squeeze %dma_start3A_45 : memref<1x4096xi32, #tpu.memory_space<vmem>> -> memref<4096xi32, #tpu.memory_space<vmem>>
    %dma_start3A_47 = arith.constant 0 : i32
    %dma_start3A_48 = tpu.memref_slice %arg8[%dma_start3A_41, %dma_start3A_47] : memref<50x4096xi32, #tpu.memory_space<vmem_shared>> -> memref<1x4096xi32, #tpu.memory_space<vmem_shared>>
    %dma_start3A_49 = tpu.memref_squeeze %dma_start3A_48 : memref<1x4096xi32, #tpu.memory_space<vmem_shared>> -> memref<4096xi32, #tpu.memory_space<vmem_shared>>
    %dma_start3A_50 = tpu.memref_slice %arg9[%dma_start3A_43] : memref<2x!tpu.dma_semaphore, #tpu.memory_space<semaphore_mem>> -> memref<1x!tpu.dma_semaphore, #tpu.memory_space<semaphore_mem>>
    %dma_start3A_51 = tpu.memref_squeeze %dma_start3A_50 : memref<1x!tpu.dma_semaphore, #tpu.memory_space<semaphore_mem>> -> memref<!tpu.dma_semaphore, #tpu.memory_space<semaphore_mem>>
    %dma_start3A_52 = arith.constant 0 : i32
    %dma_start3A_53 = tpu.memref_slice %arg6[%dma_start3A_42, %dma_start3A_52] : memref<2x4096xi32, #tpu.memory_space<vmem>> -> memref<1x4096xi32, #tpu.memory_space<vmem>>
    %dma_start3A_54 = tpu.memref_squeeze %dma_start3A_53 : memref<1x4096xi32, #tpu.memory_space<vmem>> -> memref<4096xi32, #tpu.memory_space<vmem>>
    %dma_start3A_55 = arith.constant 0 : i32
    %dma_start3A_56 = tpu.memref_slice %arg8[%dma_start3A_41, %dma_start3A_55] : memref<50x4096xi32, #tpu.memory_space<vmem_shared>> -> memref<1x4096xi32, #tpu.memory_space<vmem_shared>>
    %dma_start3A_57 = tpu.memref_squeeze %dma_start3A_56 : memref<1x4096xi32, #tpu.memory_space<vmem_shared>> -> memref<4096xi32, #tpu.memory_space<vmem_shared>>
    tpu.enqueue_dma source(%dma_start3A_57 : memref<4096xi32, #tpu.memory_space<vmem_shared>>) target(%dma_start3A_54 : memref<4096xi32, #tpu.memory_space<vmem>>) target_semaphore(%dma_start3A_51 : memref<!tpu.dma_semaphore, #tpu.memory_space<semaphore_mem>>)
    %dma_start3A_58 = arith.constant 1 : i32
    %dma_start3A_59 = arith.constant 1 : i32
    %dma_start3A_60 = arith.constant 1 : i32
    %dma_start3A_61 = arith.constant 0 : i32
    %dma_start3A_62 = tpu.memref_slice %arg6[%dma_start3A_59, %dma_start3A_61] : memref<2x4096xi32, #tpu.memory_space<vmem>> -> memref<1x4096xi32, #tpu.memory_space<vmem>>
    %dma_start3A_63 = tpu.memref_squeeze %dma_start3A_62 : memref<1x4096xi32, #tpu.memory_space<vmem>> -> memref<4096xi32, #tpu.memory_space<vmem>>
    %dma_start3A_64 = arith.constant 0 : i32
    %dma_start3A_65 = tpu.memref_slice %arg8[%dma_start3A_58, %dma_start3A_64] : memref<50x4096xi32, #tpu.memory_space<vmem_shared>> -> memref<1x4096xi32, #tpu.memory_space<vmem_shared>>
    %dma_start3A_66 = tpu.memref_squeeze %dma_start3A_65 : memref<1x4096xi32, #tpu.memory_space<vmem_shared>> -> memref<4096xi32, #tpu.memory_space<vmem_shared>>
    %dma_start3A_67 = tpu.memref_slice %arg9[%dma_start3A_60] : memref<2x!tpu.dma_semaphore, #tpu.memory_space<semaphore_mem>> -> memref<1x!tpu.dma_semaphore, #tpu.memory_space<semaphore_mem>>
    %dma_start3A_68 = tpu.memref_squeeze %dma_start3A_67 : memref<1x!tpu.dma_semaphore, #tpu.memory_space<semaphore_mem>> -> memref<!tpu.dma_semaphore, #tpu.memory_space<semaphore_mem>>
    %dma_start3A_69 = arith.constant 0 : i32
    %dma_start3A_70 = tpu.memref_slice %arg6[%dma_start3A_59, %dma_start3A_69] : memref<2x4096xi32, #tpu.memory_space<vmem>> -> memref<1x4096xi32, #tpu.memory_space<vmem>>
    %dma_start3A_71 = tpu.memref_squeeze %dma_start3A_70 : memref<1x4096xi32, #tpu.memory_space<vmem>> -> memref<4096xi32, #tpu.memory_space<vmem>>
    %dma_start3A_72 = arith.constant 0 : i32
    %dma_start3A_73 = tpu.memref_slice %arg8[%dma_start3A_58, %dma_start3A_72] : memref<50x4096xi32, #tpu.memory_space<vmem_shared>> -> memref<1x4096xi32, #tpu.memory_space<vmem_shared>>
    %dma_start3A_74 = tpu.memref_squeeze %dma_start3A_73 : memref<1x4096xi32, #tpu.memory_space<vmem_shared>> -> memref<4096xi32, #tpu.memory_space<vmem_shared>>
    tpu.enqueue_dma source(%dma_start3A_74 : memref<4096xi32, #tpu.memory_space<vmem_shared>>) target(%dma_start3A_71 : memref<4096xi32, #tpu.memory_space<vmem>>) target_semaphore(%dma_start3A_68 : memref<!tpu.dma_semaphore, #tpu.memory_space<semaphore_mem>>)
    %dma_wait3A = arith.constant 0 : i32
    %dma_wait3A_75 = arith.constant 0 : i32
    %dma_wait3A_76 = tpu.memref_slice %arg3[%dma_wait3A, %dma_wait3A_75] : memref<64x100000xf32, #tpu.memory_space<hbm>> -> memref<1x100000xf32, #tpu.memory_space<hbm>>
    %dma_wait3A_77 = tpu.memref_squeeze %dma_wait3A_76 : memref<1x100000xf32, #tpu.memory_space<hbm>> -> memref<100000xf32, #tpu.memory_space<hbm>>
    %dma_wait3A_78 = arith.constant 0 : i32
    %dma_wait3A_79 = tpu.memref_slice %arg3[%dma_wait3A, %dma_wait3A_78] : memref<64x100000xf32, #tpu.memory_space<hbm>> -> memref<1x100000xf32, #tpu.memory_space<hbm>>
    %dma_wait3A_80 = tpu.memref_squeeze %dma_wait3A_79 : memref<1x100000xf32, #tpu.memory_space<hbm>> -> memref<100000xf32, #tpu.memory_space<hbm>>
    tpu.wait_dma2 semaphore(%arg11 : memref<!tpu.dma_semaphore, #tpu.memory_space<semaphore_mem>>) src(%dma_wait3A_80 : memref<100000xf32, #tpu.memory_space<hbm>>) dst(%arg5 : memref<100000xf32, #tpu.memory_space<vmem>>)
    %dma_wait3A_81 = arith.constant 0 : i32
    %dma_wait3A_82 = arith.constant 0 : i32
    %dma_wait3A_83 = arith.constant 0 : i32
    %dma_wait3A_84 = arith.constant 0 : i32
    %dma_wait3A_85 = tpu.memref_slice %arg6[%dma_wait3A_82, %dma_wait3A_84] : memref<2x4096xi32, #tpu.memory_space<vmem>> -> memref<1x4096xi32, #tpu.memory_space<vmem>>
    %dma_wait3A_86 = tpu.memref_squeeze %dma_wait3A_85 : memref<1x4096xi32, #tpu.memory_space<vmem>> -> memref<4096xi32, #tpu.memory_space<vmem>>
    %dma_wait3A_87 = arith.constant 0 : i32
    %dma_wait3A_88 = tpu.memref_slice %arg8[%dma_wait3A_81, %dma_wait3A_87] : memref<50x4096xi32, #tpu.memory_space<vmem_shared>> -> memref<1x4096xi32, #tpu.memory_space<vmem_shared>>
    %dma_wait3A_89 = tpu.memref_squeeze %dma_wait3A_88 : memref<1x4096xi32, #tpu.memory_space<vmem_shared>> -> memref<4096xi32, #tpu.memory_space<vmem_shared>>
    %dma_wait3A_90 = tpu.memref_slice %arg9[%dma_wait3A_83] : memref<2x!tpu.dma_semaphore, #tpu.memory_space<semaphore_mem>> -> memref<1x!tpu.dma_semaphore, #tpu.memory_space<semaphore_mem>>
    %dma_wait3A_91 = tpu.memref_squeeze %dma_wait3A_90 : memref<1x!tpu.dma_semaphore, #tpu.memory_space<semaphore_mem>> -> memref<!tpu.dma_semaphore, #tpu.memory_space<semaphore_mem>>
    %dma_wait3A_92 = arith.constant 0 : i32
    %dma_wait3A_93 = tpu.memref_slice %arg6[%dma_wait3A_82, %dma_wait3A_92] : memref<2x4096xi32, #tpu.memory_space<vmem>> -> memref<1x4096xi32, #tpu.memory_space<vmem>>
    %dma_wait3A_94 = tpu.memref_squeeze %dma_wait3A_93 : memref<1x4096xi32, #tpu.memory_space<vmem>> -> memref<4096xi32, #tpu.memory_space<vmem>>
    %dma_wait3A_95 = arith.constant 0 : i32
    %dma_wait3A_96 = tpu.memref_slice %arg8[%dma_wait3A_81, %dma_wait3A_95] : memref<50x4096xi32, #tpu.memory_space<vmem_shared>> -> memref<1x4096xi32, #tpu.memory_space<vmem_shared>>
    %dma_wait3A_97 = tpu.memref_squeeze %dma_wait3A_96 : memref<1x4096xi32, #tpu.memory_space<vmem_shared>> -> memref<4096xi32, #tpu.memory_space<vmem_shared>>
    tpu.wait_dma2 semaphore(%dma_wait3A_91 : memref<!tpu.dma_semaphore, #tpu.memory_space<semaphore_mem>>) src(%dma_wait3A_97 : memref<4096xi32, #tpu.memory_space<vmem_shared>>) dst(%dma_wait3A_94 : memref<4096xi32, #tpu.memory_space<vmem>>)
    %parallel_loop3A = arith.constant 0 : i32
    %parallel_loop3A_98 = arith.constant 32 : i32
    %parallel_loop3A_99 = arith.constant 1 : i32
    scf.for %parallel_loop3A_492 = %parallel_loop3A to %parallel_loop3A_98 step %parallel_loop3A_99  : i32 {
      %parallel_loop3A_493 = arith.constant 128 : i32
      %parallel_loop3A_494 = arith.muli %parallel_loop3A_492, %parallel_loop3A_493 : i32
      %parallel_loop3A_495 = arith.constant 0 : i32
      %parallel_loop3A_496 = arith.addi %parallel_loop3A_494, %parallel_loop3A_495 : i32
      %parallel_loop3A_497 = arith.constant 0 : i32
      %parallel_loop3A_498 = arith.constant 0 : i32
      %parallel_loop3A_499 = tpu.memref_slice %arg6[%parallel_loop3A_497, %parallel_loop3A_498] : memref<2x4096xi32, #tpu.memory_space<vmem>> -> memref<1x4096xi32, #tpu.memory_space<vmem>>
      %parallel_loop3A_500 = tpu.memref_squeeze %parallel_loop3A_499 : memref<1x4096xi32, #tpu.memory_space<vmem>> -> memref<4096xi32, #tpu.memory_space<vmem>>
      %parallel_loop3A_501 = arith.index_cast %parallel_loop3A_496 : i32 to index
      %parallel_loop3A_502 = tpu.vector_load %parallel_loop3A_500[%parallel_loop3A_501] {strides = array<i32>} : memref<4096xi32, #tpu.memory_space<vmem>>, vector<16xi32>,
      %parallel_loop3A_503 = tpu.vector_load_idx %arg5[%parallel_loop3A_502] : memref<100000xf32, #tpu.memory_space<vmem>>[vector<16xi32>], vector<16xf32>,
      %parallel_loop3A_504 = arith.constant 0 : i32
      %parallel_loop3A_505 = arith.constant 0 : i32
      %parallel_loop3A_506 = tpu.memref_slice %arg7[%parallel_loop3A_504, %parallel_loop3A_492, %parallel_loop3A_505] : memref<2x32x128xf32, #tpu.memory_space<vmem>> -> memref<1x1x128xf32, #tpu.memory_space<vmem>>
      %parallel_loop3A_507 = tpu.memref_squeeze %parallel_loop3A_506 : memref<1x1x128xf32, #tpu.memory_space<vmem>> -> memref<128xf32, #tpu.memory_space<vmem>>
      %parallel_loop3A_508 = arith.constant 0 : index
      %parallel_loop3A_509 = tpu.vector_load %parallel_loop3A_507[%parallel_loop3A_508] {strides = array<i32>} : memref<128xf32, #tpu.memory_space<vmem>>, vector<16xf32>,
      tpu.vector_store %parallel_loop3A_507[%parallel_loop3A_508], %parallel_loop3A_503 {strides = array<i32>} : memref<128xf32, #tpu.memory_space<vmem>>, vector<16xf32>,
      %parallel_loop3A_510 = arith.constant 128 : i32
      %parallel_loop3A_511 = arith.muli %parallel_loop3A_492, %parallel_loop3A_510 : i32
      %parallel_loop3A_512 = arith.constant 16 : i32
      %parallel_loop3A_513 = arith.addi %parallel_loop3A_511, %parallel_loop3A_512 : i32
      %parallel_loop3A_514 = arith.constant 0 : i32
      %parallel_loop3A_515 = arith.constant 0 : i32
      %parallel_loop3A_516 = tpu.memref_slice %arg6[%parallel_loop3A_514, %parallel_loop3A_515] : memref<2x4096xi32, #tpu.memory_space<vmem>> -> memref<1x4096xi32, #tpu.memory_space<vmem>>
      %parallel_loop3A_517 = tpu.memref_squeeze %parallel_loop3A_516 : memref<1x4096xi32, #tpu.memory_space<vmem>> -> memref<4096xi32, #tpu.memory_space<vmem>>
      %parallel_loop3A_518 = arith.index_cast %parallel_loop3A_513 : i32 to index
      %parallel_loop3A_519 = tpu.vector_load %parallel_loop3A_517[%parallel_loop3A_518] {strides = array<i32>} : memref<4096xi32, #tpu.memory_space<vmem>>, vector<16xi32>,
      %parallel_loop3A_520 = tpu.vector_load_idx %arg5[%parallel_loop3A_519] : memref<100000xf32, #tpu.memory_space<vmem>>[vector<16xi32>], vector<16xf32>,
      %parallel_loop3A_521 = arith.constant 0 : i32
      %parallel_loop3A_522 = arith.constant 0 : i32
      %parallel_loop3A_523 = tpu.memref_slice %arg7[%parallel_loop3A_521, %parallel_loop3A_492, %parallel_loop3A_522] : memref<2x32x128xf32, #tpu.memory_space<vmem>> -> memref<1x1x128xf32, #tpu.memory_space<vmem>>
      %parallel_loop3A_524 = tpu.memref_squeeze %parallel_loop3A_523 : memref<1x1x128xf32, #tpu.memory_space<vmem>> -> memref<128xf32, #tpu.memory_space<vmem>>
      %parallel_loop3A_525 = arith.constant 16 : index
      %parallel_loop3A_526 = tpu.vector_load %parallel_loop3A_524[%parallel_loop3A_525] {strides = array<i32>} : memref<128xf32, #tpu.memory_space<vmem>>, vector<16xf32>,
      tpu.vector_store %parallel_loop3A_524[%parallel_loop3A_525], %parallel_loop3A_520 {strides = array<i32>} : memref<128xf32, #tpu.memory_space<vmem>>, vector<16xf32>,
      %parallel_loop3A_527 = arith.constant 128 : i32
      %parallel_loop3A_528 = arith.muli %parallel_loop3A_492, %parallel_loop3A_527 : i32
      %parallel_loop3A_529 = arith.constant 32 : i32
      %parallel_loop3A_530 = arith.addi %parallel_loop3A_528, %parallel_loop3A_529 : i32
      %parallel_loop3A_531 = arith.constant 0 : i32
      %parallel_loop3A_532 = arith.constant 0 : i32
      %parallel_loop3A_533 = tpu.memref_slice %arg6[%parallel_loop3A_531, %parallel_loop3A_532] : memref<2x4096xi32, #tpu.memory_space<vmem>> -> memref<1x4096xi32, #tpu.memory_space<vmem>>
      %parallel_loop3A_534 = tpu.memref_squeeze %parallel_loop3A_533 : memref<1x4096xi32, #tpu.memory_space<vmem>> -> memref<4096xi32, #tpu.memory_space<vmem>>
      %parallel_loop3A_535 = arith.index_cast %parallel_loop3A_530 : i32 to index
      %parallel_loop3A_536 = tpu.vector_load %parallel_loop3A_534[%parallel_loop3A_535] {strides = array<i32>} : memref<4096xi32, #tpu.memory_space<vmem>>, vector<16xi32>,
      %parallel_loop3A_537 = tpu.vector_load_idx %arg5[%parallel_loop3A_536] : memref<100000xf32, #tpu.memory_space<vmem>>[vector<16xi32>], vector<16xf32>,
      %parallel_loop3A_538 = arith.constant 0 : i32
      %parallel_loop3A_539 = arith.constant 0 : i32
      %parallel_loop3A_540 = tpu.memref_slice %arg7[%parallel_loop3A_538, %parallel_loop3A_492, %parallel_loop3A_539] : memref<2x32x128xf32, #tpu.memory_space<vmem>> -> memref<1x1x128xf32, #tpu.memory_space<vmem>>
      %parallel_loop3A_541 = tpu.memref_squeeze %parallel_loop3A_540 : memref<1x1x128xf32, #tpu.memory_space<vmem>> -> memref<128xf32, #tpu.memory_space<vmem>>
      %parallel_loop3A_542 = arith.constant 32 : index
      %parallel_loop3A_543 = tpu.vector_load %parallel_loop3A_541[%parallel_loop3A_542] {strides = array<i32>} : memref<128xf32, #tpu.memory_space<vmem>>, vector<16xf32>,
      tpu.vector_store %parallel_loop3A_541[%parallel_loop3A_542], %parallel_loop3A_537 {strides = array<i32>} : memref<128xf32, #tpu.memory_space<vmem>>, vector<16xf32>,
      %parallel_loop3A_544 = arith.constant 128 : i32
      %parallel_loop3A_545 = arith.muli %parallel_loop3A_492, %parallel_loop3A_544 : i32
      %parallel_loop3A_546 = arith.constant 48 : i32
      %parallel_loop3A_547 = arith.addi %parallel_loop3A_545, %parallel_loop3A_546 : i32
      %parallel_loop3A_548 = arith.constant 0 : i32
      %parallel_loop3A_549 = arith.constant 0 : i32
      %parallel_loop3A_550 = tpu.memref_slice %arg6[%parallel_loop3A_548, %parallel_loop3A_549] : memref<2x4096xi32, #tpu.memory_space<vmem>> -> memref<1x4096xi32, #tpu.memory_space<vmem>>
      %parallel_loop3A_551 = tpu.memref_squeeze %parallel_loop3A_550 : memref<1x4096xi32, #tpu.memory_space<vmem>> -> memref<4096xi32, #tpu.memory_space<vmem>>
      %parallel_loop3A_552 = arith.index_cast %parallel_loop3A_547 : i32 to index
      %parallel_loop3A_553 = tpu.vector_load %parallel_loop3A_551[%parallel_loop3A_552] {strides = array<i32>} : memref<4096xi32, #tpu.memory_space<vmem>>, vector<16xi32>,
      %parallel_loop3A_554 = tpu.vector_load_idx %arg5[%parallel_loop3A_553] : memref<100000xf32, #tpu.memory_space<vmem>>[vector<16xi32>], vector<16xf32>,
      %parallel_loop3A_555 = arith.constant 0 : i32
      %parallel_loop3A_556 = arith.constant 0 : i32
      %parallel_loop3A_557 = tpu.memref_slice %arg7[%parallel_loop3A_555, %parallel_loop3A_492, %parallel_loop3A_556] : memref<2x32x128xf32, #tpu.memory_space<vmem>> -> memref<1x1x128xf32, #tpu.memory_space<vmem>>
      %parallel_loop3A_558 = tpu.memref_squeeze %parallel_loop3A_557 : memref<1x1x128xf32, #tpu.memory_space<vmem>> -> memref<128xf32, #tpu.memory_space<vmem>>
      %parallel_loop3A_559 = arith.constant 48 : index
      %parallel_loop3A_560 = tpu.vector_load %parallel_loop3A_558[%parallel_loop3A_559] {strides = array<i32>} : memref<128xf32, #tpu.memory_space<vmem>>, vector<16xf32>,
      tpu.vector_store %parallel_loop3A_558[%parallel_loop3A_559], %parallel_loop3A_554 {strides = array<i32>} : memref<128xf32, #tpu.memory_space<vmem>>, vector<16xf32>,
      %parallel_loop3A_561 = arith.constant 128 : i32
      %parallel_loop3A_562 = arith.muli %parallel_loop3A_492, %parallel_loop3A_561 : i32
      %parallel_loop3A_563 = arith.constant 64 : i32
      %parallel_loop3A_564 = arith.addi %parallel_loop3A_562, %parallel_loop3A_563 : i32
      %parallel_loop3A_565 = arith.constant 0 : i32
      %parallel_loop3A_566 = arith.constant 0 : i32
      %parallel_loop3A_567 = tpu.memref_slice %arg6[%parallel_loop3A_565, %parallel_loop3A_566] : memref<2x4096xi32, #tpu.memory_space<vmem>> -> memref<1x4096xi32, #tpu.memory_space<vmem>>
      %parallel_loop3A_568 = tpu.memref_squeeze %parallel_loop3A_567 : memref<1x4096xi32, #tpu.memory_space<vmem>> -> memref<4096xi32, #tpu.memory_space<vmem>>
      %parallel_loop3A_569 = arith.index_cast %parallel_loop3A_564 : i32 to index
      %parallel_loop3A_570 = tpu.vector_load %parallel_loop3A_568[%parallel_loop3A_569] {strides = array<i32>} : memref<4096xi32, #tpu.memory_space<vmem>>, vector<16xi32>,
      %parallel_loop3A_571 = tpu.vector_load_idx %arg5[%parallel_loop3A_570] : memref<100000xf32, #tpu.memory_space<vmem>>[vector<16xi32>], vector<16xf32>,
      %parallel_loop3A_572 = arith.constant 0 : i32
      %parallel_loop3A_573 = arith.constant 0 : i32
      %parallel_loop3A_574 = tpu.memref_slice %arg7[%parallel_loop3A_572, %parallel_loop3A_492, %parallel_loop3A_573] : memref<2x32x128xf32, #tpu.memory_space<vmem>> -> memref<1x1x128xf32, #tpu.memory_space<vmem>>
      %parallel_loop3A_575 = tpu.memref_squeeze %parallel_loop3A_574 : memref<1x1x128xf32, #tpu.memory_space<vmem>> -> memref<128xf32, #tpu.memory_space<vmem>>
      %parallel_loop3A_576 = arith.constant 64 : index
      %parallel_loop3A_577 = tpu.vector_load %parallel_loop3A_575[%parallel_loop3A_576] {strides = array<i32>} : memref<128xf32, #tpu.memory_space<vmem>>, vector<16xf32>,
      tpu.vector_store %parallel_loop3A_575[%parallel_loop3A_576], %parallel_loop3A_571 {strides = array<i32>} : memref<128xf32, #tpu.memory_space<vmem>>, vector<16xf32>,
      %parallel_loop3A_578 = arith.constant 128 : i32
      %parallel_loop3A_579 = arith.muli %parallel_loop3A_492, %parallel_loop3A_578 : i32
      %parallel_loop3A_580 = arith.constant 80 : i32
      %parallel_loop3A_581 = arith.addi %parallel_loop3A_579, %parallel_loop3A_580 : i32
      %parallel_loop3A_582 = arith.constant 0 : i32
      %parallel_loop3A_583 = arith.constant 0 : i32
      %parallel_loop3A_584 = tpu.memref_slice %arg6[%parallel_loop3A_582, %parallel_loop3A_583] : memref<2x4096xi32, #tpu.memory_space<vmem>> -> memref<1x4096xi32, #tpu.memory_space<vmem>>
      %parallel_loop3A_585 = tpu.memref_squeeze %parallel_loop3A_584 : memref<1x4096xi32, #tpu.memory_space<vmem>> -> memref<4096xi32, #tpu.memory_space<vmem>>
      %parallel_loop3A_586 = arith.index_cast %parallel_loop3A_581 : i32 to index
      %parallel_loop3A_587 = tpu.vector_load %parallel_loop3A_585[%parallel_loop3A_586] {strides = array<i32>} : memref<4096xi32, #tpu.memory_space<vmem>>, vector<16xi32>,
      %parallel_loop3A_588 = tpu.vector_load_idx %arg5[%parallel_loop3A_587] : memref<100000xf32, #tpu.memory_space<vmem>>[vector<16xi32>], vector<16xf32>,
      %parallel_loop3A_589 = arith.constant 0 : i32
      %parallel_loop3A_590 = arith.constant 0 : i32
      %parallel_loop3A_591 = tpu.memref_slice %arg7[%parallel_loop3A_589, %parallel_loop3A_492, %parallel_loop3A_590] : memref<2x32x128xf32, #tpu.memory_space<vmem>> -> memref<1x1x128xf32, #tpu.memory_space<vmem>>
      %parallel_loop3A_592 = tpu.memref_squeeze %parallel_loop3A_591 : memref<1x1x128xf32, #tpu.memory_space<vmem>> -> memref<128xf32, #tpu.memory_space<vmem>>
      %parallel_loop3A_593 = arith.constant 80 : index
      %parallel_loop3A_594 = tpu.vector_load %parallel_loop3A_592[%parallel_loop3A_593] {strides = array<i32>} : memref<128xf32, #tpu.memory_space<vmem>>, vector<16xf32>,
      tpu.vector_store %parallel_loop3A_592[%parallel_loop3A_593], %parallel_loop3A_588 {strides = array<i32>} : memref<128xf32, #tpu.memory_space<vmem>>, vector<16xf32>,
      %parallel_loop3A_595 = arith.constant 128 : i32
      %parallel_loop3A_596 = arith.muli %parallel_loop3A_492, %parallel_loop3A_595 : i32
      %parallel_loop3A_597 = arith.constant 96 : i32
      %parallel_loop3A_598 = arith.addi %parallel_loop3A_596, %parallel_loop3A_597 : i32
      %parallel_loop3A_599 = arith.constant 0 : i32
      %parallel_loop3A_600 = arith.constant 0 : i32
      %parallel_loop3A_601 = tpu.memref_slice %arg6[%parallel_loop3A_599, %parallel_loop3A_600] : memref<2x4096xi32, #tpu.memory_space<vmem>> -> memref<1x4096xi32, #tpu.memory_space<vmem>>
      %parallel_loop3A_602 = tpu.memref_squeeze %parallel_loop3A_601 : memref<1x4096xi32, #tpu.memory_space<vmem>> -> memref<4096xi32, #tpu.memory_space<vmem>>
      %parallel_loop3A_603 = arith.index_cast %parallel_loop3A_598 : i32 to index
      %parallel_loop3A_604 = tpu.vector_load %parallel_loop3A_602[%parallel_loop3A_603] {strides = array<i32>} : memref<4096xi32, #tpu.memory_space<vmem>>, vector<16xi32>,
      %parallel_loop3A_605 = tpu.vector_load_idx %arg5[%parallel_loop3A_604] : memref<100000xf32, #tpu.memory_space<vmem>>[vector<16xi32>], vector<16xf32>,
      %parallel_loop3A_606 = arith.constant 0 : i32
      %parallel_loop3A_607 = arith.constant 0 : i32
      %parallel_loop3A_608 = tpu.memref_slice %arg7[%parallel_loop3A_606, %parallel_loop3A_492, %parallel_loop3A_607] : memref<2x32x128xf32, #tpu.memory_space<vmem>> -> memref<1x1x128xf32, #tpu.memory_space<vmem>>
      %parallel_loop3A_609 = tpu.memref_squeeze %parallel_loop3A_608 : memref<1x1x128xf32, #tpu.memory_space<vmem>> -> memref<128xf32, #tpu.memory_space<vmem>>
      %parallel_loop3A_610 = arith.constant 96 : index
      %parallel_loop3A_611 = tpu.vector_load %parallel_loop3A_609[%parallel_loop3A_610] {strides = array<i32>} : memref<128xf32, #tpu.memory_space<vmem>>, vector<16xf32>,
      tpu.vector_store %parallel_loop3A_609[%parallel_loop3A_610], %parallel_loop3A_605 {strides = array<i32>} : memref<128xf32, #tpu.memory_space<vmem>>, vector<16xf32>,
      %parallel_loop3A_612 = arith.constant 128 : i32
      %parallel_loop3A_613 = arith.muli %parallel_loop3A_492, %parallel_loop3A_612 : i32
      %parallel_loop3A_614 = arith.constant 112 : i32
      %parallel_loop3A_615 = arith.addi %parallel_loop3A_613, %parallel_loop3A_614 : i32
      %parallel_loop3A_616 = arith.constant 0 : i32
      %parallel_loop3A_617 = arith.constant 0 : i32
      %parallel_loop3A_618 = tpu.memref_slice %arg6[%parallel_loop3A_616, %parallel_loop3A_617] : memref<2x4096xi32, #tpu.memory_space<vmem>> -> memref<1x4096xi32, #tpu.memory_space<vmem>>
      %parallel_loop3A_619 = tpu.memref_squeeze %parallel_loop3A_618 : memref<1x4096xi32, #tpu.memory_space<vmem>> -> memref<4096xi32, #tpu.memory_space<vmem>>
      %parallel_loop3A_620 = arith.index_cast %parallel_loop3A_615 : i32 to index
      %parallel_loop3A_621 = tpu.vector_load %parallel_loop3A_619[%parallel_loop3A_620] {strides = array<i32>} : memref<4096xi32, #tpu.memory_space<vmem>>, vector<16xi32>,
      %parallel_loop3A_622 = tpu.vector_load_idx %arg5[%parallel_loop3A_621] : memref<100000xf32, #tpu.memory_space<vmem>>[vector<16xi32>], vector<16xf32>,
      %parallel_loop3A_623 = arith.constant 0 : i32
      %parallel_loop3A_624 = arith.constant 0 : i32
      %parallel_loop3A_625 = tpu.memref_slice %arg7[%parallel_loop3A_623, %parallel_loop3A_492, %parallel_loop3A_624] : memref<2x32x128xf32, #tpu.memory_space<vmem>> -> memref<1x1x128xf32, #tpu.memory_space<vmem>>
      %parallel_loop3A_626 = tpu.memref_squeeze %parallel_loop3A_625 : memref<1x1x128xf32, #tpu.memory_space<vmem>> -> memref<128xf32, #tpu.memory_space<vmem>>
      %parallel_loop3A_627 = arith.constant 112 : index
      %parallel_loop3A_628 = tpu.vector_load %parallel_loop3A_626[%parallel_loop3A_627] {strides = array<i32>} : memref<128xf32, #tpu.memory_space<vmem>>, vector<16xf32>,
      tpu.vector_store %parallel_loop3A_626[%parallel_loop3A_627], %parallel_loop3A_622 {strides = array<i32>} : memref<128xf32, #tpu.memory_space<vmem>>, vector<16xf32>,
    } {sc.loop_unroll_factor = 16 : i64, sc.parallel_access}
    %dma_start3A_100 = arith.constant 2 : i32
    %dma_start3A_101 = arith.constant 0 : i32
    %dma_start3A_102 = arith.constant 0 : i32
    %dma_start3A_103 = arith.constant 0 : i32
    %dma_start3A_104 = tpu.memref_slice %arg6[%dma_start3A_101, %dma_start3A_103] : memref<2x4096xi32, #tpu.memory_space<vmem>> -> memref<1x4096xi32, #tpu.memory_space<vmem>>
    %dma_start3A_105 = tpu.memref_squeeze %dma_start3A_104 : memref<1x4096xi32, #tpu.memory_space<vmem>> -> memref<4096xi32, #tpu.memory_space<vmem>>
    %dma_start3A_106 = arith.constant 0 : i32
    %dma_start3A_107 = tpu.memref_slice %arg8[%dma_start3A_100, %dma_start3A_106] : memref<50x4096xi32, #tpu.memory_space<vmem_shared>> -> memref<1x4096xi32, #tpu.memory_space<vmem_shared>>
    %dma_start3A_108 = tpu.memref_squeeze %dma_start3A_107 : memref<1x4096xi32, #tpu.memory_space<vmem_shared>> -> memref<4096xi32, #tpu.memory_space<vmem_shared>>
    %dma_start3A_109 = tpu.memref_slice %arg9[%dma_start3A_102] : memref<2x!tpu.dma_semaphore, #tpu.memory_space<semaphore_mem>> -> memref<1x!tpu.dma_semaphore, #tpu.memory_space<semaphore_mem>>
    %dma_start3A_110 = tpu.memref_squeeze %dma_start3A_109 : memref<1x!tpu.dma_semaphore, #tpu.memory_space<semaphore_mem>> -> memref<!tpu.dma_semaphore, #tpu.memory_space<semaphore_mem>>
    %dma_start3A_111 = arith.constant 0 : i32
    %dma_start3A_112 = tpu.memref_slice %arg6[%dma_start3A_101, %dma_start3A_111] : memref<2x4096xi32, #tpu.memory_space<vmem>> -> memref<1x4096xi32, #tpu.memory_space<vmem>>
    %dma_start3A_113 = tpu.memref_squeeze %dma_start3A_112 : memref<1x4096xi32, #tpu.memory_space<vmem>> -> memref<4096xi32, #tpu.memory_space<vmem>>
    %dma_start3A_114 = arith.constant 0 : i32
    %dma_start3A_115 = tpu.memref_slice %arg8[%dma_start3A_100, %dma_start3A_114] : memref<50x4096xi32, #tpu.memory_space<vmem_shared>> -> memref<1x4096xi32, #tpu.memory_space<vmem_shared>>
    %dma_start3A_116 = tpu.memref_squeeze %dma_start3A_115 : memref<1x4096xi32, #tpu.memory_space<vmem_shared>> -> memref<4096xi32, #tpu.memory_space<vmem_shared>>
    tpu.enqueue_dma source(%dma_start3A_116 : memref<4096xi32, #tpu.memory_space<vmem_shared>>) target(%dma_start3A_113 : memref<4096xi32, #tpu.memory_space<vmem>>) target_semaphore(%dma_start3A_110 : memref<!tpu.dma_semaphore, #tpu.memory_space<semaphore_mem>>)
    %mul3A_117 = arith.constant 128 : i32
    %mul3A_118 = arith.muli %select_n3A_40, %mul3A_117 : i32
    %multiple_of3A = tpu.assume_multiple %mul3A_118, 128 : i32
    %dma_start3A_119 = arith.constant 0 : i32
    %dma_start3A_120 = arith.constant 0 : i32
    %dma_start3A_121 = arith.constant 0 : i32
    %dma_start3A_122 = arith.constant 0 : i32
    %dma_start3A_123 = arith.constant 0 : i32
    %dma_start3A_124 = tpu.memref_slice %arg7[%dma_start3A_119, %dma_start3A_122, %dma_start3A_123] : memref<2x32x128xf32, #tpu.memory_space<vmem>> -> memref<1x32x128xf32, #tpu.memory_space<vmem>>
    %dma_start3A_125 = tpu.memref_squeeze %dma_start3A_124 : memref<1x32x128xf32, #tpu.memory_space<vmem>> -> memref<32x128xf32, #tpu.memory_space<vmem>>
    %dma_start3A_126 = arith.constant 0 : i32
    %dma_start3A_127 = tpu.memref_slice %arg4[%dma_start3A_120, %select_n3A, %dma_start3A_126, %multiple_of3A] : memref<50x8x32x1024xf32, #tpu.memory_space<hbm>> -> memref<1x1x32x128xf32, #tpu.memory_space<hbm>>
    %dma_start3A_128 = tpu.memref_squeeze %dma_start3A_127 : memref<1x1x32x128xf32, #tpu.memory_space<hbm>> -> memref<32x128xf32, #tpu.memory_space<hbm>>
    %dma_start3A_129 = tpu.memref_slice %arg10[%dma_start3A_121] : memref<2x!tpu.dma_semaphore, #tpu.memory_space<semaphore_mem>> -> memref<1x!tpu.dma_semaphore, #tpu.memory_space<semaphore_mem>>
    %dma_start3A_130 = tpu.memref_squeeze %dma_start3A_129 : memref<1x!tpu.dma_semaphore, #tpu.memory_space<semaphore_mem>> -> memref<!tpu.dma_semaphore, #tpu.memory_space<semaphore_mem>>
    %dma_start3A_131 = arith.constant 0 : i32
    %dma_start3A_132 = tpu.memref_slice %arg4[%dma_start3A_120, %select_n3A, %dma_start3A_131, %multiple_of3A] : memref<50x8x32x1024xf32, #tpu.memory_space<hbm>> -> memref<1x1x32x128xf32, #tpu.memory_space<hbm>>
    %dma_start3A_133 = tpu.memref_squeeze %dma_start3A_132 : memref<1x1x32x128xf32, #tpu.memory_space<hbm>> -> memref<32x128xf32, #tpu.memory_space<hbm>>
    %dma_start3A_134 = arith.constant 0 : i32
    %dma_start3A_135 = arith.constant 0 : i32
    %dma_start3A_136 = tpu.memref_slice %arg7[%dma_start3A_119, %dma_start3A_134, %dma_start3A_135] : memref<2x32x128xf32, #tpu.memory_space<vmem>> -> memref<1x32x128xf32, #tpu.memory_space<vmem>>
    %dma_start3A_137 = tpu.memref_squeeze %dma_start3A_136 : memref<1x32x128xf32, #tpu.memory_space<vmem>> -> memref<32x128xf32, #tpu.memory_space<vmem>>
    tpu.enqueue_dma source(%dma_start3A_137 : memref<32x128xf32, #tpu.memory_space<vmem>>) target(%dma_start3A_133 : memref<32x128xf32, #tpu.memory_space<hbm>>) target_semaphore(%dma_start3A_130 : memref<!tpu.dma_semaphore, #tpu.memory_space<semaphore_mem>>)
    %dma_wait3A_138 = arith.constant 0 : i32
    %dma_wait3A_139 = arith.constant 1 : i32
    %dma_wait3A_140 = arith.constant 1 : i32
    %dma_wait3A_141 = arith.constant 0 : i32
    %dma_wait3A_142 = tpu.memref_slice %arg6[%dma_wait3A_139, %dma_wait3A_141] : memref<2x4096xi32, #tpu.memory_space<vmem>> -> memref<1x4096xi32, #tpu.memory_space<vmem>>
    %dma_wait3A_143 = tpu.memref_squeeze %dma_wait3A_142 : memref<1x4096xi32, #tpu.memory_space<vmem>> -> memref<4096xi32, #tpu.memory_space<vmem>>
    %dma_wait3A_144 = arith.constant 0 : i32
    %dma_wait3A_145 = tpu.memref_slice %arg8[%dma_wait3A_138, %dma_wait3A_144] : memref<50x4096xi32, #tpu.memory_space<vmem_shared>> -> memref<1x4096xi32, #tpu.memory_space<vmem_shared>>
    %dma_wait3A_146 = tpu.memref_squeeze %dma_wait3A_145 : memref<1x4096xi32, #tpu.memory_space<vmem_shared>> -> memref<4096xi32, #tpu.memory_space<vmem_shared>>
    %dma_wait3A_147 = tpu.memref_slice %arg9[%dma_wait3A_140] : memref<2x!tpu.dma_semaphore, #tpu.memory_space<semaphore_mem>> -> memref<1x!tpu.dma_semaphore, #tpu.memory_space<semaphore_mem>>
    %dma_wait3A_148 = tpu.memref_squeeze %dma_wait3A_147 : memref<1x!tpu.dma_semaphore, #tpu.memory_space<semaphore_mem>> -> memref<!tpu.dma_semaphore, #tpu.memory_space<semaphore_mem>>
    %dma_wait3A_149 = arith.constant 0 : i32
    %dma_wait3A_150 = tpu.memref_slice %arg6[%dma_wait3A_139, %dma_wait3A_149] : memref<2x4096xi32, #tpu.memory_space<vmem>> -> memref<1x4096xi32, #tpu.memory_space<vmem>>
    %dma_wait3A_151 = tpu.memref_squeeze %dma_wait3A_150 : memref<1x4096xi32, #tpu.memory_space<vmem>> -> memref<4096xi32, #tpu.memory_space<vmem>>
    %dma_wait3A_152 = arith.constant 0 : i32
    %dma_wait3A_153 = tpu.memref_slice %arg8[%dma_wait3A_138, %dma_wait3A_152] : memref<50x4096xi32, #tpu.memory_space<vmem_shared>> -> memref<1x4096xi32, #tpu.memory_space<vmem_shared>>
    %dma_wait3A_154 = tpu.memref_squeeze %dma_wait3A_153 : memref<1x4096xi32, #tpu.memory_space<vmem_shared>> -> memref<4096xi32, #tpu.memory_space<vmem_shared>>
    tpu.wait_dma2 semaphore(%dma_wait3A_148 : memref<!tpu.dma_semaphore, #tpu.memory_space<semaphore_mem>>) src(%dma_wait3A_154 : memref<4096xi32, #tpu.memory_space<vmem_shared>>) dst(%dma_wait3A_151 : memref<4096xi32, #tpu.memory_space<vmem>>)
    %parallel_loop3A_155 = arith.constant 0 : i32
    %parallel_loop3A_156 = arith.constant 32 : i32
    %parallel_loop3A_157 = arith.constant 1 : i32
    scf.for %parallel_loop3A_492 = %parallel_loop3A_155 to %parallel_loop3A_156 step %parallel_loop3A_157  : i32 {
      %parallel_loop3A_493 = arith.constant 128 : i32
      %parallel_loop3A_494 = arith.muli %parallel_loop3A_492, %parallel_loop3A_493 : i32
      %parallel_loop3A_495 = arith.constant 0 : i32
      %parallel_loop3A_496 = arith.addi %parallel_loop3A_494, %parallel_loop3A_495 : i32
      %parallel_loop3A_497 = arith.constant 1 : i32
      %parallel_loop3A_498 = arith.constant 0 : i32
      %parallel_loop3A_499 = tpu.memref_slice %arg6[%parallel_loop3A_497, %parallel_loop3A_498] : memref<2x4096xi32, #tpu.memory_space<vmem>> -> memref<1x4096xi32, #tpu.memory_space<vmem>>
      %parallel_loop3A_500 = tpu.memref_squeeze %parallel_loop3A_499 : memref<1x4096xi32, #tpu.memory_space<vmem>> -> memref<4096xi32, #tpu.memory_space<vmem>>
      %parallel_loop3A_501 = arith.index_cast %parallel_loop3A_496 : i32 to index
      %parallel_loop3A_502 = tpu.vector_load %parallel_loop3A_500[%parallel_loop3A_501] {strides = array<i32>} : memref<4096xi32, #tpu.memory_space<vmem>>, vector<16xi32>,
      %parallel_loop3A_503 = tpu.vector_load_idx %arg5[%parallel_loop3A_502] : memref<100000xf32, #tpu.memory_space<vmem>>[vector<16xi32>], vector<16xf32>,
      %parallel_loop3A_504 = arith.constant 1 : i32
      %parallel_loop3A_505 = arith.constant 0 : i32
      %parallel_loop3A_506 = tpu.memref_slice %arg7[%parallel_loop3A_504, %parallel_loop3A_492, %parallel_loop3A_505] : memref<2x32x128xf32, #tpu.memory_space<vmem>> -> memref<1x1x128xf32, #tpu.memory_space<vmem>>
      %parallel_loop3A_507 = tpu.memref_squeeze %parallel_loop3A_506 : memref<1x1x128xf32, #tpu.memory_space<vmem>> -> memref<128xf32, #tpu.memory_space<vmem>>
      %parallel_loop3A_508 = arith.constant 0 : index
      %parallel_loop3A_509 = tpu.vector_load %parallel_loop3A_507[%parallel_loop3A_508] {strides = array<i32>} : memref<128xf32, #tpu.memory_space<vmem>>, vector<16xf32>,
      tpu.vector_store %parallel_loop3A_507[%parallel_loop3A_508], %parallel_loop3A_503 {strides = array<i32>} : memref<128xf32, #tpu.memory_space<vmem>>, vector<16xf32>,
      %parallel_loop3A_510 = arith.constant 128 : i32
      %parallel_loop3A_511 = arith.muli %parallel_loop3A_492, %parallel_loop3A_510 : i32
      %parallel_loop3A_512 = arith.constant 16 : i32
      %parallel_loop3A_513 = arith.addi %parallel_loop3A_511, %parallel_loop3A_512 : i32
      %parallel_loop3A_514 = arith.constant 1 : i32
      %parallel_loop3A_515 = arith.constant 0 : i32
      %parallel_loop3A_516 = tpu.memref_slice %arg6[%parallel_loop3A_514, %parallel_loop3A_515] : memref<2x4096xi32, #tpu.memory_space<vmem>> -> memref<1x4096xi32, #tpu.memory_space<vmem>>
      %parallel_loop3A_517 = tpu.memref_squeeze %parallel_loop3A_516 : memref<1x4096xi32, #tpu.memory_space<vmem>> -> memref<4096xi32, #tpu.memory_space<vmem>>
      %parallel_loop3A_518 = arith.index_cast %parallel_loop3A_513 : i32 to index
      %parallel_loop3A_519 = tpu.vector_load %parallel_loop3A_517[%parallel_loop3A_518] {strides = array<i32>} : memref<4096xi32, #tpu.memory_space<vmem>>, vector<16xi32>,
      %parallel_loop3A_520 = tpu.vector_load_idx %arg5[%parallel_loop3A_519] : memref<100000xf32, #tpu.memory_space<vmem>>[vector<16xi32>], vector<16xf32>,
      %parallel_loop3A_521 = arith.constant 1 : i32
      %parallel_loop3A_522 = arith.constant 0 : i32
      %parallel_loop3A_523 = tpu.memref_slice %arg7[%parallel_loop3A_521, %parallel_loop3A_492, %parallel_loop3A_522] : memref<2x32x128xf32, #tpu.memory_space<vmem>> -> memref<1x1x128xf32, #tpu.memory_space<vmem>>
      %parallel_loop3A_524 = tpu.memref_squeeze %parallel_loop3A_523 : memref<1x1x128xf32, #tpu.memory_space<vmem>> -> memref<128xf32, #tpu.memory_space<vmem>>
      %parallel_loop3A_525 = arith.constant 16 : index
      %parallel_loop3A_526 = tpu.vector_load %parallel_loop3A_524[%parallel_loop3A_525] {strides = array<i32>} : memref<128xf32, #tpu.memory_space<vmem>>, vector<16xf32>,
      tpu.vector_store %parallel_loop3A_524[%parallel_loop3A_525], %parallel_loop3A_520 {strides = array<i32>} : memref<128xf32, #tpu.memory_space<vmem>>, vector<16xf32>,
      %parallel_loop3A_527 = arith.constant 128 : i32
      %parallel_loop3A_528 = arith.muli %parallel_loop3A_492, %parallel_loop3A_527 : i32
      %parallel_loop3A_529 = arith.constant 32 : i32
      %parallel_loop3A_530 = arith.addi %parallel_loop3A_528, %parallel_loop3A_529 : i32
      %parallel_loop3A_531 = arith.constant 1 : i32
      %parallel_loop3A_532 = arith.constant 0 : i32
      %parallel_loop3A_533 = tpu.memref_slice %arg6[%parallel_loop3A_531, %parallel_loop3A_532] : memref<2x4096xi32, #tpu.memory_space<vmem>> -> memref<1x4096xi32, #tpu.memory_space<vmem>>
      %parallel_loop3A_534 = tpu.memref_squeeze %parallel_loop3A_533 : memref<1x4096xi32, #tpu.memory_space<vmem>> -> memref<4096xi32, #tpu.memory_space<vmem>>
      %parallel_loop3A_535 = arith.index_cast %parallel_loop3A_530 : i32 to index
      %parallel_loop3A_536 = tpu.vector_load %parallel_loop3A_534[%parallel_loop3A_535] {strides = array<i32>} : memref<4096xi32, #tpu.memory_space<vmem>>, vector<16xi32>,
      %parallel_loop3A_537 = tpu.vector_load_idx %arg5[%parallel_loop3A_536] : memref<100000xf32, #tpu.memory_space<vmem>>[vector<16xi32>], vector<16xf32>,
      %parallel_loop3A_538 = arith.constant 1 : i32
      %parallel_loop3A_539 = arith.constant 0 : i32
      %parallel_loop3A_540 = tpu.memref_slice %arg7[%parallel_loop3A_538, %parallel_loop3A_492, %parallel_loop3A_539] : memref<2x32x128xf32, #tpu.memory_space<vmem>> -> memref<1x1x128xf32, #tpu.memory_space<vmem>>
      %parallel_loop3A_541 = tpu.memref_squeeze %parallel_loop3A_540 : memref<1x1x128xf32, #tpu.memory_space<vmem>> -> memref<128xf32, #tpu.memory_space<vmem>>
      %parallel_loop3A_542 = arith.constant 32 : index
      %parallel_loop3A_543 = tpu.vector_load %parallel_loop3A_541[%parallel_loop3A_542] {strides = array<i32>} : memref<128xf32, #tpu.memory_space<vmem>>, vector<16xf32>,
      tpu.vector_store %parallel_loop3A_541[%parallel_loop3A_542], %parallel_loop3A_537 {strides = array<i32>} : memref<128xf32, #tpu.memory_space<vmem>>, vector<16xf32>,
      %parallel_loop3A_544 = arith.constant 128 : i32
      %parallel_loop3A_545 = arith.muli %parallel_loop3A_492, %parallel_loop3A_544 : i32
      %parallel_loop3A_546 = arith.constant 48 : i32
      %parallel_loop3A_547 = arith.addi %parallel_loop3A_545, %parallel_loop3A_546 : i32
      %parallel_loop3A_548 = arith.constant 1 : i32
      %parallel_loop3A_549 = arith.constant 0 : i32
      %parallel_loop3A_550 = tpu.memref_slice %arg6[%parallel_loop3A_548, %parallel_loop3A_549] : memref<2x4096xi32, #tpu.memory_space<vmem>> -> memref<1x4096xi32, #tpu.memory_space<vmem>>
      %parallel_loop3A_551 = tpu.memref_squeeze %parallel_loop3A_550 : memref<1x4096xi32, #tpu.memory_space<vmem>> -> memref<4096xi32, #tpu.memory_space<vmem>>
      %parallel_loop3A_552 = arith.index_cast %parallel_loop3A_547 : i32 to index
      %parallel_loop3A_553 = tpu.vector_load %parallel_loop3A_551[%parallel_loop3A_552] {strides = array<i32>} : memref<4096xi32, #tpu.memory_space<vmem>>, vector<16xi32>,
      %parallel_loop3A_554 = tpu.vector_load_idx %arg5[%parallel_loop3A_553] : memref<100000xf32, #tpu.memory_space<vmem>>[vector<16xi32>], vector<16xf32>,
      %parallel_loop3A_555 = arith.constant 1 : i32
      %parallel_loop3A_556 = arith.constant 0 : i32
      %parallel_loop3A_557 = tpu.memref_slice %arg7[%parallel_loop3A_555, %parallel_loop3A_492, %parallel_loop3A_556] : memref<2x32x128xf32, #tpu.memory_space<vmem>> -> memref<1x1x128xf32, #tpu.memory_space<vmem>>
      %parallel_loop3A_558 = tpu.memref_squeeze %parallel_loop3A_557 : memref<1x1x128xf32, #tpu.memory_space<vmem>> -> memref<128xf32, #tpu.memory_space<vmem>>
      %parallel_loop3A_559 = arith.constant 48 : index
      %parallel_loop3A_560 = tpu.vector_load %parallel_loop3A_558[%parallel_loop3A_559] {strides = array<i32>} : memref<128xf32, #tpu.memory_space<vmem>>, vector<16xf32>,
      tpu.vector_store %parallel_loop3A_558[%parallel_loop3A_559], %parallel_loop3A_554 {strides = array<i32>} : memref<128xf32, #tpu.memory_space<vmem>>, vector<16xf32>,
      %parallel_loop3A_561 = arith.constant 128 : i32
      %parallel_loop3A_562 = arith.muli %parallel_loop3A_492, %parallel_loop3A_561 : i32
      %parallel_loop3A_563 = arith.constant 64 : i32
      %parallel_loop3A_564 = arith.addi %parallel_loop3A_562, %parallel_loop3A_563 : i32
      %parallel_loop3A_565 = arith.constant 1 : i32
      %parallel_loop3A_566 = arith.constant 0 : i32
      %parallel_loop3A_567 = tpu.memref_slice %arg6[%parallel_loop3A_565, %parallel_loop3A_566] : memref<2x4096xi32, #tpu.memory_space<vmem>> -> memref<1x4096xi32, #tpu.memory_space<vmem>>
      %parallel_loop3A_568 = tpu.memref_squeeze %parallel_loop3A_567 : memref<1x4096xi32, #tpu.memory_space<vmem>> -> memref<4096xi32, #tpu.memory_space<vmem>>
      %parallel_loop3A_569 = arith.index_cast %parallel_loop3A_564 : i32 to index
      %parallel_loop3A_570 = tpu.vector_load %parallel_loop3A_568[%parallel_loop3A_569] {strides = array<i32>} : memref<4096xi32, #tpu.memory_space<vmem>>, vector<16xi32>,
      %parallel_loop3A_571 = tpu.vector_load_idx %arg5[%parallel_loop3A_570] : memref<100000xf32, #tpu.memory_space<vmem>>[vector<16xi32>], vector<16xf32>,
      %parallel_loop3A_572 = arith.constant 1 : i32
      %parallel_loop3A_573 = arith.constant 0 : i32
      %parallel_loop3A_574 = tpu.memref_slice %arg7[%parallel_loop3A_572, %parallel_loop3A_492, %parallel_loop3A_573] : memref<2x32x128xf32, #tpu.memory_space<vmem>> -> memref<1x1x128xf32, #tpu.memory_space<vmem>>
      %parallel_loop3A_575 = tpu.memref_squeeze %parallel_loop3A_574 : memref<1x1x128xf32, #tpu.memory_space<vmem>> -> memref<128xf32, #tpu.memory_space<vmem>>
      %parallel_loop3A_576 = arith.constant 64 : index
      %parallel_loop3A_577 = tpu.vector_load %parallel_loop3A_575[%parallel_loop3A_576] {strides = array<i32>} : memref<128xf32, #tpu.memory_space<vmem>>, vector<16xf32>,
      tpu.vector_store %parallel_loop3A_575[%parallel_loop3A_576], %parallel_loop3A_571 {strides = array<i32>} : memref<128xf32, #tpu.memory_space<vmem>>, vector<16xf32>,
      %parallel_loop3A_578 = arith.constant 128 : i32
      %parallel_loop3A_579 = arith.muli %parallel_loop3A_492, %parallel_loop3A_578 : i32
      %parallel_loop3A_580 = arith.constant 80 : i32
      %parallel_loop3A_581 = arith.addi %parallel_loop3A_579, %parallel_loop3A_580 : i32
      %parallel_loop3A_582 = arith.constant 1 : i32
      %parallel_loop3A_583 = arith.constant 0 : i32
      %parallel_loop3A_584 = tpu.memref_slice %arg6[%parallel_loop3A_582, %parallel_loop3A_583] : memref<2x4096xi32, #tpu.memory_space<vmem>> -> memref<1x4096xi32, #tpu.memory_space<vmem>>
      %parallel_loop3A_585 = tpu.memref_squeeze %parallel_loop3A_584 : memref<1x4096xi32, #tpu.memory_space<vmem>> -> memref<4096xi32, #tpu.memory_space<vmem>>
      %parallel_loop3A_586 = arith.index_cast %parallel_loop3A_581 : i32 to index
      %parallel_loop3A_587 = tpu.vector_load %parallel_loop3A_585[%parallel_loop3A_586] {strides = array<i32>} : memref<4096xi32, #tpu.memory_space<vmem>>, vector<16xi32>,
      %parallel_loop3A_588 = tpu.vector_load_idx %arg5[%parallel_loop3A_587] : memref<100000xf32, #tpu.memory_space<vmem>>[vector<16xi32>], vector<16xf32>,
      %parallel_loop3A_589 = arith.constant 1 : i32
      %parallel_loop3A_590 = arith.constant 0 : i32
      %parallel_loop3A_591 = tpu.memref_slice %arg7[%parallel_loop3A_589, %parallel_loop3A_492, %parallel_loop3A_590] : memref<2x32x128xf32, #tpu.memory_space<vmem>> -> memref<1x1x128xf32, #tpu.memory_space<vmem>>
      %parallel_loop3A_592 = tpu.memref_squeeze %parallel_loop3A_591 : memref<1x1x128xf32, #tpu.memory_space<vmem>> -> memref<128xf32, #tpu.memory_space<vmem>>
      %parallel_loop3A_593 = arith.constant 80 : index
      %parallel_loop3A_594 = tpu.vector_load %parallel_loop3A_592[%parallel_loop3A_593] {strides = array<i32>} : memref<128xf32, #tpu.memory_space<vmem>>, vector<16xf32>,
      tpu.vector_store %parallel_loop3A_592[%parallel_loop3A_593], %parallel_loop3A_588 {strides = array<i32>} : memref<128xf32, #tpu.memory_space<vmem>>, vector<16xf32>,
      %parallel_loop3A_595 = arith.constant 128 : i32
      %parallel_loop3A_596 = arith.muli %parallel_loop3A_492, %parallel_loop3A_595 : i32
      %parallel_loop3A_597 = arith.constant 96 : i32
      %parallel_loop3A_598 = arith.addi %parallel_loop3A_596, %parallel_loop3A_597 : i32
      %parallel_loop3A_599 = arith.constant 1 : i32
      %parallel_loop3A_600 = arith.constant 0 : i32
      %parallel_loop3A_601 = tpu.memref_slice %arg6[%parallel_loop3A_599, %parallel_loop3A_600] : memref<2x4096xi32, #tpu.memory_space<vmem>> -> memref<1x4096xi32, #tpu.memory_space<vmem>>
      %parallel_loop3A_602 = tpu.memref_squeeze %parallel_loop3A_601 : memref<1x4096xi32, #tpu.memory_space<vmem>> -> memref<4096xi32, #tpu.memory_space<vmem>>
      %parallel_loop3A_603 = arith.index_cast %parallel_loop3A_598 : i32 to index
      %parallel_loop3A_604 = tpu.vector_load %parallel_loop3A_602[%parallel_loop3A_603] {strides = array<i32>} : memref<4096xi32, #tpu.memory_space<vmem>>, vector<16xi32>,
      %parallel_loop3A_605 = tpu.vector_load_idx %arg5[%parallel_loop3A_604] : memref<100000xf32, #tpu.memory_space<vmem>>[vector<16xi32>], vector<16xf32>,
      %parallel_loop3A_606 = arith.constant 1 : i32
      %parallel_loop3A_607 = arith.constant 0 : i32
      %parallel_loop3A_608 = tpu.memref_slice %arg7[%parallel_loop3A_606, %parallel_loop3A_492, %parallel_loop3A_607] : memref<2x32x128xf32, #tpu.memory_space<vmem>> -> memref<1x1x128xf32, #tpu.memory_space<vmem>>
      %parallel_loop3A_609 = tpu.memref_squeeze %parallel_loop3A_608 : memref<1x1x128xf32, #tpu.memory_space<vmem>> -> memref<128xf32, #tpu.memory_space<vmem>>
      %parallel_loop3A_610 = arith.constant 96 : index
      %parallel_loop3A_611 = tpu.vector_load %parallel_loop3A_609[%parallel_loop3A_610] {strides = array<i32>} : memref<128xf32, #tpu.memory_space<vmem>>, vector<16xf32>,
      tpu.vector_store %parallel_loop3A_609[%parallel_loop3A_610], %parallel_loop3A_605 {strides = array<i32>} : memref<128xf32, #tpu.memory_space<vmem>>, vector<16xf32>,
      %parallel_loop3A_612 = arith.constant 128 : i32
      %parallel_loop3A_613 = arith.muli %parallel_loop3A_492, %parallel_loop3A_612 : i32
      %parallel_loop3A_614 = arith.constant 112 : i32
      %parallel_loop3A_615 = arith.addi %parallel_loop3A_613, %parallel_loop3A_614 : i32
      %parallel_loop3A_616 = arith.constant 1 : i32
      %parallel_loop3A_617 = arith.constant 0 : i32
      %parallel_loop3A_618 = tpu.memref_slice %arg6[%parallel_loop3A_616, %parallel_loop3A_617] : memref<2x4096xi32, #tpu.memory_space<vmem>> -> memref<1x4096xi32, #tpu.memory_space<vmem>>
      %parallel_loop3A_619 = tpu.memref_squeeze %parallel_loop3A_618 : memref<1x4096xi32, #tpu.memory_space<vmem>> -> memref<4096xi32, #tpu.memory_space<vmem>>
      %parallel_loop3A_620 = arith.index_cast %parallel_loop3A_615 : i32 to index
      %parallel_loop3A_621 = tpu.vector_load %parallel_loop3A_619[%parallel_loop3A_620] {strides = array<i32>} : memref<4096xi32, #tpu.memory_space<vmem>>, vector<16xi32>,
      %parallel_loop3A_622 = tpu.vector_load_idx %arg5[%parallel_loop3A_621] : memref<100000xf32, #tpu.memory_space<vmem>>[vector<16xi32>], vector<16xf32>,
      %parallel_loop3A_623 = arith.constant 1 : i32
      %parallel_loop3A_624 = arith.constant 0 : i32
      %parallel_loop3A_625 = tpu.memref_slice %arg7[%parallel_loop3A_623, %parallel_loop3A_492, %parallel_loop3A_624] : memref<2x32x128xf32, #tpu.memory_space<vmem>> -> memref<1x1x128xf32, #tpu.memory_space<vmem>>
      %parallel_loop3A_626 = tpu.memref_squeeze %parallel_loop3A_625 : memref<1x1x128xf32, #tpu.memory_space<vmem>> -> memref<128xf32, #tpu.memory_space<vmem>>
      %parallel_loop3A_627 = arith.constant 112 : index
      %parallel_loop3A_628 = tpu.vector_load %parallel_loop3A_626[%parallel_loop3A_627] {strides = array<i32>} : memref<128xf32, #tpu.memory_space<vmem>>, vector<16xf32>,
      tpu.vector_store %parallel_loop3A_626[%parallel_loop3A_627], %parallel_loop3A_622 {strides = array<i32>} : memref<128xf32, #tpu.memory_space<vmem>>, vector<16xf32>,
    } {sc.loop_unroll_factor = 16 : i64, sc.parallel_access}
    %dma_start3A_158 = arith.constant 3 : i32
    %dma_start3A_159 = arith.constant 1 : i32
    %dma_start3A_160 = arith.constant 1 : i32
    %dma_start3A_161 = arith.constant 0 : i32
    %dma_start3A_162 = tpu.memref_slice %arg6[%dma_start3A_159, %dma_start3A_161] : memref<2x4096xi32, #tpu.memory_space<vmem>> -> memref<1x4096xi32, #tpu.memory_space<vmem>>
    %dma_start3A_163 = tpu.memref_squeeze %dma_start3A_162 : memref<1x4096xi32, #tpu.memory_space<vmem>> -> memref<4096xi32, #tpu.memory_space<vmem>>
    %dma_start3A_164 = arith.constant 0 : i32
    %dma_start3A_165 = tpu.memref_slice %arg8[%dma_start3A_158, %dma_start3A_164] : memref<50x4096xi32, #tpu.memory_space<vmem_shared>> -> memref<1x4096xi32, #tpu.memory_space<vmem_shared>>
    %dma_start3A_166 = tpu.memref_squeeze %dma_start3A_165 : memref<1x4096xi32, #tpu.memory_space<vmem_shared>> -> memref<4096xi32, #tpu.memory_space<vmem_shared>>
    %dma_start3A_167 = tpu.memref_slice %arg9[%dma_start3A_160] : memref<2x!tpu.dma_semaphore, #tpu.memory_space<semaphore_mem>> -> memref<1x!tpu.dma_semaphore, #tpu.memory_space<semaphore_mem>>
    %dma_start3A_168 = tpu.memref_squeeze %dma_start3A_167 : memref<1x!tpu.dma_semaphore, #tpu.memory_space<semaphore_mem>> -> memref<!tpu.dma_semaphore, #tpu.memory_space<semaphore_mem>>
    %dma_start3A_169 = arith.constant 0 : i32
    %dma_start3A_170 = tpu.memref_slice %arg6[%dma_start3A_159, %dma_start3A_169] : memref<2x4096xi32, #tpu.memory_space<vmem>> -> memref<1x4096xi32, #tpu.memory_space<vmem>>
    %dma_start3A_171 = tpu.memref_squeeze %dma_start3A_170 : memref<1x4096xi32, #tpu.memory_space<vmem>> -> memref<4096xi32, #tpu.memory_space<vmem>>
    %dma_start3A_172 = arith.constant 0 : i32
    %dma_start3A_173 = tpu.memref_slice %arg8[%dma_start3A_158, %dma_start3A_172] : memref<50x4096xi32, #tpu.memory_space<vmem_shared>> -> memref<1x4096xi32, #tpu.memory_space<vmem_shared>>
    %dma_start3A_174 = tpu.memref_squeeze %dma_start3A_173 : memref<1x4096xi32, #tpu.memory_space<vmem_shared>> -> memref<4096xi32, #tpu.memory_space<vmem_shared>>
    tpu.enqueue_dma source(%dma_start3A_174 : memref<4096xi32, #tpu.memory_space<vmem_shared>>) target(%dma_start3A_171 : memref<4096xi32, #tpu.memory_space<vmem>>) target_semaphore(%dma_start3A_168 : memref<!tpu.dma_semaphore, #tpu.memory_space<semaphore_mem>>)
    %mul3A_175 = arith.constant 128 : i32
    %mul3A_176 = arith.muli %select_n3A_40, %mul3A_175 : i32
    %multiple_of3A_177 = tpu.assume_multiple %mul3A_176, 128 : i32
    %dma_start3A_178 = arith.constant 1 : i32
    %dma_start3A_179 = arith.constant 1 : i32
    %dma_start3A_180 = arith.constant 1 : i32
    %dma_start3A_181 = arith.constant 0 : i32
    %dma_start3A_182 = arith.constant 0 : i32
    %dma_start3A_183 = tpu.memref_slice %arg7[%dma_start3A_178, %dma_start3A_181, %dma_start3A_182] : memref<2x32x128xf32, #tpu.memory_space<vmem>> -> memref<1x32x128xf32, #tpu.memory_space<vmem>>
    %dma_start3A_184 = tpu.memref_squeeze %dma_start3A_183 : memref<1x32x128xf32, #tpu.memory_space<vmem>> -> memref<32x128xf32, #tpu.memory_space<vmem>>
    %dma_start3A_185 = arith.constant 0 : i32
    %dma_start3A_186 = tpu.memref_slice %arg4[%dma_start3A_179, %select_n3A, %dma_start3A_185, %multiple_of3A_177] : memref<50x8x32x1024xf32, #tpu.memory_space<hbm>> -> memref<1x1x32x128xf32, #tpu.memory_space<hbm>>
    %dma_start3A_187 = tpu.memref_squeeze %dma_start3A_186 : memref<1x1x32x128xf32, #tpu.memory_space<hbm>> -> memref<32x128xf32, #tpu.memory_space<hbm>>
    %dma_start3A_188 = tpu.memref_slice %arg10[%dma_start3A_180] : memref<2x!tpu.dma_semaphore, #tpu.memory_space<semaphore_mem>> -> memref<1x!tpu.dma_semaphore, #tpu.memory_space<semaphore_mem>>
    %dma_start3A_189 = tpu.memref_squeeze %dma_start3A_188 : memref<1x!tpu.dma_semaphore, #tpu.memory_space<semaphore_mem>> -> memref<!tpu.dma_semaphore, #tpu.memory_space<semaphore_mem>>
    %dma_start3A_190 = arith.constant 0 : i32
    %dma_start3A_191 = tpu.memref_slice %arg4[%dma_start3A_179, %select_n3A, %dma_start3A_190, %multiple_of3A_177] : memref<50x8x32x1024xf32, #tpu.memory_space<hbm>> -> memref<1x1x32x128xf32, #tpu.memory_space<hbm>>
    %dma_start3A_192 = tpu.memref_squeeze %dma_start3A_191 : memref<1x1x32x128xf32, #tpu.memory_space<hbm>> -> memref<32x128xf32, #tpu.memory_space<hbm>>
    %dma_start3A_193 = arith.constant 0 : i32
    %dma_start3A_194 = arith.constant 0 : i32
    %dma_start3A_195 = tpu.memref_slice %arg7[%dma_start3A_178, %dma_start3A_193, %dma_start3A_194] : memref<2x32x128xf32, #tpu.memory_space<vmem>> -> memref<1x32x128xf32, #tpu.memory_space<vmem>>
    %dma_start3A_196 = tpu.memref_squeeze %dma_start3A_195 : memref<1x32x128xf32, #tpu.memory_space<vmem>> -> memref<32x128xf32, #tpu.memory_space<vmem>>
    tpu.enqueue_dma source(%dma_start3A_196 : memref<32x128xf32, #tpu.memory_space<vmem>>) target(%dma_start3A_192 : memref<32x128xf32, #tpu.memory_space<hbm>>) target_semaphore(%dma_start3A_189 : memref<!tpu.dma_semaphore, #tpu.memory_space<semaphore_mem>>)
    %scan3A = arith.constant 0 : i32
    %scan3A_197 = arith.constant 1 : i32
    %scan3A_198 = arith.constant 24 : i32
    %scan3A_199 = arith.addi %scan3A_197, %scan3A_198 : i32
    %scan3A_200 = arith.constant 1 : i32
    %scan3A_201 = scf.for %scan3A_492 = %scan3A_197 to %scan3A_199 step %scan3A_200 iter_args(%scan3A_493 = %scan3A) -> (i32)  : i32 {
      %mul3A_494 = arith.constant 2 : i32
      %mul3A_495 = arith.muli %mul3A_494, %scan3A_492 : i32
      %add3A_496 = arith.constant 0 : i32
      %add3A_497 = arith.addi %mul3A_495, %add3A_496 : i32
      %dma_wait3A_498 = arith.constant 0 : i32
      %dma_wait3A_499 = arith.constant 0 : i32
      %dma_wait3A_500 = arith.constant 0 : i32
      %dma_wait3A_501 = arith.constant 0 : i32
      %dma_wait3A_502 = tpu.memref_slice %arg6[%dma_wait3A_499, %dma_wait3A_501] : memref<2x4096xi32, #tpu.memory_space<vmem>> -> memref<1x4096xi32, #tpu.memory_space<vmem>>
      %dma_wait3A_503 = tpu.memref_squeeze %dma_wait3A_502 : memref<1x4096xi32, #tpu.memory_space<vmem>> -> memref<4096xi32, #tpu.memory_space<vmem>>
      %dma_wait3A_504 = arith.constant 0 : i32
      %dma_wait3A_505 = tpu.memref_slice %arg8[%dma_wait3A_498, %dma_wait3A_504] : memref<50x4096xi32, #tpu.memory_space<vmem_shared>> -> memref<1x4096xi32, #tpu.memory_space<vmem_shared>>
      %dma_wait3A_506 = tpu.memref_squeeze %dma_wait3A_505 : memref<1x4096xi32, #tpu.memory_space<vmem_shared>> -> memref<4096xi32, #tpu.memory_space<vmem_shared>>
      %dma_wait3A_507 = tpu.memref_slice %arg9[%dma_wait3A_500] : memref<2x!tpu.dma_semaphore, #tpu.memory_space<semaphore_mem>> -> memref<1x!tpu.dma_semaphore, #tpu.memory_space<semaphore_mem>>
      %dma_wait3A_508 = tpu.memref_squeeze %dma_wait3A_507 : memref<1x!tpu.dma_semaphore, #tpu.memory_space<semaphore_mem>> -> memref<!tpu.dma_semaphore, #tpu.memory_space<semaphore_mem>>
      %dma_wait3A_509 = arith.constant 0 : i32
      %dma_wait3A_510 = tpu.memref_slice %arg6[%dma_wait3A_499, %dma_wait3A_509] : memref<2x4096xi32, #tpu.memory_space<vmem>> -> memref<1x4096xi32, #tpu.memory_space<vmem>>
      %dma_wait3A_511 = tpu.memref_squeeze %dma_wait3A_510 : memref<1x4096xi32, #tpu.memory_space<vmem>> -> memref<4096xi32, #tpu.memory_space<vmem>>
      %dma_wait3A_512 = arith.constant 0 : i32
      %dma_wait3A_513 = tpu.memref_slice %arg8[%dma_wait3A_498, %dma_wait3A_512] : memref<50x4096xi32, #tpu.memory_space<vmem_shared>> -> memref<1x4096xi32, #tpu.memory_space<vmem_shared>>
      %dma_wait3A_514 = tpu.memref_squeeze %dma_wait3A_513 : memref<1x4096xi32, #tpu.memory_space<vmem_shared>> -> memref<4096xi32, #tpu.memory_space<vmem_shared>>
      tpu.wait_dma2 semaphore(%dma_wait3A_508 : memref<!tpu.dma_semaphore, #tpu.memory_space<semaphore_mem>>) src(%dma_wait3A_514 : memref<4096xi32, #tpu.memory_space<vmem_shared>>) dst(%dma_wait3A_511 : memref<4096xi32, #tpu.memory_space<vmem>>)
      %dma_wait3A_515 = arith.constant 0 : i32
      %dma_wait3A_516 = arith.constant 0 : i32
      %dma_wait3A_517 = arith.constant 0 : i32
      %dma_wait3A_518 = arith.constant 0 : i32
      %dma_wait3A_519 = arith.constant 0 : i32
      %dma_wait3A_520 = arith.constant 0 : i32
      %dma_wait3A_521 = tpu.memref_slice %arg7[%dma_wait3A_515, %dma_wait3A_519, %dma_wait3A_520] : memref<2x32x128xf32, #tpu.memory_space<vmem>> -> memref<1x32x128xf32, #tpu.memory_space<vmem>>
      %dma_wait3A_522 = tpu.memref_squeeze %dma_wait3A_521 : memref<1x32x128xf32, #tpu.memory_space<vmem>> -> memref<32x128xf32, #tpu.memory_space<vmem>>
      %dma_wait3A_523 = arith.constant 0 : i32
      %dma_wait3A_524 = arith.constant 0 : i32
      %dma_wait3A_525 = tpu.memref_slice %arg4[%dma_wait3A_516, %dma_wait3A_517, %dma_wait3A_523, %dma_wait3A_524] : memref<50x8x32x1024xf32, #tpu.memory_space<hbm>> -> memref<1x1x32x128xf32, #tpu.memory_space<hbm>>
      %dma_wait3A_526 = tpu.memref_squeeze %dma_wait3A_525 : memref<1x1x32x128xf32, #tpu.memory_space<hbm>> -> memref<32x128xf32, #tpu.memory_space<hbm>>
      %dma_wait3A_527 = tpu.memref_slice %arg10[%dma_wait3A_518] : memref<2x!tpu.dma_semaphore, #tpu.memory_space<semaphore_mem>> -> memref<1x!tpu.dma_semaphore, #tpu.memory_space<semaphore_mem>>
      %dma_wait3A_528 = tpu.memref_squeeze %dma_wait3A_527 : memref<1x!tpu.dma_semaphore, #tpu.memory_space<semaphore_mem>> -> memref<!tpu.dma_semaphore, #tpu.memory_space<semaphore_mem>>
      %dma_wait3A_529 = arith.constant 0 : i32
      %dma_wait3A_530 = arith.constant 0 : i32
      %dma_wait3A_531 = tpu.memref_slice %arg4[%dma_wait3A_516, %dma_wait3A_517, %dma_wait3A_529, %dma_wait3A_530] : memref<50x8x32x1024xf32, #tpu.memory_space<hbm>> -> memref<1x1x32x128xf32, #tpu.memory_space<hbm>>
      %dma_wait3A_532 = tpu.memref_squeeze %dma_wait3A_531 : memref<1x1x32x128xf32, #tpu.memory_space<hbm>> -> memref<32x128xf32, #tpu.memory_space<hbm>>
      %dma_wait3A_533 = arith.constant 0 : i32
      %dma_wait3A_534 = arith.constant 0 : i32
      %dma_wait3A_535 = tpu.memref_slice %arg7[%dma_wait3A_515, %dma_wait3A_533, %dma_wait3A_534] : memref<2x32x128xf32, #tpu.memory_space<vmem>> -> memref<1x32x128xf32, #tpu.memory_space<vmem>>
      %dma_wait3A_536 = tpu.memref_squeeze %dma_wait3A_535 : memref<1x32x128xf32, #tpu.memory_space<vmem>> -> memref<32x128xf32, #tpu.memory_space<vmem>>
      tpu.wait_dma2 semaphore(%dma_wait3A_528 : memref<!tpu.dma_semaphore, #tpu.memory_space<semaphore_mem>>) src(%dma_wait3A_536 : memref<32x128xf32, #tpu.memory_space<vmem>>) dst(%dma_wait3A_532 : memref<32x128xf32, #tpu.memory_space<hbm>>)
      %parallel_loop3A_537 = arith.constant 0 : i32
      %parallel_loop3A_538 = arith.constant 32 : i32
      %parallel_loop3A_539 = arith.constant 1 : i32
      scf.for %parallel_loop3A_639 = %parallel_loop3A_537 to %parallel_loop3A_538 step %parallel_loop3A_539  : i32 {
        %parallel_loop3A_640 = arith.constant 128 : i32
        %parallel_loop3A_641 = arith.muli %parallel_loop3A_639, %parallel_loop3A_640 : i32
        %parallel_loop3A_642 = arith.constant 0 : i32
        %parallel_loop3A_643 = arith.addi %parallel_loop3A_641, %parallel_loop3A_642 : i32
        %parallel_loop3A_644 = arith.constant 0 : i32
        %parallel_loop3A_645 = arith.constant 0 : i32
        %parallel_loop3A_646 = tpu.memref_slice %arg6[%parallel_loop3A_644, %parallel_loop3A_645] : memref<2x4096xi32, #tpu.memory_space<vmem>> -> memref<1x4096xi32, #tpu.memory_space<vmem>>
        %parallel_loop3A_647 = tpu.memref_squeeze %parallel_loop3A_646 : memref<1x4096xi32, #tpu.memory_space<vmem>> -> memref<4096xi32, #tpu.memory_space<vmem>>
        %parallel_loop3A_648 = arith.index_cast %parallel_loop3A_643 : i32 to index
        %parallel_loop3A_649 = tpu.vector_load %parallel_loop3A_647[%parallel_loop3A_648] {strides = array<i32>} : memref<4096xi32, #tpu.memory_space<vmem>>, vector<16xi32>,
        %parallel_loop3A_650 = tpu.vector_load_idx %arg5[%parallel_loop3A_649] : memref<100000xf32, #tpu.memory_space<vmem>>[vector<16xi32>], vector<16xf32>,
        %parallel_loop3A_651 = arith.constant 0 : i32
        %parallel_loop3A_652 = arith.constant 0 : i32
        %parallel_loop3A_653 = tpu.memref_slice %arg7[%parallel_loop3A_651, %parallel_loop3A_639, %parallel_loop3A_652] : memref<2x32x128xf32, #tpu.memory_space<vmem>> -> memref<1x1x128xf32, #tpu.memory_space<vmem>>
        %parallel_loop3A_654 = tpu.memref_squeeze %parallel_loop3A_653 : memref<1x1x128xf32, #tpu.memory_space<vmem>> -> memref<128xf32, #tpu.memory_space<vmem>>
        %parallel_loop3A_655 = arith.constant 0 : index
        %parallel_loop3A_656 = tpu.vector_load %parallel_loop3A_654[%parallel_loop3A_655] {strides = array<i32>} : memref<128xf32, #tpu.memory_space<vmem>>, vector<16xf32>,
        tpu.vector_store %parallel_loop3A_654[%parallel_loop3A_655], %parallel_loop3A_650 {strides = array<i32>} : memref<128xf32, #tpu.memory_space<vmem>>, vector<16xf32>,
        %parallel_loop3A_657 = arith.constant 128 : i32
        %parallel_loop3A_658 = arith.muli %parallel_loop3A_639, %parallel_loop3A_657 : i32
        %parallel_loop3A_659 = arith.constant 16 : i32
        %parallel_loop3A_660 = arith.addi %parallel_loop3A_658, %parallel_loop3A_659 : i32
        %parallel_loop3A_661 = arith.constant 0 : i32
        %parallel_loop3A_662 = arith.constant 0 : i32
        %parallel_loop3A_663 = tpu.memref_slice %arg6[%parallel_loop3A_661, %parallel_loop3A_662] : memref<2x4096xi32, #tpu.memory_space<vmem>> -> memref<1x4096xi32, #tpu.memory_space<vmem>>
        %parallel_loop3A_664 = tpu.memref_squeeze %parallel_loop3A_663 : memref<1x4096xi32, #tpu.memory_space<vmem>> -> memref<4096xi32, #tpu.memory_space<vmem>>
        %parallel_loop3A_665 = arith.index_cast %parallel_loop3A_660 : i32 to index
        %parallel_loop3A_666 = tpu.vector_load %parallel_loop3A_664[%parallel_loop3A_665] {strides = array<i32>} : memref<4096xi32, #tpu.memory_space<vmem>>, vector<16xi32>,
        %parallel_loop3A_667 = tpu.vector_load_idx %arg5[%parallel_loop3A_666] : memref<100000xf32, #tpu.memory_space<vmem>>[vector<16xi32>], vector<16xf32>,
        %parallel_loop3A_668 = arith.constant 0 : i32
        %parallel_loop3A_669 = arith.constant 0 : i32
        %parallel_loop3A_670 = tpu.memref_slice %arg7[%parallel_loop3A_668, %parallel_loop3A_639, %parallel_loop3A_669] : memref<2x32x128xf32, #tpu.memory_space<vmem>> -> memref<1x1x128xf32, #tpu.memory_space<vmem>>
        %parallel_loop3A_671 = tpu.memref_squeeze %parallel_loop3A_670 : memref<1x1x128xf32, #tpu.memory_space<vmem>> -> memref<128xf32, #tpu.memory_space<vmem>>
        %parallel_loop3A_672 = arith.constant 16 : index
        %parallel_loop3A_673 = tpu.vector_load %parallel_loop3A_671[%parallel_loop3A_672] {strides = array<i32>} : memref<128xf32, #tpu.memory_space<vmem>>, vector<16xf32>,
        tpu.vector_store %parallel_loop3A_671[%parallel_loop3A_672], %parallel_loop3A_667 {strides = array<i32>} : memref<128xf32, #tpu.memory_space<vmem>>, vector<16xf32>,
        %parallel_loop3A_674 = arith.constant 128 : i32
        %parallel_loop3A_675 = arith.muli %parallel_loop3A_639, %parallel_loop3A_674 : i32
        %parallel_loop3A_676 = arith.constant 32 : i32
        %parallel_loop3A_677 = arith.addi %parallel_loop3A_675, %parallel_loop3A_676 : i32
        %parallel_loop3A_678 = arith.constant 0 : i32
        %parallel_loop3A_679 = arith.constant 0 : i32
        %parallel_loop3A_680 = tpu.memref_slice %arg6[%parallel_loop3A_678, %parallel_loop3A_679] : memref<2x4096xi32, #tpu.memory_space<vmem>> -> memref<1x4096xi32, #tpu.memory_space<vmem>>
        %parallel_loop3A_681 = tpu.memref_squeeze %parallel_loop3A_680 : memref<1x4096xi32, #tpu.memory_space<vmem>> -> memref<4096xi32, #tpu.memory_space<vmem>>
        %parallel_loop3A_682 = arith.index_cast %parallel_loop3A_677 : i32 to index
        %parallel_loop3A_683 = tpu.vector_load %parallel_loop3A_681[%parallel_loop3A_682] {strides = array<i32>} : memref<4096xi32, #tpu.memory_space<vmem>>, vector<16xi32>,
        %parallel_loop3A_684 = tpu.vector_load_idx %arg5[%parallel_loop3A_683] : memref<100000xf32, #tpu.memory_space<vmem>>[vector<16xi32>], vector<16xf32>,
        %parallel_loop3A_685 = arith.constant 0 : i32
        %parallel_loop3A_686 = arith.constant 0 : i32
        %parallel_loop3A_687 = tpu.memref_slice %arg7[%parallel_loop3A_685, %parallel_loop3A_639, %parallel_loop3A_686] : memref<2x32x128xf32, #tpu.memory_space<vmem>> -> memref<1x1x128xf32, #tpu.memory_space<vmem>>
        %parallel_loop3A_688 = tpu.memref_squeeze %parallel_loop3A_687 : memref<1x1x128xf32, #tpu.memory_space<vmem>> -> memref<128xf32, #tpu.memory_space<vmem>>
        %parallel_loop3A_689 = arith.constant 32 : index
        %parallel_loop3A_690 = tpu.vector_load %parallel_loop3A_688[%parallel_loop3A_689] {strides = array<i32>} : memref<128xf32, #tpu.memory_space<vmem>>, vector<16xf32>,
        tpu.vector_store %parallel_loop3A_688[%parallel_loop3A_689], %parallel_loop3A_684 {strides = array<i32>} : memref<128xf32, #tpu.memory_space<vmem>>, vector<16xf32>,
        %parallel_loop3A_691 = arith.constant 128 : i32
        %parallel_loop3A_692 = arith.muli %parallel_loop3A_639, %parallel_loop3A_691 : i32
        %parallel_loop3A_693 = arith.constant 48 : i32
        %parallel_loop3A_694 = arith.addi %parallel_loop3A_692, %parallel_loop3A_693 : i32
        %parallel_loop3A_695 = arith.constant 0 : i32
        %parallel_loop3A_696 = arith.constant 0 : i32
        %parallel_loop3A_697 = tpu.memref_slice %arg6[%parallel_loop3A_695, %parallel_loop3A_696] : memref<2x4096xi32, #tpu.memory_space<vmem>> -> memref<1x4096xi32, #tpu.memory_space<vmem>>
        %parallel_loop3A_698 = tpu.memref_squeeze %parallel_loop3A_697 : memref<1x4096xi32, #tpu.memory_space<vmem>> -> memref<4096xi32, #tpu.memory_space<vmem>>
        %parallel_loop3A_699 = arith.index_cast %parallel_loop3A_694 : i32 to index
        %parallel_loop3A_700 = tpu.vector_load %parallel_loop3A_698[%parallel_loop3A_699] {strides = array<i32>} : memref<4096xi32, #tpu.memory_space<vmem>>, vector<16xi32>,
        %parallel_loop3A_701 = tpu.vector_load_idx %arg5[%parallel_loop3A_700] : memref<100000xf32, #tpu.memory_space<vmem>>[vector<16xi32>], vector<16xf32>,
        %parallel_loop3A_702 = arith.constant 0 : i32
        %parallel_loop3A_703 = arith.constant 0 : i32
        %parallel_loop3A_704 = tpu.memref_slice %arg7[%parallel_loop3A_702, %parallel_loop3A_639, %parallel_loop3A_703] : memref<2x32x128xf32, #tpu.memory_space<vmem>> -> memref<1x1x128xf32, #tpu.memory_space<vmem>>
        %parallel_loop3A_705 = tpu.memref_squeeze %parallel_loop3A_704 : memref<1x1x128xf32, #tpu.memory_space<vmem>> -> memref<128xf32, #tpu.memory_space<vmem>>
        %parallel_loop3A_706 = arith.constant 48 : index
        %parallel_loop3A_707 = tpu.vector_load %parallel_loop3A_705[%parallel_loop3A_706] {strides = array<i32>} : memref<128xf32, #tpu.memory_space<vmem>>, vector<16xf32>,
        tpu.vector_store %parallel_loop3A_705[%parallel_loop3A_706], %parallel_loop3A_701 {strides = array<i32>} : memref<128xf32, #tpu.memory_space<vmem>>, vector<16xf32>,
        %parallel_loop3A_708 = arith.constant 128 : i32
        %parallel_loop3A_709 = arith.muli %parallel_loop3A_639, %parallel_loop3A_708 : i32
        %parallel_loop3A_710 = arith.constant 64 : i32
        %parallel_loop3A_711 = arith.addi %parallel_loop3A_709, %parallel_loop3A_710 : i32
        %parallel_loop3A_712 = arith.constant 0 : i32
        %parallel_loop3A_713 = arith.constant 0 : i32
        %parallel_loop3A_714 = tpu.memref_slice %arg6[%parallel_loop3A_712, %parallel_loop3A_713] : memref<2x4096xi32, #tpu.memory_space<vmem>> -> memref<1x4096xi32, #tpu.memory_space<vmem>>
        %parallel_loop3A_715 = tpu.memref_squeeze %parallel_loop3A_714 : memref<1x4096xi32, #tpu.memory_space<vmem>> -> memref<4096xi32, #tpu.memory_space<vmem>>
        %parallel_loop3A_716 = arith.index_cast %parallel_loop3A_711 : i32 to index
        %parallel_loop3A_717 = tpu.vector_load %parallel_loop3A_715[%parallel_loop3A_716] {strides = array<i32>} : memref<4096xi32, #tpu.memory_space<vmem>>, vector<16xi32>,
        %parallel_loop3A_718 = tpu.vector_load_idx %arg5[%parallel_loop3A_717] : memref<100000xf32, #tpu.memory_space<vmem>>[vector<16xi32>], vector<16xf32>,
        %parallel_loop3A_719 = arith.constant 0 : i32
        %parallel_loop3A_720 = arith.constant 0 : i32
        %parallel_loop3A_721 = tpu.memref_slice %arg7[%parallel_loop3A_719, %parallel_loop3A_639, %parallel_loop3A_720] : memref<2x32x128xf32, #tpu.memory_space<vmem>> -> memref<1x1x128xf32, #tpu.memory_space<vmem>>
        %parallel_loop3A_722 = tpu.memref_squeeze %parallel_loop3A_721 : memref<1x1x128xf32, #tpu.memory_space<vmem>> -> memref<128xf32, #tpu.memory_space<vmem>>
        %parallel_loop3A_723 = arith.constant 64 : index
        %parallel_loop3A_724 = tpu.vector_load %parallel_loop3A_722[%parallel_loop3A_723] {strides = array<i32>} : memref<128xf32, #tpu.memory_space<vmem>>, vector<16xf32>,
        tpu.vector_store %parallel_loop3A_722[%parallel_loop3A_723], %parallel_loop3A_718 {strides = array<i32>} : memref<128xf32, #tpu.memory_space<vmem>>, vector<16xf32>,
        %parallel_loop3A_725 = arith.constant 128 : i32
        %parallel_loop3A_726 = arith.muli %parallel_loop3A_639, %parallel_loop3A_725 : i32
        %parallel_loop3A_727 = arith.constant 80 : i32
        %parallel_loop3A_728 = arith.addi %parallel_loop3A_726, %parallel_loop3A_727 : i32
        %parallel_loop3A_729 = arith.constant 0 : i32
        %parallel_loop3A_730 = arith.constant 0 : i32
        %parallel_loop3A_731 = tpu.memref_slice %arg6[%parallel_loop3A_729, %parallel_loop3A_730] : memref<2x4096xi32, #tpu.memory_space<vmem>> -> memref<1x4096xi32, #tpu.memory_space<vmem>>
        %parallel_loop3A_732 = tpu.memref_squeeze %parallel_loop3A_731 : memref<1x4096xi32, #tpu.memory_space<vmem>> -> memref<4096xi32, #tpu.memory_space<vmem>>
        %parallel_loop3A_733 = arith.index_cast %parallel_loop3A_728 : i32 to index
        %parallel_loop3A_734 = tpu.vector_load %parallel_loop3A_732[%parallel_loop3A_733] {strides = array<i32>} : memref<4096xi32, #tpu.memory_space<vmem>>, vector<16xi32>,
        %parallel_loop3A_735 = tpu.vector_load_idx %arg5[%parallel_loop3A_734] : memref<100000xf32, #tpu.memory_space<vmem>>[vector<16xi32>], vector<16xf32>,
        %parallel_loop3A_736 = arith.constant 0 : i32
        %parallel_loop3A_737 = arith.constant 0 : i32
        %parallel_loop3A_738 = tpu.memref_slice %arg7[%parallel_loop3A_736, %parallel_loop3A_639, %parallel_loop3A_737] : memref<2x32x128xf32, #tpu.memory_space<vmem>> -> memref<1x1x128xf32, #tpu.memory_space<vmem>>
        %parallel_loop3A_739 = tpu.memref_squeeze %parallel_loop3A_738 : memref<1x1x128xf32, #tpu.memory_space<vmem>> -> memref<128xf32, #tpu.memory_space<vmem>>
        %parallel_loop3A_740 = arith.constant 80 : index
        %parallel_loop3A_741 = tpu.vector_load %parallel_loop3A_739[%parallel_loop3A_740] {strides = array<i32>} : memref<128xf32, #tpu.memory_space<vmem>>, vector<16xf32>,
        tpu.vector_store %parallel_loop3A_739[%parallel_loop3A_740], %parallel_loop3A_735 {strides = array<i32>} : memref<128xf32, #tpu.memory_space<vmem>>, vector<16xf32>,
        %parallel_loop3A_742 = arith.constant 128 : i32
        %parallel_loop3A_743 = arith.muli %parallel_loop3A_639, %parallel_loop3A_742 : i32
        %parallel_loop3A_744 = arith.constant 96 : i32
        %parallel_loop3A_745 = arith.addi %parallel_loop3A_743, %parallel_loop3A_744 : i32
        %parallel_loop3A_746 = arith.constant 0 : i32
        %parallel_loop3A_747 = arith.constant 0 : i32
        %parallel_loop3A_748 = tpu.memref_slice %arg6[%parallel_loop3A_746, %parallel_loop3A_747] : memref<2x4096xi32, #tpu.memory_space<vmem>> -> memref<1x4096xi32, #tpu.memory_space<vmem>>
        %parallel_loop3A_749 = tpu.memref_squeeze %parallel_loop3A_748 : memref<1x4096xi32, #tpu.memory_space<vmem>> -> memref<4096xi32, #tpu.memory_space<vmem>>
        %parallel_loop3A_750 = arith.index_cast %parallel_loop3A_745 : i32 to index
        %parallel_loop3A_751 = tpu.vector_load %parallel_loop3A_749[%parallel_loop3A_750] {strides = array<i32>} : memref<4096xi32, #tpu.memory_space<vmem>>, vector<16xi32>,
        %parallel_loop3A_752 = tpu.vector_load_idx %arg5[%parallel_loop3A_751] : memref<100000xf32, #tpu.memory_space<vmem>>[vector<16xi32>], vector<16xf32>,
        %parallel_loop3A_753 = arith.constant 0 : i32
        %parallel_loop3A_754 = arith.constant 0 : i32
        %parallel_loop3A_755 = tpu.memref_slice %arg7[%parallel_loop3A_753, %parallel_loop3A_639, %parallel_loop3A_754] : memref<2x32x128xf32, #tpu.memory_space<vmem>> -> memref<1x1x128xf32, #tpu.memory_space<vmem>>
        %parallel_loop3A_756 = tpu.memref_squeeze %parallel_loop3A_755 : memref<1x1x128xf32, #tpu.memory_space<vmem>> -> memref<128xf32, #tpu.memory_space<vmem>>
        %parallel_loop3A_757 = arith.constant 96 : index
        %parallel_loop3A_758 = tpu.vector_load %parallel_loop3A_756[%parallel_loop3A_757] {strides = array<i32>} : memref<128xf32, #tpu.memory_space<vmem>>, vector<16xf32>,
        tpu.vector_store %parallel_loop3A_756[%parallel_loop3A_757], %parallel_loop3A_752 {strides = array<i32>} : memref<128xf32, #tpu.memory_space<vmem>>, vector<16xf32>,
        %parallel_loop3A_759 = arith.constant 128 : i32
        %parallel_loop3A_760 = arith.muli %parallel_loop3A_639, %parallel_loop3A_759 : i32
        %parallel_loop3A_761 = arith.constant 112 : i32
        %parallel_loop3A_762 = arith.addi %parallel_loop3A_760, %parallel_loop3A_761 : i32
        %parallel_loop3A_763 = arith.constant 0 : i32
        %parallel_loop3A_764 = arith.constant 0 : i32
        %parallel_loop3A_765 = tpu.memref_slice %arg6[%parallel_loop3A_763, %parallel_loop3A_764] : memref<2x4096xi32, #tpu.memory_space<vmem>> -> memref<1x4096xi32, #tpu.memory_space<vmem>>
        %parallel_loop3A_766 = tpu.memref_squeeze %parallel_loop3A_765 : memref<1x4096xi32, #tpu.memory_space<vmem>> -> memref<4096xi32, #tpu.memory_space<vmem>>
        %parallel_loop3A_767 = arith.index_cast %parallel_loop3A_762 : i32 to index
        %parallel_loop3A_768 = tpu.vector_load %parallel_loop3A_766[%parallel_loop3A_767] {strides = array<i32>} : memref<4096xi32, #tpu.memory_space<vmem>>, vector<16xi32>,
        %parallel_loop3A_769 = tpu.vector_load_idx %arg5[%parallel_loop3A_768] : memref<100000xf32, #tpu.memory_space<vmem>>[vector<16xi32>], vector<16xf32>,
        %parallel_loop3A_770 = arith.constant 0 : i32
        %parallel_loop3A_771 = arith.constant 0 : i32
        %parallel_loop3A_772 = tpu.memref_slice %arg7[%parallel_loop3A_770, %parallel_loop3A_639, %parallel_loop3A_771] : memref<2x32x128xf32, #tpu.memory_space<vmem>> -> memref<1x1x128xf32, #tpu.memory_space<vmem>>
        %parallel_loop3A_773 = tpu.memref_squeeze %parallel_loop3A_772 : memref<1x1x128xf32, #tpu.memory_space<vmem>> -> memref<128xf32, #tpu.memory_space<vmem>>
        %parallel_loop3A_774 = arith.constant 112 : index
        %parallel_loop3A_775 = tpu.vector_load %parallel_loop3A_773[%parallel_loop3A_774] {strides = array<i32>} : memref<128xf32, #tpu.memory_space<vmem>>, vector<16xf32>,
        tpu.vector_store %parallel_loop3A_773[%parallel_loop3A_774], %parallel_loop3A_769 {strides = array<i32>} : memref<128xf32, #tpu.memory_space<vmem>>, vector<16xf32>,
      } {sc.loop_unroll_factor = 16 : i64, sc.parallel_access}
      %lt3A_540 = arith.constant 24 : i32
      %lt3A_541 = arith.cmpi slt, %scan3A_492, %lt3A_540 : i32
      %convert_element_type3A_542 = arith.extui %lt3A_541 : i1 to i32
      %cond3A_543 = arith.constant 0 : i32
      %cond3A_544 = arith.cmpi ne, %convert_element_type3A_542, %cond3A_543 : i32
      scf.if %cond3A_544 {
        %add3A_639 = arith.constant 2 : i32
        %add3A_640 = arith.addi %add3A_497, %add3A_639 : i32
        %dma_start3A_641 = arith.constant 0 : i32
        %dma_start3A_642 = arith.constant 0 : i32
        %dma_start3A_643 = arith.constant 0 : i32
        %dma_start3A_644 = tpu.memref_slice %arg6[%dma_start3A_641, %dma_start3A_643] : memref<2x4096xi32, #tpu.memory_space<vmem>> -> memref<1x4096xi32, #tpu.memory_space<vmem>>
        %dma_start3A_645 = tpu.memref_squeeze %dma_start3A_644 : memref<1x4096xi32, #tpu.memory_space<vmem>> -> memref<4096xi32, #tpu.memory_space<vmem>>
        %dma_start3A_646 = arith.constant 0 : i32
        %dma_start3A_647 = tpu.memref_slice %arg8[%add3A_640, %dma_start3A_646] : memref<50x4096xi32, #tpu.memory_space<vmem_shared>> -> memref<1x4096xi32, #tpu.memory_space<vmem_shared>>
        %dma_start3A_648 = tpu.memref_squeeze %dma_start3A_647 : memref<1x4096xi32, #tpu.memory_space<vmem_shared>> -> memref<4096xi32, #tpu.memory_space<vmem_shared>>
        %dma_start3A_649 = tpu.memref_slice %arg9[%dma_start3A_642] : memref<2x!tpu.dma_semaphore, #tpu.memory_space<semaphore_mem>> -> memref<1x!tpu.dma_semaphore, #tpu.memory_space<semaphore_mem>>
        %dma_start3A_650 = tpu.memref_squeeze %dma_start3A_649 : memref<1x!tpu.dma_semaphore, #tpu.memory_space<semaphore_mem>> -> memref<!tpu.dma_semaphore, #tpu.memory_space<semaphore_mem>>
        %dma_start3A_651 = arith.constant 0 : i32
        %dma_start3A_652 = tpu.memref_slice %arg6[%dma_start3A_641, %dma_start3A_651] : memref<2x4096xi32, #tpu.memory_space<vmem>> -> memref<1x4096xi32, #tpu.memory_space<vmem>>
        %dma_start3A_653 = tpu.memref_squeeze %dma_start3A_652 : memref<1x4096xi32, #tpu.memory_space<vmem>> -> memref<4096xi32, #tpu.memory_space<vmem>>
        %dma_start3A_654 = arith.constant 0 : i32
        %dma_start3A_655 = tpu.memref_slice %arg8[%add3A_640, %dma_start3A_654] : memref<50x4096xi32, #tpu.memory_space<vmem_shared>> -> memref<1x4096xi32, #tpu.memory_space<vmem_shared>>
        %dma_start3A_656 = tpu.memref_squeeze %dma_start3A_655 : memref<1x4096xi32, #tpu.memory_space<vmem_shared>> -> memref<4096xi32, #tpu.memory_space<vmem_shared>>
        tpu.enqueue_dma source(%dma_start3A_656 : memref<4096xi32, #tpu.memory_space<vmem_shared>>) target(%dma_start3A_653 : memref<4096xi32, #tpu.memory_space<vmem>>) target_semaphore(%dma_start3A_650 : memref<!tpu.dma_semaphore, #tpu.memory_space<semaphore_mem>>)
      } else {
      }
      %mul3A_545 = arith.constant 128 : i32
      %mul3A_546 = arith.muli %select_n3A_40, %mul3A_545 : i32
      %multiple_of3A_547 = tpu.assume_multiple %mul3A_546, 128 : i32
      %dma_start3A_548 = arith.constant 0 : i32
      %dma_start3A_549 = arith.constant 0 : i32
      %dma_start3A_550 = arith.constant 0 : i32
      %dma_start3A_551 = arith.constant 0 : i32
      %dma_start3A_552 = tpu.memref_slice %arg7[%dma_start3A_548, %dma_start3A_550, %dma_start3A_551] : memref<2x32x128xf32, #tpu.memory_space<vmem>> -> memref<1x32x128xf32, #tpu.memory_space<vmem>>
      %dma_start3A_553 = tpu.memref_squeeze %dma_start3A_552 : memref<1x32x128xf32, #tpu.memory_space<vmem>> -> memref<32x128xf32, #tpu.memory_space<vmem>>
      %dma_start3A_554 = arith.constant 0 : i32
      %dma_start3A_555 = tpu.memref_slice %arg4[%add3A_497, %select_n3A, %dma_start3A_554, %multiple_of3A_547] : memref<50x8x32x1024xf32, #tpu.memory_space<hbm>> -> memref<1x1x32x128xf32, #tpu.memory_space<hbm>>
      %dma_start3A_556 = tpu.memref_squeeze %dma_start3A_555 : memref<1x1x32x128xf32, #tpu.memory_space<hbm>> -> memref<32x128xf32, #tpu.memory_space<hbm>>
      %dma_start3A_557 = tpu.memref_slice %arg10[%dma_start3A_549] : memref<2x!tpu.dma_semaphore, #tpu.memory_space<semaphore_mem>> -> memref<1x!tpu.dma_semaphore, #tpu.memory_space<semaphore_mem>>
      %dma_start3A_558 = tpu.memref_squeeze %dma_start3A_557 : memref<1x!tpu.dma_semaphore, #tpu.memory_space<semaphore_mem>> -> memref<!tpu.dma_semaphore, #tpu.memory_space<semaphore_mem>>
      %dma_start3A_559 = arith.constant 0 : i32
      %dma_start3A_560 = tpu.memref_slice %arg4[%add3A_497, %select_n3A, %dma_start3A_559, %multiple_of3A_547] : memref<50x8x32x1024xf32, #tpu.memory_space<hbm>> -> memref<1x1x32x128xf32, #tpu.memory_space<hbm>>
      %dma_start3A_561 = tpu.memref_squeeze %dma_start3A_560 : memref<1x1x32x128xf32, #tpu.memory_space<hbm>> -> memref<32x128xf32, #tpu.memory_space<hbm>>
      %dma_start3A_562 = arith.constant 0 : i32
      %dma_start3A_563 = arith.constant 0 : i32
      %dma_start3A_564 = tpu.memref_slice %arg7[%dma_start3A_548, %dma_start3A_562, %dma_start3A_563] : memref<2x32x128xf32, #tpu.memory_space<vmem>> -> memref<1x32x128xf32, #tpu.memory_space<vmem>>
      %dma_start3A_565 = tpu.memref_squeeze %dma_start3A_564 : memref<1x32x128xf32, #tpu.memory_space<vmem>> -> memref<32x128xf32, #tpu.memory_space<vmem>>
      tpu.enqueue_dma source(%dma_start3A_565 : memref<32x128xf32, #tpu.memory_space<vmem>>) target(%dma_start3A_561 : memref<32x128xf32, #tpu.memory_space<hbm>>) target_semaphore(%dma_start3A_558 : memref<!tpu.dma_semaphore, #tpu.memory_space<semaphore_mem>>)
      %mul3A_566 = arith.constant 2 : i32
      %mul3A_567 = arith.muli %mul3A_566, %scan3A_492 : i32
      %add3A_568 = arith.constant 1 : i32
      %add3A_569 = arith.addi %mul3A_567, %add3A_568 : i32
      %dma_wait3A_570 = arith.constant 0 : i32
      %dma_wait3A_571 = arith.constant 1 : i32
      %dma_wait3A_572 = arith.constant 1 : i32
      %dma_wait3A_573 = arith.constant 0 : i32
      %dma_wait3A_574 = tpu.memref_slice %arg6[%dma_wait3A_571, %dma_wait3A_573] : memref<2x4096xi32, #tpu.memory_space<vmem>> -> memref<1x4096xi32, #tpu.memory_space<vmem>>
      %dma_wait3A_575 = tpu.memref_squeeze %dma_wait3A_574 : memref<1x4096xi32, #tpu.memory_space<vmem>> -> memref<4096xi32, #tpu.memory_space<vmem>>
      %dma_wait3A_576 = arith.constant 0 : i32
      %dma_wait3A_577 = tpu.memref_slice %arg8[%dma_wait3A_570, %dma_wait3A_576] : memref<50x4096xi32, #tpu.memory_space<vmem_shared>> -> memref<1x4096xi32, #tpu.memory_space<vmem_shared>>
      %dma_wait3A_578 = tpu.memref_squeeze %dma_wait3A_577 : memref<1x4096xi32, #tpu.memory_space<vmem_shared>> -> memref<4096xi32, #tpu.memory_space<vmem_shared>>
      %dma_wait3A_579 = tpu.memref_slice %arg9[%dma_wait3A_572] : memref<2x!tpu.dma_semaphore, #tpu.memory_space<semaphore_mem>> -> memref<1x!tpu.dma_semaphore, #tpu.memory_space<semaphore_mem>>
      %dma_wait3A_580 = tpu.memref_squeeze %dma_wait3A_579 : memref<1x!tpu.dma_semaphore, #tpu.memory_space<semaphore_mem>> -> memref<!tpu.dma_semaphore, #tpu.memory_space<semaphore_mem>>
      %dma_wait3A_581 = arith.constant 0 : i32
      %dma_wait3A_582 = tpu.memref_slice %arg6[%dma_wait3A_571, %dma_wait3A_581] : memref<2x4096xi32, #tpu.memory_space<vmem>> -> memref<1x4096xi32, #tpu.memory_space<vmem>>
      %dma_wait3A_583 = tpu.memref_squeeze %dma_wait3A_582 : memref<1x4096xi32, #tpu.memory_space<vmem>> -> memref<4096xi32, #tpu.memory_space<vmem>>
      %dma_wait3A_584 = arith.constant 0 : i32
      %dma_wait3A_585 = tpu.memref_slice %arg8[%dma_wait3A_570, %dma_wait3A_584] : memref<50x4096xi32, #tpu.memory_space<vmem_shared>> -> memref<1x4096xi32, #tpu.memory_space<vmem_shared>>
      %dma_wait3A_586 = tpu.memref_squeeze %dma_wait3A_585 : memref<1x4096xi32, #tpu.memory_space<vmem_shared>> -> memref<4096xi32, #tpu.memory_space<vmem_shared>>
      tpu.wait_dma2 semaphore(%dma_wait3A_580 : memref<!tpu.dma_semaphore, #tpu.memory_space<semaphore_mem>>) src(%dma_wait3A_586 : memref<4096xi32, #tpu.memory_space<vmem_shared>>) dst(%dma_wait3A_583 : memref<4096xi32, #tpu.memory_space<vmem>>)
      %dma_wait3A_587 = arith.constant 1 : i32
      %dma_wait3A_588 = arith.constant 0 : i32
      %dma_wait3A_589 = arith.constant 0 : i32
      %dma_wait3A_590 = arith.constant 1 : i32
      %dma_wait3A_591 = arith.constant 0 : i32
      %dma_wait3A_592 = arith.constant 0 : i32
      %dma_wait3A_593 = tpu.memref_slice %arg7[%dma_wait3A_587, %dma_wait3A_591, %dma_wait3A_592] : memref<2x32x128xf32, #tpu.memory_space<vmem>> -> memref<1x32x128xf32, #tpu.memory_space<vmem>>
      %dma_wait3A_594 = tpu.memref_squeeze %dma_wait3A_593 : memref<1x32x128xf32, #tpu.memory_space<vmem>> -> memref<32x128xf32, #tpu.memory_space<vmem>>
      %dma_wait3A_595 = arith.constant 0 : i32
      %dma_wait3A_596 = arith.constant 0 : i32
      %dma_wait3A_597 = tpu.memref_slice %arg4[%dma_wait3A_588, %dma_wait3A_589, %dma_wait3A_595, %dma_wait3A_596] : memref<50x8x32x1024xf32, #tpu.memory_space<hbm>> -> memref<1x1x32x128xf32, #tpu.memory_space<hbm>>
      %dma_wait3A_598 = tpu.memref_squeeze %dma_wait3A_597 : memref<1x1x32x128xf32, #tpu.memory_space<hbm>> -> memref<32x128xf32, #tpu.memory_space<hbm>>
      %dma_wait3A_599 = tpu.memref_slice %arg10[%dma_wait3A_590] : memref<2x!tpu.dma_semaphore, #tpu.memory_space<semaphore_mem>> -> memref<1x!tpu.dma_semaphore, #tpu.memory_space<semaphore_mem>>
      %dma_wait3A_600 = tpu.memref_squeeze %dma_wait3A_599 : memref<1x!tpu.dma_semaphore, #tpu.memory_space<semaphore_mem>> -> memref<!tpu.dma_semaphore, #tpu.memory_space<semaphore_mem>>
      %dma_wait3A_601 = arith.constant 0 : i32
      %dma_wait3A_602 = arith.constant 0 : i32
      %dma_wait3A_603 = tpu.memref_slice %arg4[%dma_wait3A_588, %dma_wait3A_589, %dma_wait3A_601, %dma_wait3A_602] : memref<50x8x32x1024xf32, #tpu.memory_space<hbm>> -> memref<1x1x32x128xf32, #tpu.memory_space<hbm>>
      %dma_wait3A_604 = tpu.memref_squeeze %dma_wait3A_603 : memref<1x1x32x128xf32, #tpu.memory_space<hbm>> -> memref<32x128xf32, #tpu.memory_space<hbm>>
      %dma_wait3A_605 = arith.constant 0 : i32
      %dma_wait3A_606 = arith.constant 0 : i32
      %dma_wait3A_607 = tpu.memref_slice %arg7[%dma_wait3A_587, %dma_wait3A_605, %dma_wait3A_606] : memref<2x32x128xf32, #tpu.memory_space<vmem>> -> memref<1x32x128xf32, #tpu.memory_space<vmem>>
      %dma_wait3A_608 = tpu.memref_squeeze %dma_wait3A_607 : memref<1x32x128xf32, #tpu.memory_space<vmem>> -> memref<32x128xf32, #tpu.memory_space<vmem>>
      tpu.wait_dma2 semaphore(%dma_wait3A_600 : memref<!tpu.dma_semaphore, #tpu.memory_space<semaphore_mem>>) src(%dma_wait3A_608 : memref<32x128xf32, #tpu.memory_space<vmem>>) dst(%dma_wait3A_604 : memref<32x128xf32, #tpu.memory_space<hbm>>)
      %parallel_loop3A_609 = arith.constant 0 : i32
      %parallel_loop3A_610 = arith.constant 32 : i32
      %parallel_loop3A_611 = arith.constant 1 : i32
      scf.for %parallel_loop3A_639 = %parallel_loop3A_609 to %parallel_loop3A_610 step %parallel_loop3A_611  : i32 {
        %parallel_loop3A_640 = arith.constant 128 : i32
        %parallel_loop3A_641 = arith.muli %parallel_loop3A_639, %parallel_loop3A_640 : i32
        %parallel_loop3A_642 = arith.constant 0 : i32
        %parallel_loop3A_643 = arith.addi %parallel_loop3A_641, %parallel_loop3A_642 : i32
        %parallel_loop3A_644 = arith.constant 1 : i32
        %parallel_loop3A_645 = arith.constant 0 : i32
        %parallel_loop3A_646 = tpu.memref_slice %arg6[%parallel_loop3A_644, %parallel_loop3A_645] : memref<2x4096xi32, #tpu.memory_space<vmem>> -> memref<1x4096xi32, #tpu.memory_space<vmem>>
        %parallel_loop3A_647 = tpu.memref_squeeze %parallel_loop3A_646 : memref<1x4096xi32, #tpu.memory_space<vmem>> -> memref<4096xi32, #tpu.memory_space<vmem>>
        %parallel_loop3A_648 = arith.index_cast %parallel_loop3A_643 : i32 to index
        %parallel_loop3A_649 = tpu.vector_load %parallel_loop3A_647[%parallel_loop3A_648] {strides = array<i32>} : memref<4096xi32, #tpu.memory_space<vmem>>, vector<16xi32>,
        %parallel_loop3A_650 = tpu.vector_load_idx %arg5[%parallel_loop3A_649] : memref<100000xf32, #tpu.memory_space<vmem>>[vector<16xi32>], vector<16xf32>,
        %parallel_loop3A_651 = arith.constant 1 : i32
        %parallel_loop3A_652 = arith.constant 0 : i32
        %parallel_loop3A_653 = tpu.memref_slice %arg7[%parallel_loop3A_651, %parallel_loop3A_639, %parallel_loop3A_652] : memref<2x32x128xf32, #tpu.memory_space<vmem>> -> memref<1x1x128xf32, #tpu.memory_space<vmem>>
        %parallel_loop3A_654 = tpu.memref_squeeze %parallel_loop3A_653 : memref<1x1x128xf32, #tpu.memory_space<vmem>> -> memref<128xf32, #tpu.memory_space<vmem>>
        %parallel_loop3A_655 = arith.constant 0 : index
        %parallel_loop3A_656 = tpu.vector_load %parallel_loop3A_654[%parallel_loop3A_655] {strides = array<i32>} : memref<128xf32, #tpu.memory_space<vmem>>, vector<16xf32>,
        tpu.vector_store %parallel_loop3A_654[%parallel_loop3A_655], %parallel_loop3A_650 {strides = array<i32>} : memref<128xf32, #tpu.memory_space<vmem>>, vector<16xf32>,
        %parallel_loop3A_657 = arith.constant 128 : i32
        %parallel_loop3A_658 = arith.muli %parallel_loop3A_639, %parallel_loop3A_657 : i32
        %parallel_loop3A_659 = arith.constant 16 : i32
        %parallel_loop3A_660 = arith.addi %parallel_loop3A_658, %parallel_loop3A_659 : i32
        %parallel_loop3A_661 = arith.constant 1 : i32
        %parallel_loop3A_662 = arith.constant 0 : i32
        %parallel_loop3A_663 = tpu.memref_slice %arg6[%parallel_loop3A_661, %parallel_loop3A_662] : memref<2x4096xi32, #tpu.memory_space<vmem>> -> memref<1x4096xi32, #tpu.memory_space<vmem>>
        %parallel_loop3A_664 = tpu.memref_squeeze %parallel_loop3A_663 : memref<1x4096xi32, #tpu.memory_space<vmem>> -> memref<4096xi32, #tpu.memory_space<vmem>>
        %parallel_loop3A_665 = arith.index_cast %parallel_loop3A_660 : i32 to index
        %parallel_loop3A_666 = tpu.vector_load %parallel_loop3A_664[%parallel_loop3A_665] {strides = array<i32>} : memref<4096xi32, #tpu.memory_space<vmem>>, vector<16xi32>,
        %parallel_loop3A_667 = tpu.vector_load_idx %arg5[%parallel_loop3A_666] : memref<100000xf32, #tpu.memory_space<vmem>>[vector<16xi32>], vector<16xf32>,
        %parallel_loop3A_668 = arith.constant 1 : i32
        %parallel_loop3A_669 = arith.constant 0 : i32
        %parallel_loop3A_670 = tpu.memref_slice %arg7[%parallel_loop3A_668, %parallel_loop3A_639, %parallel_loop3A_669] : memref<2x32x128xf32, #tpu.memory_space<vmem>> -> memref<1x1x128xf32, #tpu.memory_space<vmem>>
        %parallel_loop3A_671 = tpu.memref_squeeze %parallel_loop3A_670 : memref<1x1x128xf32, #tpu.memory_space<vmem>> -> memref<128xf32, #tpu.memory_space<vmem>>
        %parallel_loop3A_672 = arith.constant 16 : index
        %parallel_loop3A_673 = tpu.vector_load %parallel_loop3A_671[%parallel_loop3A_672] {strides = array<i32>} : memref<128xf32, #tpu.memory_space<vmem>>, vector<16xf32>,
        tpu.vector_store %parallel_loop3A_671[%parallel_loop3A_672], %parallel_loop3A_667 {strides = array<i32>} : memref<128xf32, #tpu.memory_space<vmem>>, vector<16xf32>,
        %parallel_loop3A_674 = arith.constant 128 : i32
        %parallel_loop3A_675 = arith.muli %parallel_loop3A_639, %parallel_loop3A_674 : i32
        %parallel_loop3A_676 = arith.constant 32 : i32
        %parallel_loop3A_677 = arith.addi %parallel_loop3A_675, %parallel_loop3A_676 : i32
        %parallel_loop3A_678 = arith.constant 1 : i32
        %parallel_loop3A_679 = arith.constant 0 : i32
        %parallel_loop3A_680 = tpu.memref_slice %arg6[%parallel_loop3A_678, %parallel_loop3A_679] : memref<2x4096xi32, #tpu.memory_space<vmem>> -> memref<1x4096xi32, #tpu.memory_space<vmem>>
        %parallel_loop3A_681 = tpu.memref_squeeze %parallel_loop3A_680 : memref<1x4096xi32, #tpu.memory_space<vmem>> -> memref<4096xi32, #tpu.memory_space<vmem>>
        %parallel_loop3A_682 = arith.index_cast %parallel_loop3A_677 : i32 to index
        %parallel_loop3A_683 = tpu.vector_load %parallel_loop3A_681[%parallel_loop3A_682] {strides = array<i32>} : memref<4096xi32, #tpu.memory_space<vmem>>, vector<16xi32>,
        %parallel_loop3A_684 = tpu.vector_load_idx %arg5[%parallel_loop3A_683] : memref<100000xf32, #tpu.memory_space<vmem>>[vector<16xi32>], vector<16xf32>,
        %parallel_loop3A_685 = arith.constant 1 : i32
        %parallel_loop3A_686 = arith.constant 0 : i32
        %parallel_loop3A_687 = tpu.memref_slice %arg7[%parallel_loop3A_685, %parallel_loop3A_639, %parallel_loop3A_686] : memref<2x32x128xf32, #tpu.memory_space<vmem>> -> memref<1x1x128xf32, #tpu.memory_space<vmem>>
        %parallel_loop3A_688 = tpu.memref_squeeze %parallel_loop3A_687 : memref<1x1x128xf32, #tpu.memory_space<vmem>> -> memref<128xf32, #tpu.memory_space<vmem>>
        %parallel_loop3A_689 = arith.constant 32 : index
        %parallel_loop3A_690 = tpu.vector_load %parallel_loop3A_688[%parallel_loop3A_689] {strides = array<i32>} : memref<128xf32, #tpu.memory_space<vmem>>, vector<16xf32>,
        tpu.vector_store %parallel_loop3A_688[%parallel_loop3A_689], %parallel_loop3A_684 {strides = array<i32>} : memref<128xf32, #tpu.memory_space<vmem>>, vector<16xf32>,
        %parallel_loop3A_691 = arith.constant 128 : i32
        %parallel_loop3A_692 = arith.muli %parallel_loop3A_639, %parallel_loop3A_691 : i32
        %parallel_loop3A_693 = arith.constant 48 : i32
        %parallel_loop3A_694 = arith.addi %parallel_loop3A_692, %parallel_loop3A_693 : i32
        %parallel_loop3A_695 = arith.constant 1 : i32
        %parallel_loop3A_696 = arith.constant 0 : i32
        %parallel_loop3A_697 = tpu.memref_slice %arg6[%parallel_loop3A_695, %parallel_loop3A_696] : memref<2x4096xi32, #tpu.memory_space<vmem>> -> memref<1x4096xi32, #tpu.memory_space<vmem>>
        %parallel_loop3A_698 = tpu.memref_squeeze %parallel_loop3A_697 : memref<1x4096xi32, #tpu.memory_space<vmem>> -> memref<4096xi32, #tpu.memory_space<vmem>>
        %parallel_loop3A_699 = arith.index_cast %parallel_loop3A_694 : i32 to index
        %parallel_loop3A_700 = tpu.vector_load %parallel_loop3A_698[%parallel_loop3A_699] {strides = array<i32>} : memref<4096xi32, #tpu.memory_space<vmem>>, vector<16xi32>,
        %parallel_loop3A_701 = tpu.vector_load_idx %arg5[%parallel_loop3A_700] : memref<100000xf32, #tpu.memory_space<vmem>>[vector<16xi32>], vector<16xf32>,
        %parallel_loop3A_702 = arith.constant 1 : i32
        %parallel_loop3A_703 = arith.constant 0 : i32
        %parallel_loop3A_704 = tpu.memref_slice %arg7[%parallel_loop3A_702, %parallel_loop3A_639, %parallel_loop3A_703] : memref<2x32x128xf32, #tpu.memory_space<vmem>> -> memref<1x1x128xf32, #tpu.memory_space<vmem>>
        %parallel_loop3A_705 = tpu.memref_squeeze %parallel_loop3A_704 : memref<1x1x128xf32, #tpu.memory_space<vmem>> -> memref<128xf32, #tpu.memory_space<vmem>>
        %parallel_loop3A_706 = arith.constant 48 : index
        %parallel_loop3A_707 = tpu.vector_load %parallel_loop3A_705[%parallel_loop3A_706] {strides = array<i32>} : memref<128xf32, #tpu.memory_space<vmem>>, vector<16xf32>,
        tpu.vector_store %parallel_loop3A_705[%parallel_loop3A_706], %parallel_loop3A_701 {strides = array<i32>} : memref<128xf32, #tpu.memory_space<vmem>>, vector<16xf32>,
        %parallel_loop3A_708 = arith.constant 128 : i32
        %parallel_loop3A_709 = arith.muli %parallel_loop3A_639, %parallel_loop3A_708 : i32
        %parallel_loop3A_710 = arith.constant 64 : i32
        %parallel_loop3A_711 = arith.addi %parallel_loop3A_709, %parallel_loop3A_710 : i32
        %parallel_loop3A_712 = arith.constant 1 : i32
        %parallel_loop3A_713 = arith.constant 0 : i32
        %parallel_loop3A_714 = tpu.memref_slice %arg6[%parallel_loop3A_712, %parallel_loop3A_713] : memref<2x4096xi32, #tpu.memory_space<vmem>> -> memref<1x4096xi32, #tpu.memory_space<vmem>>
        %parallel_loop3A_715 = tpu.memref_squeeze %parallel_loop3A_714 : memref<1x4096xi32, #tpu.memory_space<vmem>> -> memref<4096xi32, #tpu.memory_space<vmem>>
        %parallel_loop3A_716 = arith.index_cast %parallel_loop3A_711 : i32 to index
        %parallel_loop3A_717 = tpu.vector_load %parallel_loop3A_715[%parallel_loop3A_716] {strides = array<i32>} : memref<4096xi32, #tpu.memory_space<vmem>>, vector<16xi32>,
        %parallel_loop3A_718 = tpu.vector_load_idx %arg5[%parallel_loop3A_717] : memref<100000xf32, #tpu.memory_space<vmem>>[vector<16xi32>], vector<16xf32>,
        %parallel_loop3A_719 = arith.constant 1 : i32
        %parallel_loop3A_720 = arith.constant 0 : i32
        %parallel_loop3A_721 = tpu.memref_slice %arg7[%parallel_loop3A_719, %parallel_loop3A_639, %parallel_loop3A_720] : memref<2x32x128xf32, #tpu.memory_space<vmem>> -> memref<1x1x128xf32, #tpu.memory_space<vmem>>
        %parallel_loop3A_722 = tpu.memref_squeeze %parallel_loop3A_721 : memref<1x1x128xf32, #tpu.memory_space<vmem>> -> memref<128xf32, #tpu.memory_space<vmem>>
        %parallel_loop3A_723 = arith.constant 64 : index
        %parallel_loop3A_724 = tpu.vector_load %parallel_loop3A_722[%parallel_loop3A_723] {strides = array<i32>} : memref<128xf32, #tpu.memory_space<vmem>>, vector<16xf32>,
        tpu.vector_store %parallel_loop3A_722[%parallel_loop3A_723], %parallel_loop3A_718 {strides = array<i32>} : memref<128xf32, #tpu.memory_space<vmem>>, vector<16xf32>,
        %parallel_loop3A_725 = arith.constant 128 : i32
        %parallel_loop3A_726 = arith.muli %parallel_loop3A_639, %parallel_loop3A_725 : i32
        %parallel_loop3A_727 = arith.constant 80 : i32
        %parallel_loop3A_728 = arith.addi %parallel_loop3A_726, %parallel_loop3A_727 : i32
        %parallel_loop3A_729 = arith.constant 1 : i32
        %parallel_loop3A_730 = arith.constant 0 : i32
        %parallel_loop3A_731 = tpu.memref_slice %arg6[%parallel_loop3A_729, %parallel_loop3A_730] : memref<2x4096xi32, #tpu.memory_space<vmem>> -> memref<1x4096xi32, #tpu.memory_space<vmem>>
        %parallel_loop3A_732 = tpu.memref_squeeze %parallel_loop3A_731 : memref<1x4096xi32, #tpu.memory_space<vmem>> -> memref<4096xi32, #tpu.memory_space<vmem>>
        %parallel_loop3A_733 = arith.index_cast %parallel_loop3A_728 : i32 to index
        %parallel_loop3A_734 = tpu.vector_load %parallel_loop3A_732[%parallel_loop3A_733] {strides = array<i32>} : memref<4096xi32, #tpu.memory_space<vmem>>, vector<16xi32>,
        %parallel_loop3A_735 = tpu.vector_load_idx %arg5[%parallel_loop3A_734] : memref<100000xf32, #tpu.memory_space<vmem>>[vector<16xi32>], vector<16xf32>,
        %parallel_loop3A_736 = arith.constant 1 : i32
        %parallel_loop3A_737 = arith.constant 0 : i32
        %parallel_loop3A_738 = tpu.memref_slice %arg7[%parallel_loop3A_736, %parallel_loop3A_639, %parallel_loop3A_737] : memref<2x32x128xf32, #tpu.memory_space<vmem>> -> memref<1x1x128xf32, #tpu.memory_space<vmem>>
        %parallel_loop3A_739 = tpu.memref_squeeze %parallel_loop3A_738 : memref<1x1x128xf32, #tpu.memory_space<vmem>> -> memref<128xf32, #tpu.memory_space<vmem>>
        %parallel_loop3A_740 = arith.constant 80 : index
        %parallel_loop3A_741 = tpu.vector_load %parallel_loop3A_739[%parallel_loop3A_740] {strides = array<i32>} : memref<128xf32, #tpu.memory_space<vmem>>, vector<16xf32>,
        tpu.vector_store %parallel_loop3A_739[%parallel_loop3A_740], %parallel_loop3A_735 {strides = array<i32>} : memref<128xf32, #tpu.memory_space<vmem>>, vector<16xf32>,
        %parallel_loop3A_742 = arith.constant 128 : i32
        %parallel_loop3A_743 = arith.muli %parallel_loop3A_639, %parallel_loop3A_742 : i32
        %parallel_loop3A_744 = arith.constant 96 : i32
        %parallel_loop3A_745 = arith.addi %parallel_loop3A_743, %parallel_loop3A_744 : i32
        %parallel_loop3A_746 = arith.constant 1 : i32
        %parallel_loop3A_747 = arith.constant 0 : i32
        %parallel_loop3A_748 = tpu.memref_slice %arg6[%parallel_loop3A_746, %parallel_loop3A_747] : memref<2x4096xi32, #tpu.memory_space<vmem>> -> memref<1x4096xi32, #tpu.memory_space<vmem>>
        %parallel_loop3A_749 = tpu.memref_squeeze %parallel_loop3A_748 : memref<1x4096xi32, #tpu.memory_space<vmem>> -> memref<4096xi32, #tpu.memory_space<vmem>>
        %parallel_loop3A_750 = arith.index_cast %parallel_loop3A_745 : i32 to index
        %parallel_loop3A_751 = tpu.vector_load %parallel_loop3A_749[%parallel_loop3A_750] {strides = array<i32>} : memref<4096xi32, #tpu.memory_space<vmem>>, vector<16xi32>,
        %parallel_loop3A_752 = tpu.vector_load_idx %arg5[%parallel_loop3A_751] : memref<100000xf32, #tpu.memory_space<vmem>>[vector<16xi32>], vector<16xf32>,
        %parallel_loop3A_753 = arith.constant 1 : i32
        %parallel_loop3A_754 = arith.constant 0 : i32
        %parallel_loop3A_755 = tpu.memref_slice %arg7[%parallel_loop3A_753, %parallel_loop3A_639, %parallel_loop3A_754] : memref<2x32x128xf32, #tpu.memory_space<vmem>> -> memref<1x1x128xf32, #tpu.memory_space<vmem>>
        %parallel_loop3A_756 = tpu.memref_squeeze %parallel_loop3A_755 : memref<1x1x128xf32, #tpu.memory_space<vmem>> -> memref<128xf32, #tpu.memory_space<vmem>>
        %parallel_loop3A_757 = arith.constant 96 : index
        %parallel_loop3A_758 = tpu.vector_load %parallel_loop3A_756[%parallel_loop3A_757] {strides = array<i32>} : memref<128xf32, #tpu.memory_space<vmem>>, vector<16xf32>,
        tpu.vector_store %parallel_loop3A_756[%parallel_loop3A_757], %parallel_loop3A_752 {strides = array<i32>} : memref<128xf32, #tpu.memory_space<vmem>>, vector<16xf32>,
        %parallel_loop3A_759 = arith.constant 128 : i32
        %parallel_loop3A_760 = arith.muli %parallel_loop3A_639, %parallel_loop3A_759 : i32
        %parallel_loop3A_761 = arith.constant 112 : i32
        %parallel_loop3A_762 = arith.addi %parallel_loop3A_760, %parallel_loop3A_761 : i32
        %parallel_loop3A_763 = arith.constant 1 : i32
        %parallel_loop3A_764 = arith.constant 0 : i32
        %parallel_loop3A_765 = tpu.memref_slice %arg6[%parallel_loop3A_763, %parallel_loop3A_764] : memref<2x4096xi32, #tpu.memory_space<vmem>> -> memref<1x4096xi32, #tpu.memory_space<vmem>>
        %parallel_loop3A_766 = tpu.memref_squeeze %parallel_loop3A_765 : memref<1x4096xi32, #tpu.memory_space<vmem>> -> memref<4096xi32, #tpu.memory_space<vmem>>
        %parallel_loop3A_767 = arith.index_cast %parallel_loop3A_762 : i32 to index
        %parallel_loop3A_768 = tpu.vector_load %parallel_loop3A_766[%parallel_loop3A_767] {strides = array<i32>} : memref<4096xi32, #tpu.memory_space<vmem>>, vector<16xi32>,
        %parallel_loop3A_769 = tpu.vector_load_idx %arg5[%parallel_loop3A_768] : memref<100000xf32, #tpu.memory_space<vmem>>[vector<16xi32>], vector<16xf32>,
        %parallel_loop3A_770 = arith.constant 1 : i32
        %parallel_loop3A_771 = arith.constant 0 : i32
        %parallel_loop3A_772 = tpu.memref_slice %arg7[%parallel_loop3A_770, %parallel_loop3A_639, %parallel_loop3A_771] : memref<2x32x128xf32, #tpu.memory_space<vmem>> -> memref<1x1x128xf32, #tpu.memory_space<vmem>>
        %parallel_loop3A_773 = tpu.memref_squeeze %parallel_loop3A_772 : memref<1x1x128xf32, #tpu.memory_space<vmem>> -> memref<128xf32, #tpu.memory_space<vmem>>
        %parallel_loop3A_774 = arith.constant 112 : index
        %parallel_loop3A_775 = tpu.vector_load %parallel_loop3A_773[%parallel_loop3A_774] {strides = array<i32>} : memref<128xf32, #tpu.memory_space<vmem>>, vector<16xf32>,
        tpu.vector_store %parallel_loop3A_773[%parallel_loop3A_774], %parallel_loop3A_769 {strides = array<i32>} : memref<128xf32, #tpu.memory_space<vmem>>, vector<16xf32>,
      } {sc.loop_unroll_factor = 16 : i64, sc.parallel_access}
      %lt3A_612 = arith.constant 24 : i32
      %lt3A_613 = arith.cmpi slt, %scan3A_492, %lt3A_612 : i32
      %convert_element_type3A_614 = arith.extui %lt3A_613 : i1 to i32
      %cond3A_615 = arith.constant 0 : i32
      %cond3A_616 = arith.cmpi ne, %convert_element_type3A_614, %cond3A_615 : i32
      scf.if %cond3A_616 {
        %add3A_639 = arith.constant 2 : i32
        %add3A_640 = arith.addi %add3A_569, %add3A_639 : i32
        %dma_start3A_641 = arith.constant 1 : i32
        %dma_start3A_642 = arith.constant 1 : i32
        %dma_start3A_643 = arith.constant 0 : i32
        %dma_start3A_644 = tpu.memref_slice %arg6[%dma_start3A_641, %dma_start3A_643] : memref<2x4096xi32, #tpu.memory_space<vmem>> -> memref<1x4096xi32, #tpu.memory_space<vmem>>
        %dma_start3A_645 = tpu.memref_squeeze %dma_start3A_644 : memref<1x4096xi32, #tpu.memory_space<vmem>> -> memref<4096xi32, #tpu.memory_space<vmem>>
        %dma_start3A_646 = arith.constant 0 : i32
        %dma_start3A_647 = tpu.memref_slice %arg8[%add3A_640, %dma_start3A_646] : memref<50x4096xi32, #tpu.memory_space<vmem_shared>> -> memref<1x4096xi32, #tpu.memory_space<vmem_shared>>
        %dma_start3A_648 = tpu.memref_squeeze %dma_start3A_647 : memref<1x4096xi32, #tpu.memory_space<vmem_shared>> -> memref<4096xi32, #tpu.memory_space<vmem_shared>>
        %dma_start3A_649 = tpu.memref_slice %arg9[%dma_start3A_642] : memref<2x!tpu.dma_semaphore, #tpu.memory_space<semaphore_mem>> -> memref<1x!tpu.dma_semaphore, #tpu.memory_space<semaphore_mem>>
        %dma_start3A_650 = tpu.memref_squeeze %dma_start3A_649 : memref<1x!tpu.dma_semaphore, #tpu.memory_space<semaphore_mem>> -> memref<!tpu.dma_semaphore, #tpu.memory_space<semaphore_mem>>
        %dma_start3A_651 = arith.constant 0 : i32
        %dma_start3A_652 = tpu.memref_slice %arg6[%dma_start3A_641, %dma_start3A_651] : memref<2x4096xi32, #tpu.memory_space<vmem>> -> memref<1x4096xi32, #tpu.memory_space<vmem>>
        %dma_start3A_653 = tpu.memref_squeeze %dma_start3A_652 : memref<1x4096xi32, #tpu.memory_space<vmem>> -> memref<4096xi32, #tpu.memory_space<vmem>>
        %dma_start3A_654 = arith.constant 0 : i32
        %dma_start3A_655 = tpu.memref_slice %arg8[%add3A_640, %dma_start3A_654] : memref<50x4096xi32, #tpu.memory_space<vmem_shared>> -> memref<1x4096xi32, #tpu.memory_space<vmem_shared>>
        %dma_start3A_656 = tpu.memref_squeeze %dma_start3A_655 : memref<1x4096xi32, #tpu.memory_space<vmem_shared>> -> memref<4096xi32, #tpu.memory_space<vmem_shared>>
        tpu.enqueue_dma source(%dma_start3A_656 : memref<4096xi32, #tpu.memory_space<vmem_shared>>) target(%dma_start3A_653 : memref<4096xi32, #tpu.memory_space<vmem>>) target_semaphore(%dma_start3A_650 : memref<!tpu.dma_semaphore, #tpu.memory_space<semaphore_mem>>)
      } else {
      }
      %mul3A_617 = arith.constant 128 : i32
      %mul3A_618 = arith.muli %select_n3A_40, %mul3A_617 : i32
      %multiple_of3A_619 = tpu.assume_multiple %mul3A_618, 128 : i32
      %dma_start3A_620 = arith.constant 1 : i32
      %dma_start3A_621 = arith.constant 1 : i32
      %dma_start3A_622 = arith.constant 0 : i32
      %dma_start3A_623 = arith.constant 0 : i32
      %dma_start3A_624 = tpu.memref_slice %arg7[%dma_start3A_620, %dma_start3A_622, %dma_start3A_623] : memref<2x32x128xf32, #tpu.memory_space<vmem>> -> memref<1x32x128xf32, #tpu.memory_space<vmem>>
      %dma_start3A_625 = tpu.memref_squeeze %dma_start3A_624 : memref<1x32x128xf32, #tpu.memory_space<vmem>> -> memref<32x128xf32, #tpu.memory_space<vmem>>
      %dma_start3A_626 = arith.constant 0 : i32
      %dma_start3A_627 = tpu.memref_slice %arg4[%add3A_569, %select_n3A, %dma_start3A_626, %multiple_of3A_619] : memref<50x8x32x1024xf32, #tpu.memory_space<hbm>> -> memref<1x1x32x128xf32, #tpu.memory_space<hbm>>
      %dma_start3A_628 = tpu.memref_squeeze %dma_start3A_627 : memref<1x1x32x128xf32, #tpu.memory_space<hbm>> -> memref<32x128xf32, #tpu.memory_space<hbm>>
      %dma_start3A_629 = tpu.memref_slice %arg10[%dma_start3A_621] : memref<2x!tpu.dma_semaphore, #tpu.memory_space<semaphore_mem>> -> memref<1x!tpu.dma_semaphore, #tpu.memory_space<semaphore_mem>>
      %dma_start3A_630 = tpu.memref_squeeze %dma_start3A_629 : memref<1x!tpu.dma_semaphore, #tpu.memory_space<semaphore_mem>> -> memref<!tpu.dma_semaphore, #tpu.memory_space<semaphore_mem>>
      %dma_start3A_631 = arith.constant 0 : i32
      %dma_start3A_632 = tpu.memref_slice %arg4[%add3A_569, %select_n3A, %dma_start3A_631, %multiple_of3A_619] : memref<50x8x32x1024xf32, #tpu.memory_space<hbm>> -> memref<1x1x32x128xf32, #tpu.memory_space<hbm>>
      %dma_start3A_633 = tpu.memref_squeeze %dma_start3A_632 : memref<1x1x32x128xf32, #tpu.memory_space<hbm>> -> memref<32x128xf32, #tpu.memory_space<hbm>>
      %dma_start3A_634 = arith.constant 0 : i32
      %dma_start3A_635 = arith.constant 0 : i32
      %dma_start3A_636 = tpu.memref_slice %arg7[%dma_start3A_620, %dma_start3A_634, %dma_start3A_635] : memref<2x32x128xf32, #tpu.memory_space<vmem>> -> memref<1x32x128xf32, #tpu.memory_space<vmem>>
      %dma_start3A_637 = tpu.memref_squeeze %dma_start3A_636 : memref<1x32x128xf32, #tpu.memory_space<vmem>> -> memref<32x128xf32, #tpu.memory_space<vmem>>
      tpu.enqueue_dma source(%dma_start3A_637 : memref<32x128xf32, #tpu.memory_space<vmem>>) target(%dma_start3A_633 : memref<32x128xf32, #tpu.memory_space<hbm>>) target_semaphore(%dma_start3A_630 : memref<!tpu.dma_semaphore, #tpu.memory_space<semaphore_mem>>)
      %scan3A_638 = arith.constant 0 : i32
      scf.yield %scan3A_638 : i32
    }
    %scan3A_202 = arith.constant 24 : i32
    %dma_wait3A_203 = arith.constant 0 : i32
    %dma_wait3A_204 = arith.constant 0 : i32
    %dma_wait3A_205 = arith.constant 0 : i32
    %dma_wait3A_206 = arith.constant 0 : i32
    %dma_wait3A_207 = arith.constant 0 : i32
    %dma_wait3A_208 = arith.constant 0 : i32
    %dma_wait3A_209 = tpu.memref_slice %arg7[%dma_wait3A_203, %dma_wait3A_207, %dma_wait3A_208] : memref<2x32x128xf32, #tpu.memory_space<vmem>> -> memref<1x32x128xf32, #tpu.memory_space<vmem>>
    %dma_wait3A_210 = tpu.memref_squeeze %dma_wait3A_209 : memref<1x32x128xf32, #tpu.memory_space<vmem>> -> memref<32x128xf32, #tpu.memory_space<vmem>>
    %dma_wait3A_211 = arith.constant 0 : i32
    %dma_wait3A_212 = arith.constant 0 : i32
    %dma_wait3A_213 = tpu.memref_slice %arg4[%dma_wait3A_204, %dma_wait3A_205, %dma_wait3A_211, %dma_wait3A_212] : memref<50x8x32x1024xf32, #tpu.memory_space<hbm>> -> memref<1x1x32x128xf32, #tpu.memory_space<hbm>>
    %dma_wait3A_214 = tpu.memref_squeeze %dma_wait3A_213 : memref<1x1x32x128xf32, #tpu.memory_space<hbm>> -> memref<32x128xf32, #tpu.memory_space<hbm>>
    %dma_wait3A_215 = tpu.memref_slice %arg10[%dma_wait3A_206] : memref<2x!tpu.dma_semaphore, #tpu.memory_space<semaphore_mem>> -> memref<1x!tpu.dma_semaphore, #tpu.memory_space<semaphore_mem>>
    %dma_wait3A_216 = tpu.memref_squeeze %dma_wait3A_215 : memref<1x!tpu.dma_semaphore, #tpu.memory_space<semaphore_mem>> -> memref<!tpu.dma_semaphore, #tpu.memory_space<semaphore_mem>>
    %dma_wait3A_217 = arith.constant 0 : i32
    %dma_wait3A_218 = arith.constant 0 : i32
    %dma_wait3A_219 = tpu.memref_slice %arg4[%dma_wait3A_204, %dma_wait3A_205, %dma_wait3A_217, %dma_wait3A_218] : memref<50x8x32x1024xf32, #tpu.memory_space<hbm>> -> memref<1x1x32x128xf32, #tpu.memory_space<hbm>>
    %dma_wait3A_220 = tpu.memref_squeeze %dma_wait3A_219 : memref<1x1x32x128xf32, #tpu.memory_space<hbm>> -> memref<32x128xf32, #tpu.memory_space<hbm>>
    %dma_wait3A_221 = arith.constant 0 : i32
    %dma_wait3A_222 = arith.constant 0 : i32
    %dma_wait3A_223 = tpu.memref_slice %arg7[%dma_wait3A_203, %dma_wait3A_221, %dma_wait3A_222] : memref<2x32x128xf32, #tpu.memory_space<vmem>> -> memref<1x32x128xf32, #tpu.memory_space<vmem>>
    %dma_wait3A_224 = tpu.memref_squeeze %dma_wait3A_223 : memref<1x32x128xf32, #tpu.memory_space<vmem>> -> memref<32x128xf32, #tpu.memory_space<vmem>>
    tpu.wait_dma2 semaphore(%dma_wait3A_216 : memref<!tpu.dma_semaphore, #tpu.memory_space<semaphore_mem>>) src(%dma_wait3A_224 : memref<32x128xf32, #tpu.memory_space<vmem>>) dst(%dma_wait3A_220 : memref<32x128xf32, #tpu.memory_space<hbm>>)
    %dma_wait3A_225 = arith.constant 1 : i32
    %dma_wait3A_226 = arith.constant 0 : i32
    %dma_wait3A_227 = arith.constant 0 : i32
    %dma_wait3A_228 = arith.constant 1 : i32
    %dma_wait3A_229 = arith.constant 0 : i32
    %dma_wait3A_230 = arith.constant 0 : i32
    %dma_wait3A_231 = tpu.memref_slice %arg7[%dma_wait3A_225, %dma_wait3A_229, %dma_wait3A_230] : memref<2x32x128xf32, #tpu.memory_space<vmem>> -> memref<1x32x128xf32, #tpu.memory_space<vmem>>
    %dma_wait3A_232 = tpu.memref_squeeze %dma_wait3A_231 : memref<1x32x128xf32, #tpu.memory_space<vmem>> -> memref<32x128xf32, #tpu.memory_space<vmem>>
    %dma_wait3A_233 = arith.constant 0 : i32
    %dma_wait3A_234 = arith.constant 0 : i32
    %dma_wait3A_235 = tpu.memref_slice %arg4[%dma_wait3A_226, %dma_wait3A_227, %dma_wait3A_233, %dma_wait3A_234] : memref<50x8x32x1024xf32, #tpu.memory_space<hbm>> -> memref<1x1x32x128xf32, #tpu.memory_space<hbm>>
    %dma_wait3A_236 = tpu.memref_squeeze %dma_wait3A_235 : memref<1x1x32x128xf32, #tpu.memory_space<hbm>> -> memref<32x128xf32, #tpu.memory_space<hbm>>
    %dma_wait3A_237 = tpu.memref_slice %arg10[%dma_wait3A_228] : memref<2x!tpu.dma_semaphore, #tpu.memory_space<semaphore_mem>> -> memref<1x!tpu.dma_semaphore, #tpu.memory_space<semaphore_mem>>
    %dma_wait3A_238 = tpu.memref_squeeze %dma_wait3A_237 : memref<1x!tpu.dma_semaphore, #tpu.memory_space<semaphore_mem>> -> memref<!tpu.dma_semaphore, #tpu.memory_space<semaphore_mem>>
    %dma_wait3A_239 = arith.constant 0 : i32
    %dma_wait3A_240 = arith.constant 0 : i32
    %dma_wait3A_241 = tpu.memref_slice %arg4[%dma_wait3A_226, %dma_wait3A_227, %dma_wait3A_239, %dma_wait3A_240] : memref<50x8x32x1024xf32, #tpu.memory_space<hbm>> -> memref<1x1x32x128xf32, #tpu.memory_space<hbm>>
    %dma_wait3A_242 = tpu.memref_squeeze %dma_wait3A_241 : memref<1x1x32x128xf32, #tpu.memory_space<hbm>> -> memref<32x128xf32, #tpu.memory_space<hbm>>
    %dma_wait3A_243 = arith.constant 0 : i32
    %dma_wait3A_244 = arith.constant 0 : i32
    %dma_wait3A_245 = tpu.memref_slice %arg7[%dma_wait3A_225, %dma_wait3A_243, %dma_wait3A_244] : memref<2x32x128xf32, #tpu.memory_space<vmem>> -> memref<1x32x128xf32, #tpu.memory_space<vmem>>
    %dma_wait3A_246 = tpu.memref_squeeze %dma_wait3A_245 : memref<1x32x128xf32, #tpu.memory_space<vmem>> -> memref<32x128xf32, #tpu.memory_space<vmem>>
    tpu.wait_dma2 semaphore(%dma_wait3A_238 : memref<!tpu.dma_semaphore, #tpu.memory_space<semaphore_mem>>) src(%dma_wait3A_246 : memref<32x128xf32, #tpu.memory_space<vmem>>) dst(%dma_wait3A_242 : memref<32x128xf32, #tpu.memory_space<hbm>>)
    %add3A_247 = arith.constant 32 : i32
    %add3A_248 = arith.addi %add3A_247, %add3A : i32
    %jit3A_249 = arith.constant 8 : i32
    %div3A_250 = arith.divsi %add3A_248, %jit3A_249 : i32
    %sign3A_251 = arith.constant 0 : i32
    %sign3A_252 = arith.cmpi sgt, %add3A_248, %sign3A_251 : i32
    %sign3A_253 = arith.extui %sign3A_252 : i1 to i32
    %sign3A_254 = arith.constant 0 : i32
    %sign3A_255 = arith.cmpi slt, %add3A_248, %sign3A_254 : i32
    %sign3A_256 = arith.extui %sign3A_255 : i1 to i32
    %sign3A_257 = arith.subi %sign3A_253, %sign3A_256 : i32
    %sign3A_258 = arith.constant 0 : i32
    %sign3A_259 = arith.cmpi sgt, %jit3A_249, %sign3A_258 : i32
    %sign3A_260 = arith.extui %sign3A_259 : i1 to i32
    %sign3A_261 = arith.constant 0 : i32
    %sign3A_262 = arith.cmpi slt, %jit3A_249, %sign3A_261 : i32
    %sign3A_263 = arith.extui %sign3A_262 : i1 to i32
    %sign3A_264 = arith.subi %sign3A_260, %sign3A_263 : i32
    %ne3A_265 = arith.cmpi ne, %sign3A_257, %sign3A_264 : i32
    %rem3A_266 = arith.remsi %add3A_248, %jit3A_249 : i32
    %ne3A_267 = arith.constant 0 : i32
    %ne3A_268 = arith.cmpi ne, %rem3A_266, %ne3A_267 : i32
    %and3A_269 = arith.andi %ne3A_265, %ne3A_268 : i1
    %sub3A_270 = arith.constant 1 : i32
    %sub3A_271 = arith.subi %div3A_250, %sub3A_270 : i32
    %select_n3A_272 = arith.select %and3A_269, %sub3A_271, %div3A_250 : i32
    %jit3A_273 = arith.constant 8 : i32
    %eq3A_274 = arith.constant 0 : i32
    %eq3A_275 = arith.cmpi eq, %jit3A_273, %eq3A_274 : i32
    %jit3A_276 = arith.constant 1 : i32
    %select_n3A_277 = arith.select %eq3A_275, %jit3A_276, %jit3A_273 : i32
    %rem3A_278 = arith.remsi %add3A_248, %select_n3A_277 : i32
    %ne3A_279 = arith.constant 0 : i32
    %ne3A_280 = arith.cmpi ne, %rem3A_278, %ne3A_279 : i32
    %lt3A_281 = arith.constant 0 : i32
    %lt3A_282 = arith.cmpi slt, %rem3A_278, %lt3A_281 : i32
    %lt3A_283 = arith.constant 0 : i32
    %lt3A_284 = arith.cmpi slt, %select_n3A_277, %lt3A_283 : i32
    %ne3A_285 = arith.xori %lt3A_282, %lt3A_284 : i1
    %and3A_286 = arith.andi %ne3A_285, %ne3A_280 : i1
    %add3A_287 = arith.addi %rem3A_278, %select_n3A_277 : i32
    %select_n3A_288 = arith.select %and3A_286, %add3A_287, %rem3A_278 : i32
    %dma_start3A_289 = arith.constant 0 : i32
    %dma_start3A_290 = arith.constant 0 : i32
    %dma_start3A_291 = arith.constant 0 : i32
    %dma_start3A_292 = arith.constant 0 : i32
    %dma_start3A_293 = tpu.memref_slice %arg6[%dma_start3A_290, %dma_start3A_292] : memref<2x4096xi32, #tpu.memory_space<vmem>> -> memref<1x4096xi32, #tpu.memory_space<vmem>>
    %dma_start3A_294 = tpu.memref_squeeze %dma_start3A_293 : memref<1x4096xi32, #tpu.memory_space<vmem>> -> memref<4096xi32, #tpu.memory_space<vmem>>
    %dma_start3A_295 = arith.constant 0 : i32
    %dma_start3A_296 = tpu.memref_slice %arg8[%dma_start3A_289, %dma_start3A_295] : memref<50x4096xi32, #tpu.memory_space<vmem_shared>> -> memref<1x4096xi32, #tpu.memory_space<vmem_shared>>
    %dma_start3A_297 = tpu.memref_squeeze %dma_start3A_296 : memref<1x4096xi32, #tpu.memory_space<vmem_shared>> -> memref<4096xi32, #tpu.memory_space<vmem_shared>>
    %dma_start3A_298 = tpu.memref_slice %arg9[%dma_start3A_291] : memref<2x!tpu.dma_semaphore, #tpu.memory_space<semaphore_mem>> -> memref<1x!tpu.dma_semaphore, #tpu.memory_space<semaphore_mem>>
    %dma_start3A_299 = tpu.memref_squeeze %dma_start3A_298 : memref<1x!tpu.dma_semaphore, #tpu.memory_space<semaphore_mem>> -> memref<!tpu.dma_semaphore, #tpu.memory_space<semaphore_mem>>
    %dma_start3A_300 = arith.constant 0 : i32
    %dma_start3A_301 = tpu.memref_slice %arg6[%dma_start3A_290, %dma_start3A_300] : memref<2x4096xi32, #tpu.memory_space<vmem>> -> memref<1x4096xi32, #tpu.memory_space<vmem>>
    %dma_start3A_302 = tpu.memref_squeeze %dma_start3A_301 : memref<1x4096xi32, #tpu.memory_space<vmem>> -> memref<4096xi32, #tpu.memory_space<vmem>>
    %dma_start3A_303 = arith.constant 0 : i32
    %dma_start3A_304 = tpu.memref_slice %arg8[%dma_start3A_289, %dma_start3A_303] : memref<50x4096xi32, #tpu.memory_space<vmem_shared>> -> memref<1x4096xi32, #tpu.memory_space<vmem_shared>>
    %dma_start3A_305 = tpu.memref_squeeze %dma_start3A_304 : memref<1x4096xi32, #tpu.memory_space<vmem_shared>> -> memref<4096xi32, #tpu.memory_space<vmem_shared>>
    tpu.enqueue_dma source(%dma_start3A_305 : memref<4096xi32, #tpu.memory_space<vmem_shared>>) target(%dma_start3A_302 : memref<4096xi32, #tpu.memory_space<vmem>>) target_semaphore(%dma_start3A_299 : memref<!tpu.dma_semaphore, #tpu.memory_space<semaphore_mem>>)
    %dma_start3A_306 = arith.constant 1 : i32
    %dma_start3A_307 = arith.constant 1 : i32
    %dma_start3A_308 = arith.constant 1 : i32
    %dma_start3A_309 = arith.constant 0 : i32
    %dma_start3A_310 = tpu.memref_slice %arg6[%dma_start3A_307, %dma_start3A_309] : memref<2x4096xi32, #tpu.memory_space<vmem>> -> memref<1x4096xi32, #tpu.memory_space<vmem>>
    %dma_start3A_311 = tpu.memref_squeeze %dma_start3A_310 : memref<1x4096xi32, #tpu.memory_space<vmem>> -> memref<4096xi32, #tpu.memory_space<vmem>>
    %dma_start3A_312 = arith.constant 0 : i32
    %dma_start3A_313 = tpu.memref_slice %arg8[%dma_start3A_306, %dma_start3A_312] : memref<50x4096xi32, #tpu.memory_space<vmem_shared>> -> memref<1x4096xi32, #tpu.memory_space<vmem_shared>>
    %dma_start3A_314 = tpu.memref_squeeze %dma_start3A_313 : memref<1x4096xi32, #tpu.memory_space<vmem_shared>> -> memref<4096xi32, #tpu.memory_space<vmem_shared>>
    %dma_start3A_315 = tpu.memref_slice %arg9[%dma_start3A_308] : memref<2x!tpu.dma_semaphore, #tpu.memory_space<semaphore_mem>> -> memref<1x!tpu.dma_semaphore, #tpu.memory_space<semaphore_mem>>
    %dma_start3A_316 = tpu.memref_squeeze %dma_start3A_315 : memref<1x!tpu.dma_semaphore, #tpu.memory_space<semaphore_mem>> -> memref<!tpu.dma_semaphore, #tpu.memory_space<semaphore_mem>>
    %dma_start3A_317 = arith.constant 0 : i32
    %dma_start3A_318 = tpu.memref_slice %arg6[%dma_start3A_307, %dma_start3A_317] : memref<2x4096xi32, #tpu.memory_space<vmem>> -> memref<1x4096xi32, #tpu.memory_space<vmem>>
    %dma_start3A_319 = tpu.memref_squeeze %dma_start3A_318 : memref<1x4096xi32, #tpu.memory_space<vmem>> -> memref<4096xi32, #tpu.memory_space<vmem>>
    %dma_start3A_320 = arith.constant 0 : i32
    %dma_start3A_321 = tpu.memref_slice %arg8[%dma_start3A_306, %dma_start3A_320] : memref<50x4096xi32, #tpu.memory_space<vmem_shared>> -> memref<1x4096xi32, #tpu.memory_space<vmem_shared>>
    %dma_start3A_322 = tpu.memref_squeeze %dma_start3A_321 : memref<1x4096xi32, #tpu.memory_space<vmem_shared>> -> memref<4096xi32, #tpu.memory_space<vmem_shared>>
    tpu.enqueue_dma source(%dma_start3A_322 : memref<4096xi32, #tpu.memory_space<vmem_shared>>) target(%dma_start3A_319 : memref<4096xi32, #tpu.memory_space<vmem>>) target_semaphore(%dma_start3A_316 : memref<!tpu.dma_semaphore, #tpu.memory_space<semaphore_mem>>)
    "tpu.region"() ({
      %run_scoped3A = tpu.sem_alloc : memref<!tpu.dma_semaphore, #tpu.memory_space<semaphore_mem>>
      %dma_start3A_492 = arith.constant 0 : i32
      %dma_start3A_493 = tpu.memref_slice %arg3[%add3A_248, %dma_start3A_492] : memref<64x100000xf32, #tpu.memory_space<hbm>> -> memref<1x100000xf32, #tpu.memory_space<hbm>>
      %dma_start3A_494 = tpu.memref_squeeze %dma_start3A_493 : memref<1x100000xf32, #tpu.memory_space<hbm>> -> memref<100000xf32, #tpu.memory_space<hbm>>
      %dma_start3A_495 = arith.constant 0 : i32
      %dma_start3A_496 = tpu.memref_slice %arg3[%add3A_248, %dma_start3A_495] : memref<64x100000xf32, #tpu.memory_space<hbm>> -> memref<1x100000xf32, #tpu.memory_space<hbm>>
      %dma_start3A_497 = tpu.memref_squeeze %dma_start3A_496 : memref<1x100000xf32, #tpu.memory_space<hbm>> -> memref<100000xf32, #tpu.memory_space<hbm>>
      tpu.enqueue_dma source(%dma_start3A_497 : memref<100000xf32, #tpu.memory_space<hbm>>) target(%arg5 : memref<100000xf32, #tpu.memory_space<vmem>>) target_semaphore(%run_scoped3A : memref<!tpu.dma_semaphore, #tpu.memory_space<semaphore_mem>>)
      %dma_wait3A_498 = arith.constant 0 : i32
      %dma_wait3A_499 = tpu.memref_slice %arg3[%add3A_248, %dma_wait3A_498] : memref<64x100000xf32, #tpu.memory_space<hbm>> -> memref<1x100000xf32, #tpu.memory_space<hbm>>
      %dma_wait3A_500 = tpu.memref_squeeze %dma_wait3A_499 : memref<1x100000xf32, #tpu.memory_space<hbm>> -> memref<100000xf32, #tpu.memory_space<hbm>>
      %dma_wait3A_501 = arith.constant 0 : i32
      %dma_wait3A_502 = tpu.memref_slice %arg3[%add3A_248, %dma_wait3A_501] : memref<64x100000xf32, #tpu.memory_space<hbm>> -> memref<1x100000xf32, #tpu.memory_space<hbm>>
      %dma_wait3A_503 = tpu.memref_squeeze %dma_wait3A_502 : memref<1x100000xf32, #tpu.memory_space<hbm>> -> memref<100000xf32, #tpu.memory_space<hbm>>
      tpu.wait_dma2 semaphore(%run_scoped3A : memref<!tpu.dma_semaphore, #tpu.memory_space<semaphore_mem>>) src(%dma_wait3A_503 : memref<100000xf32, #tpu.memory_space<hbm>>) dst(%arg5 : memref<100000xf32, #tpu.memory_space<vmem>>)
      tpu.yield
    }) : () -> ()
    %dma_wait3A_323 = arith.constant 0 : i32
    %dma_wait3A_324 = arith.constant 0 : i32
    %dma_wait3A_325 = arith.constant 0 : i32
    %dma_wait3A_326 = arith.constant 0 : i32
    %dma_wait3A_327 = tpu.memref_slice %arg6[%dma_wait3A_324, %dma_wait3A_326] : memref<2x4096xi32, #tpu.memory_space<vmem>> -> memref<1x4096xi32, #tpu.memory_space<vmem>>
    %dma_wait3A_328 = tpu.memref_squeeze %dma_wait3A_327 : memref<1x4096xi32, #tpu.memory_space<vmem>> -> memref<4096xi32, #tpu.memory_space<vmem>>
    %dma_wait3A_329 = arith.constant 0 : i32
    %dma_wait3A_330 = tpu.memref_slice %arg8[%dma_wait3A_323, %dma_wait3A_329] : memref<50x4096xi32, #tpu.memory_space<vmem_shared>> -> memref<1x4096xi32, #tpu.memory_space<vmem_shared>>
    %dma_wait3A_331 = tpu.memref_squeeze %dma_wait3A_330 : memref<1x4096xi32, #tpu.memory_space<vmem_shared>> -> memref<4096xi32, #tpu.memory_space<vmem_shared>>
    %dma_wait3A_332 = tpu.memref_slice %arg9[%dma_wait3A_325] : memref<2x!tpu.dma_semaphore, #tpu.memory_space<semaphore_mem>> -> memref<1x!tpu.dma_semaphore, #tpu.memory_space<semaphore_mem>>
    %dma_wait3A_333 = tpu.memref_squeeze %dma_wait3A_332 : memref<1x!tpu.dma_semaphore, #tpu.memory_space<semaphore_mem>> -> memref<!tpu.dma_semaphore, #tpu.memory_space<semaphore_mem>>
    %dma_wait3A_334 = arith.constant 0 : i32
    %dma_wait3A_335 = tpu.memref_slice %arg6[%dma_wait3A_324, %dma_wait3A_334] : memref<2x4096xi32, #tpu.memory_space<vmem>> -> memref<1x4096xi32, #tpu.memory_space<vmem>>
    %dma_wait3A_336 = tpu.memref_squeeze %dma_wait3A_335 : memref<1x4096xi32, #tpu.memory_space<vmem>> -> memref<4096xi32, #tpu.memory_space<vmem>>
    %dma_wait3A_337 = arith.constant 0 : i32
    %dma_wait3A_338 = tpu.memref_slice %arg8[%dma_wait3A_323, %dma_wait3A_337] : memref<50x4096xi32, #tpu.memory_space<vmem_shared>> -> memref<1x4096xi32, #tpu.memory_space<vmem_shared>>
    %dma_wait3A_339 = tpu.memref_squeeze %dma_wait3A_338 : memref<1x4096xi32, #tpu.memory_space<vmem_shared>> -> memref<4096xi32, #tpu.memory_space<vmem_shared>>
    tpu.wait_dma2 semaphore(%dma_wait3A_333 : memref<!tpu.dma_semaphore, #tpu.memory_space<semaphore_mem>>) src(%dma_wait3A_339 : memref<4096xi32, #tpu.memory_space<vmem_shared>>) dst(%dma_wait3A_336 : memref<4096xi32, #tpu.memory_space<vmem>>)
    %parallel_loop3A_340 = arith.constant 0 : i32
    %parallel_loop3A_341 = arith.constant 32 : i32
    %parallel_loop3A_342 = arith.constant 1 : i32
    scf.for %parallel_loop3A_492 = %parallel_loop3A_340 to %parallel_loop3A_341 step %parallel_loop3A_342  : i32 {
      %parallel_loop3A_493 = arith.constant 128 : i32
      %parallel_loop3A_494 = arith.muli %parallel_loop3A_492, %parallel_loop3A_493 : i32
      %parallel_loop3A_495 = arith.constant 0 : i32
      %parallel_loop3A_496 = arith.addi %parallel_loop3A_494, %parallel_loop3A_495 : i32
      %parallel_loop3A_497 = arith.constant 0 : i32
      %parallel_loop3A_498 = arith.constant 0 : i32
      %parallel_loop3A_499 = tpu.memref_slice %arg6[%parallel_loop3A_497, %parallel_loop3A_498] : memref<2x4096xi32, #tpu.memory_space<vmem>> -> memref<1x4096xi32, #tpu.memory_space<vmem>>
      %parallel_loop3A_500 = tpu.memref_squeeze %parallel_loop3A_499 : memref<1x4096xi32, #tpu.memory_space<vmem>> -> memref<4096xi32, #tpu.memory_space<vmem>>
      %parallel_loop3A_501 = arith.index_cast %parallel_loop3A_496 : i32 to index
      %parallel_loop3A_502 = tpu.vector_load %parallel_loop3A_500[%parallel_loop3A_501] {strides = array<i32>} : memref<4096xi32, #tpu.memory_space<vmem>>, vector<16xi32>,
      %parallel_loop3A_503 = tpu.vector_load_idx %arg5[%parallel_loop3A_502] : memref<100000xf32, #tpu.memory_space<vmem>>[vector<16xi32>], vector<16xf32>,
      %parallel_loop3A_504 = arith.constant 0 : i32
      %parallel_loop3A_505 = arith.constant 0 : i32
      %parallel_loop3A_506 = tpu.memref_slice %arg7[%parallel_loop3A_504, %parallel_loop3A_492, %parallel_loop3A_505] : memref<2x32x128xf32, #tpu.memory_space<vmem>> -> memref<1x1x128xf32, #tpu.memory_space<vmem>>
      %parallel_loop3A_507 = tpu.memref_squeeze %parallel_loop3A_506 : memref<1x1x128xf32, #tpu.memory_space<vmem>> -> memref<128xf32, #tpu.memory_space<vmem>>
      %parallel_loop3A_508 = arith.constant 0 : index
      %parallel_loop3A_509 = tpu.vector_load %parallel_loop3A_507[%parallel_loop3A_508] {strides = array<i32>} : memref<128xf32, #tpu.memory_space<vmem>>, vector<16xf32>,
      tpu.vector_store %parallel_loop3A_507[%parallel_loop3A_508], %parallel_loop3A_503 {strides = array<i32>} : memref<128xf32, #tpu.memory_space<vmem>>, vector<16xf32>,
      %parallel_loop3A_510 = arith.constant 128 : i32
      %parallel_loop3A_511 = arith.muli %parallel_loop3A_492, %parallel_loop3A_510 : i32
      %parallel_loop3A_512 = arith.constant 16 : i32
      %parallel_loop3A_513 = arith.addi %parallel_loop3A_511, %parallel_loop3A_512 : i32
      %parallel_loop3A_514 = arith.constant 0 : i32
      %parallel_loop3A_515 = arith.constant 0 : i32
      %parallel_loop3A_516 = tpu.memref_slice %arg6[%parallel_loop3A_514, %parallel_loop3A_515] : memref<2x4096xi32, #tpu.memory_space<vmem>> -> memref<1x4096xi32, #tpu.memory_space<vmem>>
      %parallel_loop3A_517 = tpu.memref_squeeze %parallel_loop3A_516 : memref<1x4096xi32, #tpu.memory_space<vmem>> -> memref<4096xi32, #tpu.memory_space<vmem>>
      %parallel_loop3A_518 = arith.index_cast %parallel_loop3A_513 : i32 to index
      %parallel_loop3A_519 = tpu.vector_load %parallel_loop3A_517[%parallel_loop3A_518] {strides = array<i32>} : memref<4096xi32, #tpu.memory_space<vmem>>, vector<16xi32>,
      %parallel_loop3A_520 = tpu.vector_load_idx %arg5[%parallel_loop3A_519] : memref<100000xf32, #tpu.memory_space<vmem>>[vector<16xi32>], vector<16xf32>,
      %parallel_loop3A_521 = arith.constant 0 : i32
      %parallel_loop3A_522 = arith.constant 0 : i32
      %parallel_loop3A_523 = tpu.memref_slice %arg7[%parallel_loop3A_521, %parallel_loop3A_492, %parallel_loop3A_522] : memref<2x32x128xf32, #tpu.memory_space<vmem>> -> memref<1x1x128xf32, #tpu.memory_space<vmem>>
      %parallel_loop3A_524 = tpu.memref_squeeze %parallel_loop3A_523 : memref<1x1x128xf32, #tpu.memory_space<vmem>> -> memref<128xf32, #tpu.memory_space<vmem>>
      %parallel_loop3A_525 = arith.constant 16 : index
      %parallel_loop3A_526 = tpu.vector_load %parallel_loop3A_524[%parallel_loop3A_525] {strides = array<i32>} : memref<128xf32, #tpu.memory_space<vmem>>, vector<16xf32>,
      tpu.vector_store %parallel_loop3A_524[%parallel_loop3A_525], %parallel_loop3A_520 {strides = array<i32>} : memref<128xf32, #tpu.memory_space<vmem>>, vector<16xf32>,
      %parallel_loop3A_527 = arith.constant 128 : i32
      %parallel_loop3A_528 = arith.muli %parallel_loop3A_492, %parallel_loop3A_527 : i32
      %parallel_loop3A_529 = arith.constant 32 : i32
      %parallel_loop3A_530 = arith.addi %parallel_loop3A_528, %parallel_loop3A_529 : i32
      %parallel_loop3A_531 = arith.constant 0 : i32
      %parallel_loop3A_532 = arith.constant 0 : i32
      %parallel_loop3A_533 = tpu.memref_slice %arg6[%parallel_loop3A_531, %parallel_loop3A_532] : memref<2x4096xi32, #tpu.memory_space<vmem>> -> memref<1x4096xi32, #tpu.memory_space<vmem>>
      %parallel_loop3A_534 = tpu.memref_squeeze %parallel_loop3A_533 : memref<1x4096xi32, #tpu.memory_space<vmem>> -> memref<4096xi32, #tpu.memory_space<vmem>>
      %parallel_loop3A_535 = arith.index_cast %parallel_loop3A_530 : i32 to index
      %parallel_loop3A_536 = tpu.vector_load %parallel_loop3A_534[%parallel_loop3A_535] {strides = array<i32>} : memref<4096xi32, #tpu.memory_space<vmem>>, vector<16xi32>,
      %parallel_loop3A_537 = tpu.vector_load_idx %arg5[%parallel_loop3A_536] : memref<100000xf32, #tpu.memory_space<vmem>>[vector<16xi32>], vector<16xf32>,
      %parallel_loop3A_538 = arith.constant 0 : i32
      %parallel_loop3A_539 = arith.constant 0 : i32
      %parallel_loop3A_540 = tpu.memref_slice %arg7[%parallel_loop3A_538, %parallel_loop3A_492, %parallel_loop3A_539] : memref<2x32x128xf32, #tpu.memory_space<vmem>> -> memref<1x1x128xf32, #tpu.memory_space<vmem>>
      %parallel_loop3A_541 = tpu.memref_squeeze %parallel_loop3A_540 : memref<1x1x128xf32, #tpu.memory_space<vmem>> -> memref<128xf32, #tpu.memory_space<vmem>>
      %parallel_loop3A_542 = arith.constant 32 : index
      %parallel_loop3A_543 = tpu.vector_load %parallel_loop3A_541[%parallel_loop3A_542] {strides = array<i32>} : memref<128xf32, #tpu.memory_space<vmem>>, vector<16xf32>,
      tpu.vector_store %parallel_loop3A_541[%parallel_loop3A_542], %parallel_loop3A_537 {strides = array<i32>} : memref<128xf32, #tpu.memory_space<vmem>>, vector<16xf32>,
      %parallel_loop3A_544 = arith.constant 128 : i32
      %parallel_loop3A_545 = arith.muli %parallel_loop3A_492, %parallel_loop3A_544 : i32
      %parallel_loop3A_546 = arith.constant 48 : i32
      %parallel_loop3A_547 = arith.addi %parallel_loop3A_545, %parallel_loop3A_546 : i32
      %parallel_loop3A_548 = arith.constant 0 : i32
      %parallel_loop3A_549 = arith.constant 0 : i32
      %parallel_loop3A_550 = tpu.memref_slice %arg6[%parallel_loop3A_548, %parallel_loop3A_549] : memref<2x4096xi32, #tpu.memory_space<vmem>> -> memref<1x4096xi32, #tpu.memory_space<vmem>>
      %parallel_loop3A_551 = tpu.memref_squeeze %parallel_loop3A_550 : memref<1x4096xi32, #tpu.memory_space<vmem>> -> memref<4096xi32, #tpu.memory_space<vmem>>
      %parallel_loop3A_552 = arith.index_cast %parallel_loop3A_547 : i32 to index
      %parallel_loop3A_553 = tpu.vector_load %parallel_loop3A_551[%parallel_loop3A_552] {strides = array<i32>} : memref<4096xi32, #tpu.memory_space<vmem>>, vector<16xi32>,
      %parallel_loop3A_554 = tpu.vector_load_idx %arg5[%parallel_loop3A_553] : memref<100000xf32, #tpu.memory_space<vmem>>[vector<16xi32>], vector<16xf32>,
      %parallel_loop3A_555 = arith.constant 0 : i32
      %parallel_loop3A_556 = arith.constant 0 : i32
      %parallel_loop3A_557 = tpu.memref_slice %arg7[%parallel_loop3A_555, %parallel_loop3A_492, %parallel_loop3A_556] : memref<2x32x128xf32, #tpu.memory_space<vmem>> -> memref<1x1x128xf32, #tpu.memory_space<vmem>>
      %parallel_loop3A_558 = tpu.memref_squeeze %parallel_loop3A_557 : memref<1x1x128xf32, #tpu.memory_space<vmem>> -> memref<128xf32, #tpu.memory_space<vmem>>
      %parallel_loop3A_559 = arith.constant 48 : index
      %parallel_loop3A_560 = tpu.vector_load %parallel_loop3A_558[%parallel_loop3A_559] {strides = array<i32>} : memref<128xf32, #tpu.memory_space<vmem>>, vector<16xf32>,
      tpu.vector_store %parallel_loop3A_558[%parallel_loop3A_559], %parallel_loop3A_554 {strides = array<i32>} : memref<128xf32, #tpu.memory_space<vmem>>, vector<16xf32>,
      %parallel_loop3A_561 = arith.constant 128 : i32
      %parallel_loop3A_562 = arith.muli %parallel_loop3A_492, %parallel_loop3A_561 : i32
      %parallel_loop3A_563 = arith.constant 64 : i32
      %parallel_loop3A_564 = arith.addi %parallel_loop3A_562, %parallel_loop3A_563 : i32
      %parallel_loop3A_565 = arith.constant 0 : i32
      %parallel_loop3A_566 = arith.constant 0 : i32
      %parallel_loop3A_567 = tpu.memref_slice %arg6[%parallel_loop3A_565, %parallel_loop3A_566] : memref<2x4096xi32, #tpu.memory_space<vmem>> -> memref<1x4096xi32, #tpu.memory_space<vmem>>
      %parallel_loop3A_568 = tpu.memref_squeeze %parallel_loop3A_567 : memref<1x4096xi32, #tpu.memory_space<vmem>> -> memref<4096xi32, #tpu.memory_space<vmem>>
      %parallel_loop3A_569 = arith.index_cast %parallel_loop3A_564 : i32 to index
      %parallel_loop3A_570 = tpu.vector_load %parallel_loop3A_568[%parallel_loop3A_569] {strides = array<i32>} : memref<4096xi32, #tpu.memory_space<vmem>>, vector<16xi32>,
      %parallel_loop3A_571 = tpu.vector_load_idx %arg5[%parallel_loop3A_570] : memref<100000xf32, #tpu.memory_space<vmem>>[vector<16xi32>], vector<16xf32>,
      %parallel_loop3A_572 = arith.constant 0 : i32
      %parallel_loop3A_573 = arith.constant 0 : i32
      %parallel_loop3A_574 = tpu.memref_slice %arg7[%parallel_loop3A_572, %parallel_loop3A_492, %parallel_loop3A_573] : memref<2x32x128xf32, #tpu.memory_space<vmem>> -> memref<1x1x128xf32, #tpu.memory_space<vmem>>
      %parallel_loop3A_575 = tpu.memref_squeeze %parallel_loop3A_574 : memref<1x1x128xf32, #tpu.memory_space<vmem>> -> memref<128xf32, #tpu.memory_space<vmem>>
      %parallel_loop3A_576 = arith.constant 64 : index
      %parallel_loop3A_577 = tpu.vector_load %parallel_loop3A_575[%parallel_loop3A_576] {strides = array<i32>} : memref<128xf32, #tpu.memory_space<vmem>>, vector<16xf32>,
      tpu.vector_store %parallel_loop3A_575[%parallel_loop3A_576], %parallel_loop3A_571 {strides = array<i32>} : memref<128xf32, #tpu.memory_space<vmem>>, vector<16xf32>,
      %parallel_loop3A_578 = arith.constant 128 : i32
      %parallel_loop3A_579 = arith.muli %parallel_loop3A_492, %parallel_loop3A_578 : i32
      %parallel_loop3A_580 = arith.constant 80 : i32
      %parallel_loop3A_581 = arith.addi %parallel_loop3A_579, %parallel_loop3A_580 : i32
      %parallel_loop3A_582 = arith.constant 0 : i32
      %parallel_loop3A_583 = arith.constant 0 : i32
      %parallel_loop3A_584 = tpu.memref_slice %arg6[%parallel_loop3A_582, %parallel_loop3A_583] : memref<2x4096xi32, #tpu.memory_space<vmem>> -> memref<1x4096xi32, #tpu.memory_space<vmem>>
      %parallel_loop3A_585 = tpu.memref_squeeze %parallel_loop3A_584 : memref<1x4096xi32, #tpu.memory_space<vmem>> -> memref<4096xi32, #tpu.memory_space<vmem>>
      %parallel_loop3A_586 = arith.index_cast %parallel_loop3A_581 : i32 to index
      %parallel_loop3A_587 = tpu.vector_load %parallel_loop3A_585[%parallel_loop3A_586] {strides = array<i32>} : memref<4096xi32, #tpu.memory_space<vmem>>, vector<16xi32>,
      %parallel_loop3A_588 = tpu.vector_load_idx %arg5[%parallel_loop3A_587] : memref<100000xf32, #tpu.memory_space<vmem>>[vector<16xi32>], vector<16xf32>,
      %parallel_loop3A_589 = arith.constant 0 : i32
      %parallel_loop3A_590 = arith.constant 0 : i32
      %parallel_loop3A_591 = tpu.memref_slice %arg7[%parallel_loop3A_589, %parallel_loop3A_492, %parallel_loop3A_590] : memref<2x32x128xf32, #tpu.memory_space<vmem>> -> memref<1x1x128xf32, #tpu.memory_space<vmem>>
      %parallel_loop3A_592 = tpu.memref_squeeze %parallel_loop3A_591 : memref<1x1x128xf32, #tpu.memory_space<vmem>> -> memref<128xf32, #tpu.memory_space<vmem>>
      %parallel_loop3A_593 = arith.constant 80 : index
      %parallel_loop3A_594 = tpu.vector_load %parallel_loop3A_592[%parallel_loop3A_593] {strides = array<i32>} : memref<128xf32, #tpu.memory_space<vmem>>, vector<16xf32>,
      tpu.vector_store %parallel_loop3A_592[%parallel_loop3A_593], %parallel_loop3A_588 {strides = array<i32>} : memref<128xf32, #tpu.memory_space<vmem>>, vector<16xf32>,
      %parallel_loop3A_595 = arith.constant 128 : i32
      %parallel_loop3A_596 = arith.muli %parallel_loop3A_492, %parallel_loop3A_595 : i32
      %parallel_loop3A_597 = arith.constant 96 : i32
      %parallel_loop3A_598 = arith.addi %parallel_loop3A_596, %parallel_loop3A_597 : i32
      %parallel_loop3A_599 = arith.constant 0 : i32
      %parallel_loop3A_600 = arith.constant 0 : i32
      %parallel_loop3A_601 = tpu.memref_slice %arg6[%parallel_loop3A_599, %parallel_loop3A_600] : memref<2x4096xi32, #tpu.memory_space<vmem>> -> memref<1x4096xi32, #tpu.memory_space<vmem>>
      %parallel_loop3A_602 = tpu.memref_squeeze %parallel_loop3A_601 : memref<1x4096xi32, #tpu.memory_space<vmem>> -> memref<4096xi32, #tpu.memory_space<vmem>>
      %parallel_loop3A_603 = arith.index_cast %parallel_loop3A_598 : i32 to index
      %parallel_loop3A_604 = tpu.vector_load %parallel_loop3A_602[%parallel_loop3A_603] {strides = array<i32>} : memref<4096xi32, #tpu.memory_space<vmem>>, vector<16xi32>,
      %parallel_loop3A_605 = tpu.vector_load_idx %arg5[%parallel_loop3A_604] : memref<100000xf32, #tpu.memory_space<vmem>>[vector<16xi32>], vector<16xf32>,
      %parallel_loop3A_606 = arith.constant 0 : i32
      %parallel_loop3A_607 = arith.constant 0 : i32
      %parallel_loop3A_608 = tpu.memref_slice %arg7[%parallel_loop3A_606, %parallel_loop3A_492, %parallel_loop3A_607] : memref<2x32x128xf32, #tpu.memory_space<vmem>> -> memref<1x1x128xf32, #tpu.memory_space<vmem>>
      %parallel_loop3A_609 = tpu.memref_squeeze %parallel_loop3A_608 : memref<1x1x128xf32, #tpu.memory_space<vmem>> -> memref<128xf32, #tpu.memory_space<vmem>>
      %parallel_loop3A_610 = arith.constant 96 : index
      %parallel_loop3A_611 = tpu.vector_load %parallel_loop3A_609[%parallel_loop3A_610] {strides = array<i32>} : memref<128xf32, #tpu.memory_space<vmem>>, vector<16xf32>,
      tpu.vector_store %parallel_loop3A_609[%parallel_loop3A_610], %parallel_loop3A_605 {strides = array<i32>} : memref<128xf32, #tpu.memory_space<vmem>>, vector<16xf32>,
      %parallel_loop3A_612 = arith.constant 128 : i32
      %parallel_loop3A_613 = arith.muli %parallel_loop3A_492, %parallel_loop3A_612 : i32
      %parallel_loop3A_614 = arith.constant 112 : i32
      %parallel_loop3A_615 = arith.addi %parallel_loop3A_613, %parallel_loop3A_614 : i32
      %parallel_loop3A_616 = arith.constant 0 : i32
      %parallel_loop3A_617 = arith.constant 0 : i32
      %parallel_loop3A_618 = tpu.memref_slice %arg6[%parallel_loop3A_616, %parallel_loop3A_617] : memref<2x4096xi32, #tpu.memory_space<vmem>> -> memref<1x4096xi32, #tpu.memory_space<vmem>>
      %parallel_loop3A_619 = tpu.memref_squeeze %parallel_loop3A_618 : memref<1x4096xi32, #tpu.memory_space<vmem>> -> memref<4096xi32, #tpu.memory_space<vmem>>
      %parallel_loop3A_620 = arith.index_cast %parallel_loop3A_615 : i32 to index
      %parallel_loop3A_621 = tpu.vector_load %parallel_loop3A_619[%parallel_loop3A_620] {strides = array<i32>} : memref<4096xi32, #tpu.memory_space<vmem>>, vector<16xi32>,
      %parallel_loop3A_622 = tpu.vector_load_idx %arg5[%parallel_loop3A_621] : memref<100000xf32, #tpu.memory_space<vmem>>[vector<16xi32>], vector<16xf32>,
      %parallel_loop3A_623 = arith.constant 0 : i32
      %parallel_loop3A_624 = arith.constant 0 : i32
      %parallel_loop3A_625 = tpu.memref_slice %arg7[%parallel_loop3A_623, %parallel_loop3A_492, %parallel_loop3A_624] : memref<2x32x128xf32, #tpu.memory_space<vmem>> -> memref<1x1x128xf32, #tpu.memory_space<vmem>>
      %parallel_loop3A_626 = tpu.memref_squeeze %parallel_loop3A_625 : memref<1x1x128xf32, #tpu.memory_space<vmem>> -> memref<128xf32, #tpu.memory_space<vmem>>
      %parallel_loop3A_627 = arith.constant 112 : index
      %parallel_loop3A_628 = tpu.vector_load %parallel_loop3A_626[%parallel_loop3A_627] {strides = array<i32>} : memref<128xf32, #tpu.memory_space<vmem>>, vector<16xf32>,
      tpu.vector_store %parallel_loop3A_626[%parallel_loop3A_627], %parallel_loop3A_622 {strides = array<i32>} : memref<128xf32, #tpu.memory_space<vmem>>, vector<16xf32>,
    } {sc.loop_unroll_factor = 16 : i64, sc.parallel_access}
    %dma_start3A_343 = arith.constant 2 : i32
    %dma_start3A_344 = arith.constant 0 : i32
    %dma_start3A_345 = arith.constant 0 : i32
    %dma_start3A_346 = arith.constant 0 : i32
    %dma_start3A_347 = tpu.memref_slice %arg6[%dma_start3A_344, %dma_start3A_346] : memref<2x4096xi32, #tpu.memory_space<vmem>> -> memref<1x4096xi32, #tpu.memory_space<vmem>>
    %dma_start3A_348 = tpu.memref_squeeze %dma_start3A_347 : memref<1x4096xi32, #tpu.memory_space<vmem>> -> memref<4096xi32, #tpu.memory_space<vmem>>
    %dma_start3A_349 = arith.constant 0 : i32
    %dma_start3A_350 = tpu.memref_slice %arg8[%dma_start3A_343, %dma_start3A_349] : memref<50x4096xi32, #tpu.memory_space<vmem_shared>> -> memref<1x4096xi32, #tpu.memory_space<vmem_shared>>
    %dma_start3A_351 = tpu.memref_squeeze %dma_start3A_350 : memref<1x4096xi32, #tpu.memory_space<vmem_shared>> -> memref<4096xi32, #tpu.memory_space<vmem_shared>>
    %dma_start3A_352 = tpu.memref_slice %arg9[%dma_start3A_345] : memref<2x!tpu.dma_semaphore, #tpu.memory_space<semaphore_mem>> -> memref<1x!tpu.dma_semaphore, #tpu.memory_space<semaphore_mem>>
    %dma_start3A_353 = tpu.memref_squeeze %dma_start3A_352 : memref<1x!tpu.dma_semaphore, #tpu.memory_space<semaphore_mem>> -> memref<!tpu.dma_semaphore, #tpu.memory_space<semaphore_mem>>
    %dma_start3A_354 = arith.constant 0 : i32
    %dma_start3A_355 = tpu.memref_slice %arg6[%dma_start3A_344, %dma_start3A_354] : memref<2x4096xi32, #tpu.memory_space<vmem>> -> memref<1x4096xi32, #tpu.memory_space<vmem>>
    %dma_start3A_356 = tpu.memref_squeeze %dma_start3A_355 : memref<1x4096xi32, #tpu.memory_space<vmem>> -> memref<4096xi32, #tpu.memory_space<vmem>>
    %dma_start3A_357 = arith.constant 0 : i32
    %dma_start3A_358 = tpu.memref_slice %arg8[%dma_start3A_343, %dma_start3A_357] : memref<50x4096xi32, #tpu.memory_space<vmem_shared>> -> memref<1x4096xi32, #tpu.memory_space<vmem_shared>>
    %dma_start3A_359 = tpu.memref_squeeze %dma_start3A_358 : memref<1x4096xi32, #tpu.memory_space<vmem_shared>> -> memref<4096xi32, #tpu.memory_space<vmem_shared>>
    tpu.enqueue_dma source(%dma_start3A_359 : memref<4096xi32, #tpu.memory_space<vmem_shared>>) target(%dma_start3A_356 : memref<4096xi32, #tpu.memory_space<vmem>>) target_semaphore(%dma_start3A_353 : memref<!tpu.dma_semaphore, #tpu.memory_space<semaphore_mem>>)
    %mul3A_360 = arith.constant 128 : i32
    %mul3A_361 = arith.muli %select_n3A_288, %mul3A_360 : i32
    %multiple_of3A_362 = tpu.assume_multiple %mul3A_361, 128 : i32
    %dma_start3A_363 = arith.constant 0 : i32
    %dma_start3A_364 = arith.constant 0 : i32
    %dma_start3A_365 = arith.constant 0 : i32
    %dma_start3A_366 = arith.constant 0 : i32
    %dma_start3A_367 = arith.constant 0 : i32
    %dma_start3A_368 = tpu.memref_slice %arg7[%dma_start3A_363, %dma_start3A_366, %dma_start3A_367] : memref<2x32x128xf32, #tpu.memory_space<vmem>> -> memref<1x32x128xf32, #tpu.memory_space<vmem>>
    %dma_start3A_369 = tpu.memref_squeeze %dma_start3A_368 : memref<1x32x128xf32, #tpu.memory_space<vmem>> -> memref<32x128xf32, #tpu.memory_space<vmem>>
    %dma_start3A_370 = arith.constant 0 : i32
    %dma_start3A_371 = tpu.memref_slice %arg4[%dma_start3A_364, %select_n3A_272, %dma_start3A_370, %multiple_of3A_362] : memref<50x8x32x1024xf32, #tpu.memory_space<hbm>> -> memref<1x1x32x128xf32, #tpu.memory_space<hbm>>
    %dma_start3A_372 = tpu.memref_squeeze %dma_start3A_371 : memref<1x1x32x128xf32, #tpu.memory_space<hbm>> -> memref<32x128xf32, #tpu.memory_space<hbm>>
    %dma_start3A_373 = tpu.memref_slice %arg10[%dma_start3A_365] : memref<2x!tpu.dma_semaphore, #tpu.memory_space<semaphore_mem>> -> memref<1x!tpu.dma_semaphore, #tpu.memory_space<semaphore_mem>>
    %dma_start3A_374 = tpu.memref_squeeze %dma_start3A_373 : memref<1x!tpu.dma_semaphore, #tpu.memory_space<semaphore_mem>> -> memref<!tpu.dma_semaphore, #tpu.memory_space<semaphore_mem>>
    %dma_start3A_375 = arith.constant 0 : i32
    %dma_start3A_376 = tpu.memref_slice %arg4[%dma_start3A_364, %select_n3A_272, %dma_start3A_375, %multiple_of3A_362] : memref<50x8x32x1024xf32, #tpu.memory_space<hbm>> -> memref<1x1x32x128xf32, #tpu.memory_space<hbm>>
    %dma_start3A_377 = tpu.memref_squeeze %dma_start3A_376 : memref<1x1x32x128xf32, #tpu.memory_space<hbm>> -> memref<32x128xf32, #tpu.memory_space<hbm>>
    %dma_start3A_378 = arith.constant 0 : i32
    %dma_start3A_379 = arith.constant 0 : i32
    %dma_start3A_380 = tpu.memref_slice %arg7[%dma_start3A_363, %dma_start3A_378, %dma_start3A_379] : memref<2x32x128xf32, #tpu.memory_space<vmem>> -> memref<1x32x128xf32, #tpu.memory_space<vmem>>
    %dma_start3A_381 = tpu.memref_squeeze %dma_start3A_380 : memref<1x32x128xf32, #tpu.memory_space<vmem>> -> memref<32x128xf32, #tpu.memory_space<vmem>>
    tpu.enqueue_dma source(%dma_start3A_381 : memref<32x128xf32, #tpu.memory_space<vmem>>) target(%dma_start3A_377 : memref<32x128xf32, #tpu.memory_space<hbm>>) target_semaphore(%dma_start3A_374 : memref<!tpu.dma_semaphore, #tpu.memory_space<semaphore_mem>>)
    %dma_wait3A_382 = arith.constant 0 : i32
    %dma_wait3A_383 = arith.constant 1 : i32
    %dma_wait3A_384 = arith.constant 1 : i32
    %dma_wait3A_385 = arith.constant 0 : i32
    %dma_wait3A_386 = tpu.memref_slice %arg6[%dma_wait3A_383, %dma_wait3A_385] : memref<2x4096xi32, #tpu.memory_space<vmem>> -> memref<1x4096xi32, #tpu.memory_space<vmem>>
    %dma_wait3A_387 = tpu.memref_squeeze %dma_wait3A_386 : memref<1x4096xi32, #tpu.memory_space<vmem>> -> memref<4096xi32, #tpu.memory_space<vmem>>
    %dma_wait3A_388 = arith.constant 0 : i32
    %dma_wait3A_389 = tpu.memref_slice %arg8[%dma_wait3A_382, %dma_wait3A_388] : memref<50x4096xi32, #tpu.memory_space<vmem_shared>> -> memref<1x4096xi32, #tpu.memory_space<vmem_shared>>
    %dma_wait3A_390 = tpu.memref_squeeze %dma_wait3A_389 : memref<1x4096xi32, #tpu.memory_space<vmem_shared>> -> memref<4096xi32, #tpu.memory_space<vmem_shared>>
    %dma_wait3A_391 = tpu.memref_slice %arg9[%dma_wait3A_384] : memref<2x!tpu.dma_semaphore, #tpu.memory_space<semaphore_mem>> -> memref<1x!tpu.dma_semaphore, #tpu.memory_space<semaphore_mem>>
    %dma_wait3A_392 = tpu.memref_squeeze %dma_wait3A_391 : memref<1x!tpu.dma_semaphore, #tpu.memory_space<semaphore_mem>> -> memref<!tpu.dma_semaphore, #tpu.memory_space<semaphore_mem>>
    %dma_wait3A_393 = arith.constant 0 : i32
    %dma_wait3A_394 = tpu.memref_slice %arg6[%dma_wait3A_383, %dma_wait3A_393] : memref<2x4096xi32, #tpu.memory_space<vmem>> -> memref<1x4096xi32, #tpu.memory_space<vmem>>
    %dma_wait3A_395 = tpu.memref_squeeze %dma_wait3A_394 : memref<1x4096xi32, #tpu.memory_space<vmem>> -> memref<4096xi32, #tpu.memory_space<vmem>>
    %dma_wait3A_396 = arith.constant 0 : i32
    %dma_wait3A_397 = tpu.memref_slice %arg8[%dma_wait3A_382, %dma_wait3A_396] : memref<50x4096xi32, #tpu.memory_space<vmem_shared>> -> memref<1x4096xi32, #tpu.memory_space<vmem_shared>>
    %dma_wait3A_398 = tpu.memref_squeeze %dma_wait3A_397 : memref<1x4096xi32, #tpu.memory_space<vmem_shared>> -> memref<4096xi32, #tpu.memory_space<vmem_shared>>
    tpu.wait_dma2 semaphore(%dma_wait3A_392 : memref<!tpu.dma_semaphore, #tpu.memory_space<semaphore_mem>>) src(%dma_wait3A_398 : memref<4096xi32, #tpu.memory_space<vmem_shared>>) dst(%dma_wait3A_395 : memref<4096xi32, #tpu.memory_space<vmem>>)
    %parallel_loop3A_399 = arith.constant 0 : i32
    %parallel_loop3A_400 = arith.constant 32 : i32
    %parallel_loop3A_401 = arith.constant 1 : i32
    scf.for %parallel_loop3A_492 = %parallel_loop3A_399 to %parallel_loop3A_400 step %parallel_loop3A_401  : i32 {
      %parallel_loop3A_493 = arith.constant 128 : i32
      %parallel_loop3A_494 = arith.muli %parallel_loop3A_492, %parallel_loop3A_493 : i32
      %parallel_loop3A_495 = arith.constant 0 : i32
      %parallel_loop3A_496 = arith.addi %parallel_loop3A_494, %parallel_loop3A_495 : i32
      %parallel_loop3A_497 = arith.constant 1 : i32
      %parallel_loop3A_498 = arith.constant 0 : i32
      %parallel_loop3A_499 = tpu.memref_slice %arg6[%parallel_loop3A_497, %parallel_loop3A_498] : memref<2x4096xi32, #tpu.memory_space<vmem>> -> memref<1x4096xi32, #tpu.memory_space<vmem>>
      %parallel_loop3A_500 = tpu.memref_squeeze %parallel_loop3A_499 : memref<1x4096xi32, #tpu.memory_space<vmem>> -> memref<4096xi32, #tpu.memory_space<vmem>>
      %parallel_loop3A_501 = arith.index_cast %parallel_loop3A_496 : i32 to index
      %parallel_loop3A_502 = tpu.vector_load %parallel_loop3A_500[%parallel_loop3A_501] {strides = array<i32>} : memref<4096xi32, #tpu.memory_space<vmem>>, vector<16xi32>,
      %parallel_loop3A_503 = tpu.vector_load_idx %arg5[%parallel_loop3A_502] : memref<100000xf32, #tpu.memory_space<vmem>>[vector<16xi32>], vector<16xf32>,
      %parallel_loop3A_504 = arith.constant 1 : i32
      %parallel_loop3A_505 = arith.constant 0 : i32
      %parallel_loop3A_506 = tpu.memref_slice %arg7[%parallel_loop3A_504, %parallel_loop3A_492, %parallel_loop3A_505] : memref<2x32x128xf32, #tpu.memory_space<vmem>> -> memref<1x1x128xf32, #tpu.memory_space<vmem>>
      %parallel_loop3A_507 = tpu.memref_squeeze %parallel_loop3A_506 : memref<1x1x128xf32, #tpu.memory_space<vmem>> -> memref<128xf32, #tpu.memory_space<vmem>>
      %parallel_loop3A_508 = arith.constant 0 : index
      %parallel_loop3A_509 = tpu.vector_load %parallel_loop3A_507[%parallel_loop3A_508] {strides = array<i32>} : memref<128xf32, #tpu.memory_space<vmem>>, vector<16xf32>,
      tpu.vector_store %parallel_loop3A_507[%parallel_loop3A_508], %parallel_loop3A_503 {strides = array<i32>} : memref<128xf32, #tpu.memory_space<vmem>>, vector<16xf32>,
      %parallel_loop3A_510 = arith.constant 128 : i32
      %parallel_loop3A_511 = arith.muli %parallel_loop3A_492, %parallel_loop3A_510 : i32
      %parallel_loop3A_512 = arith.constant 16 : i32
      %parallel_loop3A_513 = arith.addi %parallel_loop3A_511, %parallel_loop3A_512 : i32
      %parallel_loop3A_514 = arith.constant 1 : i32
      %parallel_loop3A_515 = arith.constant 0 : i32
      %parallel_loop3A_516 = tpu.memref_slice %arg6[%parallel_loop3A_514, %parallel_loop3A_515] : memref<2x4096xi32, #tpu.memory_space<vmem>> -> memref<1x4096xi32, #tpu.memory_space<vmem>>
      %parallel_loop3A_517 = tpu.memref_squeeze %parallel_loop3A_516 : memref<1x4096xi32, #tpu.memory_space<vmem>> -> memref<4096xi32, #tpu.memory_space<vmem>>
      %parallel_loop3A_518 = arith.index_cast %parallel_loop3A_513 : i32 to index
      %parallel_loop3A_519 = tpu.vector_load %parallel_loop3A_517[%parallel_loop3A_518] {strides = array<i32>} : memref<4096xi32, #tpu.memory_space<vmem>>, vector<16xi32>,
      %parallel_loop3A_520 = tpu.vector_load_idx %arg5[%parallel_loop3A_519] : memref<100000xf32, #tpu.memory_space<vmem>>[vector<16xi32>], vector<16xf32>,
      %parallel_loop3A_521 = arith.constant 1 : i32
      %parallel_loop3A_522 = arith.constant 0 : i32
      %parallel_loop3A_523 = tpu.memref_slice %arg7[%parallel_loop3A_521, %parallel_loop3A_492, %parallel_loop3A_522] : memref<2x32x128xf32, #tpu.memory_space<vmem>> -> memref<1x1x128xf32, #tpu.memory_space<vmem>>
      %parallel_loop3A_524 = tpu.memref_squeeze %parallel_loop3A_523 : memref<1x1x128xf32, #tpu.memory_space<vmem>> -> memref<128xf32, #tpu.memory_space<vmem>>
      %parallel_loop3A_525 = arith.constant 16 : index
      %parallel_loop3A_526 = tpu.vector_load %parallel_loop3A_524[%parallel_loop3A_525] {strides = array<i32>} : memref<128xf32, #tpu.memory_space<vmem>>, vector<16xf32>,
      tpu.vector_store %parallel_loop3A_524[%parallel_loop3A_525], %parallel_loop3A_520 {strides = array<i32>} : memref<128xf32, #tpu.memory_space<vmem>>, vector<16xf32>,
      %parallel_loop3A_527 = arith.constant 128 : i32
      %parallel_loop3A_528 = arith.muli %parallel_loop3A_492, %parallel_loop3A_527 : i32
      %parallel_loop3A_529 = arith.constant 32 : i32
      %parallel_loop3A_530 = arith.addi %parallel_loop3A_528, %parallel_loop3A_529 : i32
      %parallel_loop3A_531 = arith.constant 1 : i32
      %parallel_loop3A_532 = arith.constant 0 : i32
      %parallel_loop3A_533 = tpu.memref_slice %arg6[%parallel_loop3A_531, %parallel_loop3A_532] : memref<2x4096xi32, #tpu.memory_space<vmem>> -> memref<1x4096xi32, #tpu.memory_space<vmem>>
      %parallel_loop3A_534 = tpu.memref_squeeze %parallel_loop3A_533 : memref<1x4096xi32, #tpu.memory_space<vmem>> -> memref<4096xi32, #tpu.memory_space<vmem>>
      %parallel_loop3A_535 = arith.index_cast %parallel_loop3A_530 : i32 to index
      %parallel_loop3A_536 = tpu.vector_load %parallel_loop3A_534[%parallel_loop3A_535] {strides = array<i32>} : memref<4096xi32, #tpu.memory_space<vmem>>, vector<16xi32>,
      %parallel_loop3A_537 = tpu.vector_load_idx %arg5[%parallel_loop3A_536] : memref<100000xf32, #tpu.memory_space<vmem>>[vector<16xi32>], vector<16xf32>,
      %parallel_loop3A_538 = arith.constant 1 : i32
      %parallel_loop3A_539 = arith.constant 0 : i32
      %parallel_loop3A_540 = tpu.memref_slice %arg7[%parallel_loop3A_538, %parallel_loop3A_492, %parallel_loop3A_539] : memref<2x32x128xf32, #tpu.memory_space<vmem>> -> memref<1x1x128xf32, #tpu.memory_space<vmem>>
      %parallel_loop3A_541 = tpu.memref_squeeze %parallel_loop3A_540 : memref<1x1x128xf32, #tpu.memory_space<vmem>> -> memref<128xf32, #tpu.memory_space<vmem>>
      %parallel_loop3A_542 = arith.constant 32 : index
      %parallel_loop3A_543 = tpu.vector_load %parallel_loop3A_541[%parallel_loop3A_542] {strides = array<i32>} : memref<128xf32, #tpu.memory_space<vmem>>, vector<16xf32>,
      tpu.vector_store %parallel_loop3A_541[%parallel_loop3A_542], %parallel_loop3A_537 {strides = array<i32>} : memref<128xf32, #tpu.memory_space<vmem>>, vector<16xf32>,
      %parallel_loop3A_544 = arith.constant 128 : i32
      %parallel_loop3A_545 = arith.muli %parallel_loop3A_492, %parallel_loop3A_544 : i32
      %parallel_loop3A_546 = arith.constant 48 : i32
      %parallel_loop3A_547 = arith.addi %parallel_loop3A_545, %parallel_loop3A_546 : i32
      %parallel_loop3A_548 = arith.constant 1 : i32
      %parallel_loop3A_549 = arith.constant 0 : i32
      %parallel_loop3A_550 = tpu.memref_slice %arg6[%parallel_loop3A_548, %parallel_loop3A_549] : memref<2x4096xi32, #tpu.memory_space<vmem>> -> memref<1x4096xi32, #tpu.memory_space<vmem>>
      %parallel_loop3A_551 = tpu.memref_squeeze %parallel_loop3A_550 : memref<1x4096xi32, #tpu.memory_space<vmem>> -> memref<4096xi32, #tpu.memory_space<vmem>>
      %parallel_loop3A_552 = arith.index_cast %parallel_loop3A_547 : i32 to index
      %parallel_loop3A_553 = tpu.vector_load %parallel_loop3A_551[%parallel_loop3A_552] {strides = array<i32>} : memref<4096xi32, #tpu.memory_space<vmem>>, vector<16xi32>,
      %parallel_loop3A_554 = tpu.vector_load_idx %arg5[%parallel_loop3A_553] : memref<100000xf32, #tpu.memory_space<vmem>>[vector<16xi32>], vector<16xf32>,
      %parallel_loop3A_555 = arith.constant 1 : i32
      %parallel_loop3A_556 = arith.constant 0 : i32
      %parallel_loop3A_557 = tpu.memref_slice %arg7[%parallel_loop3A_555, %parallel_loop3A_492, %parallel_loop3A_556] : memref<2x32x128xf32, #tpu.memory_space<vmem>> -> memref<1x1x128xf32, #tpu.memory_space<vmem>>
      %parallel_loop3A_558 = tpu.memref_squeeze %parallel_loop3A_557 : memref<1x1x128xf32, #tpu.memory_space<vmem>> -> memref<128xf32, #tpu.memory_space<vmem>>
      %parallel_loop3A_559 = arith.constant 48 : index
      %parallel_loop3A_560 = tpu.vector_load %parallel_loop3A_558[%parallel_loop3A_559] {strides = array<i32>} : memref<128xf32, #tpu.memory_space<vmem>>, vector<16xf32>,
      tpu.vector_store %parallel_loop3A_558[%parallel_loop3A_559], %parallel_loop3A_554 {strides = array<i32>} : memref<128xf32, #tpu.memory_space<vmem>>, vector<16xf32>,
      %parallel_loop3A_561 = arith.constant 128 : i32
      %parallel_loop3A_562 = arith.muli %parallel_loop3A_492, %parallel_loop3A_561 : i32
      %parallel_loop3A_563 = arith.constant 64 : i32
      %parallel_loop3A_564 = arith.addi %parallel_loop3A_562, %parallel_loop3A_563 : i32
      %parallel_loop3A_565 = arith.constant 1 : i32
      %parallel_loop3A_566 = arith.constant 0 : i32
      %parallel_loop3A_567 = tpu.memref_slice %arg6[%parallel_loop3A_565, %parallel_loop3A_566] : memref<2x4096xi32, #tpu.memory_space<vmem>> -> memref<1x4096xi32, #tpu.memory_space<vmem>>
      %parallel_loop3A_568 = tpu.memref_squeeze %parallel_loop3A_567 : memref<1x4096xi32, #tpu.memory_space<vmem>> -> memref<4096xi32, #tpu.memory_space<vmem>>
      %parallel_loop3A_569 = arith.index_cast %parallel_loop3A_564 : i32 to index
      %parallel_loop3A_570 = tpu.vector_load %parallel_loop3A_568[%parallel_loop3A_569] {strides = array<i32>} : memref<4096xi32, #tpu.memory_space<vmem>>, vector<16xi32>,
      %parallel_loop3A_571 = tpu.vector_load_idx %arg5[%parallel_loop3A_570] : memref<100000xf32, #tpu.memory_space<vmem>>[vector<16xi32>], vector<16xf32>,
      %parallel_loop3A_572 = arith.constant 1 : i32
      %parallel_loop3A_573 = arith.constant 0 : i32
      %parallel_loop3A_574 = tpu.memref_slice %arg7[%parallel_loop3A_572, %parallel_loop3A_492, %parallel_loop3A_573] : memref<2x32x128xf32, #tpu.memory_space<vmem>> -> memref<1x1x128xf32, #tpu.memory_space<vmem>>
      %parallel_loop3A_575 = tpu.memref_squeeze %parallel_loop3A_574 : memref<1x1x128xf32, #tpu.memory_space<vmem>> -> memref<128xf32, #tpu.memory_space<vmem>>
      %parallel_loop3A_576 = arith.constant 64 : index
      %parallel_loop3A_577 = tpu.vector_load %parallel_loop3A_575[%parallel_loop3A_576] {strides = array<i32>} : memref<128xf32, #tpu.memory_space<vmem>>, vector<16xf32>,
      tpu.vector_store %parallel_loop3A_575[%parallel_loop3A_576], %parallel_loop3A_571 {strides = array<i32>} : memref<128xf32, #tpu.memory_space<vmem>>, vector<16xf32>,
      %parallel_loop3A_578 = arith.constant 128 : i32
      %parallel_loop3A_579 = arith.muli %parallel_loop3A_492, %parallel_loop3A_578 : i32
      %parallel_loop3A_580 = arith.constant 80 : i32
      %parallel_loop3A_581 = arith.addi %parallel_loop3A_579, %parallel_loop3A_580 : i32
      %parallel_loop3A_582 = arith.constant 1 : i32
      %parallel_loop3A_583 = arith.constant 0 : i32
      %parallel_loop3A_584 = tpu.memref_slice %arg6[%parallel_loop3A_582, %parallel_loop3A_583] : memref<2x4096xi32, #tpu.memory_space<vmem>> -> memref<1x4096xi32, #tpu.memory_space<vmem>>
      %parallel_loop3A_585 = tpu.memref_squeeze %parallel_loop3A_584 : memref<1x4096xi32, #tpu.memory_space<vmem>> -> memref<4096xi32, #tpu.memory_space<vmem>>
      %parallel_loop3A_586 = arith.index_cast %parallel_loop3A_581 : i32 to index
      %parallel_loop3A_587 = tpu.vector_load %parallel_loop3A_585[%parallel_loop3A_586] {strides = array<i32>} : memref<4096xi32, #tpu.memory_space<vmem>>, vector<16xi32>,
      %parallel_loop3A_588 = tpu.vector_load_idx %arg5[%parallel_loop3A_587] : memref<100000xf32, #tpu.memory_space<vmem>>[vector<16xi32>], vector<16xf32>,
      %parallel_loop3A_589 = arith.constant 1 : i32
      %parallel_loop3A_590 = arith.constant 0 : i32
      %parallel_loop3A_591 = tpu.memref_slice %arg7[%parallel_loop3A_589, %parallel_loop3A_492, %parallel_loop3A_590] : memref<2x32x128xf32, #tpu.memory_space<vmem>> -> memref<1x1x128xf32, #tpu.memory_space<vmem>>
      %parallel_loop3A_592 = tpu.memref_squeeze %parallel_loop3A_591 : memref<1x1x128xf32, #tpu.memory_space<vmem>> -> memref<128xf32, #tpu.memory_space<vmem>>
      %parallel_loop3A_593 = arith.constant 80 : index
      %parallel_loop3A_594 = tpu.vector_load %parallel_loop3A_592[%parallel_loop3A_593] {strides = array<i32>} : memref<128xf32, #tpu.memory_space<vmem>>, vector<16xf32>,
      tpu.vector_store %parallel_loop3A_592[%parallel_loop3A_593], %parallel_loop3A_588 {strides = array<i32>} : memref<128xf32, #tpu.memory_space<vmem>>, vector<16xf32>,
      %parallel_loop3A_595 = arith.constant 128 : i32
      %parallel_loop3A_596 = arith.muli %parallel_loop3A_492, %parallel_loop3A_595 : i32
      %parallel_loop3A_597 = arith.constant 96 : i32
      %parallel_loop3A_598 = arith.addi %parallel_loop3A_596, %parallel_loop3A_597 : i32
      %parallel_loop3A_599 = arith.constant 1 : i32
      %parallel_loop3A_600 = arith.constant 0 : i32
      %parallel_loop3A_601 = tpu.memref_slice %arg6[%parallel_loop3A_599, %parallel_loop3A_600] : memref<2x4096xi32, #tpu.memory_space<vmem>> -> memref<1x4096xi32, #tpu.memory_space<vmem>>
      %parallel_loop3A_602 = tpu.memref_squeeze %parallel_loop3A_601 : memref<1x4096xi32, #tpu.memory_space<vmem>> -> memref<4096xi32, #tpu.memory_space<vmem>>
      %parallel_loop3A_603 = arith.index_cast %parallel_loop3A_598 : i32 to index
      %parallel_loop3A_604 = tpu.vector_load %parallel_loop3A_602[%parallel_loop3A_603] {strides = array<i32>} : memref<4096xi32, #tpu.memory_space<vmem>>, vector<16xi32>,
      %parallel_loop3A_605 = tpu.vector_load_idx %arg5[%parallel_loop3A_604] : memref<100000xf32, #tpu.memory_space<vmem>>[vector<16xi32>], vector<16xf32>,
      %parallel_loop3A_606 = arith.constant 1 : i32
      %parallel_loop3A_607 = arith.constant 0 : i32
      %parallel_loop3A_608 = tpu.memref_slice %arg7[%parallel_loop3A_606, %parallel_loop3A_492, %parallel_loop3A_607] : memref<2x32x128xf32, #tpu.memory_space<vmem>> -> memref<1x1x128xf32, #tpu.memory_space<vmem>>
      %parallel_loop3A_609 = tpu.memref_squeeze %parallel_loop3A_608 : memref<1x1x128xf32, #tpu.memory_space<vmem>> -> memref<128xf32, #tpu.memory_space<vmem>>
      %parallel_loop3A_610 = arith.constant 96 : index
      %parallel_loop3A_611 = tpu.vector_load %parallel_loop3A_609[%parallel_loop3A_610] {strides = array<i32>} : memref<128xf32, #tpu.memory_space<vmem>>, vector<16xf32>,
      tpu.vector_store %parallel_loop3A_609[%parallel_loop3A_610], %parallel_loop3A_605 {strides = array<i32>} : memref<128xf32, #tpu.memory_space<vmem>>, vector<16xf32>,
      %parallel_loop3A_612 = arith.constant 128 : i32
      %parallel_loop3A_613 = arith.muli %parallel_loop3A_492, %parallel_loop3A_612 : i32
      %parallel_loop3A_614 = arith.constant 112 : i32
      %parallel_loop3A_615 = arith.addi %parallel_loop3A_613, %parallel_loop3A_614 : i32
      %parallel_loop3A_616 = arith.constant 1 : i32
      %parallel_loop3A_617 = arith.constant 0 : i32
      %parallel_loop3A_618 = tpu.memref_slice %arg6[%parallel_loop3A_616, %parallel_loop3A_617] : memref<2x4096xi32, #tpu.memory_space<vmem>> -> memref<1x4096xi32, #tpu.memory_space<vmem>>
      %parallel_loop3A_619 = tpu.memref_squeeze %parallel_loop3A_618 : memref<1x4096xi32, #tpu.memory_space<vmem>> -> memref<4096xi32, #tpu.memory_space<vmem>>
      %parallel_loop3A_620 = arith.index_cast %parallel_loop3A_615 : i32 to index
      %parallel_loop3A_621 = tpu.vector_load %parallel_loop3A_619[%parallel_loop3A_620] {strides = array<i32>} : memref<4096xi32, #tpu.memory_space<vmem>>, vector<16xi32>,
      %parallel_loop3A_622 = tpu.vector_load_idx %arg5[%parallel_loop3A_621] : memref<100000xf32, #tpu.memory_space<vmem>>[vector<16xi32>], vector<16xf32>,
      %parallel_loop3A_623 = arith.constant 1 : i32
      %parallel_loop3A_624 = arith.constant 0 : i32
      %parallel_loop3A_625 = tpu.memref_slice %arg7[%parallel_loop3A_623, %parallel_loop3A_492, %parallel_loop3A_624] : memref<2x32x128xf32, #tpu.memory_space<vmem>> -> memref<1x1x128xf32, #tpu.memory_space<vmem>>
      %parallel_loop3A_626 = tpu.memref_squeeze %parallel_loop3A_625 : memref<1x1x128xf32, #tpu.memory_space<vmem>> -> memref<128xf32, #tpu.memory_space<vmem>>
      %parallel_loop3A_627 = arith.constant 112 : index
      %parallel_loop3A_628 = tpu.vector_load %parallel_loop3A_626[%parallel_loop3A_627] {strides = array<i32>} : memref<128xf32, #tpu.memory_space<vmem>>, vector<16xf32>,
      tpu.vector_store %parallel_loop3A_626[%parallel_loop3A_627], %parallel_loop3A_622 {strides = array<i32>} : memref<128xf32, #tpu.memory_space<vmem>>, vector<16xf32>,
    } {sc.loop_unroll_factor = 16 : i64, sc.parallel_access}
    %dma_start3A_402 = arith.constant 3 : i32
    %dma_start3A_403 = arith.constant 1 : i32
    %dma_start3A_404 = arith.constant 1 : i32
    %dma_start3A_405 = arith.constant 0 : i32
    %dma_start3A_406 = tpu.memref_slice %arg6[%dma_start3A_403, %dma_start3A_405] : memref<2x4096xi32, #tpu.memory_space<vmem>> -> memref<1x4096xi32, #tpu.memory_space<vmem>>
    %dma_start3A_407 = tpu.memref_squeeze %dma_start3A_406 : memref<1x4096xi32, #tpu.memory_space<vmem>> -> memref<4096xi32, #tpu.memory_space<vmem>>
    %dma_start3A_408 = arith.constant 0 : i32
    %dma_start3A_409 = tpu.memref_slice %arg8[%dma_start3A_402, %dma_start3A_408] : memref<50x4096xi32, #tpu.memory_space<vmem_shared>> -> memref<1x4096xi32, #tpu.memory_space<vmem_shared>>
    %dma_start3A_410 = tpu.memref_squeeze %dma_start3A_409 : memref<1x4096xi32, #tpu.memory_space<vmem_shared>> -> memref<4096xi32, #tpu.memory_space<vmem_shared>>
    %dma_start3A_411 = tpu.memref_slice %arg9[%dma_start3A_404] : memref<2x!tpu.dma_semaphore, #tpu.memory_space<semaphore_mem>> -> memref<1x!tpu.dma_semaphore, #tpu.memory_space<semaphore_mem>>
    %dma_start3A_412 = tpu.memref_squeeze %dma_start3A_411 : memref<1x!tpu.dma_semaphore, #tpu.memory_space<semaphore_mem>> -> memref<!tpu.dma_semaphore, #tpu.memory_space<semaphore_mem>>
    %dma_start3A_413 = arith.constant 0 : i32
    %dma_start3A_414 = tpu.memref_slice %arg6[%dma_start3A_403, %dma_start3A_413] : memref<2x4096xi32, #tpu.memory_space<vmem>> -> memref<1x4096xi32, #tpu.memory_space<vmem>>
    %dma_start3A_415 = tpu.memref_squeeze %dma_start3A_414 : memref<1x4096xi32, #tpu.memory_space<vmem>> -> memref<4096xi32, #tpu.memory_space<vmem>>
    %dma_start3A_416 = arith.constant 0 : i32
    %dma_start3A_417 = tpu.memref_slice %arg8[%dma_start3A_402, %dma_start3A_416] : memref<50x4096xi32, #tpu.memory_space<vmem_shared>> -> memref<1x4096xi32, #tpu.memory_space<vmem_shared>>
    %dma_start3A_418 = tpu.memref_squeeze %dma_start3A_417 : memref<1x4096xi32, #tpu.memory_space<vmem_shared>> -> memref<4096xi32, #tpu.memory_space<vmem_shared>>
    tpu.enqueue_dma source(%dma_start3A_418 : memref<4096xi32, #tpu.memory_space<vmem_shared>>) target(%dma_start3A_415 : memref<4096xi32, #tpu.memory_space<vmem>>) target_semaphore(%dma_start3A_412 : memref<!tpu.dma_semaphore, #tpu.memory_space<semaphore_mem>>)
    %mul3A_419 = arith.constant 128 : i32
    %mul3A_420 = arith.muli %select_n3A_288, %mul3A_419 : i32
    %multiple_of3A_421 = tpu.assume_multiple %mul3A_420, 128 : i32
    %dma_start3A_422 = arith.constant 1 : i32
    %dma_start3A_423 = arith.constant 1 : i32
    %dma_start3A_424 = arith.constant 1 : i32
    %dma_start3A_425 = arith.constant 0 : i32
    %dma_start3A_426 = arith.constant 0 : i32
    %dma_start3A_427 = tpu.memref_slice %arg7[%dma_start3A_422, %dma_start3A_425, %dma_start3A_426] : memref<2x32x128xf32, #tpu.memory_space<vmem>> -> memref<1x32x128xf32, #tpu.memory_space<vmem>>
    %dma_start3A_428 = tpu.memref_squeeze %dma_start3A_427 : memref<1x32x128xf32, #tpu.memory_space<vmem>> -> memref<32x128xf32, #tpu.memory_space<vmem>>
    %dma_start3A_429 = arith.constant 0 : i32
    %dma_start3A_430 = tpu.memref_slice %arg4[%dma_start3A_423, %select_n3A_272, %dma_start3A_429, %multiple_of3A_421] : memref<50x8x32x1024xf32, #tpu.memory_space<hbm>> -> memref<1x1x32x128xf32, #tpu.memory_space<hbm>>
    %dma_start3A_431 = tpu.memref_squeeze %dma_start3A_430 : memref<1x1x32x128xf32, #tpu.memory_space<hbm>> -> memref<32x128xf32, #tpu.memory_space<hbm>>
    %dma_start3A_432 = tpu.memref_slice %arg10[%dma_start3A_424] : memref<2x!tpu.dma_semaphore, #tpu.memory_space<semaphore_mem>> -> memref<1x!tpu.dma_semaphore, #tpu.memory_space<semaphore_mem>>
    %dma_start3A_433 = tpu.memref_squeeze %dma_start3A_432 : memref<1x!tpu.dma_semaphore, #tpu.memory_space<semaphore_mem>> -> memref<!tpu.dma_semaphore, #tpu.memory_space<semaphore_mem>>
    %dma_start3A_434 = arith.constant 0 : i32
    %dma_start3A_435 = tpu.memref_slice %arg4[%dma_start3A_423, %select_n3A_272, %dma_start3A_434, %multiple_of3A_421] : memref<50x8x32x1024xf32, #tpu.memory_space<hbm>> -> memref<1x1x32x128xf32, #tpu.memory_space<hbm>>
    %dma_start3A_436 = tpu.memref_squeeze %dma_start3A_435 : memref<1x1x32x128xf32, #tpu.memory_space<hbm>> -> memref<32x128xf32, #tpu.memory_space<hbm>>
    %dma_start3A_437 = arith.constant 0 : i32
    %dma_start3A_438 = arith.constant 0 : i32
    %dma_start3A_439 = tpu.memref_slice %arg7[%dma_start3A_422, %dma_start3A_437, %dma_start3A_438] : memref<2x32x128xf32, #tpu.memory_space<vmem>> -> memref<1x32x128xf32, #tpu.memory_space<vmem>>
    %dma_start3A_440 = tpu.memref_squeeze %dma_start3A_439 : memref<1x32x128xf32, #tpu.memory_space<vmem>> -> memref<32x128xf32, #tpu.memory_space<vmem>>
    tpu.enqueue_dma source(%dma_start3A_440 : memref<32x128xf32, #tpu.memory_space<vmem>>) target(%dma_start3A_436 : memref<32x128xf32, #tpu.memory_space<hbm>>) target_semaphore(%dma_start3A_433 : memref<!tpu.dma_semaphore, #tpu.memory_space<semaphore_mem>>)
    %scan3A_441 = arith.constant 0 : i32
    %scan3A_442 = arith.constant 1 : i32
    %scan3A_443 = arith.constant 24 : i32
    %scan3A_444 = arith.addi %scan3A_442, %scan3A_443 : i32
    %scan3A_445 = arith.constant 1 : i32
    %scan3A_446 = scf.for %scan3A_492 = %scan3A_442 to %scan3A_444 step %scan3A_445 iter_args(%scan3A_493 = %scan3A_441) -> (i32)  : i32 {
      %mul3A_494 = arith.constant 2 : i32
      %mul3A_495 = arith.muli %mul3A_494, %scan3A_492 : i32
      %add3A_496 = arith.constant 0 : i32
      %add3A_497 = arith.addi %mul3A_495, %add3A_496 : i32
      %dma_wait3A_498 = arith.constant 0 : i32
      %dma_wait3A_499 = arith.constant 0 : i32
      %dma_wait3A_500 = arith.constant 0 : i32
      %dma_wait3A_501 = arith.constant 0 : i32
      %dma_wait3A_502 = tpu.memref_slice %arg6[%dma_wait3A_499, %dma_wait3A_501] : memref<2x4096xi32, #tpu.memory_space<vmem>> -> memref<1x4096xi32, #tpu.memory_space<vmem>>
      %dma_wait3A_503 = tpu.memref_squeeze %dma_wait3A_502 : memref<1x4096xi32, #tpu.memory_space<vmem>> -> memref<4096xi32, #tpu.memory_space<vmem>>
      %dma_wait3A_504 = arith.constant 0 : i32
      %dma_wait3A_505 = tpu.memref_slice %arg8[%dma_wait3A_498, %dma_wait3A_504] : memref<50x4096xi32, #tpu.memory_space<vmem_shared>> -> memref<1x4096xi32, #tpu.memory_space<vmem_shared>>
      %dma_wait3A_506 = tpu.memref_squeeze %dma_wait3A_505 : memref<1x4096xi32, #tpu.memory_space<vmem_shared>> -> memref<4096xi32, #tpu.memory_space<vmem_shared>>
      %dma_wait3A_507 = tpu.memref_slice %arg9[%dma_wait3A_500] : memref<2x!tpu.dma_semaphore, #tpu.memory_space<semaphore_mem>> -> memref<1x!tpu.dma_semaphore, #tpu.memory_space<semaphore_mem>>
      %dma_wait3A_508 = tpu.memref_squeeze %dma_wait3A_507 : memref<1x!tpu.dma_semaphore, #tpu.memory_space<semaphore_mem>> -> memref<!tpu.dma_semaphore, #tpu.memory_space<semaphore_mem>>
      %dma_wait3A_509 = arith.constant 0 : i32
      %dma_wait3A_510 = tpu.memref_slice %arg6[%dma_wait3A_499, %dma_wait3A_509] : memref<2x4096xi32, #tpu.memory_space<vmem>> -> memref<1x4096xi32, #tpu.memory_space<vmem>>
      %dma_wait3A_511 = tpu.memref_squeeze %dma_wait3A_510 : memref<1x4096xi32, #tpu.memory_space<vmem>> -> memref<4096xi32, #tpu.memory_space<vmem>>
      %dma_wait3A_512 = arith.constant 0 : i32
      %dma_wait3A_513 = tpu.memref_slice %arg8[%dma_wait3A_498, %dma_wait3A_512] : memref<50x4096xi32, #tpu.memory_space<vmem_shared>> -> memref<1x4096xi32, #tpu.memory_space<vmem_shared>>
      %dma_wait3A_514 = tpu.memref_squeeze %dma_wait3A_513 : memref<1x4096xi32, #tpu.memory_space<vmem_shared>> -> memref<4096xi32, #tpu.memory_space<vmem_shared>>
      tpu.wait_dma2 semaphore(%dma_wait3A_508 : memref<!tpu.dma_semaphore, #tpu.memory_space<semaphore_mem>>) src(%dma_wait3A_514 : memref<4096xi32, #tpu.memory_space<vmem_shared>>) dst(%dma_wait3A_511 : memref<4096xi32, #tpu.memory_space<vmem>>)
      %dma_wait3A_515 = arith.constant 0 : i32
      %dma_wait3A_516 = arith.constant 0 : i32
      %dma_wait3A_517 = arith.constant 0 : i32
      %dma_wait3A_518 = arith.constant 0 : i32
      %dma_wait3A_519 = arith.constant 0 : i32
      %dma_wait3A_520 = arith.constant 0 : i32
      %dma_wait3A_521 = tpu.memref_slice %arg7[%dma_wait3A_515, %dma_wait3A_519, %dma_wait3A_520] : memref<2x32x128xf32, #tpu.memory_space<vmem>> -> memref<1x32x128xf32, #tpu.memory_space<vmem>>
      %dma_wait3A_522 = tpu.memref_squeeze %dma_wait3A_521 : memref<1x32x128xf32, #tpu.memory_space<vmem>> -> memref<32x128xf32, #tpu.memory_space<vmem>>
      %dma_wait3A_523 = arith.constant 0 : i32
      %dma_wait3A_524 = arith.constant 0 : i32
      %dma_wait3A_525 = tpu.memref_slice %arg4[%dma_wait3A_516, %dma_wait3A_517, %dma_wait3A_523, %dma_wait3A_524] : memref<50x8x32x1024xf32, #tpu.memory_space<hbm>> -> memref<1x1x32x128xf32, #tpu.memory_space<hbm>>
      %dma_wait3A_526 = tpu.memref_squeeze %dma_wait3A_525 : memref<1x1x32x128xf32, #tpu.memory_space<hbm>> -> memref<32x128xf32, #tpu.memory_space<hbm>>
      %dma_wait3A_527 = tpu.memref_slice %arg10[%dma_wait3A_518] : memref<2x!tpu.dma_semaphore, #tpu.memory_space<semaphore_mem>> -> memref<1x!tpu.dma_semaphore, #tpu.memory_space<semaphore_mem>>
      %dma_wait3A_528 = tpu.memref_squeeze %dma_wait3A_527 : memref<1x!tpu.dma_semaphore, #tpu.memory_space<semaphore_mem>> -> memref<!tpu.dma_semaphore, #tpu.memory_space<semaphore_mem>>
      %dma_wait3A_529 = arith.constant 0 : i32
      %dma_wait3A_530 = arith.constant 0 : i32
      %dma_wait3A_531 = tpu.memref_slice %arg4[%dma_wait3A_516, %dma_wait3A_517, %dma_wait3A_529, %dma_wait3A_530] : memref<50x8x32x1024xf32, #tpu.memory_space<hbm>> -> memref<1x1x32x128xf32, #tpu.memory_space<hbm>>
      %dma_wait3A_532 = tpu.memref_squeeze %dma_wait3A_531 : memref<1x1x32x128xf32, #tpu.memory_space<hbm>> -> memref<32x128xf32, #tpu.memory_space<hbm>>
      %dma_wait3A_533 = arith.constant 0 : i32
      %dma_wait3A_534 = arith.constant 0 : i32
      %dma_wait3A_535 = tpu.memref_slice %arg7[%dma_wait3A_515, %dma_wait3A_533, %dma_wait3A_534] : memref<2x32x128xf32, #tpu.memory_space<vmem>> -> memref<1x32x128xf32, #tpu.memory_space<vmem>>
      %dma_wait3A_536 = tpu.memref_squeeze %dma_wait3A_535 : memref<1x32x128xf32, #tpu.memory_space<vmem>> -> memref<32x128xf32, #tpu.memory_space<vmem>>
      tpu.wait_dma2 semaphore(%dma_wait3A_528 : memref<!tpu.dma_semaphore, #tpu.memory_space<semaphore_mem>>) src(%dma_wait3A_536 : memref<32x128xf32, #tpu.memory_space<vmem>>) dst(%dma_wait3A_532 : memref<32x128xf32, #tpu.memory_space<hbm>>)
      %parallel_loop3A_537 = arith.constant 0 : i32
      %parallel_loop3A_538 = arith.constant 32 : i32
      %parallel_loop3A_539 = arith.constant 1 : i32
      scf.for %parallel_loop3A_639 = %parallel_loop3A_537 to %parallel_loop3A_538 step %parallel_loop3A_539  : i32 {
        %parallel_loop3A_640 = arith.constant 128 : i32
        %parallel_loop3A_641 = arith.muli %parallel_loop3A_639, %parallel_loop3A_640 : i32
        %parallel_loop3A_642 = arith.constant 0 : i32
        %parallel_loop3A_643 = arith.addi %parallel_loop3A_641, %parallel_loop3A_642 : i32
        %parallel_loop3A_644 = arith.constant 0 : i32
        %parallel_loop3A_645 = arith.constant 0 : i32
        %parallel_loop3A_646 = tpu.memref_slice %arg6[%parallel_loop3A_644, %parallel_loop3A_645] : memref<2x4096xi32, #tpu.memory_space<vmem>> -> memref<1x4096xi32, #tpu.memory_space<vmem>>
        %parallel_loop3A_647 = tpu.memref_squeeze %parallel_loop3A_646 : memref<1x4096xi32, #tpu.memory_space<vmem>> -> memref<4096xi32, #tpu.memory_space<vmem>>
        %parallel_loop3A_648 = arith.index_cast %parallel_loop3A_643 : i32 to index
        %parallel_loop3A_649 = tpu.vector_load %parallel_loop3A_647[%parallel_loop3A_648] {strides = array<i32>} : memref<4096xi32, #tpu.memory_space<vmem>>, vector<16xi32>,
        %parallel_loop3A_650 = tpu.vector_load_idx %arg5[%parallel_loop3A_649] : memref<100000xf32, #tpu.memory_space<vmem>>[vector<16xi32>], vector<16xf32>,
        %parallel_loop3A_651 = arith.constant 0 : i32
        %parallel_loop3A_652 = arith.constant 0 : i32
        %parallel_loop3A_653 = tpu.memref_slice %arg7[%parallel_loop3A_651, %parallel_loop3A_639, %parallel_loop3A_652] : memref<2x32x128xf32, #tpu.memory_space<vmem>> -> memref<1x1x128xf32, #tpu.memory_space<vmem>>
        %parallel_loop3A_654 = tpu.memref_squeeze %parallel_loop3A_653 : memref<1x1x128xf32, #tpu.memory_space<vmem>> -> memref<128xf32, #tpu.memory_space<vmem>>
        %parallel_loop3A_655 = arith.constant 0 : index
        %parallel_loop3A_656 = tpu.vector_load %parallel_loop3A_654[%parallel_loop3A_655] {strides = array<i32>} : memref<128xf32, #tpu.memory_space<vmem>>, vector<16xf32>,
        tpu.vector_store %parallel_loop3A_654[%parallel_loop3A_655], %parallel_loop3A_650 {strides = array<i32>} : memref<128xf32, #tpu.memory_space<vmem>>, vector<16xf32>,
        %parallel_loop3A_657 = arith.constant 128 : i32
        %parallel_loop3A_658 = arith.muli %parallel_loop3A_639, %parallel_loop3A_657 : i32
        %parallel_loop3A_659 = arith.constant 16 : i32
        %parallel_loop3A_660 = arith.addi %parallel_loop3A_658, %parallel_loop3A_659 : i32
        %parallel_loop3A_661 = arith.constant 0 : i32
        %parallel_loop3A_662 = arith.constant 0 : i32
        %parallel_loop3A_663 = tpu.memref_slice %arg6[%parallel_loop3A_661, %parallel_loop3A_662] : memref<2x4096xi32, #tpu.memory_space<vmem>> -> memref<1x4096xi32, #tpu.memory_space<vmem>>
        %parallel_loop3A_664 = tpu.memref_squeeze %parallel_loop3A_663 : memref<1x4096xi32, #tpu.memory_space<vmem>> -> memref<4096xi32, #tpu.memory_space<vmem>>
        %parallel_loop3A_665 = arith.index_cast %parallel_loop3A_660 : i32 to index
        %parallel_loop3A_666 = tpu.vector_load %parallel_loop3A_664[%parallel_loop3A_665] {strides = array<i32>} : memref<4096xi32, #tpu.memory_space<vmem>>, vector<16xi32>,
        %parallel_loop3A_667 = tpu.vector_load_idx %arg5[%parallel_loop3A_666] : memref<100000xf32, #tpu.memory_space<vmem>>[vector<16xi32>], vector<16xf32>,
        %parallel_loop3A_668 = arith.constant 0 : i32
        %parallel_loop3A_669 = arith.constant 0 : i32
        %parallel_loop3A_670 = tpu.memref_slice %arg7[%parallel_loop3A_668, %parallel_loop3A_639, %parallel_loop3A_669] : memref<2x32x128xf32, #tpu.memory_space<vmem>> -> memref<1x1x128xf32, #tpu.memory_space<vmem>>
        %parallel_loop3A_671 = tpu.memref_squeeze %parallel_loop3A_670 : memref<1x1x128xf32, #tpu.memory_space<vmem>> -> memref<128xf32, #tpu.memory_space<vmem>>
        %parallel_loop3A_672 = arith.constant 16 : index
        %parallel_loop3A_673 = tpu.vector_load %parallel_loop3A_671[%parallel_loop3A_672] {strides = array<i32>} : memref<128xf32, #tpu.memory_space<vmem>>, vector<16xf32>,
        tpu.vector_store %parallel_loop3A_671[%parallel_loop3A_672], %parallel_loop3A_667 {strides = array<i32>} : memref<128xf32, #tpu.memory_space<vmem>>, vector<16xf32>,
        %parallel_loop3A_674 = arith.constant 128 : i32
        %parallel_loop3A_675 = arith.muli %parallel_loop3A_639, %parallel_loop3A_674 : i32
        %parallel_loop3A_676 = arith.constant 32 : i32
        %parallel_loop3A_677 = arith.addi %parallel_loop3A_675, %parallel_loop3A_676 : i32
        %parallel_loop3A_678 = arith.constant 0 : i32
        %parallel_loop3A_679 = arith.constant 0 : i32
        %parallel_loop3A_680 = tpu.memref_slice %arg6[%parallel_loop3A_678, %parallel_loop3A_679] : memref<2x4096xi32, #tpu.memory_space<vmem>> -> memref<1x4096xi32, #tpu.memory_space<vmem>>
        %parallel_loop3A_681 = tpu.memref_squeeze %parallel_loop3A_680 : memref<1x4096xi32, #tpu.memory_space<vmem>> -> memref<4096xi32, #tpu.memory_space<vmem>>
        %parallel_loop3A_682 = arith.index_cast %parallel_loop3A_677 : i32 to index
        %parallel_loop3A_683 = tpu.vector_load %parallel_loop3A_681[%parallel_loop3A_682] {strides = array<i32>} : memref<4096xi32, #tpu.memory_space<vmem>>, vector<16xi32>,
        %parallel_loop3A_684 = tpu.vector_load_idx %arg5[%parallel_loop3A_683] : memref<100000xf32, #tpu.memory_space<vmem>>[vector<16xi32>], vector<16xf32>,
        %parallel_loop3A_685 = arith.constant 0 : i32
        %parallel_loop3A_686 = arith.constant 0 : i32
        %parallel_loop3A_687 = tpu.memref_slice %arg7[%parallel_loop3A_685, %parallel_loop3A_639, %parallel_loop3A_686] : memref<2x32x128xf32, #tpu.memory_space<vmem>> -> memref<1x1x128xf32, #tpu.memory_space<vmem>>
        %parallel_loop3A_688 = tpu.memref_squeeze %parallel_loop3A_687 : memref<1x1x128xf32, #tpu.memory_space<vmem>> -> memref<128xf32, #tpu.memory_space<vmem>>
        %parallel_loop3A_689 = arith.constant 32 : index
        %parallel_loop3A_690 = tpu.vector_load %parallel_loop3A_688[%parallel_loop3A_689] {strides = array<i32>} : memref<128xf32, #tpu.memory_space<vmem>>, vector<16xf32>,
        tpu.vector_store %parallel_loop3A_688[%parallel_loop3A_689], %parallel_loop3A_684 {strides = array<i32>} : memref<128xf32, #tpu.memory_space<vmem>>, vector<16xf32>,
        %parallel_loop3A_691 = arith.constant 128 : i32
        %parallel_loop3A_692 = arith.muli %parallel_loop3A_639, %parallel_loop3A_691 : i32
        %parallel_loop3A_693 = arith.constant 48 : i32
        %parallel_loop3A_694 = arith.addi %parallel_loop3A_692, %parallel_loop3A_693 : i32
        %parallel_loop3A_695 = arith.constant 0 : i32
        %parallel_loop3A_696 = arith.constant 0 : i32
        %parallel_loop3A_697 = tpu.memref_slice %arg6[%parallel_loop3A_695, %parallel_loop3A_696] : memref<2x4096xi32, #tpu.memory_space<vmem>> -> memref<1x4096xi32, #tpu.memory_space<vmem>>
        %parallel_loop3A_698 = tpu.memref_squeeze %parallel_loop3A_697 : memref<1x4096xi32, #tpu.memory_space<vmem>> -> memref<4096xi32, #tpu.memory_space<vmem>>
        %parallel_loop3A_699 = arith.index_cast %parallel_loop3A_694 : i32 to index
        %parallel_loop3A_700 = tpu.vector_load %parallel_loop3A_698[%parallel_loop3A_699] {strides = array<i32>} : memref<4096xi32, #tpu.memory_space<vmem>>, vector<16xi32>,
        %parallel_loop3A_701 = tpu.vector_load_idx %arg5[%parallel_loop3A_700] : memref<100000xf32, #tpu.memory_space<vmem>>[vector<16xi32>], vector<16xf32>,
        %parallel_loop3A_702 = arith.constant 0 : i32
        %parallel_loop3A_703 = arith.constant 0 : i32
        %parallel_loop3A_704 = tpu.memref_slice %arg7[%parallel_loop3A_702, %parallel_loop3A_639, %parallel_loop3A_703] : memref<2x32x128xf32, #tpu.memory_space<vmem>> -> memref<1x1x128xf32, #tpu.memory_space<vmem>>
        %parallel_loop3A_705 = tpu.memref_squeeze %parallel_loop3A_704 : memref<1x1x128xf32, #tpu.memory_space<vmem>> -> memref<128xf32, #tpu.memory_space<vmem>>
        %parallel_loop3A_706 = arith.constant 48 : index
        %parallel_loop3A_707 = tpu.vector_load %parallel_loop3A_705[%parallel_loop3A_706] {strides = array<i32>} : memref<128xf32, #tpu.memory_space<vmem>>, vector<16xf32>,
        tpu.vector_store %parallel_loop3A_705[%parallel_loop3A_706], %parallel_loop3A_701 {strides = array<i32>} : memref<128xf32, #tpu.memory_space<vmem>>, vector<16xf32>,
        %parallel_loop3A_708 = arith.constant 128 : i32
        %parallel_loop3A_709 = arith.muli %parallel_loop3A_639, %parallel_loop3A_708 : i32
        %parallel_loop3A_710 = arith.constant 64 : i32
        %parallel_loop3A_711 = arith.addi %parallel_loop3A_709, %parallel_loop3A_710 : i32
        %parallel_loop3A_712 = arith.constant 0 : i32
        %parallel_loop3A_713 = arith.constant 0 : i32
        %parallel_loop3A_714 = tpu.memref_slice %arg6[%parallel_loop3A_712, %parallel_loop3A_713] : memref<2x4096xi32, #tpu.memory_space<vmem>> -> memref<1x4096xi32, #tpu.memory_space<vmem>>
        %parallel_loop3A_715 = tpu.memref_squeeze %parallel_loop3A_714 : memref<1x4096xi32, #tpu.memory_space<vmem>> -> memref<4096xi32, #tpu.memory_space<vmem>>
        %parallel_loop3A_716 = arith.index_cast %parallel_loop3A_711 : i32 to index
        %parallel_loop3A_717 = tpu.vector_load %parallel_loop3A_715[%parallel_loop3A_716] {strides = array<i32>} : memref<4096xi32, #tpu.memory_space<vmem>>, vector<16xi32>,
        %parallel_loop3A_718 = tpu.vector_load_idx %arg5[%parallel_loop3A_717] : memref<100000xf32, #tpu.memory_space<vmem>>[vector<16xi32>], vector<16xf32>,
        %parallel_loop3A_719 = arith.constant 0 : i32
        %parallel_loop3A_720 = arith.constant 0 : i32
        %parallel_loop3A_721 = tpu.memref_slice %arg7[%parallel_loop3A_719, %parallel_loop3A_639, %parallel_loop3A_720] : memref<2x32x128xf32, #tpu.memory_space<vmem>> -> memref<1x1x128xf32, #tpu.memory_space<vmem>>
        %parallel_loop3A_722 = tpu.memref_squeeze %parallel_loop3A_721 : memref<1x1x128xf32, #tpu.memory_space<vmem>> -> memref<128xf32, #tpu.memory_space<vmem>>
        %parallel_loop3A_723 = arith.constant 64 : index
        %parallel_loop3A_724 = tpu.vector_load %parallel_loop3A_722[%parallel_loop3A_723] {strides = array<i32>} : memref<128xf32, #tpu.memory_space<vmem>>, vector<16xf32>,
        tpu.vector_store %parallel_loop3A_722[%parallel_loop3A_723], %parallel_loop3A_718 {strides = array<i32>} : memref<128xf32, #tpu.memory_space<vmem>>, vector<16xf32>,
        %parallel_loop3A_725 = arith.constant 128 : i32
        %parallel_loop3A_726 = arith.muli %parallel_loop3A_639, %parallel_loop3A_725 : i32
        %parallel_loop3A_727 = arith.constant 80 : i32
        %parallel_loop3A_728 = arith.addi %parallel_loop3A_726, %parallel_loop3A_727 : i32
        %parallel_loop3A_729 = arith.constant 0 : i32
        %parallel_loop3A_730 = arith.constant 0 : i32
        %parallel_loop3A_731 = tpu.memref_slice %arg6[%parallel_loop3A_729, %parallel_loop3A_730] : memref<2x4096xi32, #tpu.memory_space<vmem>> -> memref<1x4096xi32, #tpu.memory_space<vmem>>
        %parallel_loop3A_732 = tpu.memref_squeeze %parallel_loop3A_731 : memref<1x4096xi32, #tpu.memory_space<vmem>> -> memref<4096xi32, #tpu.memory_space<vmem>>
        %parallel_loop3A_733 = arith.index_cast %parallel_loop3A_728 : i32 to index
        %parallel_loop3A_734 = tpu.vector_load %parallel_loop3A_732[%parallel_loop3A_733] {strides = array<i32>} : memref<4096xi32, #tpu.memory_space<vmem>>, vector<16xi32>,
        %parallel_loop3A_735 = tpu.vector_load_idx %arg5[%parallel_loop3A_734] : memref<100000xf32, #tpu.memory_space<vmem>>[vector<16xi32>], vector<16xf32>,
        %parallel_loop3A_736 = arith.constant 0 : i32
        %parallel_loop3A_737 = arith.constant 0 : i32
        %parallel_loop3A_738 = tpu.memref_slice %arg7[%parallel_loop3A_736, %parallel_loop3A_639, %parallel_loop3A_737] : memref<2x32x128xf32, #tpu.memory_space<vmem>> -> memref<1x1x128xf32, #tpu.memory_space<vmem>>
        %parallel_loop3A_739 = tpu.memref_squeeze %parallel_loop3A_738 : memref<1x1x128xf32, #tpu.memory_space<vmem>> -> memref<128xf32, #tpu.memory_space<vmem>>
        %parallel_loop3A_740 = arith.constant 80 : index
        %parallel_loop3A_741 = tpu.vector_load %parallel_loop3A_739[%parallel_loop3A_740] {strides = array<i32>} : memref<128xf32, #tpu.memory_space<vmem>>, vector<16xf32>,
        tpu.vector_store %parallel_loop3A_739[%parallel_loop3A_740], %parallel_loop3A_735 {strides = array<i32>} : memref<128xf32, #tpu.memory_space<vmem>>, vector<16xf32>,
        %parallel_loop3A_742 = arith.constant 128 : i32
        %parallel_loop3A_743 = arith.muli %parallel_loop3A_639, %parallel_loop3A_742 : i32
        %parallel_loop3A_744 = arith.constant 96 : i32
        %parallel_loop3A_745 = arith.addi %parallel_loop3A_743, %parallel_loop3A_744 : i32
        %parallel_loop3A_746 = arith.constant 0 : i32
        %parallel_loop3A_747 = arith.constant 0 : i32
        %parallel_loop3A_748 = tpu.memref_slice %arg6[%parallel_loop3A_746, %parallel_loop3A_747] : memref<2x4096xi32, #tpu.memory_space<vmem>> -> memref<1x4096xi32, #tpu.memory_space<vmem>>
        %parallel_loop3A_749 = tpu.memref_squeeze %parallel_loop3A_748 : memref<1x4096xi32, #tpu.memory_space<vmem>> -> memref<4096xi32, #tpu.memory_space<vmem>>
        %parallel_loop3A_750 = arith.index_cast %parallel_loop3A_745 : i32 to index
        %parallel_loop3A_751 = tpu.vector_load %parallel_loop3A_749[%parallel_loop3A_750] {strides = array<i32>} : memref<4096xi32, #tpu.memory_space<vmem>>, vector<16xi32>,
        %parallel_loop3A_752 = tpu.vector_load_idx %arg5[%parallel_loop3A_751] : memref<100000xf32, #tpu.memory_space<vmem>>[vector<16xi32>], vector<16xf32>,
        %parallel_loop3A_753 = arith.constant 0 : i32
        %parallel_loop3A_754 = arith.constant 0 : i32
        %parallel_loop3A_755 = tpu.memref_slice %arg7[%parallel_loop3A_753, %parallel_loop3A_639, %parallel_loop3A_754] : memref<2x32x128xf32, #tpu.memory_space<vmem>> -> memref<1x1x128xf32, #tpu.memory_space<vmem>>
        %parallel_loop3A_756 = tpu.memref_squeeze %parallel_loop3A_755 : memref<1x1x128xf32, #tpu.memory_space<vmem>> -> memref<128xf32, #tpu.memory_space<vmem>>
        %parallel_loop3A_757 = arith.constant 96 : index
        %parallel_loop3A_758 = tpu.vector_load %parallel_loop3A_756[%parallel_loop3A_757] {strides = array<i32>} : memref<128xf32, #tpu.memory_space<vmem>>, vector<16xf32>,
        tpu.vector_store %parallel_loop3A_756[%parallel_loop3A_757], %parallel_loop3A_752 {strides = array<i32>} : memref<128xf32, #tpu.memory_space<vmem>>, vector<16xf32>,
        %parallel_loop3A_759 = arith.constant 128 : i32
        %parallel_loop3A_760 = arith.muli %parallel_loop3A_639, %parallel_loop3A_759 : i32
        %parallel_loop3A_761 = arith.constant 112 : i32
        %parallel_loop3A_762 = arith.addi %parallel_loop3A_760, %parallel_loop3A_761 : i32
        %parallel_loop3A_763 = arith.constant 0 : i32
        %parallel_loop3A_764 = arith.constant 0 : i32
        %parallel_loop3A_765 = tpu.memref_slice %arg6[%parallel_loop3A_763, %parallel_loop3A_764] : memref<2x4096xi32, #tpu.memory_space<vmem>> -> memref<1x4096xi32, #tpu.memory_space<vmem>>
        %parallel_loop3A_766 = tpu.memref_squeeze %parallel_loop3A_765 : memref<1x4096xi32, #tpu.memory_space<vmem>> -> memref<4096xi32, #tpu.memory_space<vmem>>
        %parallel_loop3A_767 = arith.index_cast %parallel_loop3A_762 : i32 to index
        %parallel_loop3A_768 = tpu.vector_load %parallel_loop3A_766[%parallel_loop3A_767] {strides = array<i32>} : memref<4096xi32, #tpu.memory_space<vmem>>, vector<16xi32>,
        %parallel_loop3A_769 = tpu.vector_load_idx %arg5[%parallel_loop3A_768] : memref<100000xf32, #tpu.memory_space<vmem>>[vector<16xi32>], vector<16xf32>,
        %parallel_loop3A_770 = arith.constant 0 : i32
        %parallel_loop3A_771 = arith.constant 0 : i32
        %parallel_loop3A_772 = tpu.memref_slice %arg7[%parallel_loop3A_770, %parallel_loop3A_639, %parallel_loop3A_771] : memref<2x32x128xf32, #tpu.memory_space<vmem>> -> memref<1x1x128xf32, #tpu.memory_space<vmem>>
        %parallel_loop3A_773 = tpu.memref_squeeze %parallel_loop3A_772 : memref<1x1x128xf32, #tpu.memory_space<vmem>> -> memref<128xf32, #tpu.memory_space<vmem>>
        %parallel_loop3A_774 = arith.constant 112 : index
        %parallel_loop3A_775 = tpu.vector_load %parallel_loop3A_773[%parallel_loop3A_774] {strides = array<i32>} : memref<128xf32, #tpu.memory_space<vmem>>, vector<16xf32>,
        tpu.vector_store %parallel_loop3A_773[%parallel_loop3A_774], %parallel_loop3A_769 {strides = array<i32>} : memref<128xf32, #tpu.memory_space<vmem>>, vector<16xf32>,
      } {sc.loop_unroll_factor = 16 : i64, sc.parallel_access}
      %lt3A_540 = arith.constant 24 : i32
      %lt3A_541 = arith.cmpi slt, %scan3A_492, %lt3A_540 : i32
      %convert_element_type3A_542 = arith.extui %lt3A_541 : i1 to i32
      %cond3A_543 = arith.constant 0 : i32
      %cond3A_544 = arith.cmpi ne, %convert_element_type3A_542, %cond3A_543 : i32
      scf.if %cond3A_544 {
        %add3A_639 = arith.constant 2 : i32
        %add3A_640 = arith.addi %add3A_497, %add3A_639 : i32
        %dma_start3A_641 = arith.constant 0 : i32
        %dma_start3A_642 = arith.constant 0 : i32
        %dma_start3A_643 = arith.constant 0 : i32
        %dma_start3A_644 = tpu.memref_slice %arg6[%dma_start3A_641, %dma_start3A_643] : memref<2x4096xi32, #tpu.memory_space<vmem>> -> memref<1x4096xi32, #tpu.memory_space<vmem>>
        %dma_start3A_645 = tpu.memref_squeeze %dma_start3A_644 : memref<1x4096xi32, #tpu.memory_space<vmem>> -> memref<4096xi32, #tpu.memory_space<vmem>>
        %dma_start3A_646 = arith.constant 0 : i32
        %dma_start3A_647 = tpu.memref_slice %arg8[%add3A_640, %dma_start3A_646] : memref<50x4096xi32, #tpu.memory_space<vmem_shared>> -> memref<1x4096xi32, #tpu.memory_space<vmem_shared>>
        %dma_start3A_648 = tpu.memref_squeeze %dma_start3A_647 : memref<1x4096xi32, #tpu.memory_space<vmem_shared>> -> memref<4096xi32, #tpu.memory_space<vmem_shared>>
        %dma_start3A_649 = tpu.memref_slice %arg9[%dma_start3A_642] : memref<2x!tpu.dma_semaphore, #tpu.memory_space<semaphore_mem>> -> memref<1x!tpu.dma_semaphore, #tpu.memory_space<semaphore_mem>>
        %dma_start3A_650 = tpu.memref_squeeze %dma_start3A_649 : memref<1x!tpu.dma_semaphore, #tpu.memory_space<semaphore_mem>> -> memref<!tpu.dma_semaphore, #tpu.memory_space<semaphore_mem>>
        %dma_start3A_651 = arith.constant 0 : i32
        %dma_start3A_652 = tpu.memref_slice %arg6[%dma_start3A_641, %dma_start3A_651] : memref<2x4096xi32, #tpu.memory_space<vmem>> -> memref<1x4096xi32, #tpu.memory_space<vmem>>
        %dma_start3A_653 = tpu.memref_squeeze %dma_start3A_652 : memref<1x4096xi32, #tpu.memory_space<vmem>> -> memref<4096xi32, #tpu.memory_space<vmem>>
        %dma_start3A_654 = arith.constant 0 : i32
        %dma_start3A_655 = tpu.memref_slice %arg8[%add3A_640, %dma_start3A_654] : memref<50x4096xi32, #tpu.memory_space<vmem_shared>> -> memref<1x4096xi32, #tpu.memory_space<vmem_shared>>
        %dma_start3A_656 = tpu.memref_squeeze %dma_start3A_655 : memref<1x4096xi32, #tpu.memory_space<vmem_shared>> -> memref<4096xi32, #tpu.memory_space<vmem_shared>>
        tpu.enqueue_dma source(%dma_start3A_656 : memref<4096xi32, #tpu.memory_space<vmem_shared>>) target(%dma_start3A_653 : memref<4096xi32, #tpu.memory_space<vmem>>) target_semaphore(%dma_start3A_650 : memref<!tpu.dma_semaphore, #tpu.memory_space<semaphore_mem>>)
      } else {
      }
      %mul3A_545 = arith.constant 128 : i32
      %mul3A_546 = arith.muli %select_n3A_288, %mul3A_545 : i32
      %multiple_of3A_547 = tpu.assume_multiple %mul3A_546, 128 : i32
      %dma_start3A_548 = arith.constant 0 : i32
      %dma_start3A_549 = arith.constant 0 : i32
      %dma_start3A_550 = arith.constant 0 : i32
      %dma_start3A_551 = arith.constant 0 : i32
      %dma_start3A_552 = tpu.memref_slice %arg7[%dma_start3A_548, %dma_start3A_550, %dma_start3A_551] : memref<2x32x128xf32, #tpu.memory_space<vmem>> -> memref<1x32x128xf32, #tpu.memory_space<vmem>>
      %dma_start3A_553 = tpu.memref_squeeze %dma_start3A_552 : memref<1x32x128xf32, #tpu.memory_space<vmem>> -> memref<32x128xf32, #tpu.memory_space<vmem>>
      %dma_start3A_554 = arith.constant 0 : i32
      %dma_start3A_555 = tpu.memref_slice %arg4[%add3A_497, %select_n3A_272, %dma_start3A_554, %multiple_of3A_547] : memref<50x8x32x1024xf32, #tpu.memory_space<hbm>> -> memref<1x1x32x128xf32, #tpu.memory_space<hbm>>
      %dma_start3A_556 = tpu.memref_squeeze %dma_start3A_555 : memref<1x1x32x128xf32, #tpu.memory_space<hbm>> -> memref<32x128xf32, #tpu.memory_space<hbm>>
      %dma_start3A_557 = tpu.memref_slice %arg10[%dma_start3A_549] : memref<2x!tpu.dma_semaphore, #tpu.memory_space<semaphore_mem>> -> memref<1x!tpu.dma_semaphore, #tpu.memory_space<semaphore_mem>>
      %dma_start3A_558 = tpu.memref_squeeze %dma_start3A_557 : memref<1x!tpu.dma_semaphore, #tpu.memory_space<semaphore_mem>> -> memref<!tpu.dma_semaphore, #tpu.memory_space<semaphore_mem>>
      %dma_start3A_559 = arith.constant 0 : i32
      %dma_start3A_560 = tpu.memref_slice %arg4[%add3A_497, %select_n3A_272, %dma_start3A_559, %multiple_of3A_547] : memref<50x8x32x1024xf32, #tpu.memory_space<hbm>> -> memref<1x1x32x128xf32, #tpu.memory_space<hbm>>
      %dma_start3A_561 = tpu.memref_squeeze %dma_start3A_560 : memref<1x1x32x128xf32, #tpu.memory_space<hbm>> -> memref<32x128xf32, #tpu.memory_space<hbm>>
      %dma_start3A_562 = arith.constant 0 : i32
      %dma_start3A_563 = arith.constant 0 : i32
      %dma_start3A_564 = tpu.memref_slice %arg7[%dma_start3A_548, %dma_start3A_562, %dma_start3A_563] : memref<2x32x128xf32, #tpu.memory_space<vmem>> -> memref<1x32x128xf32, #tpu.memory_space<vmem>>
      %dma_start3A_565 = tpu.memref_squeeze %dma_start3A_564 : memref<1x32x128xf32, #tpu.memory_space<vmem>> -> memref<32x128xf32, #tpu.memory_space<vmem>>
      tpu.enqueue_dma source(%dma_start3A_565 : memref<32x128xf32, #tpu.memory_space<vmem>>) target(%dma_start3A_561 : memref<32x128xf32, #tpu.memory_space<hbm>>) target_semaphore(%dma_start3A_558 : memref<!tpu.dma_semaphore, #tpu.memory_space<semaphore_mem>>)
      %mul3A_566 = arith.constant 2 : i32
      %mul3A_567 = arith.muli %mul3A_566, %scan3A_492 : i32
      %add3A_568 = arith.constant 1 : i32
      %add3A_569 = arith.addi %mul3A_567, %add3A_568 : i32
      %dma_wait3A_570 = arith.constant 0 : i32
      %dma_wait3A_571 = arith.constant 1 : i32
      %dma_wait3A_572 = arith.constant 1 : i32
      %dma_wait3A_573 = arith.constant 0 : i32
      %dma_wait3A_574 = tpu.memref_slice %arg6[%dma_wait3A_571, %dma_wait3A_573] : memref<2x4096xi32, #tpu.memory_space<vmem>> -> memref<1x4096xi32, #tpu.memory_space<vmem>>
      %dma_wait3A_575 = tpu.memref_squeeze %dma_wait3A_574 : memref<1x4096xi32, #tpu.memory_space<vmem>> -> memref<4096xi32, #tpu.memory_space<vmem>>
      %dma_wait3A_576 = arith.constant 0 : i32
      %dma_wait3A_577 = tpu.memref_slice %arg8[%dma_wait3A_570, %dma_wait3A_576] : memref<50x4096xi32, #tpu.memory_space<vmem_shared>> -> memref<1x4096xi32, #tpu.memory_space<vmem_shared>>
      %dma_wait3A_578 = tpu.memref_squeeze %dma_wait3A_577 : memref<1x4096xi32, #tpu.memory_space<vmem_shared>> -> memref<4096xi32, #tpu.memory_space<vmem_shared>>
      %dma_wait3A_579 = tpu.memref_slice %arg9[%dma_wait3A_572] : memref<2x!tpu.dma_semaphore, #tpu.memory_space<semaphore_mem>> -> memref<1x!tpu.dma_semaphore, #tpu.memory_space<semaphore_mem>>
      %dma_wait3A_580 = tpu.memref_squeeze %dma_wait3A_579 : memref<1x!tpu.dma_semaphore, #tpu.memory_space<semaphore_mem>> -> memref<!tpu.dma_semaphore, #tpu.memory_space<semaphore_mem>>
      %dma_wait3A_581 = arith.constant 0 : i32
      %dma_wait3A_582 = tpu.memref_slice %arg6[%dma_wait3A_571, %dma_wait3A_581] : memref<2x4096xi32, #tpu.memory_space<vmem>> -> memref<1x4096xi32, #tpu.memory_space<vmem>>
      %dma_wait3A_583 = tpu.memref_squeeze %dma_wait3A_582 : memref<1x4096xi32, #tpu.memory_space<vmem>> -> memref<4096xi32, #tpu.memory_space<vmem>>
      %dma_wait3A_584 = arith.constant 0 : i32
      %dma_wait3A_585 = tpu.memref_slice %arg8[%dma_wait3A_570, %dma_wait3A_584] : memref<50x4096xi32, #tpu.memory_space<vmem_shared>> -> memref<1x4096xi32, #tpu.memory_space<vmem_shared>>
      %dma_wait3A_586 = tpu.memref_squeeze %dma_wait3A_585 : memref<1x4096xi32, #tpu.memory_space<vmem_shared>> -> memref<4096xi32, #tpu.memory_space<vmem_shared>>
      tpu.wait_dma2 semaphore(%dma_wait3A_580 : memref<!tpu.dma_semaphore, #tpu.memory_space<semaphore_mem>>) src(%dma_wait3A_586 : memref<4096xi32, #tpu.memory_space<vmem_shared>>) dst(%dma_wait3A_583 : memref<4096xi32, #tpu.memory_space<vmem>>)
      %dma_wait3A_587 = arith.constant 1 : i32
      %dma_wait3A_588 = arith.constant 0 : i32
      %dma_wait3A_589 = arith.constant 0 : i32
      %dma_wait3A_590 = arith.constant 1 : i32
      %dma_wait3A_591 = arith.constant 0 : i32
      %dma_wait3A_592 = arith.constant 0 : i32
      %dma_wait3A_593 = tpu.memref_slice %arg7[%dma_wait3A_587, %dma_wait3A_591, %dma_wait3A_592] : memref<2x32x128xf32, #tpu.memory_space<vmem>> -> memref<1x32x128xf32, #tpu.memory_space<vmem>>
      %dma_wait3A_594 = tpu.memref_squeeze %dma_wait3A_593 : memref<1x32x128xf32, #tpu.memory_space<vmem>> -> memref<32x128xf32, #tpu.memory_space<vmem>>
      %dma_wait3A_595 = arith.constant 0 : i32
      %dma_wait3A_596 = arith.constant 0 : i32
      %dma_wait3A_597 = tpu.memref_slice %arg4[%dma_wait3A_588, %dma_wait3A_589, %dma_wait3A_595, %dma_wait3A_596] : memref<50x8x32x1024xf32, #tpu.memory_space<hbm>> -> memref<1x1x32x128xf32, #tpu.memory_space<hbm>>
      %dma_wait3A_598 = tpu.memref_squeeze %dma_wait3A_597 : memref<1x1x32x128xf32, #tpu.memory_space<hbm>> -> memref<32x128xf32, #tpu.memory_space<hbm>>
      %dma_wait3A_599 = tpu.memref_slice %arg10[%dma_wait3A_590] : memref<2x!tpu.dma_semaphore, #tpu.memory_space<semaphore_mem>> -> memref<1x!tpu.dma_semaphore, #tpu.memory_space<semaphore_mem>>
      %dma_wait3A_600 = tpu.memref_squeeze %dma_wait3A_599 : memref<1x!tpu.dma_semaphore, #tpu.memory_space<semaphore_mem>> -> memref<!tpu.dma_semaphore, #tpu.memory_space<semaphore_mem>>
      %dma_wait3A_601 = arith.constant 0 : i32
      %dma_wait3A_602 = arith.constant 0 : i32
      %dma_wait3A_603 = tpu.memref_slice %arg4[%dma_wait3A_588, %dma_wait3A_589, %dma_wait3A_601, %dma_wait3A_602] : memref<50x8x32x1024xf32, #tpu.memory_space<hbm>> -> memref<1x1x32x128xf32, #tpu.memory_space<hbm>>
      %dma_wait3A_604 = tpu.memref_squeeze %dma_wait3A_603 : memref<1x1x32x128xf32, #tpu.memory_space<hbm>> -> memref<32x128xf32, #tpu.memory_space<hbm>>
      %dma_wait3A_605 = arith.constant 0 : i32
      %dma_wait3A_606 = arith.constant 0 : i32
      %dma_wait3A_607 = tpu.memref_slice %arg7[%dma_wait3A_587, %dma_wait3A_605, %dma_wait3A_606] : memref<2x32x128xf32, #tpu.memory_space<vmem>> -> memref<1x32x128xf32, #tpu.memory_space<vmem>>
      %dma_wait3A_608 = tpu.memref_squeeze %dma_wait3A_607 : memref<1x32x128xf32, #tpu.memory_space<vmem>> -> memref<32x128xf32, #tpu.memory_space<vmem>>
      tpu.wait_dma2 semaphore(%dma_wait3A_600 : memref<!tpu.dma_semaphore, #tpu.memory_space<semaphore_mem>>) src(%dma_wait3A_608 : memref<32x128xf32, #tpu.memory_space<vmem>>) dst(%dma_wait3A_604 : memref<32x128xf32, #tpu.memory_space<hbm>>)
      %parallel_loop3A_609 = arith.constant 0 : i32
      %parallel_loop3A_610 = arith.constant 32 : i32
      %parallel_loop3A_611 = arith.constant 1 : i32
      scf.for %parallel_loop3A_639 = %parallel_loop3A_609 to %parallel_loop3A_610 step %parallel_loop3A_611  : i32 {
        %parallel_loop3A_640 = arith.constant 128 : i32
        %parallel_loop3A_641 = arith.muli %parallel_loop3A_639, %parallel_loop3A_640 : i32
        %parallel_loop3A_642 = arith.constant 0 : i32
        %parallel_loop3A_643 = arith.addi %parallel_loop3A_641, %parallel_loop3A_642 : i32
        %parallel_loop3A_644 = arith.constant 1 : i32
        %parallel_loop3A_645 = arith.constant 0 : i32
        %parallel_loop3A_646 = tpu.memref_slice %arg6[%parallel_loop3A_644, %parallel_loop3A_645] : memref<2x4096xi32, #tpu.memory_space<vmem>> -> memref<1x4096xi32, #tpu.memory_space<vmem>>
        %parallel_loop3A_647 = tpu.memref_squeeze %parallel_loop3A_646 : memref<1x4096xi32, #tpu.memory_space<vmem>> -> memref<4096xi32, #tpu.memory_space<vmem>>
        %parallel_loop3A_648 = arith.index_cast %parallel_loop3A_643 : i32 to index
        %parallel_loop3A_649 = tpu.vector_load %parallel_loop3A_647[%parallel_loop3A_648] {strides = array<i32>} : memref<4096xi32, #tpu.memory_space<vmem>>, vector<16xi32>,
        %parallel_loop3A_650 = tpu.vector_load_idx %arg5[%parallel_loop3A_649] : memref<100000xf32, #tpu.memory_space<vmem>>[vector<16xi32>], vector<16xf32>,
        %parallel_loop3A_651 = arith.constant 1 : i32
        %parallel_loop3A_652 = arith.constant 0 : i32
        %parallel_loop3A_653 = tpu.memref_slice %arg7[%parallel_loop3A_651, %parallel_loop3A_639, %parallel_loop3A_652] : memref<2x32x128xf32, #tpu.memory_space<vmem>> -> memref<1x1x128xf32, #tpu.memory_space<vmem>>
        %parallel_loop3A_654 = tpu.memref_squeeze %parallel_loop3A_653 : memref<1x1x128xf32, #tpu.memory_space<vmem>> -> memref<128xf32, #tpu.memory_space<vmem>>
        %parallel_loop3A_655 = arith.constant 0 : index
        %parallel_loop3A_656 = tpu.vector_load %parallel_loop3A_654[%parallel_loop3A_655] {strides = array<i32>} : memref<128xf32, #tpu.memory_space<vmem>>, vector<16xf32>,
        tpu.vector_store %parallel_loop3A_654[%parallel_loop3A_655], %parallel_loop3A_650 {strides = array<i32>} : memref<128xf32, #tpu.memory_space<vmem>>, vector<16xf32>,
        %parallel_loop3A_657 = arith.constant 128 : i32
        %parallel_loop3A_658 = arith.muli %parallel_loop3A_639, %parallel_loop3A_657 : i32
        %parallel_loop3A_659 = arith.constant 16 : i32
        %parallel_loop3A_660 = arith.addi %parallel_loop3A_658, %parallel_loop3A_659 : i32
        %parallel_loop3A_661 = arith.constant 1 : i32
        %parallel_loop3A_662 = arith.constant 0 : i32
        %parallel_loop3A_663 = tpu.memref_slice %arg6[%parallel_loop3A_661, %parallel_loop3A_662] : memref<2x4096xi32, #tpu.memory_space<vmem>> -> memref<1x4096xi32, #tpu.memory_space<vmem>>
        %parallel_loop3A_664 = tpu.memref_squeeze %parallel_loop3A_663 : memref<1x4096xi32, #tpu.memory_space<vmem>> -> memref<4096xi32, #tpu.memory_space<vmem>>
        %parallel_loop3A_665 = arith.index_cast %parallel_loop3A_660 : i32 to index
        %parallel_loop3A_666 = tpu.vector_load %parallel_loop3A_664[%parallel_loop3A_665] {strides = array<i32>} : memref<4096xi32, #tpu.memory_space<vmem>>, vector<16xi32>,
        %parallel_loop3A_667 = tpu.vector_load_idx %arg5[%parallel_loop3A_666] : memref<100000xf32, #tpu.memory_space<vmem>>[vector<16xi32>], vector<16xf32>,
        %parallel_loop3A_668 = arith.constant 1 : i32
        %parallel_loop3A_669 = arith.constant 0 : i32
        %parallel_loop3A_670 = tpu.memref_slice %arg7[%parallel_loop3A_668, %parallel_loop3A_639, %parallel_loop3A_669] : memref<2x32x128xf32, #tpu.memory_space<vmem>> -> memref<1x1x128xf32, #tpu.memory_space<vmem>>
        %parallel_loop3A_671 = tpu.memref_squeeze %parallel_loop3A_670 : memref<1x1x128xf32, #tpu.memory_space<vmem>> -> memref<128xf32, #tpu.memory_space<vmem>>
        %parallel_loop3A_672 = arith.constant 16 : index
        %parallel_loop3A_673 = tpu.vector_load %parallel_loop3A_671[%parallel_loop3A_672] {strides = array<i32>} : memref<128xf32, #tpu.memory_space<vmem>>, vector<16xf32>,
        tpu.vector_store %parallel_loop3A_671[%parallel_loop3A_672], %parallel_loop3A_667 {strides = array<i32>} : memref<128xf32, #tpu.memory_space<vmem>>, vector<16xf32>,
        %parallel_loop3A_674 = arith.constant 128 : i32
        %parallel_loop3A_675 = arith.muli %parallel_loop3A_639, %parallel_loop3A_674 : i32
        %parallel_loop3A_676 = arith.constant 32 : i32
        %parallel_loop3A_677 = arith.addi %parallel_loop3A_675, %parallel_loop3A_676 : i32
        %parallel_loop3A_678 = arith.constant 1 : i32
        %parallel_loop3A_679 = arith.constant 0 : i32
        %parallel_loop3A_680 = tpu.memref_slice %arg6[%parallel_loop3A_678, %parallel_loop3A_679] : memref<2x4096xi32, #tpu.memory_space<vmem>> -> memref<1x4096xi32, #tpu.memory_space<vmem>>
        %parallel_loop3A_681 = tpu.memref_squeeze %parallel_loop3A_680 : memref<1x4096xi32, #tpu.memory_space<vmem>> -> memref<4096xi32, #tpu.memory_space<vmem>>
        %parallel_loop3A_682 = arith.index_cast %parallel_loop3A_677 : i32 to index
        %parallel_loop3A_683 = tpu.vector_load %parallel_loop3A_681[%parallel_loop3A_682] {strides = array<i32>} : memref<4096xi32, #tpu.memory_space<vmem>>, vector<16xi32>,
        %parallel_loop3A_684 = tpu.vector_load_idx %arg5[%parallel_loop3A_683] : memref<100000xf32, #tpu.memory_space<vmem>>[vector<16xi32>], vector<16xf32>,
        %parallel_loop3A_685 = arith.constant 1 : i32
        %parallel_loop3A_686 = arith.constant 0 : i32
        %parallel_loop3A_687 = tpu.memref_slice %arg7[%parallel_loop3A_685, %parallel_loop3A_639, %parallel_loop3A_686] : memref<2x32x128xf32, #tpu.memory_space<vmem>> -> memref<1x1x128xf32, #tpu.memory_space<vmem>>
        %parallel_loop3A_688 = tpu.memref_squeeze %parallel_loop3A_687 : memref<1x1x128xf32, #tpu.memory_space<vmem>> -> memref<128xf32, #tpu.memory_space<vmem>>
        %parallel_loop3A_689 = arith.constant 32 : index
        %parallel_loop3A_690 = tpu.vector_load %parallel_loop3A_688[%parallel_loop3A_689] {strides = array<i32>} : memref<128xf32, #tpu.memory_space<vmem>>, vector<16xf32>,
        tpu.vector_store %parallel_loop3A_688[%parallel_loop3A_689], %parallel_loop3A_684 {strides = array<i32>} : memref<128xf32, #tpu.memory_space<vmem>>, vector<16xf32>,
        %parallel_loop3A_691 = arith.constant 128 : i32
        %parallel_loop3A_692 = arith.muli %parallel_loop3A_639, %parallel_loop3A_691 : i32
        %parallel_loop3A_693 = arith.constant 48 : i32
        %parallel_loop3A_694 = arith.addi %parallel_loop3A_692, %parallel_loop3A_693 : i32
        %parallel_loop3A_695 = arith.constant 1 : i32
        %parallel_loop3A_696 = arith.constant 0 : i32
        %parallel_loop3A_697 = tpu.memref_slice %arg6[%parallel_loop3A_695, %parallel_loop3A_696] : memref<2x4096xi32, #tpu.memory_space<vmem>> -> memref<1x4096xi32, #tpu.memory_space<vmem>>
        %parallel_loop3A_698 = tpu.memref_squeeze %parallel_loop3A_697 : memref<1x4096xi32, #tpu.memory_space<vmem>> -> memref<4096xi32, #tpu.memory_space<vmem>>
        %parallel_loop3A_699 = arith.index_cast %parallel_loop3A_694 : i32 to index
        %parallel_loop3A_700 = tpu.vector_load %parallel_loop3A_698[%parallel_loop3A_699] {strides = array<i32>} : memref<4096xi32, #tpu.memory_space<vmem>>, vector<16xi32>,
        %parallel_loop3A_701 = tpu.vector_load_idx %arg5[%parallel_loop3A_700] : memref<100000xf32, #tpu.memory_space<vmem>>[vector<16xi32>], vector<16xf32>,
        %parallel_loop3A_702 = arith.constant 1 : i32
        %parallel_loop3A_703 = arith.constant 0 : i32
        %parallel_loop3A_704 = tpu.memref_slice %arg7[%parallel_loop3A_702, %parallel_loop3A_639, %parallel_loop3A_703] : memref<2x32x128xf32, #tpu.memory_space<vmem>> -> memref<1x1x128xf32, #tpu.memory_space<vmem>>
        %parallel_loop3A_705 = tpu.memref_squeeze %parallel_loop3A_704 : memref<1x1x128xf32, #tpu.memory_space<vmem>> -> memref<128xf32, #tpu.memory_space<vmem>>
        %parallel_loop3A_706 = arith.constant 48 : index
        %parallel_loop3A_707 = tpu.vector_load %parallel_loop3A_705[%parallel_loop3A_706] {strides = array<i32>} : memref<128xf32, #tpu.memory_space<vmem>>, vector<16xf32>,
        tpu.vector_store %parallel_loop3A_705[%parallel_loop3A_706], %parallel_loop3A_701 {strides = array<i32>} : memref<128xf32, #tpu.memory_space<vmem>>, vector<16xf32>,
        %parallel_loop3A_708 = arith.constant 128 : i32
        %parallel_loop3A_709 = arith.muli %parallel_loop3A_639, %parallel_loop3A_708 : i32
        %parallel_loop3A_710 = arith.constant 64 : i32
        %parallel_loop3A_711 = arith.addi %parallel_loop3A_709, %parallel_loop3A_710 : i32
        %parallel_loop3A_712 = arith.constant 1 : i32
        %parallel_loop3A_713 = arith.constant 0 : i32
        %parallel_loop3A_714 = tpu.memref_slice %arg6[%parallel_loop3A_712, %parallel_loop3A_713] : memref<2x4096xi32, #tpu.memory_space<vmem>> -> memref<1x4096xi32, #tpu.memory_space<vmem>>
        %parallel_loop3A_715 = tpu.memref_squeeze %parallel_loop3A_714 : memref<1x4096xi32, #tpu.memory_space<vmem>> -> memref<4096xi32, #tpu.memory_space<vmem>>
        %parallel_loop3A_716 = arith.index_cast %parallel_loop3A_711 : i32 to index
        %parallel_loop3A_717 = tpu.vector_load %parallel_loop3A_715[%parallel_loop3A_716] {strides = array<i32>} : memref<4096xi32, #tpu.memory_space<vmem>>, vector<16xi32>,
        %parallel_loop3A_718 = tpu.vector_load_idx %arg5[%parallel_loop3A_717] : memref<100000xf32, #tpu.memory_space<vmem>>[vector<16xi32>], vector<16xf32>,
        %parallel_loop3A_719 = arith.constant 1 : i32
        %parallel_loop3A_720 = arith.constant 0 : i32
        %parallel_loop3A_721 = tpu.memref_slice %arg7[%parallel_loop3A_719, %parallel_loop3A_639, %parallel_loop3A_720] : memref<2x32x128xf32, #tpu.memory_space<vmem>> -> memref<1x1x128xf32, #tpu.memory_space<vmem>>
        %parallel_loop3A_722 = tpu.memref_squeeze %parallel_loop3A_721 : memref<1x1x128xf32, #tpu.memory_space<vmem>> -> memref<128xf32, #tpu.memory_space<vmem>>
        %parallel_loop3A_723 = arith.constant 64 : index
        %parallel_loop3A_724 = tpu.vector_load %parallel_loop3A_722[%parallel_loop3A_723] {strides = array<i32>} : memref<128xf32, #tpu.memory_space<vmem>>, vector<16xf32>,
        tpu.vector_store %parallel_loop3A_722[%parallel_loop3A_723], %parallel_loop3A_718 {strides = array<i32>} : memref<128xf32, #tpu.memory_space<vmem>>, vector<16xf32>,
        %parallel_loop3A_725 = arith.constant 128 : i32
        %parallel_loop3A_726 = arith.muli %parallel_loop3A_639, %parallel_loop3A_725 : i32
        %parallel_loop3A_727 = arith.constant 80 : i32
        %parallel_loop3A_728 = arith.addi %parallel_loop3A_726, %parallel_loop3A_727 : i32
        %parallel_loop3A_729 = arith.constant 1 : i32
        %parallel_loop3A_730 = arith.constant 0 : i32
        %parallel_loop3A_731 = tpu.memref_slice %arg6[%parallel_loop3A_729, %parallel_loop3A_730] : memref<2x4096xi32, #tpu.memory_space<vmem>> -> memref<1x4096xi32, #tpu.memory_space<vmem>>
        %parallel_loop3A_732 = tpu.memref_squeeze %parallel_loop3A_731 : memref<1x4096xi32, #tpu.memory_space<vmem>> -> memref<4096xi32, #tpu.memory_space<vmem>>
        %parallel_loop3A_733 = arith.index_cast %parallel_loop3A_728 : i32 to index
        %parallel_loop3A_734 = tpu.vector_load %parallel_loop3A_732[%parallel_loop3A_733] {strides = array<i32>} : memref<4096xi32, #tpu.memory_space<vmem>>, vector<16xi32>,
        %parallel_loop3A_735 = tpu.vector_load_idx %arg5[%parallel_loop3A_734] : memref<100000xf32, #tpu.memory_space<vmem>>[vector<16xi32>], vector<16xf32>,
        %parallel_loop3A_736 = arith.constant 1 : i32
        %parallel_loop3A_737 = arith.constant 0 : i32
        %parallel_loop3A_738 = tpu.memref_slice %arg7[%parallel_loop3A_736, %parallel_loop3A_639, %parallel_loop3A_737] : memref<2x32x128xf32, #tpu.memory_space<vmem>> -> memref<1x1x128xf32, #tpu.memory_space<vmem>>
        %parallel_loop3A_739 = tpu.memref_squeeze %parallel_loop3A_738 : memref<1x1x128xf32, #tpu.memory_space<vmem>> -> memref<128xf32, #tpu.memory_space<vmem>>
        %parallel_loop3A_740 = arith.constant 80 : index
        %parallel_loop3A_741 = tpu.vector_load %parallel_loop3A_739[%parallel_loop3A_740] {strides = array<i32>} : memref<128xf32, #tpu.memory_space<vmem>>, vector<16xf32>,
        tpu.vector_store %parallel_loop3A_739[%parallel_loop3A_740], %parallel_loop3A_735 {strides = array<i32>} : memref<128xf32, #tpu.memory_space<vmem>>, vector<16xf32>,
        %parallel_loop3A_742 = arith.constant 128 : i32
        %parallel_loop3A_743 = arith.muli %parallel_loop3A_639, %parallel_loop3A_742 : i32
        %parallel_loop3A_744 = arith.constant 96 : i32
        %parallel_loop3A_745 = arith.addi %parallel_loop3A_743, %parallel_loop3A_744 : i32
        %parallel_loop3A_746 = arith.constant 1 : i32
        %parallel_loop3A_747 = arith.constant 0 : i32
        %parallel_loop3A_748 = tpu.memref_slice %arg6[%parallel_loop3A_746, %parallel_loop3A_747] : memref<2x4096xi32, #tpu.memory_space<vmem>> -> memref<1x4096xi32, #tpu.memory_space<vmem>>
        %parallel_loop3A_749 = tpu.memref_squeeze %parallel_loop3A_748 : memref<1x4096xi32, #tpu.memory_space<vmem>> -> memref<4096xi32, #tpu.memory_space<vmem>>
        %parallel_loop3A_750 = arith.index_cast %parallel_loop3A_745 : i32 to index
        %parallel_loop3A_751 = tpu.vector_load %parallel_loop3A_749[%parallel_loop3A_750] {strides = array<i32>} : memref<4096xi32, #tpu.memory_space<vmem>>, vector<16xi32>,
        %parallel_loop3A_752 = tpu.vector_load_idx %arg5[%parallel_loop3A_751] : memref<100000xf32, #tpu.memory_space<vmem>>[vector<16xi32>], vector<16xf32>,
        %parallel_loop3A_753 = arith.constant 1 : i32
        %parallel_loop3A_754 = arith.constant 0 : i32
        %parallel_loop3A_755 = tpu.memref_slice %arg7[%parallel_loop3A_753, %parallel_loop3A_639, %parallel_loop3A_754] : memref<2x32x128xf32, #tpu.memory_space<vmem>> -> memref<1x1x128xf32, #tpu.memory_space<vmem>>
        %parallel_loop3A_756 = tpu.memref_squeeze %parallel_loop3A_755 : memref<1x1x128xf32, #tpu.memory_space<vmem>> -> memref<128xf32, #tpu.memory_space<vmem>>
        %parallel_loop3A_757 = arith.constant 96 : index
        %parallel_loop3A_758 = tpu.vector_load %parallel_loop3A_756[%parallel_loop3A_757] {strides = array<i32>} : memref<128xf32, #tpu.memory_space<vmem>>, vector<16xf32>,
        tpu.vector_store %parallel_loop3A_756[%parallel_loop3A_757], %parallel_loop3A_752 {strides = array<i32>} : memref<128xf32, #tpu.memory_space<vmem>>, vector<16xf32>,
        %parallel_loop3A_759 = arith.constant 128 : i32
        %parallel_loop3A_760 = arith.muli %parallel_loop3A_639, %parallel_loop3A_759 : i32
        %parallel_loop3A_761 = arith.constant 112 : i32
        %parallel_loop3A_762 = arith.addi %parallel_loop3A_760, %parallel_loop3A_761 : i32
        %parallel_loop3A_763 = arith.constant 1 : i32
        %parallel_loop3A_764 = arith.constant 0 : i32
        %parallel_loop3A_765 = tpu.memref_slice %arg6[%parallel_loop3A_763, %parallel_loop3A_764] : memref<2x4096xi32, #tpu.memory_space<vmem>> -> memref<1x4096xi32, #tpu.memory_space<vmem>>
        %parallel_loop3A_766 = tpu.memref_squeeze %parallel_loop3A_765 : memref<1x4096xi32, #tpu.memory_space<vmem>> -> memref<4096xi32, #tpu.memory_space<vmem>>
        %parallel_loop3A_767 = arith.index_cast %parallel_loop3A_762 : i32 to index
        %parallel_loop3A_768 = tpu.vector_load %parallel_loop3A_766[%parallel_loop3A_767] {strides = array<i32>} : memref<4096xi32, #tpu.memory_space<vmem>>, vector<16xi32>,
        %parallel_loop3A_769 = tpu.vector_load_idx %arg5[%parallel_loop3A_768] : memref<100000xf32, #tpu.memory_space<vmem>>[vector<16xi32>], vector<16xf32>,
        %parallel_loop3A_770 = arith.constant 1 : i32
        %parallel_loop3A_771 = arith.constant 0 : i32
        %parallel_loop3A_772 = tpu.memref_slice %arg7[%parallel_loop3A_770, %parallel_loop3A_639, %parallel_loop3A_771] : memref<2x32x128xf32, #tpu.memory_space<vmem>> -> memref<1x1x128xf32, #tpu.memory_space<vmem>>
        %parallel_loop3A_773 = tpu.memref_squeeze %parallel_loop3A_772 : memref<1x1x128xf32, #tpu.memory_space<vmem>> -> memref<128xf32, #tpu.memory_space<vmem>>
        %parallel_loop3A_774 = arith.constant 112 : index
        %parallel_loop3A_775 = tpu.vector_load %parallel_loop3A_773[%parallel_loop3A_774] {strides = array<i32>} : memref<128xf32, #tpu.memory_space<vmem>>, vector<16xf32>,
        tpu.vector_store %parallel_loop3A_773[%parallel_loop3A_774], %parallel_loop3A_769 {strides = array<i32>} : memref<128xf32, #tpu.memory_space<vmem>>, vector<16xf32>,
      } {sc.loop_unroll_factor = 16 : i64, sc.parallel_access}
      %lt3A_612 = arith.constant 24 : i32
      %lt3A_613 = arith.cmpi slt, %scan3A_492, %lt3A_612 : i32
      %convert_element_type3A_614 = arith.extui %lt3A_613 : i1 to i32
      %cond3A_615 = arith.constant 0 : i32
      %cond3A_616 = arith.cmpi ne, %convert_element_type3A_614, %cond3A_615 : i32
      scf.if %cond3A_616 {
        %add3A_639 = arith.constant 2 : i32
        %add3A_640 = arith.addi %add3A_569, %add3A_639 : i32
        %dma_start3A_641 = arith.constant 1 : i32
        %dma_start3A_642 = arith.constant 1 : i32
        %dma_start3A_643 = arith.constant 0 : i32
        %dma_start3A_644 = tpu.memref_slice %arg6[%dma_start3A_641, %dma_start3A_643] : memref<2x4096xi32, #tpu.memory_space<vmem>> -> memref<1x4096xi32, #tpu.memory_space<vmem>>
        %dma_start3A_645 = tpu.memref_squeeze %dma_start3A_644 : memref<1x4096xi32, #tpu.memory_space<vmem>> -> memref<4096xi32, #tpu.memory_space<vmem>>
        %dma_start3A_646 = arith.constant 0 : i32
        %dma_start3A_647 = tpu.memref_slice %arg8[%add3A_640, %dma_start3A_646] : memref<50x4096xi32, #tpu.memory_space<vmem_shared>> -> memref<1x4096xi32, #tpu.memory_space<vmem_shared>>
        %dma_start3A_648 = tpu.memref_squeeze %dma_start3A_647 : memref<1x4096xi32, #tpu.memory_space<vmem_shared>> -> memref<4096xi32, #tpu.memory_space<vmem_shared>>
        %dma_start3A_649 = tpu.memref_slice %arg9[%dma_start3A_642] : memref<2x!tpu.dma_semaphore, #tpu.memory_space<semaphore_mem>> -> memref<1x!tpu.dma_semaphore, #tpu.memory_space<semaphore_mem>>
        %dma_start3A_650 = tpu.memref_squeeze %dma_start3A_649 : memref<1x!tpu.dma_semaphore, #tpu.memory_space<semaphore_mem>> -> memref<!tpu.dma_semaphore, #tpu.memory_space<semaphore_mem>>
        %dma_start3A_651 = arith.constant 0 : i32
        %dma_start3A_652 = tpu.memref_slice %arg6[%dma_start3A_641, %dma_start3A_651] : memref<2x4096xi32, #tpu.memory_space<vmem>> -> memref<1x4096xi32, #tpu.memory_space<vmem>>
        %dma_start3A_653 = tpu.memref_squeeze %dma_start3A_652 : memref<1x4096xi32, #tpu.memory_space<vmem>> -> memref<4096xi32, #tpu.memory_space<vmem>>
        %dma_start3A_654 = arith.constant 0 : i32
        %dma_start3A_655 = tpu.memref_slice %arg8[%add3A_640, %dma_start3A_654] : memref<50x4096xi32, #tpu.memory_space<vmem_shared>> -> memref<1x4096xi32, #tpu.memory_space<vmem_shared>>
        %dma_start3A_656 = tpu.memref_squeeze %dma_start3A_655 : memref<1x4096xi32, #tpu.memory_space<vmem_shared>> -> memref<4096xi32, #tpu.memory_space<vmem_shared>>
        tpu.enqueue_dma source(%dma_start3A_656 : memref<4096xi32, #tpu.memory_space<vmem_shared>>) target(%dma_start3A_653 : memref<4096xi32, #tpu.memory_space<vmem>>) target_semaphore(%dma_start3A_650 : memref<!tpu.dma_semaphore, #tpu.memory_space<semaphore_mem>>)
      } else {
      }
      %mul3A_617 = arith.constant 128 : i32
      %mul3A_618 = arith.muli %select_n3A_288, %mul3A_617 : i32
      %multiple_of3A_619 = tpu.assume_multiple %mul3A_618, 128 : i32
      %dma_start3A_620 = arith.constant 1 : i32
      %dma_start3A_621 = arith.constant 1 : i32
      %dma_start3A_622 = arith.constant 0 : i32
      %dma_start3A_623 = arith.constant 0 : i32
      %dma_start3A_624 = tpu.memref_slice %arg7[%dma_start3A_620, %dma_start3A_622, %dma_start3A_623] : memref<2x32x128xf32, #tpu.memory_space<vmem>> -> memref<1x32x128xf32, #tpu.memory_space<vmem>>
      %dma_start3A_625 = tpu.memref_squeeze %dma_start3A_624 : memref<1x32x128xf32, #tpu.memory_space<vmem>> -> memref<32x128xf32, #tpu.memory_space<vmem>>
      %dma_start3A_626 = arith.constant 0 : i32
      %dma_start3A_627 = tpu.memref_slice %arg4[%add3A_569, %select_n3A_272, %dma_start3A_626, %multiple_of3A_619] : memref<50x8x32x1024xf32, #tpu.memory_space<hbm>> -> memref<1x1x32x128xf32, #tpu.memory_space<hbm>>
      %dma_start3A_628 = tpu.memref_squeeze %dma_start3A_627 : memref<1x1x32x128xf32, #tpu.memory_space<hbm>> -> memref<32x128xf32, #tpu.memory_space<hbm>>
      %dma_start3A_629 = tpu.memref_slice %arg10[%dma_start3A_621] : memref<2x!tpu.dma_semaphore, #tpu.memory_space<semaphore_mem>> -> memref<1x!tpu.dma_semaphore, #tpu.memory_space<semaphore_mem>>
      %dma_start3A_630 = tpu.memref_squeeze %dma_start3A_629 : memref<1x!tpu.dma_semaphore, #tpu.memory_space<semaphore_mem>> -> memref<!tpu.dma_semaphore, #tpu.memory_space<semaphore_mem>>
      %dma_start3A_631 = arith.constant 0 : i32
      %dma_start3A_632 = tpu.memref_slice %arg4[%add3A_569, %select_n3A_272, %dma_start3A_631, %multiple_of3A_619] : memref<50x8x32x1024xf32, #tpu.memory_space<hbm>> -> memref<1x1x32x128xf32, #tpu.memory_space<hbm>>
      %dma_start3A_633 = tpu.memref_squeeze %dma_start3A_632 : memref<1x1x32x128xf32, #tpu.memory_space<hbm>> -> memref<32x128xf32, #tpu.memory_space<hbm>>
      %dma_start3A_634 = arith.constant 0 : i32
      %dma_start3A_635 = arith.constant 0 : i32
      %dma_start3A_636 = tpu.memref_slice %arg7[%dma_start3A_620, %dma_start3A_634, %dma_start3A_635] : memref<2x32x128xf32, #tpu.memory_space<vmem>> -> memref<1x32x128xf32, #tpu.memory_space<vmem>>
      %dma_start3A_637 = tpu.memref_squeeze %dma_start3A_636 : memref<1x32x128xf32, #tpu.memory_space<vmem>> -> memref<32x128xf32, #tpu.memory_space<vmem>>
      tpu.enqueue_dma source(%dma_start3A_637 : memref<32x128xf32, #tpu.memory_space<vmem>>) target(%dma_start3A_633 : memref<32x128xf32, #tpu.memory_space<hbm>>) target_semaphore(%dma_start3A_630 : memref<!tpu.dma_semaphore, #tpu.memory_space<semaphore_mem>>)
      %scan3A_638 = arith.constant 0 : i32
      scf.yield %scan3A_638 : i32
    }
    %scan3A_447 = arith.constant 24 : i32
    %dma_wait3A_448 = arith.constant 0 : i32
    %dma_wait3A_449 = arith.constant 0 : i32
    %dma_wait3A_450 = arith.constant 0 : i32
    %dma_wait3A_451 = arith.constant 0 : i32
    %dma_wait3A_452 = arith.constant 0 : i32
    %dma_wait3A_453 = arith.constant 0 : i32
    %dma_wait3A_454 = tpu.memref_slice %arg7[%dma_wait3A_448, %dma_wait3A_452, %dma_wait3A_453] : memref<2x32x128xf32, #tpu.memory_space<vmem>> -> memref<1x32x128xf32, #tpu.memory_space<vmem>>
    %dma_wait3A_455 = tpu.memref_squeeze %dma_wait3A_454 : memref<1x32x128xf32, #tpu.memory_space<vmem>> -> memref<32x128xf32, #tpu.memory_space<vmem>>
    %dma_wait3A_456 = arith.constant 0 : i32
    %dma_wait3A_457 = arith.constant 0 : i32
    %dma_wait3A_458 = tpu.memref_slice %arg4[%dma_wait3A_449, %dma_wait3A_450, %dma_wait3A_456, %dma_wait3A_457] : memref<50x8x32x1024xf32, #tpu.memory_space<hbm>> -> memref<1x1x32x128xf32, #tpu.memory_space<hbm>>
    %dma_wait3A_459 = tpu.memref_squeeze %dma_wait3A_458 : memref<1x1x32x128xf32, #tpu.memory_space<hbm>> -> memref<32x128xf32, #tpu.memory_space<hbm>>
    %dma_wait3A_460 = tpu.memref_slice %arg10[%dma_wait3A_451] : memref<2x!tpu.dma_semaphore, #tpu.memory_space<semaphore_mem>> -> memref<1x!tpu.dma_semaphore, #tpu.memory_space<semaphore_mem>>
    %dma_wait3A_461 = tpu.memref_squeeze %dma_wait3A_460 : memref<1x!tpu.dma_semaphore, #tpu.memory_space<semaphore_mem>> -> memref<!tpu.dma_semaphore, #tpu.memory_space<semaphore_mem>>
    %dma_wait3A_462 = arith.constant 0 : i32
    %dma_wait3A_463 = arith.constant 0 : i32
    %dma_wait3A_464 = tpu.memref_slice %arg4[%dma_wait3A_449, %dma_wait3A_450, %dma_wait3A_462, %dma_wait3A_463] : memref<50x8x32x1024xf32, #tpu.memory_space<hbm>> -> memref<1x1x32x128xf32, #tpu.memory_space<hbm>>
    %dma_wait3A_465 = tpu.memref_squeeze %dma_wait3A_464 : memref<1x1x32x128xf32, #tpu.memory_space<hbm>> -> memref<32x128xf32, #tpu.memory_space<hbm>>
    %dma_wait3A_466 = arith.constant 0 : i32
    %dma_wait3A_467 = arith.constant 0 : i32
    %dma_wait3A_468 = tpu.memref_slice %arg7[%dma_wait3A_448, %dma_wait3A_466, %dma_wait3A_467] : memref<2x32x128xf32, #tpu.memory_space<vmem>> -> memref<1x32x128xf32, #tpu.memory_space<vmem>>
    %dma_wait3A_469 = tpu.memref_squeeze %dma_wait3A_468 : memref<1x32x128xf32, #tpu.memory_space<vmem>> -> memref<32x128xf32, #tpu.memory_space<vmem>>
    tpu.wait_dma2 semaphore(%dma_wait3A_461 : memref<!tpu.dma_semaphore, #tpu.memory_space<semaphore_mem>>) src(%dma_wait3A_469 : memref<32x128xf32, #tpu.memory_space<vmem>>) dst(%dma_wait3A_465 : memref<32x128xf32, #tpu.memory_space<hbm>>)
    %dma_wait3A_470 = arith.constant 1 : i32
    %dma_wait3A_471 = arith.constant 0 : i32
    %dma_wait3A_472 = arith.constant 0 : i32
    %dma_wait3A_473 = arith.constant 1 : i32
    %dma_wait3A_474 = arith.constant 0 : i32
    %dma_wait3A_475 = arith.constant 0 : i32
    %dma_wait3A_476 = tpu.memref_slice %arg7[%dma_wait3A_470, %dma_wait3A_474, %dma_wait3A_475] : memref<2x32x128xf32, #tpu.memory_space<vmem>> -> memref<1x32x128xf32, #tpu.memory_space<vmem>>
    %dma_wait3A_477 = tpu.memref_squeeze %dma_wait3A_476 : memref<1x32x128xf32, #tpu.memory_space<vmem>> -> memref<32x128xf32, #tpu.memory_space<vmem>>
    %dma_wait3A_478 = arith.constant 0 : i32
    %dma_wait3A_479 = arith.constant 0 : i32
    %dma_wait3A_480 = tpu.memref_slice %arg4[%dma_wait3A_471, %dma_wait3A_472, %dma_wait3A_478, %dma_wait3A_479] : memref<50x8x32x1024xf32, #tpu.memory_space<hbm>> -> memref<1x1x32x128xf32, #tpu.memory_space<hbm>>
    %dma_wait3A_481 = tpu.memref_squeeze %dma_wait3A_480 : memref<1x1x32x128xf32, #tpu.memory_space<hbm>> -> memref<32x128xf32, #tpu.memory_space<hbm>>
    %dma_wait3A_482 = tpu.memref_slice %arg10[%dma_wait3A_473] : memref<2x!tpu.dma_semaphore, #tpu.memory_space<semaphore_mem>> -> memref<1x!tpu.dma_semaphore, #tpu.memory_space<semaphore_mem>>
    %dma_wait3A_483 = tpu.memref_squeeze %dma_wait3A_482 : memref<1x!tpu.dma_semaphore, #tpu.memory_space<semaphore_mem>> -> memref<!tpu.dma_semaphore, #tpu.memory_space<semaphore_mem>>
    %dma_wait3A_484 = arith.constant 0 : i32
    %dma_wait3A_485 = arith.constant 0 : i32
    %dma_wait3A_486 = tpu.memref_slice %arg4[%dma_wait3A_471, %dma_wait3A_472, %dma_wait3A_484, %dma_wait3A_485] : memref<50x8x32x1024xf32, #tpu.memory_space<hbm>> -> memref<1x1x32x128xf32, #tpu.memory_space<hbm>>
    %dma_wait3A_487 = tpu.memref_squeeze %dma_wait3A_486 : memref<1x1x32x128xf32, #tpu.memory_space<hbm>> -> memref<32x128xf32, #tpu.memory_space<hbm>>
    %dma_wait3A_488 = arith.constant 0 : i32
    %dma_wait3A_489 = arith.constant 0 : i32
    %dma_wait3A_490 = tpu.memref_slice %arg7[%dma_wait3A_470, %dma_wait3A_488, %dma_wait3A_489] : memref<2x32x128xf32, #tpu.memory_space<vmem>> -> memref<1x32x128xf32, #tpu.memory_space<vmem>>
    %dma_wait3A_491 = tpu.memref_squeeze %dma_wait3A_490 : memref<1x32x128xf32, #tpu.memory_space<vmem>> -> memref<32x128xf32, #tpu.memory_space<vmem>>
    tpu.wait_dma2 semaphore(%dma_wait3A_483 : memref<!tpu.dma_semaphore, #tpu.memory_space<semaphore_mem>>) src(%dma_wait3A_491 : memref<32x128xf32, #tpu.memory_space<vmem>>) dst(%dma_wait3A_487 : memref<32x128xf32, #tpu.memory_space<hbm>>)
    return
  }
}

</mosaic_0001>

<sc_bundles>
// kernel: _embed.3.cloned.1.call-start
scs
__scs_entry_jumppad:
0x0: {  	(pc) =	sbr.rel $0x88, $3  }
0x1: {  	(tag) =	ssettag $0x0;
	lr =	simm.s32 $0x1  }
0x2: {  	[smem:$0x3F9F] =	sst lr;
	_ =	strace $0xD0000000  }
0x3: {  	_ = 	snop  }
0x4: {  	_ = 	snop  }
0x5: {  	_ = 	snop  }
0x6: {  	_ = 	snop  }
0x7: {  	_ = 	snop  }
__scs_overlays_trampoline_lowered:
0x8: {  	[smem:$0x3FAE] =	sst s0  }
0x9: {  	[smem:$0x3FAF] =	sst s1  }
0xa: {  	[smem:$0x3FB0] =	sst s2  }
0xb: {  	[smem:$0x3FB1] =	sst s3  }
0xc: {  	[smem:$0x3FB2] =	sst s4  }
0xd: {  	[smem:$0x3FB3] =	sst s5  }
0xe: {  	[smem:$0x3FB4] =	sst s6  }
0xf: {  	[smem:$0x3FB5] =	sst s7  }
0x10: {  	[smem:$0x3FB6] =	sst s8  }
0x11: {  	[smem:$0x3FB7] =	sst s9;
	s0 =	simm.s32 @!p0 $0x0  }
0x12: {  	s1 =	sld [smem:$0x3F9D];
	s0 =	simm.s32 @p0 $0x1  }
0x13: {  	[smem:$0x3FB8] =	sst s0;
	s0 =	simm.s32 @!p1 $0x0  }
0x14: {  	s2 =	sld [smem:$0x3F9C];
	s0 =	simm.s32 @p1 $0x1  }
0x15: {  	[smem:$0x3FB9] =	sst s0;
	s0 =	simm.s32 @!p2 $0x0  }
0x16: {  	s3 =	sld [smem:$0x3FDB];
	s0 =	simm.s32 @p2 $0x1  }
0x17: {  	s4 =	simm.s32 $0x1BF5;
	[smem:$0x3FBB] =	sst s0  }
0x18: {  	s0 =	sld [smem:$0x3F9E];
	_ =	swait.ge [sflag:s4], $0x0  }
0x19: {  	s7 =	sld [smem:$0x3F9F]  }
0x1a: {  	s8 =	sadd.s32 $0xFFFFE003, lr  }
0x1b: {  	s9 =	sadd.s32 $0xFFFFFEF7, lr;
	s5 =	simm.s32 $0xFFFFFFFF;
	p2 =	slt.u32 s8, $0xFFFFF086  }
0x1c: {  	p1 =	slt.u32 s9, $0xF7A;
	s5 =	simm.s32 @!p2 $0x0  }
0x1d: {  	s5 =	simm.s32 @p1 $0x1;
	p0 =	seq.s32 s7, s2  }
0x1e: {  	s7 =	smul.u32 @!p0 $0xF7A, s2;
	p2 =	seq.s32 @!p0 s5, $0x0  }
0x1f: {  	s9 =	smul.u32 $0xF7A, s1;
	s8 =	simm.s32 @!p0 $0x1BF5;
	p2 =	por !p2, p0  }
0x20: {  	[sflag:s8] =	ssyncset.s32 @!p0 $0xFFFFF086;
	s6 =	sadd.s32 @!p0 s3, s7;
	s7 =	simm.s32 @!p0 $0x108  }
0x21: {  	s3 =	sadd.s32 s3, s9;
	s6 =	sadd.s32 @!p0 $0x88, s6;
	s7 =	simm.s32 @p2 $0x1082  }
0x22: {  	[simem:s7], [sflag:s8] =	dma.local @!p0 [hbm:s6], $0xF7A  }
0x23: {  	s9 =	sor.u32 $0xD0000000, s2;
	s6 =	simm.s32 $0x108;
	_ =	swait.ge @!p0 [sflag:s8], $0x0  }
0x24: {  	s3 =	sadd.s32 $0x88, s3;
	s6 =	simm.s32 @!p1 $0x1082;
	[sflag:s4] =	ssyncset.s32 $0xFFFFF086  }
0x25: {  	[simem:s6], [sflag:s4] =	dma.local [hbm:s3], $0xF7A  }
0x26: {  	[smem:$0x3F9F] =	sst s1;
	(tag) =	ssettag s2;
	_ =	strace s9  }
0x27: {  	s1 =	sld [smem:$0x3FAF]  }
0x28: {  	s2 =	sld [smem:$0x3FB0]  }
0x29: {  	s4 =	sld [smem:$0x3FB2]  }
0x2a: {  	p0 =	seq.s32 s5, $0x0;
	s5 =	sld [smem:$0x3FB3]  }
0x2b: {  	s6 =	sld [smem:$0x3FB4]  }
0x2c: {  	s7 =	sld [smem:$0x3FB5]  }
0x2d: {  	s3 =	simm.s32 $0x108;
	s8 =	sld [smem:$0x3FB6]  }
0x2e: {  	s3 =	simm.s32 @!p0 $0x1082;
	s9 =	sld [smem:$0x3FB7]  }
0x2f: {  	lr =	sadd.s32 s0, s3;
	s0 =	sld [smem:$0x3FAE]  }
0x30: {  	s3 =	sld [smem:$0x3FB1]  }
0x31: {  	[smem:$0x3FBA] =	sst s10  }
0x32: {  	s10 =	sld [smem:$0x3FB8];
	_ =	sdelay $0x3  }
0x33: {  	p0 =	seq.s32 s10, $0x1;
	s10 =	sld [smem:$0x3FBA];
	_ =	sdelay $0x3  }
0x34: {  	[smem:$0x3FBA] =	sst s10  }
0x35: {  	s10 =	sld [smem:$0x3FB9];
	_ =	sdelay $0x3  }
0x36: {  	p1 =	seq.s32 s10, $0x1;
	s10 =	sld [smem:$0x3FBA];
	_ =	sdelay $0x3  }
0x37: {  	[smem:$0x3FBA] =	sst s10  }
0x38: {  	s10 =	sld [smem:$0x3FBB]  }
0x39: {  	_ = 	snop;
	(pc) =	sbr.ind lr, $3  }
0x3a: {  	_ = 	snop  }
0x3b: {  	_ = 	snop  }
0x3c: {  	p2 =	seq.s32 s10, $0x1;
	s10 =	sld [smem:$0x3FBA]  }
0x3d: {  	_ =	shalt  }
0x3e: {  	_ =	shalt  }
0x3f: {  	_ =	shalt  }
0x40: {  	_ =	shalt  }
0x41: {  	_ =	shalt  }
0x42: {  	_ =	shalt  }
0x43: {  	_ =	shalt  }
0x44: {  	_ =	shalt  }
0x45: {  	_ =	shalt  }
0x46: {  	_ =	shalt  }
0x47: {  	_ =	shalt  }
0x48: {  	_ =	shalt  }
0x49: {  	_ =	shalt  }
0x4a: {  	_ =	shalt  }
0x4b: {  	_ =	shalt  }
0x4c: {  	_ =	shalt  }
0x4d: {  	_ =	shalt  }
0x4e: {  	_ =	shalt  }
0x4f: {  	_ =	shalt  }
0x50: {  	_ =	shalt  }
0x51: {  	_ =	shalt  }
0x52: {  	_ =	shalt  }
0x53: {  	_ =	shalt  }
0x54: {  	_ =	shalt  }
0x55: {  	_ =	shalt  }
0x56: {  	_ =	shalt  }
0x57: {  	_ =	shalt  }
0x58: {  	_ =	shalt  }
0x59: {  	_ =	shalt  }
0x5a: {  	_ =	shalt  }
0x5b: {  	_ =	shalt  }
0x5c: {  	_ =	shalt  }
0x5d: {  	_ =	shalt  }
0x5e: {  	_ =	shalt  }
0x5f: {  	_ =	shalt  }
0x60: {  	_ =	shalt  }
0x61: {  	_ =	shalt  }
0x62: {  	_ =	shalt  }
0x63: {  	_ =	shalt  }
0x64: {  	_ =	shalt  }
0x65: {  	_ =	shalt  }
0x66: {  	_ =	shalt  }
0x67: {  	_ =	shalt  }
0x68: {  	_ =	shalt  }
0x69: {  	_ =	shalt  }
0x6a: {  	_ =	shalt  }
0x6b: {  	_ =	shalt  }
0x6c: {  	_ =	shalt  }
0x6d: {  	_ =	shalt  }
0x6e: {  	_ =	shalt  }
0x6f: {  	_ =	shalt  }
0x70: {  	_ =	shalt  }
0x71: {  	_ =	shalt  }
0x72: {  	_ =	shalt  }
0x73: {  	_ =	shalt  }
0x74: {  	_ =	shalt  }
0x75: {  	_ =	shalt  }
0x76: {  	_ =	shalt  }
0x77: {  	_ =	shalt  }
0x78: {  	_ =	shalt  }
0x79: {  	_ =	shalt  }
0x7a: {  	_ =	shalt  }
0x7b: {  	_ =	shalt  }
0x7c: {  	_ =	shalt  }
0x7d: {  	_ =	shalt  }
0x7e: {  	_ =	shalt  }
0x7f: {  	_ =	shalt  }
0x80: {  	_ =	shalt  }
0x81: {  	_ =	shalt  }
0x82: {  	_ =	shalt  }
0x83: {  	_ =	shalt  }
0x84: {  	_ =	shalt  }
0x85: {  	_ =	shalt  }
0x86: {  	_ =	shalt  }
0x87: {  	_ =	shalt  }
.Lfunc_end0:
.L_simem_size_0:
called_computation_lowered:
.L_overlay_start_0:
0x88: {  	s2 =	sld [smem:$0x3FD9]  }
0x89: {  	s3 =	sld [smem:$0x3FFE];
	_ =	sdelay $0x1  }
0x8a: {  	s1 =	srdreg.scid  }
0x8b: {  	s0 =	sand.u32 $0x1, s1  }
0x8c: {  	s17 =	sshll.u32 s0, $0xA;
	s2 =	sadd.s32 s3, s2  }
0x8d: {  	s2 =	sadd.s32 s2, s17  }
0x8e: {  	[smem:$0x3FC6] =	sst s2  }
0x8f: {  	_ = 	snop  }
0x90: {  	s2 =	sld [smem:$0x3FD0];
	(tm) =	ssettm $0x1  }
0x91: {  	s18 =	sld [smem:$0x3FFB];
	_ =	sdelay $0x3  }
0x92: {  	_ =	strace s18  }
0x93: {  	s3 =	sld [smem:$0x3FFC];
	_ =	sdelay $0x3  }
0x94: {  	_ =	strace s3  }
0x95: {  	s3 =	sld [smem:$0x3FFD];
	_ =	sdelay $0x3  }
0x96: {  	_ =	strace s3  }
0x97: {  	_ =	strace $0x8FFFFFFF  }
0x98: {  	s19 =	sld [smem:$0x3FDB];
	_ =	sdelay $0x1  }
0x99: {  	s4 =	simm.s32 $_scs_section_size  }
0x9a: {  	s5 =	simm.s32 $_size__tile_overlayer_lowered;
	s6 =	simm.s32 $_tile_overlayer_lowered  }
0x9b: {  	s22 =	simm.s32 $0x1BFF;
	s21 =	sshll.u32 s6, $0x1;
	s3 =	sadd.s32 s4, s19  }
0x9c: {  	s7 =	simm.s32 $0x0;
	s20 =	sshll.u32 s5, $0x1;
	s5 =	sadd.s32 s21, s3  }
0x9d: {  	[timem:s7], [sflag:s22] =	dma.local [hbm:s5], s20  }
0x9e: {  	_ =	swait.ge [sflag:s22], s20  }
0x9f: {  	s4 =	ssub.s32 $0x0, s20;
	[sflag:s22] =	ssyncset.done $0x0  }
0xa0: {  	[sflag:s22] =	ssyncadd.s32 s4;
	_ =	sdelay $0x1  }
0xa1: {  	s23 =	simm.s32 $0x1B8B  }
0xa2: {  	_ =	swait.ge [sflag:s23], $0x1  }
0xa3: {  	[sflag:s23] =	ssyncset.done $0x0  }
0xa4: {  	s25 =	simm.s32 $0x1B8E;
	s24 =	sld [smem:$0x3FFE];
	[sflag:s23] =	ssyncadd.s32 $0xFFFFFFFF  }
0xa5: {  	s26 =	simm.s32 $execute0_lowered;
	[smem:$0x3FD2] =	sst s25  }
0xa6: {  	s5 =	sshll.u32 s26, $0x1;
	_ =	strace $0x80000046;
	[dreg:$0x1] =	wrdreg $0xFFFFFFFF  }
0xa7: {  	s28 =	simm.s32 $_size_execute0_lowered;
	s3 =	sadd.s32 s3, s5;
	[dreg:$0x0] =	wrdreg $0x0  }
0xa8: {  	s5 =	sshll.u32 s28, $0x1;
	[dreg:$0x2] =	wrdreg s3  }
0xa9: {  	[dreg:$0x3] =	wrdreg s5  }
0xaa: {  	[dreg:$0x4] =	wrdreg $0xC0  }
0xab: {  	_ =	task [dreg:s7], $0x5FFFF  }
0xac: {  	[dreg:$0x1] =	wrdreg $0xFFFFFFFF  }
0xad: {  	[dreg:$0x0] =	wrdreg $0x60  }
0xae: {  	[dreg:$0x2] =	wrdreg s24  }
0xaf: {  	[dreg:$0x3] =	wrdreg s2  }
0xb0: {  	[dreg:$0x4] =	wrdreg $0x1C6A00  }
0xb1: {  	[dreg:$0x5] =	wrdreg $0x9  }
0xb2: {  	_ =	task.clear_ibuf [dreg:s7], $0x6FFFF;
	_ =	strace $0x90000046  }
0xb3: {  	s29 =	simm.s32 $0x9;
	_ =	strace $0x80000048  }
0xb4: {  	_ =	swait.ge [sflag:s29], $0x1  }
0xb5: {  	[sflag:s29] =	ssyncadd.s32 $0xFFFFFFFF  }
0xb6: {  	_ =	strace $0x90000048  }
0xb7: {  	_ =	sfence  }
0xb8: {  	s30 =	sld [smem:$0x0];
	_ =	sdelay $0x2  }
0xb9: {  	s31 =	sshll.u32 s1, $0xD;
	s1 =	sshrl.u32 s1, $0x2  }
0xba: {  	s3 =	sand.u32 $0x4000, s31;
	s1 =	sadd.s32 s1, s30  }
0xbb: {  	s0 =	sor.u32 s3, s0;
	s1 =	sshll.u32 s1, $0x11  }
0xbc: {  	s0 =	sor.u32 s1, s0  }
0xbd: {  	s0 =	sadd.s32 $0x8F2B, s0  }
0xbe: {  	[sflag:s0] =	ssyncadd.remote.s32 $0x1  }
0xbf: {  	_ =	sfence.sel $0xFFFF  }
0xc0: {  	[dreg:$0x0] =	wrdreg $0xFFFFFFFF;
	(pc) =	sbr.abs _section_cstart, $3  }
0xc1: {  	[dreg:$0x1] =	wrdreg $0xFFFFFFFF  }
0xc2: {  	_ =	task.clear_ibuf [dreg:s7], $0x2FFFF;
	_ =	strace $0x9FFFFFFF  }
0xc3: {  	(tm) =	ssettm $0x7FFFFFFF  }
tec
execute0_lowered:
.L_overlay_start_1:
0x0: {  	(tag) =	ssettag $0x1  }
0x1: {  	s0 =	rddreg [dreg:$0x0]  }
0x2: {  	s3 =	rddreg [dreg:$0x1]  }
0x3: {  	s1 =	rddreg [dreg:$0x2];
	s2 =	simm.s32 $0x0;
	s4 =	srdreg.scid  }
0x4: {  	s5 =	stileid.u32;
	s28 =	simm.s32 $0x1B6A0;
	s29 =	simm.s32 $0x3  }
0x5: {  	s30 =	simm.s32 $0x4;
	s31 =	simm.s32 $0x6;
	[smem:$0x7FF] =	sst s2  }
0x6: {  	s6 =	sand.u32 $0x1, s4;
	s19 =	sshll.u32 s5, $0x1;
	s7 =	sadd.s32 $0x400, s0  }
0x7: {  	s4 =	sadd.s32 $0x6800, s0;
	s11 =	sshll.u32 s5, $0xD;
	p0 =	sne.s32 s5, $0x0  }
0x8: {  	_ =	strace $0x80000047;
	[dreg:$0x4] =	wrdreg s7;
	s8 =	sor.u32 s6, s19  }
0x9: {  	s6 =	ssub.s32 $0x2, s6;
	s18 =	sshrl.u32 @!p0 s1, $0x3;
	s19 =	simm.s32 $0x186A0  }
0xa: {  	s20 =	smul.u32 $0x30D4, s8;
	s9 =	sshrl.u32 s6, $0x1;
	s10 =	sshll.u32 s8, $0x7  }
0xb: {  	s23 =	sor.u32 $0x20, s8;
	s8 =	sadd.s32 $0x2000, s1;
	s9 =	ssub.s32 s6, s9  }
0xc: {  	s22 =	sor.u32 s11, s10;
	s6 =	sadd.s32 $0x1000, s1;
	s12 =	sshll.u32 s23, $0xC  }
0xd: {  	s24 =	smul.u32 $0x30D4, s23;
	s11 =	sadd.s32 $0xE800, s0;
	s23 =	simm.s32 $0x80  }
0xe: {  	s21 =	sadd.s32 s3, s20;
	s7 =	sand.u32 $0x18380, s22;
	s12 =	sor.u32 s10, s12  }
0xf: {  	s10 =	sadd.s32 $0x3000, s1;
	s17 =	smax.u32 s9, $0x1;
	s20 =	simm.s32 $0x196A0  }
0x10: {  	s22 =	simm.s32 $0x1;
	[dreg:$0x5] =	wrdreg s21;
	s13 =	sshrl.u32 s7, $0x3  }
0x11: {  	s12 =	sand.u32 $0x38380, s12;
	s25 =	sadd.s32 s3, s24;
	s21 =	simm.s32 $0x5  }
0x12: {  	s24 =	simm.s32 $0x400;
	s14 =	sadd.s32 s4, s13;
	[dreg:$0x8] =	wrdreg s25  }
0x13: {  	s0 =	sadd.s32 s13, s11;
	s26 =	sshrl.u32 s12, $0x3;
	[dreg:$0x6] =	wrdreg s14  }
0x14: {  	s25 =	simm.s32 $0x1A6A0;
	[dreg:$0x7] =	wrdreg s0;
	s15 =	sadd.s32 s4, s26  }
0x15: {  	s16 =	sadd.s32 s26, s11;
	s26 =	simm.s32 $0x2;
	s0 =	simm.s32 $0x0  }
.LBB2_1:
0x16: {  	s3 =	rddreg [dreg:$0x5]  }
0x17: {  	[tilespmem:s2], [sflag:$0x5] =	stream.linear.gather [hbm4b:s3+s2], $0x186A0, $0x38;
	[tilespmem:$0x1F8A0] =	vst v63  }
0x18: {  	s5 =	rddreg [dreg:$0x4];
	s3 =	simm.s32 @!p0 $0x1C06  }
0x19: {  	[spmem:s18], [sflag:s3] =	dma.local @!p0 [hbm:s5], $0x6400  }
0x1a: {  	s3 =	simm.s32 @!p0 $0x6  }
0x1b: {  	_ =	swait.ge @!p0 [sflag:s3], $0x6400  }
0x1c: {  	[sflag:s3] =	ssyncset.done @!p0 $0x0  }
0x1d: {  	[sflag:s3] =	ssyncadd.s32 @!p0 $0xFFFF9C00  }
0x1e: {  	[bflag:$0x0] =	sbarrier.arrive $0xFFFF  }
0x1f: {  	[tilespmem:s19], [sflag:$0x1] =	stream.linear.gather [spmem:s1], $0x1000, $0x38;
	[tilespmem:$0x1F8A0] =	vst v63  }
0x20: {  	_ = 	snop  }
0x21: {  	[tilespmem:s20], [sflag:$0x2] =	stream.linear.gather [spmem:s6], $0x1000, $0x38;
	[tilespmem:$0x1F8A0] =	vst v63  }
0x22: {  	_ =	swait.ge [sflag:s21], $0x186A0  }
0x23: {  	[sflag:s21] =	ssyncset.done $0x0  }
0x24: {  	[sflag:s21] =	ssyncadd.s32 $0xFFFE7960  }
0x25: {  	_ =	swait.ge [sflag:s22], $0x1000  }
0x26: {  	[sflag:s22] =	ssyncset.done $0x0  }
0x27: {  	p1 =	por $0x1, $0x1;
	s3 =	simm.s32 $0x0;
	[sflag:s22] =	ssyncadd.s32 $0xFFFFF000  }
.LBB2_2:
0x28: {  	v0 =	vld [tilespmem:s3+$0x186A0]  }
0x29: {  	v1 =	vld [tilespmem:s3+$0x18720]  }
0x2a: {  	v35 =	vld [tilespmem:s3+$0x186B0]  }
0x2b: {  	v36 =	vld [tilespmem:s3+$0x18730]  }
0x2c: {  	v37 =	vld [tilespmem:s3+$0x186C0]  }
0x2d: {  	v38 =	vld [tilespmem:s3+$0x18740]  }
0x2e: {  	v39 =	vld [tilespmem:s3+$0x186D0]  }
0x2f: {  	v40 =	vld [tilespmem:s3+$0x18750]  }
0x30: {  	v41 =	vld [tilespmem:s3+$0x186E0]  }
0x31: {  	v42 =	vld [tilespmem:s3+$0x18760]  }
0x32: {  	v2 =	vld [tilespmem:s3+$0x187A0]  }
0x33: {  	v3 =	vld [tilespmem:s3+$0x18820]  }
0x34: {  	v43 =	vld [tilespmem:s3+$0x186F0]  }
0x35: {  	v44 =	vld [tilespmem:s3+$0x18770]  }
0x36: {  	v45 =	vld [tilespmem:s3+$0x187B0]  }
0x37: {  	v46 =	vld [tilespmem:s3+$0x18830]  }
0x38: {  	v4 =	vld [tilespmem:s3+$0x188A0]  }
0x39: {  	v5 =	vld [tilespmem:s3+$0x18920]  }
0x3a: {  	v6 =	vld [tilespmem:s3+$0x189A0]  }
0x3b: {  	v47 =	vld [tilespmem:s3+$0x18A20]  }
0x3c: {  	v7 =	vld [tilespmem:s3+$0x187C0]  }
0x3d: {  	v48 =	vld [tilespmem:s3+$0x18840]  }
0x3e: {  	v49 =	vld [tilespmem:s3+$0x18700]  }
0x3f: {  	v50 =	vld [tilespmem:s3+$0x18780]  }
0x40: {  	v51 =	vld [tilespmem:s3+$0x188B0]  }
0x41: {  	v52 =	vld [tilespmem:s3+$0x18930]  }
0x42: {  	v53 =	vld [tilespmem:s3+$0x189B0]  }
0x43: {  	v54 =	vld [tilespmem:s3+$0x18A30]  }
0x44: {  	v55 =	vld [tilespmem:s3+$0x187D0]  }
0x45: {  	v56 =	vld [tilespmem:s3+$0x18850]  }
0x46: {  	v57 =	vld [tilespmem:s3+$0x188C0]  }
0x47: {  	v58 =	vld [tilespmem:s3+$0x18940]  }
0x48: {  	v59 =	vld [tilespmem:s3+$0x189C0]  }
0x49: {  	v60 =	vld [tilespmem:s3+$0x18A40]  }
0x4a: {  	v61 =	vld [tilespmem:s3+$0x187E0]  }
0x4b: {  	v62 =	vld [tilespmem:s3+$0x18860]  }
0x4c: {  	v63 =	vld [tilespmem:s3+$0x18710]  }
0x4d: {  	v8 =	vld [tilespmem:s3+$0x18790]  }
0x4e: {  	v13 =	vld [tilespmem:s3+$0x188D0]  }
0x4f: {  	v14 =	vld [tilespmem:s3+$0x18950]  }
0x50: {  	v15 =	vld [tilespmem:s3+$0x189D0]  }
0x51: {  	v16 =	vld [tilespmem:s3+$0x18A50]  }
0x52: {  	v17 =	vld [tilespmem:s3+$0x187F0]  }
0x53: {  	v20 =	vld [tilespmem:s3+$0x188E0]  }
0x54: {  	v21 =	vld [tilespmem:s3+$0x18960]  }
0x55: {  	v22 =	vld [tilespmem:s3+$0x189E0]  }
0x56: {  	v23 =	vld [tilespmem:s3+$0x18A60]  }
0x57: {  	v24 =	vld [tilespmem:s3+$0x18AA0]  }
0x58: {  	v25 =	vld [tilespmem:s3+$0x18B20]  }
0x59: {  	v26 =	vld [tilespmem:s3+$0x18800]  }
0x5a: {  	v27 =	vld [tilespmem:s3+$0x18880]  }
0x5b: {  	v29 =	vld [tilespmem:s3+$0x188F0]  }
0x5c: {  	v30 =	vld [tilespmem:s3+$0x18970]  }
0x5d: {  	v31 =	vld [tilespmem:s3+$0x189F0]  }
0x5e: {  	v32 =	vld [tilespmem:s3+$0x18A70]  }
0x5f: {  	v33 =	vld [tilespmem:s3+$0x18AB0]  }
0x60: {  	v34 =	vld [tilespmem:s3+$0x18B30]  }
0x61: {  	v0 =	vld.idx.msk [tilespmem:v0+s2+$0x0], $0xffff  }
0x62: {  	v1 =	vld.idx.msk [tilespmem:v1+s2+$0x0], $0xffff  }
0x63: {  	v2 =	vld.idx.msk [tilespmem:v2+s2+$0x0], $0xffff  }
0x64: {  	v3 =	vld.idx.msk [tilespmem:v3+s2+$0x0], $0xffff  }
0x65: {  	v28 =	vld.idx.msk [tilespmem:v25+s2+$0x0], $0xffff  }
0x66: {  	v4 =	vld.idx.msk [tilespmem:v4+s2+$0x0], $0xffff  }
0x67: {  	v5 =	vld.idx.msk [tilespmem:v5+s2+$0x0], $0xffff  }
0x68: {  	v6 =	vld.idx.msk [tilespmem:v6+s2+$0x0], $0xffff  }
0x69: {  	v25 =	vld [tilespmem:s3+$0x18D50];
	[tilespmem:s3+$0x1A6A0] =	vst v0  }
0x6a: {  	[tilespmem:s3+$0x1AB20] =	vst v28;
	v28 =	vld [tilespmem:s3+$0x18BE0]  }
0x6b: {  	[tilespmem:s3+$0x1A720] =	vst v1;
	v0 =	vld.idx.msk [tilespmem:v35+s2+$0x0], $0xffff  }
0x6c: {  	[tilespmem:s3+$0x1A7A0] =	vst v2;
	v1 =	vld.idx.msk [tilespmem:v36+s2+$0x0], $0xffff  }
0x6d: {  	[tilespmem:s3+$0x1A820] =	vst v3;
	v2 =	vld.idx.msk [tilespmem:v45+s2+$0x0], $0xffff  }
0x6e: {  	[tilespmem:s3+$0x1A8A0] =	vst v4;
	v3 =	vld.idx.msk [tilespmem:v46+s2+$0x0], $0xffff  }
0x6f: {  	[tilespmem:s3+$0x1A920] =	vst v5;
	v4 =	vld.idx.msk [tilespmem:v51+s2+$0x0], $0xffff  }
0x70: {  	[tilespmem:s3+$0x1A9A0] =	vst v6;
	v5 =	vld.idx.msk [tilespmem:v52+s2+$0x0], $0xffff  }
0x71: {  	v6 =	vld.idx.msk [tilespmem:v53+s2+$0x0], $0xffff  }
0x72: {  	v35 =	vld [tilespmem:s3+$0x18900]  }
0x73: {  	v36 =	vld [tilespmem:s3+$0x18980]  }
0x74: {  	v45 =	vld [tilespmem:s3+$0x18A90]  }
0x75: {  	v51 =	vld [tilespmem:s3+$0x18D20]  }
0x76: {  	v52 =	vld [tilespmem:s3+$0x18E20]  }
0x77: {  	v53 =	vld [tilespmem:s3+$0x18B60];
	[tilespmem:s3+$0x1A6B0] =	vst v0  }
0x78: {  	[tilespmem:s3+$0x1A7B0] =	vst v2;
	v2 =	vld.idx.msk [tilespmem:v47+s2+$0x0], $0xffff  }
0x79: {  	[tilespmem:s3+$0x1A730] =	vst v1;
	v0 =	vld.idx.msk [tilespmem:v37+s2+$0x0], $0xffff  }
0x7a: {  	v1 =	vld.idx.msk [tilespmem:v38+s2+$0x0], $0xffff  }
0x7b: {  	[tilespmem:s3+$0x1A8B0] =	vst v4;
	v7 =	vld.idx.msk [tilespmem:v7+s2+$0x0], $0xffff  }
0x7c: {  	[tilespmem:s3+$0x1A930] =	vst v5;
	v9 =	vld.idx.msk [tilespmem:v57+s2+$0x0], $0xffff  }
0x7d: {  	[tilespmem:s3+$0x1A9B0] =	vst v6;
	v10 =	vld.idx.msk [tilespmem:v58+s2+$0x0], $0xffff  }
0x7e: {  	v11 =	vld.idx.msk [tilespmem:v59+s2+$0x0], $0xffff  }
0x7f: {  	v37 =	vld [tilespmem:s3+$0x18A00]  }
0x80: {  	v38 =	vld [tilespmem:s3+$0x18A80]  }
0x81: {  	v57 =	vld [tilespmem:s3+$0x18D30]  }
0x82: {  	v58 =	vld [tilespmem:s3+$0x18DB0]  }
0x83: {  	v59 =	vld [tilespmem:s3+$0x18E30];
	[tilespmem:s3+$0x1AA20] =	vst v2  }
0x84: {  	v2 =	vld.idx.msk [tilespmem:v54+s2+$0x0], $0xffff  }
0x85: {  	[tilespmem:s3+$0x1A8C0] =	vst v9;
	v9 =	vld [tilespmem:s3+$0x18870]  }
0x86: {  	[tilespmem:s3+$0x1A940] =	vst v10;
	v10 =	vld [tilespmem:s3+$0x18890]  }
0x87: {  	[tilespmem:s3+$0x1A9C0] =	vst v11;
	v11 =	vld [tilespmem:s3+$0x18A10]  }
0x88: {  	[tilespmem:s3+$0x1A6C0] =	vst v0;
	v54 =	vld [tilespmem:s3+$0x18BB0]  }
0x89: {  	[tilespmem:s3+$0x1A740] =	vst v1;
	v0 =	vld.idx.msk [tilespmem:v39+s2+$0x0], $0xffff  }
0x8a: {  	[tilespmem:s3+$0x1A7C0] =	vst v7;
	v1 =	vld.idx.msk [tilespmem:v40+s2+$0x0], $0xffff  }
0x8b: {  	v7 =	vld.idx.msk [tilespmem:v55+s2+$0x0], $0xffff  }
0x8c: {  	v18 =	vld.idx.msk [tilespmem:v13+s2+$0x0], $0xffff  }
0x8d: {  	v4 =	vld.idx.msk [tilespmem:v14+s2+$0x0], $0xffff  }
0x8e: {  	v5 =	vld.idx.msk [tilespmem:v15+s2+$0x0], $0xffff  }
0x8f: {  	v39 =	vld [tilespmem:s3+$0x18AC0]  }
0x90: {  	v40 =	vld [tilespmem:s3+$0x18B40]  }
0x91: {  	v13 =	vld [tilespmem:s3+$0x18B50]  }
0x92: {  	v14 =	vld [tilespmem:s3+$0x18DA0]  }
0x93: {  	v15 =	vld [tilespmem:s3+$0x18AE0]  }
0x94: {  	v55 =	vld [tilespmem:s3+$0x18C30];
	[tilespmem:s3+$0x1AA30] =	vst v2  }
0x95: {  	v2 =	vld.idx.msk [tilespmem:v60+s2+$0x0], $0xffff  }
0x96: {  	[tilespmem:s3+$0x1A6D0] =	vst v0;
	v60 =	vld [tilespmem:s3+$0x18BC0]  }
0x97: {  	[tilespmem:s3+$0x1A8D0] =	vst v18;
	v18 =	vld [tilespmem:s3+$0x18DC0]  }
0x98: {  	[tilespmem:s3+$0x1A750] =	vst v1;
	v0 =	vld.idx.msk [tilespmem:v41+s2+$0x0], $0xffff  }
0x99: {  	[tilespmem:s3+$0x1A7D0] =	vst v7;
	v1 =	vld.idx.msk [tilespmem:v42+s2+$0x0], $0xffff  }
0x9a: {  	[tilespmem:s3+$0x1A950] =	vst v4;
	v12 =	vld.idx.msk [tilespmem:v61+s2+$0x0], $0xffff  }
0x9b: {  	[tilespmem:s3+$0x1A9D0] =	vst v5;
	v4 =	vld.idx.msk [tilespmem:v21+s2+$0x0], $0xffff  }
0x9c: {  	v5 =	vld.idx.msk [tilespmem:v22+s2+$0x0], $0xffff  }
0x9d: {  	v41 =	vld [tilespmem:s3+$0x18810]  }
0x9e: {  	v61 =	vld [tilespmem:s3+$0x18C40]  }
0x9f: {  	v21 =	vld [tilespmem:s3+$0x18B70]  }
0xa0: {  	v22 =	vld [tilespmem:s3+$0x18BD0]  }
0xa1: {  	v14 =	vld.idx.msk [tilespmem:v14+s2+$0x0], $0xffff;
	[tilespmem:s3+$0x1AA40] =	vst v2  }
0xa2: {  	[tilespmem:s3+$0x1A6E0] =	vst v0;
	v2 =	vld.idx.msk [tilespmem:v16+s2+$0x0], $0xffff  }
0xa3: {  	[tilespmem:s3+$0x1A7E0] =	vst v12;
	v12 =	vld [tilespmem:s3+$0x18AD0]  }
0xa4: {  	[tilespmem:s3+$0x1A760] =	vst v1;
	v0 =	vld.idx.msk [tilespmem:v43+s2+$0x0], $0xffff  }
0xa5: {  	v1 =	vld.idx.msk [tilespmem:v44+s2+$0x0], $0xffff  }
0xa6: {  	[tilespmem:s3+$0x1A960] =	vst v4;
	v6 =	vld.idx.msk [tilespmem:v17+s2+$0x0], $0xffff  }
0xa7: {  	[tilespmem:s3+$0x1A9E0] =	vst v5;
	v4 =	vld.idx.msk [tilespmem:v30+s2+$0x0], $0xffff  }
0xa8: {  	v5 =	vld.idx.msk [tilespmem:v31+s2+$0x0], $0xffff  }
0xa9: {  	v43 =	vld [tilespmem:s3+$0x18910]  }
0xaa: {  	v44 =	vld [tilespmem:s3+$0x18990]  }
0xab: {  	[tilespmem:s3+$0x1A830] =	vst v3;
	v30 =	vld [tilespmem:s3+$0x18CE0]  }
0xac: {  	v31 =	vld [tilespmem:s3+$0x18D60];
	[tilespmem:s3+$0x1ADA0] =	vst v14  }
0xad: {  	v14 =	vld.idx.msk [tilespmem:v58+s2+$0x0], $0xffff;
	[tilespmem:s3+$0x1AA50] =	vst v2  }
0xae: {  	[tilespmem:s3+$0x1A6F0] =	vst v0;
	v0 =	vld.idx.msk [tilespmem:v48+s2+$0x0], $0xffff  }
0xaf: {  	v2 =	vld.idx.msk [tilespmem:v23+s2+$0x0], $0xffff  }
0xb0: {  	v48 =	vld [tilespmem:s3+$0x18BA0]  }
0xb1: {  	v23 =	vld [tilespmem:s3+$0x18C50]  }
0xb2: {  	[tilespmem:s3+$0x1A770] =	vst v1;
	v3 =	vld.idx.msk [tilespmem:v49+s2+$0x0], $0xffff  }
0xb3: {  	[tilespmem:s3+$0x1A970] =	vst v4;
	v1 =	vld.idx.msk [tilespmem:v50+s2+$0x0], $0xffff  }
0xb4: {  	[tilespmem:s3+$0x1A9F0] =	vst v5;
	v4 =	vld.idx.msk [tilespmem:v36+s2+$0x0], $0xffff  }
0xb5: {  	v5 =	vld.idx.msk [tilespmem:v37+s2+$0x0], $0xffff  }
0xb6: {  	v49 =	vld [tilespmem:s3+$0x18C20]  }
0xb7: {  	v50 =	vld [tilespmem:s3+$0x18CA0]  }
0xb8: {  	v36 =	vld [tilespmem:s3+$0x18BF0]  }
0xb9: {  	v37 =	vld [tilespmem:s3+$0x18C70];
	[tilespmem:s3+$0x1ADB0] =	vst v14  }
0xba: {  	v14 =	vld.idx.msk [tilespmem:v18+s2+$0x0], $0xffff;
	[tilespmem:s3+$0x1A840] =	vst v0  }
0xbb: {  	[tilespmem:s3+$0x1AA60] =	vst v2;
	v0 =	vld.idx.msk [tilespmem:v56+s2+$0x0], $0xffff  }
0xbc: {  	[tilespmem:s3+$0x1A700] =	vst v3;
	v3 =	vld.idx.msk [tilespmem:v20+s2+$0x0], $0xffff  }
0xbd: {  	v2 =	vld.idx.msk [tilespmem:v32+s2+$0x0], $0xffff  }
0xbe: {  	v56 =	vld [tilespmem:s3+$0x18CB0]  }
0xbf: {  	v20 =	vld [tilespmem:s3+$0x18AF0]  }
0xc0: {  	[tilespmem:s3+$0x1A780] =	vst v1;
	v32 =	vld [tilespmem:s3+$0x18DE0]  }
0xc1: {  	[tilespmem:s3+$0x1A980] =	vst v4;
	v1 =	vld.idx.msk [tilespmem:v63+s2+$0x0], $0xffff  }
0xc2: {  	v4 =	vld.idx.msk [tilespmem:v44+s2+$0x0], $0xffff  }
0xc3: {  	v63 =	vld [tilespmem:s3+$0x18D40]  }
0xc4: {  	v44 =	vld [tilespmem:s3+$0x18D00]  }
0xc5: {  	[tilespmem:s3+$0x1A8E0] =	vst v3;
	v3 =	vld.idx.msk [tilespmem:v34+s2+$0x0], $0xffff  }
0xc6: {  	[tilespmem:s3+$0x1A850] =	vst v0;
	v34 =	vld [tilespmem:s3+$0x18B00]  }
0xc7: {  	[tilespmem:s3+$0x1A7F0] =	vst v6;
	v0 =	vld.idx.msk [tilespmem:v62+s2+$0x0], $0xffff  }
0xc8: {  	[tilespmem:s3+$0x1AA70] =	vst v2;
	v6 =	vld.idx.msk [tilespmem:v29+s2+$0x0], $0xffff  }
0xc9: {  	v2 =	vld.idx.msk [tilespmem:v38+s2+$0x0], $0xffff  }
0xca: {  	v62 =	vld [tilespmem:s3+$0x18CC0]  }
0xcb: {  	v29 =	vld [tilespmem:s3+$0x18C60]  }
0xcc: {  	v38 =	vld [tilespmem:s3+$0x18CF0]  }
0xcd: {  	[tilespmem:s3+$0x1A860] =	vst v0;
	v0 =	vld.idx.msk [tilespmem:v8+s2+$0x0], $0xffff  }
0xce: {  	[tilespmem:s3+$0x1AB30] =	vst v3;
	v8 =	vld.idx.msk [tilespmem:v24+s2+$0x0], $0xffff  }
0xcf: {  	v3 =	vld.idx.msk [tilespmem:v40+s2+$0x0], $0xffff  }
0xd0: {  	v24 =	vld [tilespmem:s3+$0x18CD0]  }
0xd1: {  	v40 =	vld [tilespmem:s3+$0x18DF0]  }
0xd2: {  	v19 =	vld.idx.msk [tilespmem:v9+s2+$0x0], $0xffff  }
0xd3: {  	[tilespmem:s3+$0x1A8F0] =	vst v6;
	v9 =	vld.idx.msk [tilespmem:v26+s2+$0x0], $0xffff  }
0xd4: {  	[tilespmem:s3+$0x1AA80] =	vst v2;
	v6 =	vld.idx.msk [tilespmem:v35+s2+$0x0], $0xffff  }
0xd5: {  	v2 =	vld.idx.msk [tilespmem:v45+s2+$0x0], $0xffff  }
0xd6: {  	v26 =	vld [tilespmem:s3+$0x18DD0]  }
0xd7: {  	v35 =	vld [tilespmem:s3+$0x18B80]  }
0xd8: {  	[tilespmem:s3+$0x1AA00] =	vst v5;
	v45 =	vld [tilespmem:s3+$0x18D80]  }
0xd9: {  	[tilespmem:s3+$0x1AB40] =	vst v3;
	v3 =	vld.idx.msk [tilespmem:v11+s2+$0x0], $0xffff  }
0xda: {  	v11 =	vld.idx.msk [tilespmem:v49+s2+$0x0], $0xffff  }
0xdb: {  	[tilespmem:s3+$0x1AAA0] =	vst v8;
	v49 =	vld [tilespmem:s3+$0x18B90]  }
0xdc: {  	v8 =	vld.idx.msk [tilespmem:v33+s2+$0x0], $0xffff  }
0xdd: {  	v47 =	vld.idx.msk [tilespmem:v13+s2+$0x0], $0xffff  }
0xde: {  	v13 =	vld.idx.msk [tilespmem:v51+s2+$0x0], $0xffff  }
0xdf: {  	[tilespmem:s3+$0x1A870] =	vst v19;
	v19 =	vld [tilespmem:s3+$0x18E40]  }
0xe0: {  	v33 =	vld [tilespmem:s3+$0x18E60]  }
0xe1: {  	[tilespmem:s3+$0x1A900] =	vst v6;
	v7 =	vld.idx.msk [tilespmem:v27+s2+$0x0], $0xffff  }
0xe2: {  	v5 =	vld.idx.msk [tilespmem:v43+s2+$0x0], $0xffff  }
0xe3: {  	v27 =	vld [tilespmem:s3+$0x18E50]  }
0xe4: {  	[tilespmem:s3+$0x1ADC0] =	vst v14;
	v43 =	vld [tilespmem:s3+$0x18C80]  }
0xe5: {  	v14 =	vld.idx.msk [tilespmem:v26+s2+$0x0], $0xffff;
	[tilespmem:s3+$0x1AC20] =	vst v11  }
0xe6: {  	[tilespmem:s3+$0x1AAB0] =	vst v8;
	v8 =	vld.idx.msk [tilespmem:v52+s2+$0x0], $0xffff  }
0xe7: {  	v11 =	vld.idx.msk [tilespmem:v55+s2+$0x0], $0xffff  }
0xe8: {  	[tilespmem:s3+$0x1AB50] =	vst v47;
	v47 =	vld [tilespmem:s3+$0x18E80]  }
0xe9: {  	v52 =	vld [tilespmem:s3+$0x18C10]  }
0xea: {  	v55 =	vld [tilespmem:s3+$0x18D90]  }
0xeb: {  	[tilespmem:s3+$0x1A800] =	vst v9;
	v42 =	vld.idx.msk [tilespmem:v39+s2+$0x0], $0xffff  }
0xec: {  	[tilespmem:s3+$0x1A880] =	vst v7;
	v7 =	vld.idx.msk [tilespmem:v41+s2+$0x0], $0xffff  }
0xed: {  	[tilespmem:s3+$0x1AD20] =	vst v13;
	v9 =	vld.idx.msk [tilespmem:v53+s2+$0x0], $0xffff  }
0xee: {  	v13 =	vld.idx.msk [tilespmem:v57+s2+$0x0], $0xffff  }
0xef: {  	v39 =	vld [tilespmem:s3+$0x18D70]  }
0xf0: {  	[tilespmem:s3+$0x1A710] =	vst v1;
	v41 =	vld [tilespmem:s3+$0x18E70]  }
0xf1: {  	[tilespmem:s3+$0x1A990] =	vst v4;
	v53 =	vld [tilespmem:s3+$0x18C90]  }
0xf2: {  	[tilespmem:s3+$0x1A790] =	vst v0;
	v57 =	vld [tilespmem:s3+$0x18E90]  }
0xf3: {  	[tilespmem:s3+$0x1AA90] =	vst v2;
	v6 =	vld.idx.msk [tilespmem:v10+s2+$0x0], $0xffff  }
0xf4: {  	[tilespmem:s3+$0x1AA10] =	vst v3;
	v10 =	vld.idx.msk [tilespmem:v48+s2+$0x0], $0xffff  }
0xf5: {  	v48 =	vld [tilespmem:s3+$0x18B10];
	[tilespmem:s3+$0x1ADD0] =	vst v14  }
0xf6: {  	v14 =	vld.idx.msk [tilespmem:v32+s2+$0x0], $0xffff;
	[tilespmem:s3+$0x1AE20] =	vst v8  }
0xf7: {  	[tilespmem:s3+$0x1AC30] =	vst v11;
	v8 =	vld.idx.msk [tilespmem:v59+s2+$0x0], $0xffff  }
0xf8: {  	[tilespmem:s3+$0x1A910] =	vst v5;
	v11 =	vld.idx.msk [tilespmem:v61+s2+$0x0], $0xffff  }
0xf9: {  	[tilespmem:s3+$0x1AAC0] =	vst v42;
	v42 =	vld [tilespmem:s3+$0x18C00]  }
0xfa: {  	[tilespmem:s3+$0x1AD30] =	vst v13;
	v46 =	vld.idx.msk [tilespmem:v12+s2+$0x0], $0xffff  }
0xfb: {  	[tilespmem:s3+$0x1AB60] =	vst v9;
	v12 =	vld.idx.msk [tilespmem:v50+s2+$0x0], $0xffff  }
0xfc: {  	[tilespmem:s3+$0x1A810] =	vst v7;
	v13 =	vld.idx.msk [tilespmem:v63+s2+$0x0], $0xffff  }
0xfd: {  	[tilespmem:s3+$0x1ABA0] =	vst v10;
	v9 =	vld.idx.msk [tilespmem:v21+s2+$0x0], $0xffff  }
0xfe: {  	[tilespmem:s3+$0x1A890] =	vst v6;
	v10 =	vld.idx.msk [tilespmem:v54+s2+$0x0], $0xffff  }
0xff: {  	v54 =	vld [tilespmem:s3+$0x18D10];
	[tilespmem:s3+$0x1ADE0] =	vst v14  }
0x100: {  	v14 =	vld.idx.msk [tilespmem:v40+s2+$0x0], $0xffff;
	[tilespmem:s3+$0x1AE30] =	vst v8  }
0x101: {  	[tilespmem:s3+$0x1AC40] =	vst v11;
	v8 =	vld.idx.msk [tilespmem:v19+s2+$0x0], $0xffff  }
0x102: {  	[tilespmem:s3+$0x1ACA0] =	vst v12;
	v11 =	vld.idx.msk [tilespmem:v23+s2+$0x0], $0xffff  }
0x103: {  	[tilespmem:s3+$0x1AAD0] =	vst v46;
	v12 =	vld.idx.msk [tilespmem:v56+s2+$0x0], $0xffff  }
0x104: {  	[tilespmem:s3+$0x1AD40] =	vst v13;
	v46 =	vld [tilespmem:s3+$0x18E00]  }
0x105: {  	[tilespmem:s3+$0x1AB70] =	vst v9;
	v15 =	vld.idx.msk [tilespmem:v15+s2+$0x0], $0xffff  }
0x106: {  	[tilespmem:s3+$0x1ABB0] =	vst v10;
	v13 =	vld.idx.msk [tilespmem:v25+s2+$0x0], $0xffff  }
0x107: {  	v9 =	vld.idx.msk [tilespmem:v35+s2+$0x0], $0xffff;
	[tilespmem:s3+$0x1ADF0] =	vst v14  }
0x108: {  	v10 =	vld.idx.msk [tilespmem:v60+s2+$0x0], $0xffff;
	[tilespmem:s3+$0x1ACB0] =	vst v12  }
0x109: {  	[tilespmem:s3+$0x1AE40] =	vst v8;
	v12 =	vld.idx.msk [tilespmem:v62+s2+$0x0], $0xffff  }
0x10a: {  	v56 =	vld [tilespmem:s3+$0x18E10];
	[tilespmem:s3+$0x1AC50] =	vst v11  }
0x10b: {  	[tilespmem:s3+$0x1AAE0] =	vst v15;
	v8 =	vld.idx.msk [tilespmem:v27+s2+$0x0], $0xffff  }
0x10c: {  	[tilespmem:s3+$0x1AD50] =	vst v13;
	v11 =	vld.idx.msk [tilespmem:v29+s2+$0x0], $0xffff  }
0x10d: {  	[tilespmem:s3+$0x1ABC0] =	vst v10;
	v15 =	vld.idx.msk [tilespmem:v20+s2+$0x0], $0xffff  }
0x10e: {  	v10 =	vld.idx.msk [tilespmem:v22+s2+$0x0], $0xffff;
	[tilespmem:s3+$0x1ACC0] =	vst v12  }
0x10f: {  	[tilespmem:s3+$0x1AB80] =	vst v9;
	v12 =	vld.idx.msk [tilespmem:v24+s2+$0x0], $0xffff  }
0x110: {  	v13 =	vld.idx.msk [tilespmem:v31+s2+$0x0], $0xffff;
	[tilespmem:s3+$0x1AE50] =	vst v8  }
0x111: {  	v59 =	vld.idx.msk [tilespmem:v49+s2+$0x0], $0xffff;
	[tilespmem:s3+$0x1AC60] =	vst v11  }
0x112: {  	v51 =	vld.idx.msk [tilespmem:v46+s2+$0x0], $0xffff;
	[tilespmem:s3+$0x1AAF0] =	vst v15  }
0x113: {  	v8 =	vld.idx.msk [tilespmem:v33+s2+$0x0], $0xffff;
	[tilespmem:s3+$0x1ABD0] =	vst v10  }
0x114: {  	v10 =	vld.idx.msk [tilespmem:v28+s2+$0x0], $0xffff;
	[tilespmem:s3+$0x1ACD0] =	vst v12  }
0x115: {  	[tilespmem:s3+$0x1AD60] =	vst v13;
	v12 =	vld.idx.msk [tilespmem:v30+s2+$0x0], $0xffff  }
0x116: {  	v11 =	vld.idx.msk [tilespmem:v37+s2+$0x0], $0xffff;
	[tilespmem:s3+$0x1AB90] =	vst v59  }
0x117: {  	v13 =	vld.idx.msk [tilespmem:v39+s2+$0x0], $0xffff;
	[tilespmem:s3+$0x1AE00] =	vst v51  }
0x118: {  	v15 =	vld.idx.msk [tilespmem:v34+s2+$0x0], $0xffff;
	[tilespmem:s3+$0x1AE60] =	vst v8  }
0x119: {  	v8 =	vld.idx.msk [tilespmem:v41+s2+$0x0], $0xffff;
	[tilespmem:s3+$0x1ABE0] =	vst v10  }
0x11a: {  	v10 =	vld.idx.msk [tilespmem:v36+s2+$0x0], $0xffff;
	[tilespmem:s3+$0x1ACE0] =	vst v12  }
0x11b: {  	[tilespmem:s3+$0x1AC70] =	vst v11;
	v12 =	vld.idx.msk [tilespmem:v38+s2+$0x0], $0xffff  }
0x11c: {  	v62 =	vld.idx.msk [tilespmem:v56+s2+$0x0], $0xffff;
	[tilespmem:s3+$0x1AD70] =	vst v13  }
0x11d: {  	[tilespmem:s3+$0x1AB00] =	vst v15;
	v11 =	vld.idx.msk [tilespmem:v43+s2+$0x0], $0xffff  }
0x11e: {  	v50 =	vld.idx.msk [tilespmem:v45+s2+$0x0], $0xffff;
	[tilespmem:s3+$0x1AE70] =	vst v8  }
0x11f: {  	v8 =	vld.idx.msk [tilespmem:v47+s2+$0x0], $0xffff;
	[tilespmem:s3+$0x1ABF0] =	vst v10  }
0x120: {  	v10 =	vld.idx.msk [tilespmem:v42+s2+$0x0], $0xffff;
	[tilespmem:s3+$0x1ACF0] =	vst v12  }
0x121: {  	[tilespmem:s3+$0x1AE10] =	vst v62;
	v12 =	vld.idx.msk [tilespmem:v44+s2+$0x0], $0xffff  }
0x122: {  	v58 =	vld.idx.msk [tilespmem:v48+s2+$0x0], $0xffff;
	[tilespmem:s3+$0x1AC80] =	vst v11  }
0x123: {  	[tilespmem:s3+$0x1AD80] =	vst v50;
	v61 =	vld.idx.msk [tilespmem:v53+s2+$0x0], $0xffff  }
0x124: {  	v0 =	vld.idx.msk [tilespmem:v55+s2+$0x0], $0xffff;
	[tilespmem:s3+$0x1AE80] =	vst v8  }
0x125: {  	v63 =	vld.idx.msk [tilespmem:v57+s2+$0x0], $0xffff;
	[tilespmem:s3+$0x1AC00] =	vst v10  }
0x126: {  	v60 =	vld.idx.msk [tilespmem:v52+s2+$0x0], $0xffff;
	[tilespmem:s3+$0x1AD00] =	vst v12  }
0x127: {  	p2 =	por p1, p1;
	[tilespmem:s3+$0x1AB10] =	vst v58;
	v1 =	vld.idx.msk [tilespmem:v54+s2+$0x0], $0xffff  }
.Ltmp0:
0x128: {  	[tilespmem:s3+$0x1AC90] =	vst v61;
	(pc) =	sbr.rel @p2 .LBB2_2-.Ltmp0, $4  }
0x129: {  	[tilespmem:s3+$0x1AD90] =	vst v0  }
0x12a: {  	[tilespmem:s3+$0x1AE90] =	vst v63  }
0x12b: {  	[tilespmem:s3+$0x1AC10] =	vst v60  }
0x12c: {  	p1 =	por $0x0, $0x0;
	[tilespmem:s3+$0x1AD10] =	vst v1;
	s3 =	simm.s32 $0x800  }
0x12d: {  	[tilespmem:s19], [sflag:$0x1] =	stream.linear.gather [spmem:s8], $0x1000, $0x38;
	[tilespmem:$0x1F8A0] =	vst v63  }
0x12e: {  	s3 =	rddreg [dreg:$0x6]  }
0x12f: {  	[hbm4b:s3+s23] =	stream.strided.scatter [tilespmem:s25], [sflag:$0x3], $0x1000, s24, s23, $0x38;
	[tilespmem:$0x1F8A0] =	vst v63  }
0x130: {  	_ =	swait.ge [sflag:s26], $0x1000  }
0x131: {  	[sflag:s26] =	ssyncset.done $0x0  }
0x132: {  	p1 =	por $0x1, $0x1;
	s3 =	simm.s32 $0x0;
	[sflag:s26] =	ssyncadd.s32 $0xFFFFF000  }
.LBB2_4:
0x133: {  	v0 =	vld [tilespmem:s3+$0x196A0]  }
0x134: {  	v1 =	vld [tilespmem:s3+$0x19720]  }
0x135: {  	v35 =	vld [tilespmem:s3+$0x196B0]  }
0x136: {  	v36 =	vld [tilespmem:s3+$0x19730]  }
0x137: {  	v37 =	vld [tilespmem:s3+$0x196C0]  }
0x138: {  	v38 =	vld [tilespmem:s3+$0x19740]  }
0x139: {  	v39 =	vld [tilespmem:s3+$0x196D0]  }
0x13a: {  	v40 =	vld [tilespmem:s3+$0x19750]  }
0x13b: {  	v41 =	vld [tilespmem:s3+$0x196E0]  }
0x13c: {  	v42 =	vld [tilespmem:s3+$0x19760]  }
0x13d: {  	v2 =	vld [tilespmem:s3+$0x197A0]  }
0x13e: {  	v3 =	vld [tilespmem:s3+$0x19820]  }
0x13f: {  	v43 =	vld [tilespmem:s3+$0x196F0]  }
0x140: {  	v44 =	vld [tilespmem:s3+$0x19770]  }
0x141: {  	v45 =	vld [tilespmem:s3+$0x197B0]  }
0x142: {  	v46 =	vld [tilespmem:s3+$0x19830]  }
0x143: {  	v4 =	vld [tilespmem:s3+$0x198A0]  }
0x144: {  	v5 =	vld [tilespmem:s3+$0x19920]  }
0x145: {  	v6 =	vld [tilespmem:s3+$0x199A0]  }
0x146: {  	v47 =	vld [tilespmem:s3+$0x19A20]  }
0x147: {  	v7 =	vld [tilespmem:s3+$0x197C0]  }
0x148: {  	v48 =	vld [tilespmem:s3+$0x19840]  }
0x149: {  	v49 =	vld [tilespmem:s3+$0x19700]  }
0x14a: {  	v50 =	vld [tilespmem:s3+$0x19780]  }
0x14b: {  	v51 =	vld [tilespmem:s3+$0x198B0]  }
0x14c: {  	v52 =	vld [tilespmem:s3+$0x19930]  }
0x14d: {  	v53 =	vld [tilespmem:s3+$0x199B0]  }
0x14e: {  	v54 =	vld [tilespmem:s3+$0x19A30]  }
0x14f: {  	v55 =	vld [tilespmem:s3+$0x197D0]  }
0x150: {  	v56 =	vld [tilespmem:s3+$0x19850]  }
0x151: {  	v57 =	vld [tilespmem:s3+$0x198C0]  }
0x152: {  	v58 =	vld [tilespmem:s3+$0x19940]  }
0x153: {  	v59 =	vld [tilespmem:s3+$0x199C0]  }
0x154: {  	v60 =	vld [tilespmem:s3+$0x19A40]  }
0x155: {  	v61 =	vld [tilespmem:s3+$0x197E0]  }
0x156: {  	v62 =	vld [tilespmem:s3+$0x19860]  }
0x157: {  	v63 =	vld [tilespmem:s3+$0x19710]  }
0x158: {  	v8 =	vld [tilespmem:s3+$0x19790]  }
0x159: {  	v13 =	vld [tilespmem:s3+$0x198D0]  }
0x15a: {  	v14 =	vld [tilespmem:s3+$0x19950]  }
0x15b: {  	v15 =	vld [tilespmem:s3+$0x199D0]  }
0x15c: {  	v16 =	vld [tilespmem:s3+$0x19A50]  }
0x15d: {  	v17 =	vld [tilespmem:s3+$0x197F0]  }
0x15e: {  	v20 =	vld [tilespmem:s3+$0x198E0]  }
0x15f: {  	v21 =	vld [tilespmem:s3+$0x19960]  }
0x160: {  	v22 =	vld [tilespmem:s3+$0x199E0]  }
0x161: {  	v23 =	vld [tilespmem:s3+$0x19A60]  }
0x162: {  	v24 =	vld [tilespmem:s3+$0x19AA0]  }
0x163: {  	v25 =	vld [tilespmem:s3+$0x19B20]  }
0x164: {  	v26 =	vld [tilespmem:s3+$0x19800]  }
0x165: {  	v27 =	vld [tilespmem:s3+$0x19880]  }
0x166: {  	v29 =	vld [tilespmem:s3+$0x198F0]  }
0x167: {  	v30 =	vld [tilespmem:s3+$0x19970]  }
0x168: {  	v31 =	vld [tilespmem:s3+$0x199F0]  }
0x169: {  	v32 =	vld [tilespmem:s3+$0x19A70]  }
0x16a: {  	v33 =	vld [tilespmem:s3+$0x19AB0]  }
0x16b: {  	v34 =	vld [tilespmem:s3+$0x19B30]  }
0x16c: {  	v0 =	vld.idx.msk [tilespmem:v0+s2+$0x0], $0xffff  }
0x16d: {  	v1 =	vld.idx.msk [tilespmem:v1+s2+$0x0], $0xffff  }
0x16e: {  	v2 =	vld.idx.msk [tilespmem:v2+s2+$0x0], $0xffff  }
0x16f: {  	v3 =	vld.idx.msk [tilespmem:v3+s2+$0x0], $0xffff  }
0x170: {  	v28 =	vld.idx.msk [tilespmem:v25+s2+$0x0], $0xffff  }
0x171: {  	v4 =	vld.idx.msk [tilespmem:v4+s2+$0x0], $0xffff  }
0x172: {  	v5 =	vld.idx.msk [tilespmem:v5+s2+$0x0], $0xffff  }
0x173: {  	v6 =	vld.idx.msk [tilespmem:v6+s2+$0x0], $0xffff  }
0x174: {  	v25 =	vld [tilespmem:s3+$0x19D50];
	[tilespmem:s3+$0x1B6A0] =	vst v0  }
0x175: {  	[tilespmem:s3+$0x1BB20] =	vst v28;
	v28 =	vld [tilespmem:s3+$0x19BE0]  }
0x176: {  	[tilespmem:s3+$0x1B720] =	vst v1;
	v0 =	vld.idx.msk [tilespmem:v35+s2+$0x0], $0xffff  }
0x177: {  	[tilespmem:s3+$0x1B7A0] =	vst v2;
	v1 =	vld.idx.msk [tilespmem:v36+s2+$0x0], $0xffff  }
0x178: {  	[tilespmem:s3+$0x1B820] =	vst v3;
	v2 =	vld.idx.msk [tilespmem:v45+s2+$0x0], $0xffff  }
0x179: {  	[tilespmem:s3+$0x1B8A0] =	vst v4;
	v3 =	vld.idx.msk [tilespmem:v46+s2+$0x0], $0xffff  }
0x17a: {  	[tilespmem:s3+$0x1B920] =	vst v5;
	v4 =	vld.idx.msk [tilespmem:v51+s2+$0x0], $0xffff  }
0x17b: {  	[tilespmem:s3+$0x1B9A0] =	vst v6;
	v5 =	vld.idx.msk [tilespmem:v52+s2+$0x0], $0xffff  }
0x17c: {  	v6 =	vld.idx.msk [tilespmem:v53+s2+$0x0], $0xffff  }
0x17d: {  	v35 =	vld [tilespmem:s3+$0x19900]  }
0x17e: {  	v36 =	vld [tilespmem:s3+$0x19980]  }
0x17f: {  	v45 =	vld [tilespmem:s3+$0x19A90]  }
0x180: {  	v51 =	vld [tilespmem:s3+$0x19D20]  }
0x181: {  	v52 =	vld [tilespmem:s3+$0x19E20]  }
0x182: {  	v53 =	vld [tilespmem:s3+$0x19B60];
	[tilespmem:s3+$0x1B6B0] =	vst v0  }
0x183: {  	[tilespmem:s3+$0x1B7B0] =	vst v2;
	v2 =	vld.idx.msk [tilespmem:v47+s2+$0x0], $0xffff  }
0x184: {  	[tilespmem:s3+$0x1B730] =	vst v1;
	v0 =	vld.idx.msk [tilespmem:v37+s2+$0x0], $0xffff  }
0x185: {  	v1 =	vld.idx.msk [tilespmem:v38+s2+$0x0], $0xffff  }
0x186: {  	[tilespmem:s3+$0x1B8B0] =	vst v4;
	v7 =	vld.idx.msk [tilespmem:v7+s2+$0x0], $0xffff  }
0x187: {  	[tilespmem:s3+$0x1B930] =	vst v5;
	v9 =	vld.idx.msk [tilespmem:v57+s2+$0x0], $0xffff  }
0x188: {  	[tilespmem:s3+$0x1B9B0] =	vst v6;
	v10 =	vld.idx.msk [tilespmem:v58+s2+$0x0], $0xffff  }
0x189: {  	v11 =	vld.idx.msk [tilespmem:v59+s2+$0x0], $0xffff  }
0x18a: {  	v37 =	vld [tilespmem:s3+$0x19A00]  }
0x18b: {  	v38 =	vld [tilespmem:s3+$0x19A80]  }
0x18c: {  	v57 =	vld [tilespmem:s3+$0x19D30]  }
0x18d: {  	v58 =	vld [tilespmem:s3+$0x19DB0]  }
0x18e: {  	v59 =	vld [tilespmem:s3+$0x19E30];
	[tilespmem:s3+$0x1BA20] =	vst v2  }
0x18f: {  	v2 =	vld.idx.msk [tilespmem:v54+s2+$0x0], $0xffff  }
0x190: {  	[tilespmem:s3+$0x1B8C0] =	vst v9;
	v9 =	vld [tilespmem:s3+$0x19870]  }
0x191: {  	[tilespmem:s3+$0x1B940] =	vst v10;
	v10 =	vld [tilespmem:s3+$0x19890]  }
0x192: {  	[tilespmem:s3+$0x1B9C0] =	vst v11;
	v11 =	vld [tilespmem:s3+$0x19A10]  }
0x193: {  	[tilespmem:s3+$0x1B6C0] =	vst v0;
	v54 =	vld [tilespmem:s3+$0x19BB0]  }
0x194: {  	[tilespmem:s3+$0x1B740] =	vst v1;
	v0 =	vld.idx.msk [tilespmem:v39+s2+$0x0], $0xffff  }
0x195: {  	[tilespmem:s3+$0x1B7C0] =	vst v7;
	v1 =	vld.idx.msk [tilespmem:v40+s2+$0x0], $0xffff  }
0x196: {  	v7 =	vld.idx.msk [tilespmem:v55+s2+$0x0], $0xffff  }
0x197: {  	v18 =	vld.idx.msk [tilespmem:v13+s2+$0x0], $0xffff  }
0x198: {  	v4 =	vld.idx.msk [tilespmem:v14+s2+$0x0], $0xffff  }
0x199: {  	v5 =	vld.idx.msk [tilespmem:v15+s2+$0x0], $0xffff  }
0x19a: {  	v39 =	vld [tilespmem:s3+$0x19AC0]  }
0x19b: {  	v40 =	vld [tilespmem:s3+$0x19B40]  }
0x19c: {  	v13 =	vld [tilespmem:s3+$0x19B50]  }
0x19d: {  	v14 =	vld [tilespmem:s3+$0x19DA0]  }
0x19e: {  	v15 =	vld [tilespmem:s3+$0x19AE0]  }
0x19f: {  	v55 =	vld [tilespmem:s3+$0x19C30];
	[tilespmem:s3+$0x1BA30] =	vst v2  }
0x1a0: {  	v2 =	vld.idx.msk [tilespmem:v60+s2+$0x0], $0xffff  }
0x1a1: {  	[tilespmem:s3+$0x1B6D0] =	vst v0;
	v60 =	vld [tilespmem:s3+$0x19BC0]  }
0x1a2: {  	[tilespmem:s3+$0x1B8D0] =	vst v18;
	v18 =	vld [tilespmem:s3+$0x19DC0]  }
0x1a3: {  	[tilespmem:s3+$0x1B750] =	vst v1;
	v0 =	vld.idx.msk [tilespmem:v41+s2+$0x0], $0xffff  }
0x1a4: {  	[tilespmem:s3+$0x1B7D0] =	vst v7;
	v1 =	vld.idx.msk [tilespmem:v42+s2+$0x0], $0xffff  }
0x1a5: {  	[tilespmem:s3+$0x1B950] =	vst v4;
	v12 =	vld.idx.msk [tilespmem:v61+s2+$0x0], $0xffff  }
0x1a6: {  	[tilespmem:s3+$0x1B9D0] =	vst v5;
	v4 =	vld.idx.msk [tilespmem:v21+s2+$0x0], $0xffff  }
0x1a7: {  	v5 =	vld.idx.msk [tilespmem:v22+s2+$0x0], $0xffff  }
0x1a8: {  	v41 =	vld [tilespmem:s3+$0x19810]  }
0x1a9: {  	v61 =	vld [tilespmem:s3+$0x19C40]  }
0x1aa: {  	v21 =	vld [tilespmem:s3+$0x19B70]  }
0x1ab: {  	v22 =	vld [tilespmem:s3+$0x19BD0]  }
0x1ac: {  	v14 =	vld.idx.msk [tilespmem:v14+s2+$0x0], $0xffff;
	[tilespmem:s3+$0x1BA40] =	vst v2  }
0x1ad: {  	[tilespmem:s3+$0x1B6E0] =	vst v0;
	v2 =	vld.idx.msk [tilespmem:v16+s2+$0x0], $0xffff  }
0x1ae: {  	[tilespmem:s3+$0x1B7E0] =	vst v12;
	v12 =	vld [tilespmem:s3+$0x19AD0]  }
0x1af: {  	[tilespmem:s3+$0x1B760] =	vst v1;
	v0 =	vld.idx.msk [tilespmem:v43+s2+$0x0], $0xffff  }
0x1b0: {  	v1 =	vld.idx.msk [tilespmem:v44+s2+$0x0], $0xffff  }
0x1b1: {  	[tilespmem:s3+$0x1B960] =	vst v4;
	v6 =	vld.idx.msk [tilespmem:v17+s2+$0x0], $0xffff  }
0x1b2: {  	[tilespmem:s3+$0x1B9E0] =	vst v5;
	v4 =	vld.idx.msk [tilespmem:v30+s2+$0x0], $0xffff  }
0x1b3: {  	v5 =	vld.idx.msk [tilespmem:v31+s2+$0x0], $0xffff  }
0x1b4: {  	v43 =	vld [tilespmem:s3+$0x19910]  }
0x1b5: {  	v44 =	vld [tilespmem:s3+$0x19990]  }
0x1b6: {  	[tilespmem:s3+$0x1B830] =	vst v3;
	v30 =	vld [tilespmem:s3+$0x19CE0]  }
0x1b7: {  	v31 =	vld [tilespmem:s3+$0x19D60];
	[tilespmem:s3+$0x1BDA0] =	vst v14  }
0x1b8: {  	v14 =	vld.idx.msk [tilespmem:v58+s2+$0x0], $0xffff;
	[tilespmem:s3+$0x1BA50] =	vst v2  }
0x1b9: {  	[tilespmem:s3+$0x1B6F0] =	vst v0;
	v0 =	vld.idx.msk [tilespmem:v48+s2+$0x0], $0xffff  }
0x1ba: {  	v2 =	vld.idx.msk [tilespmem:v23+s2+$0x0], $0xffff  }
0x1bb: {  	v48 =	vld [tilespmem:s3+$0x19BA0]  }
0x1bc: {  	v23 =	vld [tilespmem:s3+$0x19C50]  }
0x1bd: {  	[tilespmem:s3+$0x1B770] =	vst v1;
	v3 =	vld.idx.msk [tilespmem:v49+s2+$0x0], $0xffff  }
0x1be: {  	[tilespmem:s3+$0x1B970] =	vst v4;
	v1 =	vld.idx.msk [tilespmem:v50+s2+$0x0], $0xffff  }
0x1bf: {  	[tilespmem:s3+$0x1B9F0] =	vst v5;
	v4 =	vld.idx.msk [tilespmem:v36+s2+$0x0], $0xffff  }
0x1c0: {  	v5 =	vld.idx.msk [tilespmem:v37+s2+$0x0], $0xffff  }
0x1c1: {  	v49 =	vld [tilespmem:s3+$0x19C20]  }
0x1c2: {  	v50 =	vld [tilespmem:s3+$0x19CA0]  }
0x1c3: {  	v36 =	vld [tilespmem:s3+$0x19BF0]  }
0x1c4: {  	v37 =	vld [tilespmem:s3+$0x19C70];
	[tilespmem:s3+$0x1BDB0] =	vst v14  }
0x1c5: {  	v14 =	vld.idx.msk [tilespmem:v18+s2+$0x0], $0xffff;
	[tilespmem:s3+$0x1B840] =	vst v0  }
0x1c6: {  	[tilespmem:s3+$0x1BA60] =	vst v2;
	v0 =	vld.idx.msk [tilespmem:v56+s2+$0x0], $0xffff  }
0x1c7: {  	[tilespmem:s3+$0x1B700] =	vst v3;
	v3 =	vld.idx.msk [tilespmem:v20+s2+$0x0], $0xffff  }
0x1c8: {  	v2 =	vld.idx.msk [tilespmem:v32+s2+$0x0], $0xffff  }
0x1c9: {  	v56 =	vld [tilespmem:s3+$0x19CB0]  }
0x1ca: {  	v20 =	vld [tilespmem:s3+$0x19AF0]  }
0x1cb: {  	[tilespmem:s3+$0x1B780] =	vst v1;
	v32 =	vld [tilespmem:s3+$0x19DE0]  }
0x1cc: {  	[tilespmem:s3+$0x1B980] =	vst v4;
	v1 =	vld.idx.msk [tilespmem:v63+s2+$0x0], $0xffff  }
0x1cd: {  	v4 =	vld.idx.msk [tilespmem:v44+s2+$0x0], $0xffff  }
0x1ce: {  	v63 =	vld [tilespmem:s3+$0x19D40]  }
0x1cf: {  	v44 =	vld [tilespmem:s3+$0x19D00]  }
0x1d0: {  	[tilespmem:s3+$0x1B8E0] =	vst v3;
	v3 =	vld.idx.msk [tilespmem:v34+s2+$0x0], $0xffff  }
0x1d1: {  	[tilespmem:s3+$0x1B850] =	vst v0;
	v34 =	vld [tilespmem:s3+$0x19B00]  }
0x1d2: {  	[tilespmem:s3+$0x1B7F0] =	vst v6;
	v0 =	vld.idx.msk [tilespmem:v62+s2+$0x0], $0xffff  }
0x1d3: {  	[tilespmem:s3+$0x1BA70] =	vst v2;
	v6 =	vld.idx.msk [tilespmem:v29+s2+$0x0], $0xffff  }
0x1d4: {  	v2 =	vld.idx.msk [tilespmem:v38+s2+$0x0], $0xffff  }
0x1d5: {  	v62 =	vld [tilespmem:s3+$0x19CC0]  }
0x1d6: {  	v29 =	vld [tilespmem:s3+$0x19C60]  }
0x1d7: {  	v38 =	vld [tilespmem:s3+$0x19CF0]  }
0x1d8: {  	[tilespmem:s3+$0x1B860] =	vst v0;
	v0 =	vld.idx.msk [tilespmem:v8+s2+$0x0], $0xffff  }
0x1d9: {  	[tilespmem:s3+$0x1BB30] =	vst v3;
	v8 =	vld.idx.msk [tilespmem:v24+s2+$0x0], $0xffff  }
0x1da: {  	v3 =	vld.idx.msk [tilespmem:v40+s2+$0x0], $0xffff  }
0x1db: {  	v24 =	vld [tilespmem:s3+$0x19CD0]  }
0x1dc: {  	v40 =	vld [tilespmem:s3+$0x19DF0]  }
0x1dd: {  	v19 =	vld.idx.msk [tilespmem:v9+s2+$0x0], $0xffff  }
0x1de: {  	[tilespmem:s3+$0x1B8F0] =	vst v6;
	v9 =	vld.idx.msk [tilespmem:v26+s2+$0x0], $0xffff  }
0x1df: {  	[tilespmem:s3+$0x1BA80] =	vst v2;
	v6 =	vld.idx.msk [tilespmem:v35+s2+$0x0], $0xffff  }
0x1e0: {  	v2 =	vld.idx.msk [tilespmem:v45+s2+$0x0], $0xffff  }
0x1e1: {  	v26 =	vld [tilespmem:s3+$0x19DD0]  }
0x1e2: {  	v35 =	vld [tilespmem:s3+$0x19B80]  }
0x1e3: {  	[tilespmem:s3+$0x1BA00] =	vst v5;
	v45 =	vld [tilespmem:s3+$0x19D80]  }
0x1e4: {  	[tilespmem:s3+$0x1BB40] =	vst v3;
	v3 =	vld.idx.msk [tilespmem:v11+s2+$0x0], $0xffff  }
0x1e5: {  	v11 =	vld.idx.msk [tilespmem:v49+s2+$0x0], $0xffff  }
0x1e6: {  	[tilespmem:s3+$0x1BAA0] =	vst v8;
	v49 =	vld [tilespmem:s3+$0x19B90]  }
0x1e7: {  	v8 =	vld.idx.msk [tilespmem:v33+s2+$0x0], $0xffff  }
0x1e8: {  	v47 =	vld.idx.msk [tilespmem:v13+s2+$0x0], $0xffff  }
0x1e9: {  	v13 =	vld.idx.msk [tilespmem:v51+s2+$0x0], $0xffff  }
0x1ea: {  	[tilespmem:s3+$0x1B870] =	vst v19;
	v19 =	vld [tilespmem:s3+$0x19E40]  }
0x1eb: {  	v33 =	vld [tilespmem:s3+$0x19E60]  }
0x1ec: {  	[tilespmem:s3+$0x1B900] =	vst v6;
	v7 =	vld.idx.msk [tilespmem:v27+s2+$0x0], $0xffff  }
0x1ed: {  	v5 =	vld.idx.msk [tilespmem:v43+s2+$0x0], $0xffff  }
0x1ee: {  	v27 =	vld [tilespmem:s3+$0x19E50]  }
0x1ef: {  	[tilespmem:s3+$0x1BDC0] =	vst v14;
	v43 =	vld [tilespmem:s3+$0x19C80]  }
0x1f0: {  	v14 =	vld.idx.msk [tilespmem:v26+s2+$0x0], $0xffff;
	[tilespmem:s3+$0x1BC20] =	vst v11  }
0x1f1: {  	[tilespmem:s3+$0x1BAB0] =	vst v8;
	v8 =	vld.idx.msk [tilespmem:v52+s2+$0x0], $0xffff  }
0x1f2: {  	v11 =	vld.idx.msk [tilespmem:v55+s2+$0x0], $0xffff  }
0x1f3: {  	[tilespmem:s3+$0x1BB50] =	vst v47;
	v47 =	vld [tilespmem:s3+$0x19E80]  }
0x1f4: {  	v52 =	vld [tilespmem:s3+$0x19C10]  }
0x1f5: {  	v55 =	vld [tilespmem:s3+$0x19D90]  }
0x1f6: {  	[tilespmem:s3+$0x1B800] =	vst v9;
	v42 =	vld.idx.msk [tilespmem:v39+s2+$0x0], $0xffff  }
0x1f7: {  	[tilespmem:s3+$0x1B880] =	vst v7;
	v7 =	vld.idx.msk [tilespmem:v41+s2+$0x0], $0xffff  }
0x1f8: {  	[tilespmem:s3+$0x1BD20] =	vst v13;
	v9 =	vld.idx.msk [tilespmem:v53+s2+$0x0], $0xffff  }
0x1f9: {  	v13 =	vld.idx.msk [tilespmem:v57+s2+$0x0], $0xffff  }
0x1fa: {  	v39 =	vld [tilespmem:s3+$0x19D70]  }
0x1fb: {  	[tilespmem:s3+$0x1B710] =	vst v1;
	v41 =	vld [tilespmem:s3+$0x19E70]  }
0x1fc: {  	[tilespmem:s3+$0x1B990] =	vst v4;
	v53 =	vld [tilespmem:s3+$0x19C90]  }
0x1fd: {  	[tilespmem:s3+$0x1B790] =	vst v0;
	v57 =	vld [tilespmem:s3+$0x19E90]  }
0x1fe: {  	[tilespmem:s3+$0x1BA90] =	vst v2;
	v6 =	vld.idx.msk [tilespmem:v10+s2+$0x0], $0xffff  }
0x1ff: {  	[tilespmem:s3+$0x1BA10] =	vst v3;
	v10 =	vld.idx.msk [tilespmem:v48+s2+$0x0], $0xffff  }
0x200: {  	v48 =	vld [tilespmem:s3+$0x19B10];
	[tilespmem:s3+$0x1BDD0] =	vst v14  }
0x201: {  	v14 =	vld.idx.msk [tilespmem:v32+s2+$0x0], $0xffff;
	[tilespmem:s3+$0x1BE20] =	vst v8  }
0x202: {  	[tilespmem:s3+$0x1BC30] =	vst v11;
	v8 =	vld.idx.msk [tilespmem:v59+s2+$0x0], $0xffff  }
0x203: {  	[tilespmem:s3+$0x1B910] =	vst v5;
	v11 =	vld.idx.msk [tilespmem:v61+s2+$0x0], $0xffff  }
0x204: {  	[tilespmem:s3+$0x1BAC0] =	vst v42;
	v42 =	vld [tilespmem:s3+$0x19C00]  }
0x205: {  	[tilespmem:s3+$0x1BD30] =	vst v13;
	v46 =	vld.idx.msk [tilespmem:v12+s2+$0x0], $0xffff  }
0x206: {  	[tilespmem:s3+$0x1BB60] =	vst v9;
	v12 =	vld.idx.msk [tilespmem:v50+s2+$0x0], $0xffff  }
0x207: {  	[tilespmem:s3+$0x1B810] =	vst v7;
	v13 =	vld.idx.msk [tilespmem:v63+s2+$0x0], $0xffff  }
0x208: {  	[tilespmem:s3+$0x1BBA0] =	vst v10;
	v9 =	vld.idx.msk [tilespmem:v21+s2+$0x0], $0xffff  }
0x209: {  	[tilespmem:s3+$0x1B890] =	vst v6;
	v10 =	vld.idx.msk [tilespmem:v54+s2+$0x0], $0xffff  }
0x20a: {  	v54 =	vld [tilespmem:s3+$0x19D10];
	[tilespmem:s3+$0x1BDE0] =	vst v14  }
0x20b: {  	v14 =	vld.idx.msk [tilespmem:v40+s2+$0x0], $0xffff;
	[tilespmem:s3+$0x1BE30] =	vst v8  }
0x20c: {  	[tilespmem:s3+$0x1BC40] =	vst v11;
	v8 =	vld.idx.msk [tilespmem:v19+s2+$0x0], $0xffff  }
0x20d: {  	[tilespmem:s3+$0x1BCA0] =	vst v12;
	v11 =	vld.idx.msk [tilespmem:v23+s2+$0x0], $0xffff  }
0x20e: {  	[tilespmem:s3+$0x1BAD0] =	vst v46;
	v12 =	vld.idx.msk [tilespmem:v56+s2+$0x0], $0xffff  }
0x20f: {  	[tilespmem:s3+$0x1BD40] =	vst v13;
	v46 =	vld [tilespmem:s3+$0x19E00]  }
0x210: {  	[tilespmem:s3+$0x1BB70] =	vst v9;
	v15 =	vld.idx.msk [tilespmem:v15+s2+$0x0], $0xffff  }
0x211: {  	[tilespmem:s3+$0x1BBB0] =	vst v10;
	v13 =	vld.idx.msk [tilespmem:v25+s2+$0x0], $0xffff  }
0x212: {  	v9 =	vld.idx.msk [tilespmem:v35+s2+$0x0], $0xffff;
	[tilespmem:s3+$0x1BDF0] =	vst v14  }
0x213: {  	v10 =	vld.idx.msk [tilespmem:v60+s2+$0x0], $0xffff;
	[tilespmem:s3+$0x1BCB0] =	vst v12  }
0x214: {  	[tilespmem:s3+$0x1BE40] =	vst v8;
	v12 =	vld.idx.msk [tilespmem:v62+s2+$0x0], $0xffff  }
0x215: {  	v56 =	vld [tilespmem:s3+$0x19E10];
	[tilespmem:s3+$0x1BC50] =	vst v11  }
0x216: {  	[tilespmem:s3+$0x1BAE0] =	vst v15;
	v8 =	vld.idx.msk [tilespmem:v27+s2+$0x0], $0xffff  }
0x217: {  	[tilespmem:s3+$0x1BD50] =	vst v13;
	v11 =	vld.idx.msk [tilespmem:v29+s2+$0x0], $0xffff  }
0x218: {  	[tilespmem:s3+$0x1BBC0] =	vst v10;
	v15 =	vld.idx.msk [tilespmem:v20+s2+$0x0], $0xffff  }
0x219: {  	v10 =	vld.idx.msk [tilespmem:v22+s2+$0x0], $0xffff;
	[tilespmem:s3+$0x1BCC0] =	vst v12  }
0x21a: {  	[tilespmem:s3+$0x1BB80] =	vst v9;
	v12 =	vld.idx.msk [tilespmem:v24+s2+$0x0], $0xffff  }
0x21b: {  	v13 =	vld.idx.msk [tilespmem:v31+s2+$0x0], $0xffff;
	[tilespmem:s3+$0x1BE50] =	vst v8  }
0x21c: {  	v59 =	vld.idx.msk [tilespmem:v49+s2+$0x0], $0xffff;
	[tilespmem:s3+$0x1BC60] =	vst v11  }
0x21d: {  	v51 =	vld.idx.msk [tilespmem:v46+s2+$0x0], $0xffff;
	[tilespmem:s3+$0x1BAF0] =	vst v15  }
0x21e: {  	v8 =	vld.idx.msk [tilespmem:v33+s2+$0x0], $0xffff;
	[tilespmem:s3+$0x1BBD0] =	vst v10  }
0x21f: {  	v10 =	vld.idx.msk [tilespmem:v28+s2+$0x0], $0xffff;
	[tilespmem:s3+$0x1BCD0] =	vst v12  }
0x220: {  	[tilespmem:s3+$0x1BD60] =	vst v13;
	v12 =	vld.idx.msk [tilespmem:v30+s2+$0x0], $0xffff  }
0x221: {  	v11 =	vld.idx.msk [tilespmem:v37+s2+$0x0], $0xffff;
	[tilespmem:s3+$0x1BB90] =	vst v59  }
0x222: {  	v13 =	vld.idx.msk [tilespmem:v39+s2+$0x0], $0xffff;
	[tilespmem:s3+$0x1BE00] =	vst v51  }
0x223: {  	v15 =	vld.idx.msk [tilespmem:v34+s2+$0x0], $0xffff;
	[tilespmem:s3+$0x1BE60] =	vst v8  }
0x224: {  	v8 =	vld.idx.msk [tilespmem:v41+s2+$0x0], $0xffff;
	[tilespmem:s3+$0x1BBE0] =	vst v10  }
0x225: {  	v10 =	vld.idx.msk [tilespmem:v36+s2+$0x0], $0xffff;
	[tilespmem:s3+$0x1BCE0] =	vst v12  }
0x226: {  	[tilespmem:s3+$0x1BC70] =	vst v11;
	v12 =	vld.idx.msk [tilespmem:v38+s2+$0x0], $0xffff  }
0x227: {  	v62 =	vld.idx.msk [tilespmem:v56+s2+$0x0], $0xffff;
	[tilespmem:s3+$0x1BD70] =	vst v13  }
0x228: {  	[tilespmem:s3+$0x1BB00] =	vst v15;
	v11 =	vld.idx.msk [tilespmem:v43+s2+$0x0], $0xffff  }
0x229: {  	v50 =	vld.idx.msk [tilespmem:v45+s2+$0x0], $0xffff;
	[tilespmem:s3+$0x1BE70] =	vst v8  }
0x22a: {  	v8 =	vld.idx.msk [tilespmem:v47+s2+$0x0], $0xffff;
	[tilespmem:s3+$0x1BBF0] =	vst v10  }
0x22b: {  	v10 =	vld.idx.msk [tilespmem:v42+s2+$0x0], $0xffff;
	[tilespmem:s3+$0x1BCF0] =	vst v12  }
0x22c: {  	[tilespmem:s3+$0x1BE10] =	vst v62;
	v12 =	vld.idx.msk [tilespmem:v44+s2+$0x0], $0xffff  }
0x22d: {  	v58 =	vld.idx.msk [tilespmem:v48+s2+$0x0], $0xffff;
	[tilespmem:s3+$0x1BC80] =	vst v11  }
0x22e: {  	[tilespmem:s3+$0x1BD80] =	vst v50;
	v61 =	vld.idx.msk [tilespmem:v53+s2+$0x0], $0xffff  }
0x22f: {  	v0 =	vld.idx.msk [tilespmem:v55+s2+$0x0], $0xffff;
	[tilespmem:s3+$0x1BE80] =	vst v8  }
0x230: {  	v63 =	vld.idx.msk [tilespmem:v57+s2+$0x0], $0xffff;
	[tilespmem:s3+$0x1BC00] =	vst v10  }
0x231: {  	v60 =	vld.idx.msk [tilespmem:v52+s2+$0x0], $0xffff;
	[tilespmem:s3+$0x1BD00] =	vst v12  }
0x232: {  	p2 =	por p1, p1;
	[tilespmem:s3+$0x1BB10] =	vst v58;
	v1 =	vld.idx.msk [tilespmem:v54+s2+$0x0], $0xffff  }
.Ltmp1:
0x233: {  	[tilespmem:s3+$0x1BC90] =	vst v61;
	(pc) =	sbr.rel @p2 .LBB2_4-.Ltmp1, $4  }
0x234: {  	[tilespmem:s3+$0x1BD90] =	vst v0  }
0x235: {  	[tilespmem:s3+$0x1BE90] =	vst v63  }
0x236: {  	[tilespmem:s3+$0x1BC10] =	vst v60  }
0x237: {  	p1 =	por $0x0, $0x0;
	[tilespmem:s3+$0x1BD10] =	vst v1;
	s3 =	simm.s32 $0x800  }
0x238: {  	[tilespmem:s20], [sflag:$0x2] =	stream.linear.gather [spmem:s10], $0x1000, $0x38;
	[tilespmem:$0x1F8A0] =	vst v63  }
0x239: {  	s3 =	rddreg [dreg:$0x7]  }
0x23a: {  	[hbm4b:s3+s23] =	stream.strided.scatter [tilespmem:s28], [sflag:$0x4], $0x1000, s24, s23, $0x38;
	[tilespmem:$0x1F8A0] =	vst v63  }
0x23b: {  	s3 =	simm.s32 $0x1  }
.LBB2_6:
0x23c: {  	_ =	swait.ge [sflag:s22], $0x1000  }
0x23d: {  	[sflag:s22] =	ssyncset.done $0x0  }
0x23e: {  	[sflag:s22] =	ssyncadd.s32 $0xFFFFF000  }
0x23f: {  	_ =	swait.ge [sflag:s29], $0x1000  }
0x240: {  	[sflag:s29] =	ssyncset.done $0x0  }
0x241: {  	s5 =	simm.s32 $0x0;
	p1 =	por $0x1, $0x1;
	[sflag:s29] =	ssyncadd.s32 $0xFFFFF000  }
.LBB2_7:
0x242: {  	v0 =	vld [tilespmem:s5+$0x186A0]  }
0x243: {  	v1 =	vld [tilespmem:s5+$0x18720]  }
0x244: {  	v35 =	vld [tilespmem:s5+$0x186B0]  }
0x245: {  	v36 =	vld [tilespmem:s5+$0x18730]  }
0x246: {  	v37 =	vld [tilespmem:s5+$0x186C0]  }
0x247: {  	v38 =	vld [tilespmem:s5+$0x18740]  }
0x248: {  	v39 =	vld [tilespmem:s5+$0x186D0]  }
0x249: {  	v40 =	vld [tilespmem:s5+$0x18750]  }
0x24a: {  	v41 =	vld [tilespmem:s5+$0x186E0]  }
0x24b: {  	v42 =	vld [tilespmem:s5+$0x18760]  }
0x24c: {  	v2 =	vld [tilespmem:s5+$0x187A0]  }
0x24d: {  	v3 =	vld [tilespmem:s5+$0x18820]  }
0x24e: {  	v43 =	vld [tilespmem:s5+$0x186F0]  }
0x24f: {  	v44 =	vld [tilespmem:s5+$0x18770]  }
0x250: {  	v45 =	vld [tilespmem:s5+$0x187B0]  }
0x251: {  	v46 =	vld [tilespmem:s5+$0x18830]  }
0x252: {  	v4 =	vld [tilespmem:s5+$0x188A0]  }
0x253: {  	v5 =	vld [tilespmem:s5+$0x18920]  }
0x254: {  	v6 =	vld [tilespmem:s5+$0x189A0]  }
0x255: {  	v47 =	vld [tilespmem:s5+$0x18A20]  }
0x256: {  	v7 =	vld [tilespmem:s5+$0x187C0]  }
0x257: {  	v48 =	vld [tilespmem:s5+$0x18840]  }
0x258: {  	v49 =	vld [tilespmem:s5+$0x18700]  }
0x259: {  	v50 =	vld [tilespmem:s5+$0x18780]  }
0x25a: {  	v51 =	vld [tilespmem:s5+$0x188B0]  }
0x25b: {  	v52 =	vld [tilespmem:s5+$0x18930]  }
0x25c: {  	v53 =	vld [tilespmem:s5+$0x189B0]  }
0x25d: {  	v54 =	vld [tilespmem:s5+$0x18A30]  }
0x25e: {  	v55 =	vld [tilespmem:s5+$0x187D0]  }
0x25f: {  	v56 =	vld [tilespmem:s5+$0x18850]  }
0x260: {  	v57 =	vld [tilespmem:s5+$0x188C0]  }
0x261: {  	v58 =	vld [tilespmem:s5+$0x18940]  }
0x262: {  	v59 =	vld [tilespmem:s5+$0x189C0]  }
0x263: {  	v60 =	vld [tilespmem:s5+$0x18A40]  }
0x264: {  	v61 =	vld [tilespmem:s5+$0x187E0]  }
0x265: {  	v62 =	vld [tilespmem:s5+$0x18860]  }
0x266: {  	v63 =	vld [tilespmem:s5+$0x18710]  }
0x267: {  	v8 =	vld [tilespmem:s5+$0x18790]  }
0x268: {  	v13 =	vld [tilespmem:s5+$0x188D0]  }
0x269: {  	v14 =	vld [tilespmem:s5+$0x18950]  }
0x26a: {  	v15 =	vld [tilespmem:s5+$0x189D0]  }
0x26b: {  	v16 =	vld [tilespmem:s5+$0x18A50]  }
0x26c: {  	v17 =	vld [tilespmem:s5+$0x187F0]  }
0x26d: {  	v20 =	vld [tilespmem:s5+$0x188E0]  }
0x26e: {  	v21 =	vld [tilespmem:s5+$0x18960]  }
0x26f: {  	v22 =	vld [tilespmem:s5+$0x189E0]  }
0x270: {  	v23 =	vld [tilespmem:s5+$0x18A60]  }
0x271: {  	v24 =	vld [tilespmem:s5+$0x18AA0]  }
0x272: {  	v25 =	vld [tilespmem:s5+$0x18B20]  }
0x273: {  	v26 =	vld [tilespmem:s5+$0x18800]  }
0x274: {  	v27 =	vld [tilespmem:s5+$0x18880]  }
0x275: {  	v29 =	vld [tilespmem:s5+$0x188F0]  }
0x276: {  	v30 =	vld [tilespmem:s5+$0x18970]  }
0x277: {  	v31 =	vld [tilespmem:s5+$0x189F0]  }
0x278: {  	v32 =	vld [tilespmem:s5+$0x18A70]  }
0x279: {  	v33 =	vld [tilespmem:s5+$0x18AB0]  }
0x27a: {  	v34 =	vld [tilespmem:s5+$0x18B30]  }
0x27b: {  	v0 =	vld.idx.msk [tilespmem:v0+s2+$0x0], $0xffff  }
0x27c: {  	v1 =	vld.idx.msk [tilespmem:v1+s2+$0x0], $0xffff  }
0x27d: {  	v2 =	vld.idx.msk [tilespmem:v2+s2+$0x0], $0xffff  }
0x27e: {  	v3 =	vld.idx.msk [tilespmem:v3+s2+$0x0], $0xffff  }
0x27f: {  	v28 =	vld.idx.msk [tilespmem:v25+s2+$0x0], $0xffff  }
0x280: {  	v4 =	vld.idx.msk [tilespmem:v4+s2+$0x0], $0xffff  }
0x281: {  	v5 =	vld.idx.msk [tilespmem:v5+s2+$0x0], $0xffff  }
0x282: {  	v6 =	vld.idx.msk [tilespmem:v6+s2+$0x0], $0xffff  }
0x283: {  	v25 =	vld [tilespmem:s5+$0x18D50];
	[tilespmem:s5+$0x1A6A0] =	vst v0  }
0x284: {  	[tilespmem:s5+$0x1AB20] =	vst v28;
	v28 =	vld [tilespmem:s5+$0x18BE0]  }
0x285: {  	[tilespmem:s5+$0x1A720] =	vst v1;
	v0 =	vld.idx.msk [tilespmem:v35+s2+$0x0], $0xffff  }
0x286: {  	[tilespmem:s5+$0x1A7A0] =	vst v2;
	v1 =	vld.idx.msk [tilespmem:v36+s2+$0x0], $0xffff  }
0x287: {  	[tilespmem:s5+$0x1A820] =	vst v3;
	v2 =	vld.idx.msk [tilespmem:v45+s2+$0x0], $0xffff  }
0x288: {  	[tilespmem:s5+$0x1A8A0] =	vst v4;
	v3 =	vld.idx.msk [tilespmem:v46+s2+$0x0], $0xffff  }
0x289: {  	[tilespmem:s5+$0x1A920] =	vst v5;
	v4 =	vld.idx.msk [tilespmem:v51+s2+$0x0], $0xffff  }
0x28a: {  	[tilespmem:s5+$0x1A9A0] =	vst v6;
	v5 =	vld.idx.msk [tilespmem:v52+s2+$0x0], $0xffff  }
0x28b: {  	v6 =	vld.idx.msk [tilespmem:v53+s2+$0x0], $0xffff  }
0x28c: {  	v35 =	vld [tilespmem:s5+$0x18900]  }
0x28d: {  	v36 =	vld [tilespmem:s5+$0x18980]  }
0x28e: {  	v45 =	vld [tilespmem:s5+$0x18A90]  }
0x28f: {  	v51 =	vld [tilespmem:s5+$0x18D20]  }
0x290: {  	v52 =	vld [tilespmem:s5+$0x18E20]  }
0x291: {  	v53 =	vld [tilespmem:s5+$0x18B60];
	[tilespmem:s5+$0x1A6B0] =	vst v0  }
0x292: {  	[tilespmem:s5+$0x1A7B0] =	vst v2;
	v2 =	vld.idx.msk [tilespmem:v47+s2+$0x0], $0xffff  }
0x293: {  	[tilespmem:s5+$0x1A730] =	vst v1;
	v0 =	vld.idx.msk [tilespmem:v37+s2+$0x0], $0xffff  }
0x294: {  	v1 =	vld.idx.msk [tilespmem:v38+s2+$0x0], $0xffff  }
0x295: {  	[tilespmem:s5+$0x1A8B0] =	vst v4;
	v7 =	vld.idx.msk [tilespmem:v7+s2+$0x0], $0xffff  }
0x296: {  	[tilespmem:s5+$0x1A930] =	vst v5;
	v9 =	vld.idx.msk [tilespmem:v57+s2+$0x0], $0xffff  }
0x297: {  	[tilespmem:s5+$0x1A9B0] =	vst v6;
	v10 =	vld.idx.msk [tilespmem:v58+s2+$0x0], $0xffff  }
0x298: {  	v11 =	vld.idx.msk [tilespmem:v59+s2+$0x0], $0xffff  }
0x299: {  	v37 =	vld [tilespmem:s5+$0x18A00]  }
0x29a: {  	v38 =	vld [tilespmem:s5+$0x18A80]  }
0x29b: {  	v57 =	vld [tilespmem:s5+$0x18D30]  }
0x29c: {  	v58 =	vld [tilespmem:s5+$0x18DB0]  }
0x29d: {  	v59 =	vld [tilespmem:s5+$0x18E30];
	[tilespmem:s5+$0x1AA20] =	vst v2  }
0x29e: {  	v2 =	vld.idx.msk [tilespmem:v54+s2+$0x0], $0xffff  }
0x29f: {  	[tilespmem:s5+$0x1A8C0] =	vst v9;
	v9 =	vld [tilespmem:s5+$0x18870]  }
0x2a0: {  	[tilespmem:s5+$0x1A940] =	vst v10;
	v10 =	vld [tilespmem:s5+$0x18890]  }
0x2a1: {  	[tilespmem:s5+$0x1A9C0] =	vst v11;
	v11 =	vld [tilespmem:s5+$0x18A10]  }
0x2a2: {  	[tilespmem:s5+$0x1A6C0] =	vst v0;
	v54 =	vld [tilespmem:s5+$0x18BB0]  }
0x2a3: {  	[tilespmem:s5+$0x1A740] =	vst v1;
	v0 =	vld.idx.msk [tilespmem:v39+s2+$0x0], $0xffff  }
0x2a4: {  	[tilespmem:s5+$0x1A7C0] =	vst v7;
	v1 =	vld.idx.msk [tilespmem:v40+s2+$0x0], $0xffff  }
0x2a5: {  	v7 =	vld.idx.msk [tilespmem:v55+s2+$0x0], $0xffff  }
0x2a6: {  	v18 =	vld.idx.msk [tilespmem:v13+s2+$0x0], $0xffff  }
0x2a7: {  	v4 =	vld.idx.msk [tilespmem:v14+s2+$0x0], $0xffff  }
0x2a8: {  	v5 =	vld.idx.msk [tilespmem:v15+s2+$0x0], $0xffff  }
0x2a9: {  	v39 =	vld [tilespmem:s5+$0x18AC0]  }
0x2aa: {  	v40 =	vld [tilespmem:s5+$0x18B40]  }
0x2ab: {  	v13 =	vld [tilespmem:s5+$0x18B50]  }
0x2ac: {  	v14 =	vld [tilespmem:s5+$0x18DA0]  }
0x2ad: {  	v15 =	vld [tilespmem:s5+$0x18AE0]  }
0x2ae: {  	v55 =	vld [tilespmem:s5+$0x18C30];
	[tilespmem:s5+$0x1AA30] =	vst v2  }
0x2af: {  	v2 =	vld.idx.msk [tilespmem:v60+s2+$0x0], $0xffff  }
0x2b0: {  	[tilespmem:s5+$0x1A6D0] =	vst v0;
	v60 =	vld [tilespmem:s5+$0x18BC0]  }
0x2b1: {  	[tilespmem:s5+$0x1A8D0] =	vst v18;
	v18 =	vld [tilespmem:s5+$0x18DC0]  }
0x2b2: {  	[tilespmem:s5+$0x1A750] =	vst v1;
	v0 =	vld.idx.msk [tilespmem:v41+s2+$0x0], $0xffff  }
0x2b3: {  	[tilespmem:s5+$0x1A7D0] =	vst v7;
	v1 =	vld.idx.msk [tilespmem:v42+s2+$0x0], $0xffff  }
0x2b4: {  	[tilespmem:s5+$0x1A950] =	vst v4;
	v12 =	vld.idx.msk [tilespmem:v61+s2+$0x0], $0xffff  }
0x2b5: {  	[tilespmem:s5+$0x1A9D0] =	vst v5;
	v4 =	vld.idx.msk [tilespmem:v21+s2+$0x0], $0xffff  }
0x2b6: {  	v5 =	vld.idx.msk [tilespmem:v22+s2+$0x0], $0xffff  }
0x2b7: {  	v41 =	vld [tilespmem:s5+$0x18810]  }
0x2b8: {  	v61 =	vld [tilespmem:s5+$0x18C40]  }
0x2b9: {  	v21 =	vld [tilespmem:s5+$0x18B70]  }
0x2ba: {  	v22 =	vld [tilespmem:s5+$0x18BD0]  }
0x2bb: {  	v14 =	vld.idx.msk [tilespmem:v14+s2+$0x0], $0xffff;
	[tilespmem:s5+$0x1AA40] =	vst v2  }
0x2bc: {  	[tilespmem:s5+$0x1A6E0] =	vst v0;
	v2 =	vld.idx.msk [tilespmem:v16+s2+$0x0], $0xffff  }
0x2bd: {  	[tilespmem:s5+$0x1A7E0] =	vst v12;
	v12 =	vld [tilespmem:s5+$0x18AD0]  }
0x2be: {  	[tilespmem:s5+$0x1A760] =	vst v1;
	v0 =	vld.idx.msk [tilespmem:v43+s2+$0x0], $0xffff  }
0x2bf: {  	v1 =	vld.idx.msk [tilespmem:v44+s2+$0x0], $0xffff  }
0x2c0: {  	[tilespmem:s5+$0x1A960] =	vst v4;
	v6 =	vld.idx.msk [tilespmem:v17+s2+$0x0], $0xffff  }
0x2c1: {  	[tilespmem:s5+$0x1A9E0] =	vst v5;
	v4 =	vld.idx.msk [tilespmem:v30+s2+$0x0], $0xffff  }
0x2c2: {  	v5 =	vld.idx.msk [tilespmem:v31+s2+$0x0], $0xffff  }
0x2c3: {  	v43 =	vld [tilespmem:s5+$0x18910]  }
0x2c4: {  	v44 =	vld [tilespmem:s5+$0x18990]  }
0x2c5: {  	[tilespmem:s5+$0x1A830] =	vst v3;
	v30 =	vld [tilespmem:s5+$0x18CE0]  }
0x2c6: {  	v31 =	vld [tilespmem:s5+$0x18D60];
	[tilespmem:s5+$0x1ADA0] =	vst v14  }
0x2c7: {  	v14 =	vld.idx.msk [tilespmem:v58+s2+$0x0], $0xffff;
	[tilespmem:s5+$0x1AA50] =	vst v2  }
0x2c8: {  	[tilespmem:s5+$0x1A6F0] =	vst v0;
	v0 =	vld.idx.msk [tilespmem:v48+s2+$0x0], $0xffff  }
0x2c9: {  	v2 =	vld.idx.msk [tilespmem:v23+s2+$0x0], $0xffff  }
0x2ca: {  	v48 =	vld [tilespmem:s5+$0x18BA0]  }
0x2cb: {  	v23 =	vld [tilespmem:s5+$0x18C50]  }
0x2cc: {  	[tilespmem:s5+$0x1A770] =	vst v1;
	v3 =	vld.idx.msk [tilespmem:v49+s2+$0x0], $0xffff  }
0x2cd: {  	[tilespmem:s5+$0x1A970] =	vst v4;
	v1 =	vld.idx.msk [tilespmem:v50+s2+$0x0], $0xffff  }
0x2ce: {  	[tilespmem:s5+$0x1A9F0] =	vst v5;
	v4 =	vld.idx.msk [tilespmem:v36+s2+$0x0], $0xffff  }
0x2cf: {  	v5 =	vld.idx.msk [tilespmem:v37+s2+$0x0], $0xffff  }
0x2d0: {  	v49 =	vld [tilespmem:s5+$0x18C20]  }
0x2d1: {  	v50 =	vld [tilespmem:s5+$0x18CA0]  }
0x2d2: {  	v36 =	vld [tilespmem:s5+$0x18BF0]  }
0x2d3: {  	v37 =	vld [tilespmem:s5+$0x18C70];
	[tilespmem:s5+$0x1ADB0] =	vst v14  }
0x2d4: {  	v14 =	vld.idx.msk [tilespmem:v18+s2+$0x0], $0xffff;
	[tilespmem:s5+$0x1A840] =	vst v0  }
0x2d5: {  	[tilespmem:s5+$0x1AA60] =	vst v2;
	v0 =	vld.idx.msk [tilespmem:v56+s2+$0x0], $0xffff  }
0x2d6: {  	[tilespmem:s5+$0x1A700] =	vst v3;
	v3 =	vld.idx.msk [tilespmem:v20+s2+$0x0], $0xffff  }
0x2d7: {  	v2 =	vld.idx.msk [tilespmem:v32+s2+$0x0], $0xffff  }
0x2d8: {  	v56 =	vld [tilespmem:s5+$0x18CB0]  }
0x2d9: {  	v20 =	vld [tilespmem:s5+$0x18AF0]  }
0x2da: {  	[tilespmem:s5+$0x1A780] =	vst v1;
	v32 =	vld [tilespmem:s5+$0x18DE0]  }
0x2db: {  	[tilespmem:s5+$0x1A980] =	vst v4;
	v1 =	vld.idx.msk [tilespmem:v63+s2+$0x0], $0xffff  }
0x2dc: {  	v4 =	vld.idx.msk [tilespmem:v44+s2+$0x0], $0xffff  }
0x2dd: {  	v63 =	vld [tilespmem:s5+$0x18D40]  }
0x2de: {  	v44 =	vld [tilespmem:s5+$0x18D00]  }
0x2df: {  	[tilespmem:s5+$0x1A8E0] =	vst v3;
	v3 =	vld.idx.msk [tilespmem:v34+s2+$0x0], $0xffff  }
0x2e0: {  	[tilespmem:s5+$0x1A850] =	vst v0;
	v34 =	vld [tilespmem:s5+$0x18B00]  }
0x2e1: {  	[tilespmem:s5+$0x1A7F0] =	vst v6;
	v0 =	vld.idx.msk [tilespmem:v62+s2+$0x0], $0xffff  }
0x2e2: {  	[tilespmem:s5+$0x1AA70] =	vst v2;
	v6 =	vld.idx.msk [tilespmem:v29+s2+$0x0], $0xffff  }
0x2e3: {  	v2 =	vld.idx.msk [tilespmem:v38+s2+$0x0], $0xffff  }
0x2e4: {  	v62 =	vld [tilespmem:s5+$0x18CC0]  }
0x2e5: {  	v29 =	vld [tilespmem:s5+$0x18C60]  }
0x2e6: {  	v38 =	vld [tilespmem:s5+$0x18CF0]  }
0x2e7: {  	[tilespmem:s5+$0x1A860] =	vst v0;
	v0 =	vld.idx.msk [tilespmem:v8+s2+$0x0], $0xffff  }
0x2e8: {  	[tilespmem:s5+$0x1AB30] =	vst v3;
	v8 =	vld.idx.msk [tilespmem:v24+s2+$0x0], $0xffff  }
0x2e9: {  	v3 =	vld.idx.msk [tilespmem:v40+s2+$0x0], $0xffff  }
0x2ea: {  	v24 =	vld [tilespmem:s5+$0x18CD0]  }
0x2eb: {  	v40 =	vld [tilespmem:s5+$0x18DF0]  }
0x2ec: {  	v19 =	vld.idx.msk [tilespmem:v9+s2+$0x0], $0xffff  }
0x2ed: {  	[tilespmem:s5+$0x1A8F0] =	vst v6;
	v9 =	vld.idx.msk [tilespmem:v26+s2+$0x0], $0xffff  }
0x2ee: {  	[tilespmem:s5+$0x1AA80] =	vst v2;
	v6 =	vld.idx.msk [tilespmem:v35+s2+$0x0], $0xffff  }
0x2ef: {  	v2 =	vld.idx.msk [tilespmem:v45+s2+$0x0], $0xffff  }
0x2f0: {  	v26 =	vld [tilespmem:s5+$0x18DD0]  }
0x2f1: {  	v35 =	vld [tilespmem:s5+$0x18B80]  }
0x2f2: {  	[tilespmem:s5+$0x1AA00] =	vst v5;
	v45 =	vld [tilespmem:s5+$0x18D80]  }
0x2f3: {  	[tilespmem:s5+$0x1AB40] =	vst v3;
	v3 =	vld.idx.msk [tilespmem:v11+s2+$0x0], $0xffff  }
0x2f4: {  	v11 =	vld.idx.msk [tilespmem:v49+s2+$0x0], $0xffff  }
0x2f5: {  	[tilespmem:s5+$0x1AAA0] =	vst v8;
	v49 =	vld [tilespmem:s5+$0x18B90]  }
0x2f6: {  	v8 =	vld.idx.msk [tilespmem:v33+s2+$0x0], $0xffff  }
0x2f7: {  	v47 =	vld.idx.msk [tilespmem:v13+s2+$0x0], $0xffff  }
0x2f8: {  	v13 =	vld.idx.msk [tilespmem:v51+s2+$0x0], $0xffff  }
0x2f9: {  	[tilespmem:s5+$0x1A870] =	vst v19;
	v19 =	vld [tilespmem:s5+$0x18E40]  }
0x2fa: {  	v33 =	vld [tilespmem:s5+$0x18E60]  }
0x2fb: {  	[tilespmem:s5+$0x1A900] =	vst v6;
	v7 =	vld.idx.msk [tilespmem:v27+s2+$0x0], $0xffff  }
0x2fc: {  	v5 =	vld.idx.msk [tilespmem:v43+s2+$0x0], $0xffff  }
0x2fd: {  	v27 =	vld [tilespmem:s5+$0x18E50]  }
0x2fe: {  	[tilespmem:s5+$0x1ADC0] =	vst v14;
	v43 =	vld [tilespmem:s5+$0x18C80]  }
0x2ff: {  	v14 =	vld.idx.msk [tilespmem:v26+s2+$0x0], $0xffff;
	[tilespmem:s5+$0x1AC20] =	vst v11  }
0x300: {  	[tilespmem:s5+$0x1AAB0] =	vst v8;
	v8 =	vld.idx.msk [tilespmem:v52+s2+$0x0], $0xffff  }
0x301: {  	v11 =	vld.idx.msk [tilespmem:v55+s2+$0x0], $0xffff  }
0x302: {  	[tilespmem:s5+$0x1AB50] =	vst v47;
	v47 =	vld [tilespmem:s5+$0x18E80]  }
0x303: {  	v52 =	vld [tilespmem:s5+$0x18C10]  }
0x304: {  	v55 =	vld [tilespmem:s5+$0x18D90]  }
0x305: {  	[tilespmem:s5+$0x1A800] =	vst v9;
	v42 =	vld.idx.msk [tilespmem:v39+s2+$0x0], $0xffff  }
0x306: {  	[tilespmem:s5+$0x1A880] =	vst v7;
	v7 =	vld.idx.msk [tilespmem:v41+s2+$0x0], $0xffff  }
0x307: {  	[tilespmem:s5+$0x1AD20] =	vst v13;
	v9 =	vld.idx.msk [tilespmem:v53+s2+$0x0], $0xffff  }
0x308: {  	v13 =	vld.idx.msk [tilespmem:v57+s2+$0x0], $0xffff  }
0x309: {  	v39 =	vld [tilespmem:s5+$0x18D70]  }
0x30a: {  	[tilespmem:s5+$0x1A710] =	vst v1;
	v41 =	vld [tilespmem:s5+$0x18E70]  }
0x30b: {  	[tilespmem:s5+$0x1A990] =	vst v4;
	v53 =	vld [tilespmem:s5+$0x18C90]  }
0x30c: {  	[tilespmem:s5+$0x1A790] =	vst v0;
	v57 =	vld [tilespmem:s5+$0x18E90]  }
0x30d: {  	[tilespmem:s5+$0x1AA90] =	vst v2;
	v6 =	vld.idx.msk [tilespmem:v10+s2+$0x0], $0xffff  }
0x30e: {  	[tilespmem:s5+$0x1AA10] =	vst v3;
	v10 =	vld.idx.msk [tilespmem:v48+s2+$0x0], $0xffff  }
0x30f: {  	v48 =	vld [tilespmem:s5+$0x18B10];
	[tilespmem:s5+$0x1ADD0] =	vst v14  }
0x310: {  	v14 =	vld.idx.msk [tilespmem:v32+s2+$0x0], $0xffff;
	[tilespmem:s5+$0x1AE20] =	vst v8  }
0x311: {  	[tilespmem:s5+$0x1AC30] =	vst v11;
	v8 =	vld.idx.msk [tilespmem:v59+s2+$0x0], $0xffff  }
0x312: {  	[tilespmem:s5+$0x1A910] =	vst v5;
	v11 =	vld.idx.msk [tilespmem:v61+s2+$0x0], $0xffff  }
0x313: {  	[tilespmem:s5+$0x1AAC0] =	vst v42;
	v42 =	vld [tilespmem:s5+$0x18C00]  }
0x314: {  	[tilespmem:s5+$0x1AD30] =	vst v13;
	v46 =	vld.idx.msk [tilespmem:v12+s2+$0x0], $0xffff  }
0x315: {  	[tilespmem:s5+$0x1AB60] =	vst v9;
	v12 =	vld.idx.msk [tilespmem:v50+s2+$0x0], $0xffff  }
0x316: {  	[tilespmem:s5+$0x1A810] =	vst v7;
	v13 =	vld.idx.msk [tilespmem:v63+s2+$0x0], $0xffff  }
0x317: {  	[tilespmem:s5+$0x1ABA0] =	vst v10;
	v9 =	vld.idx.msk [tilespmem:v21+s2+$0x0], $0xffff  }
0x318: {  	[tilespmem:s5+$0x1A890] =	vst v6;
	v10 =	vld.idx.msk [tilespmem:v54+s2+$0x0], $0xffff  }
0x319: {  	v54 =	vld [tilespmem:s5+$0x18D10];
	[tilespmem:s5+$0x1ADE0] =	vst v14  }
0x31a: {  	v14 =	vld.idx.msk [tilespmem:v40+s2+$0x0], $0xffff;
	[tilespmem:s5+$0x1AE30] =	vst v8  }
0x31b: {  	[tilespmem:s5+$0x1AC40] =	vst v11;
	v8 =	vld.idx.msk [tilespmem:v19+s2+$0x0], $0xffff  }
0x31c: {  	[tilespmem:s5+$0x1ACA0] =	vst v12;
	v11 =	vld.idx.msk [tilespmem:v23+s2+$0x0], $0xffff  }
0x31d: {  	[tilespmem:s5+$0x1AAD0] =	vst v46;
	v12 =	vld.idx.msk [tilespmem:v56+s2+$0x0], $0xffff  }
0x31e: {  	[tilespmem:s5+$0x1AD40] =	vst v13;
	v46 =	vld [tilespmem:s5+$0x18E00]  }
0x31f: {  	[tilespmem:s5+$0x1AB70] =	vst v9;
	v15 =	vld.idx.msk [tilespmem:v15+s2+$0x0], $0xffff  }
0x320: {  	[tilespmem:s5+$0x1ABB0] =	vst v10;
	v13 =	vld.idx.msk [tilespmem:v25+s2+$0x0], $0xffff  }
0x321: {  	v9 =	vld.idx.msk [tilespmem:v35+s2+$0x0], $0xffff;
	[tilespmem:s5+$0x1ADF0] =	vst v14  }
0x322: {  	v10 =	vld.idx.msk [tilespmem:v60+s2+$0x0], $0xffff;
	[tilespmem:s5+$0x1ACB0] =	vst v12  }
0x323: {  	[tilespmem:s5+$0x1AE40] =	vst v8;
	v12 =	vld.idx.msk [tilespmem:v62+s2+$0x0], $0xffff  }
0x324: {  	v56 =	vld [tilespmem:s5+$0x18E10];
	[tilespmem:s5+$0x1AC50] =	vst v11  }
0x325: {  	[tilespmem:s5+$0x1AAE0] =	vst v15;
	v8 =	vld.idx.msk [tilespmem:v27+s2+$0x0], $0xffff  }
0x326: {  	[tilespmem:s5+$0x1AD50] =	vst v13;
	v11 =	vld.idx.msk [tilespmem:v29+s2+$0x0], $0xffff  }
0x327: {  	[tilespmem:s5+$0x1ABC0] =	vst v10;
	v15 =	vld.idx.msk [tilespmem:v20+s2+$0x0], $0xffff  }
0x328: {  	v10 =	vld.idx.msk [tilespmem:v22+s2+$0x0], $0xffff;
	[tilespmem:s5+$0x1ACC0] =	vst v12  }
0x329: {  	[tilespmem:s5+$0x1AB80] =	vst v9;
	v12 =	vld.idx.msk [tilespmem:v24+s2+$0x0], $0xffff  }
0x32a: {  	v13 =	vld.idx.msk [tilespmem:v31+s2+$0x0], $0xffff;
	[tilespmem:s5+$0x1AE50] =	vst v8  }
0x32b: {  	v59 =	vld.idx.msk [tilespmem:v49+s2+$0x0], $0xffff;
	[tilespmem:s5+$0x1AC60] =	vst v11  }
0x32c: {  	v51 =	vld.idx.msk [tilespmem:v46+s2+$0x0], $0xffff;
	[tilespmem:s5+$0x1AAF0] =	vst v15  }
0x32d: {  	v8 =	vld.idx.msk [tilespmem:v33+s2+$0x0], $0xffff;
	[tilespmem:s5+$0x1ABD0] =	vst v10  }
0x32e: {  	v10 =	vld.idx.msk [tilespmem:v28+s2+$0x0], $0xffff;
	[tilespmem:s5+$0x1ACD0] =	vst v12  }
0x32f: {  	[tilespmem:s5+$0x1AD60] =	vst v13;
	v12 =	vld.idx.msk [tilespmem:v30+s2+$0x0], $0xffff  }
0x330: {  	v11 =	vld.idx.msk [tilespmem:v37+s2+$0x0], $0xffff;
	[tilespmem:s5+$0x1AB90] =	vst v59  }
0x331: {  	v13 =	vld.idx.msk [tilespmem:v39+s2+$0x0], $0xffff;
	[tilespmem:s5+$0x1AE00] =	vst v51  }
0x332: {  	v15 =	vld.idx.msk [tilespmem:v34+s2+$0x0], $0xffff;
	[tilespmem:s5+$0x1AE60] =	vst v8  }
0x333: {  	v8 =	vld.idx.msk [tilespmem:v41+s2+$0x0], $0xffff;
	[tilespmem:s5+$0x1ABE0] =	vst v10  }
0x334: {  	v10 =	vld.idx.msk [tilespmem:v36+s2+$0x0], $0xffff;
	[tilespmem:s5+$0x1ACE0] =	vst v12  }
0x335: {  	[tilespmem:s5+$0x1AC70] =	vst v11;
	v12 =	vld.idx.msk [tilespmem:v38+s2+$0x0], $0xffff  }
0x336: {  	v62 =	vld.idx.msk [tilespmem:v56+s2+$0x0], $0xffff;
	[tilespmem:s5+$0x1AD70] =	vst v13  }
0x337: {  	[tilespmem:s5+$0x1AB00] =	vst v15;
	v11 =	vld.idx.msk [tilespmem:v43+s2+$0x0], $0xffff  }
0x338: {  	v50 =	vld.idx.msk [tilespmem:v45+s2+$0x0], $0xffff;
	[tilespmem:s5+$0x1AE70] =	vst v8  }
0x339: {  	v8 =	vld.idx.msk [tilespmem:v47+s2+$0x0], $0xffff;
	[tilespmem:s5+$0x1ABF0] =	vst v10  }
0x33a: {  	v10 =	vld.idx.msk [tilespmem:v42+s2+$0x0], $0xffff;
	[tilespmem:s5+$0x1ACF0] =	vst v12  }
0x33b: {  	[tilespmem:s5+$0x1AE10] =	vst v62;
	v12 =	vld.idx.msk [tilespmem:v44+s2+$0x0], $0xffff  }
0x33c: {  	v58 =	vld.idx.msk [tilespmem:v48+s2+$0x0], $0xffff;
	[tilespmem:s5+$0x1AC80] =	vst v11  }
0x33d: {  	[tilespmem:s5+$0x1AD80] =	vst v50;
	v61 =	vld.idx.msk [tilespmem:v53+s2+$0x0], $0xffff  }
0x33e: {  	v0 =	vld.idx.msk [tilespmem:v55+s2+$0x0], $0xffff;
	[tilespmem:s5+$0x1AE80] =	vst v8  }
0x33f: {  	v63 =	vld.idx.msk [tilespmem:v57+s2+$0x0], $0xffff;
	[tilespmem:s5+$0x1AC00] =	vst v10  }
0x340: {  	v60 =	vld.idx.msk [tilespmem:v52+s2+$0x0], $0xffff;
	[tilespmem:s5+$0x1AD00] =	vst v12  }
0x341: {  	p2 =	por p1, p1;
	[tilespmem:s5+$0x1AB10] =	vst v58;
	v1 =	vld.idx.msk [tilespmem:v54+s2+$0x0], $0xffff  }
.Ltmp2:
0x342: {  	[tilespmem:s5+$0x1AC90] =	vst v61;
	(pc) =	sbr.rel @p2 .LBB2_7-.Ltmp2, $4  }
0x343: {  	[tilespmem:s5+$0x1AD90] =	vst v0  }
0x344: {  	[tilespmem:s5+$0x1AE90] =	vst v63  }
0x345: {  	[tilespmem:s5+$0x1AC10] =	vst v60  }
0x346: {  	p1 =	por $0x0, $0x0;
	[tilespmem:s5+$0x1AD10] =	vst v1;
	s5 =	simm.s32 $0x800  }
0x347: {  	p1 =	seq.s32 s3, $0x18  }
0x348: {  	s5 =	sshll.u32 @!p1 s3, $0xD  }
0x349: {  	s9 =	sshll.u32 s3, $0x13;
	s5 =	sand.u32 @!p1 $0x3FFFE000, s5  }
0x34a: {  	s9 =	sor.u32 s7, s9;
	s5 =	sadd.s32 @!p1 s5, s1  }
0x34b: {  	s14 =	simm.s32 @!p1 $0x186A0;
	s9 =	sshrl.u32 s9, $0x3;
	s13 =	sadd.s32 @!p1 $0x2000, s5  }
0x34c: {  	[tilespmem:s14], [sflag:$0x1] =	stream.linear.gather @!p1 [spmem:s13], $0x1000, $0x38;
	[tilespmem:$0x1F8A0] =	vst v63  }
0x34d: {  	s14 =	sadd.s32 s4, s9  }
0x34e: {  	[hbm4b:s14+s23] =	stream.strided.scatter [tilespmem:s25], [sflag:$0x3], $0x1000, s24, s23, $0x38;
	[tilespmem:$0x1F8A0] =	vst v63  }
0x34f: {  	_ =	swait.ge [sflag:s26], $0x1000  }
0x350: {  	[sflag:s26] =	ssyncset.done $0x0  }
0x351: {  	[sflag:s26] =	ssyncadd.s32 $0xFFFFF000  }
0x352: {  	_ =	swait.ge [sflag:s30], $0x1000  }
0x353: {  	[sflag:s30] =	ssyncset.done $0x0  }
0x354: {  	p2 =	por $0x1, $0x1;
	s13 =	simm.s32 $0x0;
	[sflag:s30] =	ssyncadd.s32 $0xFFFFF000  }
.LBB2_9:
0x355: {  	v0 =	vld [tilespmem:s13+$0x196A0]  }
0x356: {  	v1 =	vld [tilespmem:s13+$0x19720]  }
0x357: {  	v35 =	vld [tilespmem:s13+$0x196B0]  }
0x358: {  	v36 =	vld [tilespmem:s13+$0x19730]  }
0x359: {  	v37 =	vld [tilespmem:s13+$0x196C0]  }
0x35a: {  	v38 =	vld [tilespmem:s13+$0x19740]  }
0x35b: {  	v39 =	vld [tilespmem:s13+$0x196D0]  }
0x35c: {  	v40 =	vld [tilespmem:s13+$0x19750]  }
0x35d: {  	v41 =	vld [tilespmem:s13+$0x196E0]  }
0x35e: {  	v42 =	vld [tilespmem:s13+$0x19760]  }
0x35f: {  	v2 =	vld [tilespmem:s13+$0x197A0]  }
0x360: {  	v3 =	vld [tilespmem:s13+$0x19820]  }
0x361: {  	v43 =	vld [tilespmem:s13+$0x196F0]  }
0x362: {  	v44 =	vld [tilespmem:s13+$0x19770]  }
0x363: {  	v45 =	vld [tilespmem:s13+$0x197B0]  }
0x364: {  	v46 =	vld [tilespmem:s13+$0x19830]  }
0x365: {  	v4 =	vld [tilespmem:s13+$0x198A0]  }
0x366: {  	v5 =	vld [tilespmem:s13+$0x19920]  }
0x367: {  	v6 =	vld [tilespmem:s13+$0x199A0]  }
0x368: {  	v47 =	vld [tilespmem:s13+$0x19A20]  }
0x369: {  	v7 =	vld [tilespmem:s13+$0x197C0]  }
0x36a: {  	v48 =	vld [tilespmem:s13+$0x19840]  }
0x36b: {  	v49 =	vld [tilespmem:s13+$0x19700]  }
0x36c: {  	v50 =	vld [tilespmem:s13+$0x19780]  }
0x36d: {  	v51 =	vld [tilespmem:s13+$0x198B0]  }
0x36e: {  	v52 =	vld [tilespmem:s13+$0x19930]  }
0x36f: {  	v53 =	vld [tilespmem:s13+$0x199B0]  }
0x370: {  	v54 =	vld [tilespmem:s13+$0x19A30]  }
0x371: {  	v55 =	vld [tilespmem:s13+$0x197D0]  }
0x372: {  	v56 =	vld [tilespmem:s13+$0x19850]  }
0x373: {  	v57 =	vld [tilespmem:s13+$0x198C0]  }
0x374: {  	v58 =	vld [tilespmem:s13+$0x19940]  }
0x375: {  	v59 =	vld [tilespmem:s13+$0x199C0]  }
0x376: {  	v60 =	vld [tilespmem:s13+$0x19A40]  }
0x377: {  	v61 =	vld [tilespmem:s13+$0x197E0]  }
0x378: {  	v62 =	vld [tilespmem:s13+$0x19860]  }
0x379: {  	v63 =	vld [tilespmem:s13+$0x19710]  }
0x37a: {  	v8 =	vld [tilespmem:s13+$0x19790]  }
0x37b: {  	v13 =	vld [tilespmem:s13+$0x198D0]  }
0x37c: {  	v14 =	vld [tilespmem:s13+$0x19950]  }
0x37d: {  	v15 =	vld [tilespmem:s13+$0x199D0]  }
0x37e: {  	v16 =	vld [tilespmem:s13+$0x19A50]  }
0x37f: {  	v17 =	vld [tilespmem:s13+$0x197F0]  }
0x380: {  	v20 =	vld [tilespmem:s13+$0x198E0]  }
0x381: {  	v21 =	vld [tilespmem:s13+$0x19960]  }
0x382: {  	v22 =	vld [tilespmem:s13+$0x199E0]  }
0x383: {  	v23 =	vld [tilespmem:s13+$0x19A60]  }
0x384: {  	v24 =	vld [tilespmem:s13+$0x19AA0]  }
0x385: {  	v25 =	vld [tilespmem:s13+$0x19B20]  }
0x386: {  	v26 =	vld [tilespmem:s13+$0x19800]  }
0x387: {  	v27 =	vld [tilespmem:s13+$0x19880]  }
0x388: {  	v29 =	vld [tilespmem:s13+$0x198F0]  }
0x389: {  	v30 =	vld [tilespmem:s13+$0x19970]  }
0x38a: {  	v31 =	vld [tilespmem:s13+$0x199F0]  }
0x38b: {  	v32 =	vld [tilespmem:s13+$0x19A70]  }
0x38c: {  	v33 =	vld [tilespmem:s13+$0x19AB0]  }
0x38d: {  	v34 =	vld [tilespmem:s13+$0x19B30]  }
0x38e: {  	v0 =	vld.idx.msk [tilespmem:v0+s2+$0x0], $0xffff  }
0x38f: {  	v1 =	vld.idx.msk [tilespmem:v1+s2+$0x0], $0xffff  }
0x390: {  	v2 =	vld.idx.msk [tilespmem:v2+s2+$0x0], $0xffff  }
0x391: {  	v3 =	vld.idx.msk [tilespmem:v3+s2+$0x0], $0xffff  }
0x392: {  	v28 =	vld.idx.msk [tilespmem:v25+s2+$0x0], $0xffff  }
0x393: {  	v4 =	vld.idx.msk [tilespmem:v4+s2+$0x0], $0xffff  }
0x394: {  	v5 =	vld.idx.msk [tilespmem:v5+s2+$0x0], $0xffff  }
0x395: {  	v6 =	vld.idx.msk [tilespmem:v6+s2+$0x0], $0xffff  }
0x396: {  	v25 =	vld [tilespmem:s13+$0x19D50];
	[tilespmem:s13+$0x1B6A0] =	vst v0  }
0x397: {  	[tilespmem:s13+$0x1BB20] =	vst v28;
	v28 =	vld [tilespmem:s13+$0x19BE0]  }
0x398: {  	[tilespmem:s13+$0x1B720] =	vst v1;
	v0 =	vld.idx.msk [tilespmem:v35+s2+$0x0], $0xffff  }
0x399: {  	[tilespmem:s13+$0x1B7A0] =	vst v2;
	v1 =	vld.idx.msk [tilespmem:v36+s2+$0x0], $0xffff  }
0x39a: {  	[tilespmem:s13+$0x1B820] =	vst v3;
	v2 =	vld.idx.msk [tilespmem:v45+s2+$0x0], $0xffff  }
0x39b: {  	[tilespmem:s13+$0x1B8A0] =	vst v4;
	v3 =	vld.idx.msk [tilespmem:v46+s2+$0x0], $0xffff  }
0x39c: {  	[tilespmem:s13+$0x1B920] =	vst v5;
	v4 =	vld.idx.msk [tilespmem:v51+s2+$0x0], $0xffff  }
0x39d: {  	[tilespmem:s13+$0x1B9A0] =	vst v6;
	v5 =	vld.idx.msk [tilespmem:v52+s2+$0x0], $0xffff  }
0x39e: {  	v6 =	vld.idx.msk [tilespmem:v53+s2+$0x0], $0xffff  }
0x39f: {  	v35 =	vld [tilespmem:s13+$0x19900]  }
0x3a0: {  	v36 =	vld [tilespmem:s13+$0x19980]  }
0x3a1: {  	v45 =	vld [tilespmem:s13+$0x19A90]  }
0x3a2: {  	v51 =	vld [tilespmem:s13+$0x19D20]  }
0x3a3: {  	v52 =	vld [tilespmem:s13+$0x19E20]  }
0x3a4: {  	v53 =	vld [tilespmem:s13+$0x19B60];
	[tilespmem:s13+$0x1B6B0] =	vst v0  }
0x3a5: {  	[tilespmem:s13+$0x1B7B0] =	vst v2;
	v2 =	vld.idx.msk [tilespmem:v47+s2+$0x0], $0xffff  }
0x3a6: {  	[tilespmem:s13+$0x1B730] =	vst v1;
	v0 =	vld.idx.msk [tilespmem:v37+s2+$0x0], $0xffff  }
0x3a7: {  	v1 =	vld.idx.msk [tilespmem:v38+s2+$0x0], $0xffff  }
0x3a8: {  	[tilespmem:s13+$0x1B8B0] =	vst v4;
	v7 =	vld.idx.msk [tilespmem:v7+s2+$0x0], $0xffff  }
0x3a9: {  	[tilespmem:s13+$0x1B930] =	vst v5;
	v9 =	vld.idx.msk [tilespmem:v57+s2+$0x0], $0xffff  }
0x3aa: {  	[tilespmem:s13+$0x1B9B0] =	vst v6;
	v10 =	vld.idx.msk [tilespmem:v58+s2+$0x0], $0xffff  }
0x3ab: {  	v11 =	vld.idx.msk [tilespmem:v59+s2+$0x0], $0xffff  }
0x3ac: {  	v37 =	vld [tilespmem:s13+$0x19A00]  }
0x3ad: {  	v38 =	vld [tilespmem:s13+$0x19A80]  }
0x3ae: {  	v57 =	vld [tilespmem:s13+$0x19D30]  }
0x3af: {  	v58 =	vld [tilespmem:s13+$0x19DB0]  }
0x3b0: {  	v59 =	vld [tilespmem:s13+$0x19E30];
	[tilespmem:s13+$0x1BA20] =	vst v2  }
0x3b1: {  	v2 =	vld.idx.msk [tilespmem:v54+s2+$0x0], $0xffff  }
0x3b2: {  	[tilespmem:s13+$0x1B8C0] =	vst v9;
	v9 =	vld [tilespmem:s13+$0x19870]  }
0x3b3: {  	[tilespmem:s13+$0x1B940] =	vst v10;
	v10 =	vld [tilespmem:s13+$0x19890]  }
0x3b4: {  	[tilespmem:s13+$0x1B9C0] =	vst v11;
	v11 =	vld [tilespmem:s13+$0x19A10]  }
0x3b5: {  	[tilespmem:s13+$0x1B6C0] =	vst v0;
	v54 =	vld [tilespmem:s13+$0x19BB0]  }
0x3b6: {  	[tilespmem:s13+$0x1B740] =	vst v1;
	v0 =	vld.idx.msk [tilespmem:v39+s2+$0x0], $0xffff  }
0x3b7: {  	[tilespmem:s13+$0x1B7C0] =	vst v7;
	v1 =	vld.idx.msk [tilespmem:v40+s2+$0x0], $0xffff  }
0x3b8: {  	v7 =	vld.idx.msk [tilespmem:v55+s2+$0x0], $0xffff  }
0x3b9: {  	v18 =	vld.idx.msk [tilespmem:v13+s2+$0x0], $0xffff  }
0x3ba: {  	v4 =	vld.idx.msk [tilespmem:v14+s2+$0x0], $0xffff  }
0x3bb: {  	v5 =	vld.idx.msk [tilespmem:v15+s2+$0x0], $0xffff  }
0x3bc: {  	v39 =	vld [tilespmem:s13+$0x19AC0]  }
0x3bd: {  	v40 =	vld [tilespmem:s13+$0x19B40]  }
0x3be: {  	v13 =	vld [tilespmem:s13+$0x19B50]  }
0x3bf: {  	v14 =	vld [tilespmem:s13+$0x19DA0]  }
0x3c0: {  	v15 =	vld [tilespmem:s13+$0x19AE0]  }
0x3c1: {  	v55 =	vld [tilespmem:s13+$0x19C30];
	[tilespmem:s13+$0x1BA30] =	vst v2  }
0x3c2: {  	v2 =	vld.idx.msk [tilespmem:v60+s2+$0x0], $0xffff  }
0x3c3: {  	[tilespmem:s13+$0x1B6D0] =	vst v0;
	v60 =	vld [tilespmem:s13+$0x19BC0]  }
0x3c4: {  	[tilespmem:s13+$0x1B8D0] =	vst v18;
	v18 =	vld [tilespmem:s13+$0x19DC0]  }
0x3c5: {  	[tilespmem:s13+$0x1B750] =	vst v1;
	v0 =	vld.idx.msk [tilespmem:v41+s2+$0x0], $0xffff  }
0x3c6: {  	[tilespmem:s13+$0x1B7D0] =	vst v7;
	v1 =	vld.idx.msk [tilespmem:v42+s2+$0x0], $0xffff  }
0x3c7: {  	[tilespmem:s13+$0x1B950] =	vst v4;
	v12 =	vld.idx.msk [tilespmem:v61+s2+$0x0], $0xffff  }
0x3c8: {  	[tilespmem:s13+$0x1B9D0] =	vst v5;
	v4 =	vld.idx.msk [tilespmem:v21+s2+$0x0], $0xffff  }
0x3c9: {  	v5 =	vld.idx.msk [tilespmem:v22+s2+$0x0], $0xffff  }
0x3ca: {  	v41 =	vld [tilespmem:s13+$0x19810]  }
0x3cb: {  	v61 =	vld [tilespmem:s13+$0x19C40]  }
0x3cc: {  	v21 =	vld [tilespmem:s13+$0x19B70]  }
0x3cd: {  	v22 =	vld [tilespmem:s13+$0x19BD0]  }
0x3ce: {  	v14 =	vld.idx.msk [tilespmem:v14+s2+$0x0], $0xffff;
	[tilespmem:s13+$0x1BA40] =	vst v2  }
0x3cf: {  	[tilespmem:s13+$0x1B6E0] =	vst v0;
	v2 =	vld.idx.msk [tilespmem:v16+s2+$0x0], $0xffff  }
0x3d0: {  	[tilespmem:s13+$0x1B7E0] =	vst v12;
	v12 =	vld [tilespmem:s13+$0x19AD0]  }
0x3d1: {  	[tilespmem:s13+$0x1B760] =	vst v1;
	v0 =	vld.idx.msk [tilespmem:v43+s2+$0x0], $0xffff  }
0x3d2: {  	v1 =	vld.idx.msk [tilespmem:v44+s2+$0x0], $0xffff  }
0x3d3: {  	[tilespmem:s13+$0x1B960] =	vst v4;
	v6 =	vld.idx.msk [tilespmem:v17+s2+$0x0], $0xffff  }
0x3d4: {  	[tilespmem:s13+$0x1B9E0] =	vst v5;
	v4 =	vld.idx.msk [tilespmem:v30+s2+$0x0], $0xffff  }
0x3d5: {  	v5 =	vld.idx.msk [tilespmem:v31+s2+$0x0], $0xffff  }
0x3d6: {  	v43 =	vld [tilespmem:s13+$0x19910]  }
0x3d7: {  	v44 =	vld [tilespmem:s13+$0x19990]  }
0x3d8: {  	[tilespmem:s13+$0x1B830] =	vst v3;
	v30 =	vld [tilespmem:s13+$0x19CE0]  }
0x3d9: {  	v31 =	vld [tilespmem:s13+$0x19D60];
	[tilespmem:s13+$0x1BDA0] =	vst v14  }
0x3da: {  	v14 =	vld.idx.msk [tilespmem:v58+s2+$0x0], $0xffff;
	[tilespmem:s13+$0x1BA50] =	vst v2  }
0x3db: {  	[tilespmem:s13+$0x1B6F0] =	vst v0;
	v0 =	vld.idx.msk [tilespmem:v48+s2+$0x0], $0xffff  }
0x3dc: {  	v2 =	vld.idx.msk [tilespmem:v23+s2+$0x0], $0xffff  }
0x3dd: {  	v48 =	vld [tilespmem:s13+$0x19BA0]  }
0x3de: {  	v23 =	vld [tilespmem:s13+$0x19C50]  }
0x3df: {  	[tilespmem:s13+$0x1B770] =	vst v1;
	v3 =	vld.idx.msk [tilespmem:v49+s2+$0x0], $0xffff  }
0x3e0: {  	[tilespmem:s13+$0x1B970] =	vst v4;
	v1 =	vld.idx.msk [tilespmem:v50+s2+$0x0], $0xffff  }
0x3e1: {  	[tilespmem:s13+$0x1B9F0] =	vst v5;
	v4 =	vld.idx.msk [tilespmem:v36+s2+$0x0], $0xffff  }
0x3e2: {  	v5 =	vld.idx.msk [tilespmem:v37+s2+$0x0], $0xffff  }
0x3e3: {  	v49 =	vld [tilespmem:s13+$0x19C20]  }
0x3e4: {  	v50 =	vld [tilespmem:s13+$0x19CA0]  }
0x3e5: {  	v36 =	vld [tilespmem:s13+$0x19BF0]  }
0x3e6: {  	v37 =	vld [tilespmem:s13+$0x19C70];
	[tilespmem:s13+$0x1BDB0] =	vst v14  }
0x3e7: {  	v14 =	vld.idx.msk [tilespmem:v18+s2+$0x0], $0xffff;
	[tilespmem:s13+$0x1B840] =	vst v0  }
0x3e8: {  	[tilespmem:s13+$0x1BA60] =	vst v2;
	v0 =	vld.idx.msk [tilespmem:v56+s2+$0x0], $0xffff  }
0x3e9: {  	[tilespmem:s13+$0x1B700] =	vst v3;
	v3 =	vld.idx.msk [tilespmem:v20+s2+$0x0], $0xffff  }
0x3ea: {  	v2 =	vld.idx.msk [tilespmem:v32+s2+$0x0], $0xffff  }
0x3eb: {  	v56 =	vld [tilespmem:s13+$0x19CB0]  }
0x3ec: {  	v20 =	vld [tilespmem:s13+$0x19AF0]  }
0x3ed: {  	[tilespmem:s13+$0x1B780] =	vst v1;
	v32 =	vld [tilespmem:s13+$0x19DE0]  }
0x3ee: {  	[tilespmem:s13+$0x1B980] =	vst v4;
	v1 =	vld.idx.msk [tilespmem:v63+s2+$0x0], $0xffff  }
0x3ef: {  	v4 =	vld.idx.msk [tilespmem:v44+s2+$0x0], $0xffff  }
0x3f0: {  	v63 =	vld [tilespmem:s13+$0x19D40]  }
0x3f1: {  	v44 =	vld [tilespmem:s13+$0x19D00]  }
0x3f2: {  	[tilespmem:s13+$0x1B8E0] =	vst v3;
	v3 =	vld.idx.msk [tilespmem:v34+s2+$0x0], $0xffff  }
0x3f3: {  	[tilespmem:s13+$0x1B850] =	vst v0;
	v34 =	vld [tilespmem:s13+$0x19B00]  }
0x3f4: {  	[tilespmem:s13+$0x1B7F0] =	vst v6;
	v0 =	vld.idx.msk [tilespmem:v62+s2+$0x0], $0xffff  }
0x3f5: {  	[tilespmem:s13+$0x1BA70] =	vst v2;
	v6 =	vld.idx.msk [tilespmem:v29+s2+$0x0], $0xffff  }
0x3f6: {  	v2 =	vld.idx.msk [tilespmem:v38+s2+$0x0], $0xffff  }
0x3f7: {  	v62 =	vld [tilespmem:s13+$0x19CC0]  }
0x3f8: {  	v29 =	vld [tilespmem:s13+$0x19C60]  }
0x3f9: {  	v38 =	vld [tilespmem:s13+$0x19CF0]  }
0x3fa: {  	[tilespmem:s13+$0x1B860] =	vst v0;
	v0 =	vld.idx.msk [tilespmem:v8+s2+$0x0], $0xffff  }
0x3fb: {  	[tilespmem:s13+$0x1BB30] =	vst v3;
	v8 =	vld.idx.msk [tilespmem:v24+s2+$0x0], $0xffff  }
0x3fc: {  	v3 =	vld.idx.msk [tilespmem:v40+s2+$0x0], $0xffff  }
0x3fd: {  	v24 =	vld [tilespmem:s13+$0x19CD0]  }
0x3fe: {  	v40 =	vld [tilespmem:s13+$0x19DF0]  }
0x3ff: {  	v19 =	vld.idx.msk [tilespmem:v9+s2+$0x0], $0xffff  }
0x400: {  	[tilespmem:s13+$0x1B8F0] =	vst v6;
	v9 =	vld.idx.msk [tilespmem:v26+s2+$0x0], $0xffff  }
0x401: {  	[tilespmem:s13+$0x1BA80] =	vst v2;
	v6 =	vld.idx.msk [tilespmem:v35+s2+$0x0], $0xffff  }
0x402: {  	v2 =	vld.idx.msk [tilespmem:v45+s2+$0x0], $0xffff  }
0x403: {  	v26 =	vld [tilespmem:s13+$0x19DD0]  }
0x404: {  	v35 =	vld [tilespmem:s13+$0x19B80]  }
0x405: {  	[tilespmem:s13+$0x1BA00] =	vst v5;
	v45 =	vld [tilespmem:s13+$0x19D80]  }
0x406: {  	[tilespmem:s13+$0x1BB40] =	vst v3;
	v3 =	vld.idx.msk [tilespmem:v11+s2+$0x0], $0xffff  }
0x407: {  	v11 =	vld.idx.msk [tilespmem:v49+s2+$0x0], $0xffff  }
0x408: {  	[tilespmem:s13+$0x1BAA0] =	vst v8;
	v49 =	vld [tilespmem:s13+$0x19B90]  }
0x409: {  	v8 =	vld.idx.msk [tilespmem:v33+s2+$0x0], $0xffff  }
0x40a: {  	v47 =	vld.idx.msk [tilespmem:v13+s2+$0x0], $0xffff  }
0x40b: {  	v13 =	vld.idx.msk [tilespmem:v51+s2+$0x0], $0xffff  }
0x40c: {  	[tilespmem:s13+$0x1B870] =	vst v19;
	v19 =	vld [tilespmem:s13+$0x19E40]  }
0x40d: {  	v33 =	vld [tilespmem:s13+$0x19E60]  }
0x40e: {  	[tilespmem:s13+$0x1B900] =	vst v6;
	v7 =	vld.idx.msk [tilespmem:v27+s2+$0x0], $0xffff  }
0x40f: {  	v5 =	vld.idx.msk [tilespmem:v43+s2+$0x0], $0xffff  }
0x410: {  	v27 =	vld [tilespmem:s13+$0x19E50]  }
0x411: {  	[tilespmem:s13+$0x1BDC0] =	vst v14;
	v43 =	vld [tilespmem:s13+$0x19C80]  }
0x412: {  	v14 =	vld.idx.msk [tilespmem:v26+s2+$0x0], $0xffff;
	[tilespmem:s13+$0x1BC20] =	vst v11  }
0x413: {  	[tilespmem:s13+$0x1BAB0] =	vst v8;
	v8 =	vld.idx.msk [tilespmem:v52+s2+$0x0], $0xffff  }
0x414: {  	v11 =	vld.idx.msk [tilespmem:v55+s2+$0x0], $0xffff  }
0x415: {  	[tilespmem:s13+$0x1BB50] =	vst v47;
	v47 =	vld [tilespmem:s13+$0x19E80]  }
0x416: {  	v52 =	vld [tilespmem:s13+$0x19C10]  }
0x417: {  	v55 =	vld [tilespmem:s13+$0x19D90]  }
0x418: {  	[tilespmem:s13+$0x1B800] =	vst v9;
	v42 =	vld.idx.msk [tilespmem:v39+s2+$0x0], $0xffff  }
0x419: {  	[tilespmem:s13+$0x1B880] =	vst v7;
	v7 =	vld.idx.msk [tilespmem:v41+s2+$0x0], $0xffff  }
0x41a: {  	[tilespmem:s13+$0x1BD20] =	vst v13;
	v9 =	vld.idx.msk [tilespmem:v53+s2+$0x0], $0xffff  }
0x41b: {  	v13 =	vld.idx.msk [tilespmem:v57+s2+$0x0], $0xffff  }
0x41c: {  	v39 =	vld [tilespmem:s13+$0x19D70]  }
0x41d: {  	[tilespmem:s13+$0x1B710] =	vst v1;
	v41 =	vld [tilespmem:s13+$0x19E70]  }
0x41e: {  	[tilespmem:s13+$0x1B990] =	vst v4;
	v53 =	vld [tilespmem:s13+$0x19C90]  }
0x41f: {  	[tilespmem:s13+$0x1B790] =	vst v0;
	v57 =	vld [tilespmem:s13+$0x19E90]  }
0x420: {  	[tilespmem:s13+$0x1BA90] =	vst v2;
	v6 =	vld.idx.msk [tilespmem:v10+s2+$0x0], $0xffff  }
0x421: {  	[tilespmem:s13+$0x1BA10] =	vst v3;
	v10 =	vld.idx.msk [tilespmem:v48+s2+$0x0], $0xffff  }
0x422: {  	v48 =	vld [tilespmem:s13+$0x19B10];
	[tilespmem:s13+$0x1BDD0] =	vst v14  }
0x423: {  	v14 =	vld.idx.msk [tilespmem:v32+s2+$0x0], $0xffff;
	[tilespmem:s13+$0x1BE20] =	vst v8  }
0x424: {  	[tilespmem:s13+$0x1BC30] =	vst v11;
	v8 =	vld.idx.msk [tilespmem:v59+s2+$0x0], $0xffff  }
0x425: {  	[tilespmem:s13+$0x1B910] =	vst v5;
	v11 =	vld.idx.msk [tilespmem:v61+s2+$0x0], $0xffff  }
0x426: {  	[tilespmem:s13+$0x1BAC0] =	vst v42;
	v42 =	vld [tilespmem:s13+$0x19C00]  }
0x427: {  	[tilespmem:s13+$0x1BD30] =	vst v13;
	v46 =	vld.idx.msk [tilespmem:v12+s2+$0x0], $0xffff  }
0x428: {  	[tilespmem:s13+$0x1BB60] =	vst v9;
	v12 =	vld.idx.msk [tilespmem:v50+s2+$0x0], $0xffff  }
0x429: {  	[tilespmem:s13+$0x1B810] =	vst v7;
	v13 =	vld.idx.msk [tilespmem:v63+s2+$0x0], $0xffff  }
0x42a: {  	[tilespmem:s13+$0x1BBA0] =	vst v10;
	v9 =	vld.idx.msk [tilespmem:v21+s2+$0x0], $0xffff  }
0x42b: {  	[tilespmem:s13+$0x1B890] =	vst v6;
	v10 =	vld.idx.msk [tilespmem:v54+s2+$0x0], $0xffff  }
0x42c: {  	v54 =	vld [tilespmem:s13+$0x19D10];
	[tilespmem:s13+$0x1BDE0] =	vst v14  }
0x42d: {  	v14 =	vld.idx.msk [tilespmem:v40+s2+$0x0], $0xffff;
	[tilespmem:s13+$0x1BE30] =	vst v8  }
0x42e: {  	[tilespmem:s13+$0x1BC40] =	vst v11;
	v8 =	vld.idx.msk [tilespmem:v19+s2+$0x0], $0xffff  }
0x42f: {  	[tilespmem:s13+$0x1BCA0] =	vst v12;
	v11 =	vld.idx.msk [tilespmem:v23+s2+$0x0], $0xffff  }
0x430: {  	[tilespmem:s13+$0x1BAD0] =	vst v46;
	v12 =	vld.idx.msk [tilespmem:v56+s2+$0x0], $0xffff  }
0x431: {  	[tilespmem:s13+$0x1BD40] =	vst v13;
	v46 =	vld [tilespmem:s13+$0x19E00]  }
0x432: {  	[tilespmem:s13+$0x1BB70] =	vst v9;
	v15 =	vld.idx.msk [tilespmem:v15+s2+$0x0], $0xffff  }
0x433: {  	[tilespmem:s13+$0x1BBB0] =	vst v10;
	v13 =	vld.idx.msk [tilespmem:v25+s2+$0x0], $0xffff  }
0x434: {  	v9 =	vld.idx.msk [tilespmem:v35+s2+$0x0], $0xffff;
	[tilespmem:s13+$0x1BDF0] =	vst v14  }
0x435: {  	v10 =	vld.idx.msk [tilespmem:v60+s2+$0x0], $0xffff;
	[tilespmem:s13+$0x1BCB0] =	vst v12  }
0x436: {  	[tilespmem:s13+$0x1BE40] =	vst v8;
	v12 =	vld.idx.msk [tilespmem:v62+s2+$0x0], $0xffff  }
0x437: {  	v56 =	vld [tilespmem:s13+$0x19E10];
	[tilespmem:s13+$0x1BC50] =	vst v11  }
0x438: {  	[tilespmem:s13+$0x1BAE0] =	vst v15;
	v8 =	vld.idx.msk [tilespmem:v27+s2+$0x0], $0xffff  }
0x439: {  	[tilespmem:s13+$0x1BD50] =	vst v13;
	v11 =	vld.idx.msk [tilespmem:v29+s2+$0x0], $0xffff  }
0x43a: {  	[tilespmem:s13+$0x1BBC0] =	vst v10;
	v15 =	vld.idx.msk [tilespmem:v20+s2+$0x0], $0xffff  }
0x43b: {  	v10 =	vld.idx.msk [tilespmem:v22+s2+$0x0], $0xffff;
	[tilespmem:s13+$0x1BCC0] =	vst v12  }
0x43c: {  	[tilespmem:s13+$0x1BB80] =	vst v9;
	v12 =	vld.idx.msk [tilespmem:v24+s2+$0x0], $0xffff  }
0x43d: {  	v13 =	vld.idx.msk [tilespmem:v31+s2+$0x0], $0xffff;
	[tilespmem:s13+$0x1BE50] =	vst v8  }
0x43e: {  	v59 =	vld.idx.msk [tilespmem:v49+s2+$0x0], $0xffff;
	[tilespmem:s13+$0x1BC60] =	vst v11  }
0x43f: {  	v51 =	vld.idx.msk [tilespmem:v46+s2+$0x0], $0xffff;
	[tilespmem:s13+$0x1BAF0] =	vst v15  }
0x440: {  	v8 =	vld.idx.msk [tilespmem:v33+s2+$0x0], $0xffff;
	[tilespmem:s13+$0x1BBD0] =	vst v10  }
0x441: {  	v10 =	vld.idx.msk [tilespmem:v28+s2+$0x0], $0xffff;
	[tilespmem:s13+$0x1BCD0] =	vst v12  }
0x442: {  	[tilespmem:s13+$0x1BD60] =	vst v13;
	v12 =	vld.idx.msk [tilespmem:v30+s2+$0x0], $0xffff  }
0x443: {  	v11 =	vld.idx.msk [tilespmem:v37+s2+$0x0], $0xffff;
	[tilespmem:s13+$0x1BB90] =	vst v59  }
0x444: {  	v13 =	vld.idx.msk [tilespmem:v39+s2+$0x0], $0xffff;
	[tilespmem:s13+$0x1BE00] =	vst v51  }
0x445: {  	v15 =	vld.idx.msk [tilespmem:v34+s2+$0x0], $0xffff;
	[tilespmem:s13+$0x1BE60] =	vst v8  }
0x446: {  	v8 =	vld.idx.msk [tilespmem:v41+s2+$0x0], $0xffff;
	[tilespmem:s13+$0x1BBE0] =	vst v10  }
0x447: {  	v10 =	vld.idx.msk [tilespmem:v36+s2+$0x0], $0xffff;
	[tilespmem:s13+$0x1BCE0] =	vst v12  }
0x448: {  	[tilespmem:s13+$0x1BC70] =	vst v11;
	v12 =	vld.idx.msk [tilespmem:v38+s2+$0x0], $0xffff  }
0x449: {  	v62 =	vld.idx.msk [tilespmem:v56+s2+$0x0], $0xffff;
	[tilespmem:s13+$0x1BD70] =	vst v13  }
0x44a: {  	[tilespmem:s13+$0x1BB00] =	vst v15;
	v11 =	vld.idx.msk [tilespmem:v43+s2+$0x0], $0xffff  }
0x44b: {  	v50 =	vld.idx.msk [tilespmem:v45+s2+$0x0], $0xffff;
	[tilespmem:s13+$0x1BE70] =	vst v8  }
0x44c: {  	v8 =	vld.idx.msk [tilespmem:v47+s2+$0x0], $0xffff;
	[tilespmem:s13+$0x1BBF0] =	vst v10  }
0x44d: {  	v10 =	vld.idx.msk [tilespmem:v42+s2+$0x0], $0xffff;
	[tilespmem:s13+$0x1BCF0] =	vst v12  }
0x44e: {  	[tilespmem:s13+$0x1BE10] =	vst v62;
	v12 =	vld.idx.msk [tilespmem:v44+s2+$0x0], $0xffff  }
0x44f: {  	v58 =	vld.idx.msk [tilespmem:v48+s2+$0x0], $0xffff;
	[tilespmem:s13+$0x1BC80] =	vst v11  }
0x450: {  	[tilespmem:s13+$0x1BD80] =	vst v50;
	v61 =	vld.idx.msk [tilespmem:v53+s2+$0x0], $0xffff  }
0x451: {  	v0 =	vld.idx.msk [tilespmem:v55+s2+$0x0], $0xffff;
	[tilespmem:s13+$0x1BE80] =	vst v8  }
0x452: {  	v63 =	vld.idx.msk [tilespmem:v57+s2+$0x0], $0xffff;
	[tilespmem:s13+$0x1BC00] =	vst v10  }
0x453: {  	v60 =	vld.idx.msk [tilespmem:v52+s2+$0x0], $0xffff;
	[tilespmem:s13+$0x1BD00] =	vst v12  }
0x454: {  	p3 =	por p2, p2;
	[tilespmem:s13+$0x1BB10] =	vst v58;
	v1 =	vld.idx.msk [tilespmem:v54+s2+$0x0], $0xffff  }
.Ltmp3:
0x455: {  	[tilespmem:s13+$0x1BC90] =	vst v61;
	(pc) =	sbr.rel @p3 .LBB2_9-.Ltmp3, $4  }
0x456: {  	[tilespmem:s13+$0x1BD90] =	vst v0  }
0x457: {  	[tilespmem:s13+$0x1BE90] =	vst v63  }
0x458: {  	[tilespmem:s13+$0x1BC10] =	vst v60  }
0x459: {  	p2 =	por $0x0, $0x0;
	[tilespmem:s13+$0x1BD10] =	vst v1;
	s13 =	simm.s32 $0x800  }
0x45a: {  	s5 =	sadd.s32 @!p1 $0x3000, s5;
	s13 =	simm.s32 @!p1 $0x196A0;
	s3 =	sadd.s32 $0x1, s3  }
0x45b: {  	[tilespmem:s13], [sflag:$0x2] =	stream.linear.gather @!p1 [spmem:s5], $0x1000, $0x38;
	[tilespmem:$0x1F8A0] =	vst v63  }
0x45c: {  	p1 =	sne.s32 s3, $0x19  }
.Ltmp4:
0x45d: {  	_ = 	snop;
	(pc) =	sbr.rel @p1 .LBB2_6-.Ltmp4, $3  }
0x45e: {  	_ =	sdelay $0x1  }
0x45f: {  	s14 =	sadd.s32 s9, s11  }
0x460: {  	[hbm4b:s14+s23] =	stream.strided.scatter [tilespmem:s28], [sflag:$0x4], $0x1000, s24, s23, $0x38;
	[tilespmem:$0x1F8A0] =	vst v63  }
0x461: {  	_ =	swait.ge [sflag:s29], $0x1000  }
0x462: {  	[sflag:s29] =	ssyncset.done $0x0  }
0x463: {  	[sflag:s29] =	ssyncadd.s32 $0xFFFFF000  }
0x464: {  	_ =	swait.ge [sflag:s30], $0x1000  }
0x465: {  	[sflag:s30] =	ssyncset.done $0x0  }
0x466: {  	[sflag:s30] =	ssyncadd.s32 $0xFFFFF000  }
0x467: {  	[tilespmem:s19], [sflag:$0x1] =	stream.linear.gather [spmem:s1], $0x1000, $0x38;
	[tilespmem:$0x1F8A0] =	vst v63  }
0x468: {  	_ = 	snop  }
0x469: {  	[tilespmem:s20], [sflag:$0x2] =	stream.linear.gather [spmem:s6], $0x1000, $0x38;
	[tilespmem:$0x1F8A0] =	vst v63  }
0x46a: {  	s3 =	simm.s32 $0x0;
	s5 =	rddreg [dreg:$0x8]  }
0x46b: {  	[tilespmem:s3], [sflag:$0x6] =	stream.linear.gather [hbm4b:s5+s3], $0x186A0, $0x38;
	[tilespmem:$0x1F8A0] =	vst v63  }
0x46c: {  	_ =	swait.ge [sflag:s31], $0x186A0  }
0x46d: {  	[sflag:s31] =	ssyncset.done $0x0  }
0x46e: {  	[sflag:s31] =	ssyncadd.s32 $0xFFFE7960  }
0x46f: {  	_ =	swait.ge [sflag:s22], $0x1000  }
0x470: {  	[sflag:s22] =	ssyncset.done $0x0  }
0x471: {  	p1 =	por $0x1, $0x1;
	[sflag:s22] =	ssyncadd.s32 $0xFFFFF000  }
.LBB2_12:
0x472: {  	v0 =	vld [tilespmem:s3+$0x186A0]  }
0x473: {  	v1 =	vld [tilespmem:s3+$0x18720]  }
0x474: {  	v35 =	vld [tilespmem:s3+$0x186B0]  }
0x475: {  	v36 =	vld [tilespmem:s3+$0x18730]  }
0x476: {  	v37 =	vld [tilespmem:s3+$0x186C0]  }
0x477: {  	v38 =	vld [tilespmem:s3+$0x18740]  }
0x478: {  	v39 =	vld [tilespmem:s3+$0x186D0]  }
0x479: {  	v40 =	vld [tilespmem:s3+$0x18750]  }
0x47a: {  	v41 =	vld [tilespmem:s3+$0x186E0]  }
0x47b: {  	v42 =	vld [tilespmem:s3+$0x18760]  }
0x47c: {  	v2 =	vld [tilespmem:s3+$0x187A0]  }
0x47d: {  	v3 =	vld [tilespmem:s3+$0x18820]  }
0x47e: {  	v43 =	vld [tilespmem:s3+$0x186F0]  }
0x47f: {  	v44 =	vld [tilespmem:s3+$0x18770]  }
0x480: {  	v45 =	vld [tilespmem:s3+$0x187B0]  }
0x481: {  	v46 =	vld [tilespmem:s3+$0x18830]  }
0x482: {  	v4 =	vld [tilespmem:s3+$0x188A0]  }
0x483: {  	v5 =	vld [tilespmem:s3+$0x18920]  }
0x484: {  	v6 =	vld [tilespmem:s3+$0x189A0]  }
0x485: {  	v47 =	vld [tilespmem:s3+$0x18A20]  }
0x486: {  	v7 =	vld [tilespmem:s3+$0x187C0]  }
0x487: {  	v48 =	vld [tilespmem:s3+$0x18840]  }
0x488: {  	v49 =	vld [tilespmem:s3+$0x18700]  }
0x489: {  	v50 =	vld [tilespmem:s3+$0x18780]  }
0x48a: {  	v51 =	vld [tilespmem:s3+$0x188B0]  }
0x48b: {  	v52 =	vld [tilespmem:s3+$0x18930]  }
0x48c: {  	v53 =	vld [tilespmem:s3+$0x189B0]  }
0x48d: {  	v54 =	vld [tilespmem:s3+$0x18A30]  }
0x48e: {  	v55 =	vld [tilespmem:s3+$0x187D0]  }
0x48f: {  	v56 =	vld [tilespmem:s3+$0x18850]  }
0x490: {  	v57 =	vld [tilespmem:s3+$0x188C0]  }
0x491: {  	v58 =	vld [tilespmem:s3+$0x18940]  }
0x492: {  	v59 =	vld [tilespmem:s3+$0x189C0]  }
0x493: {  	v60 =	vld [tilespmem:s3+$0x18A40]  }
0x494: {  	v61 =	vld [tilespmem:s3+$0x187E0]  }
0x495: {  	v62 =	vld [tilespmem:s3+$0x18860]  }
0x496: {  	v63 =	vld [tilespmem:s3+$0x18710]  }
0x497: {  	v8 =	vld [tilespmem:s3+$0x18790]  }
0x498: {  	v13 =	vld [tilespmem:s3+$0x188D0]  }
0x499: {  	v14 =	vld [tilespmem:s3+$0x18950]  }
0x49a: {  	v15 =	vld [tilespmem:s3+$0x189D0]  }
0x49b: {  	v16 =	vld [tilespmem:s3+$0x18A50]  }
0x49c: {  	v17 =	vld [tilespmem:s3+$0x187F0]  }
0x49d: {  	v20 =	vld [tilespmem:s3+$0x188E0]  }
0x49e: {  	v21 =	vld [tilespmem:s3+$0x18960]  }
0x49f: {  	v22 =	vld [tilespmem:s3+$0x189E0]  }
0x4a0: {  	v23 =	vld [tilespmem:s3+$0x18A60]  }
0x4a1: {  	v24 =	vld [tilespmem:s3+$0x18AA0]  }
0x4a2: {  	v25 =	vld [tilespmem:s3+$0x18B20]  }
0x4a3: {  	v26 =	vld [tilespmem:s3+$0x18800]  }
0x4a4: {  	v27 =	vld [tilespmem:s3+$0x18880]  }
0x4a5: {  	v29 =	vld [tilespmem:s3+$0x188F0]  }
0x4a6: {  	v30 =	vld [tilespmem:s3+$0x18970]  }
0x4a7: {  	v31 =	vld [tilespmem:s3+$0x189F0]  }
0x4a8: {  	v32 =	vld [tilespmem:s3+$0x18A70]  }
0x4a9: {  	v33 =	vld [tilespmem:s3+$0x18AB0]  }
0x4aa: {  	v34 =	vld [tilespmem:s3+$0x18B30]  }
0x4ab: {  	v0 =	vld.idx.msk [tilespmem:v0+s2+$0x0], $0xffff  }
0x4ac: {  	v1 =	vld.idx.msk [tilespmem:v1+s2+$0x0], $0xffff  }
0x4ad: {  	v2 =	vld.idx.msk [tilespmem:v2+s2+$0x0], $0xffff  }
0x4ae: {  	v3 =	vld.idx.msk [tilespmem:v3+s2+$0x0], $0xffff  }
0x4af: {  	v28 =	vld.idx.msk [tilespmem:v25+s2+$0x0], $0xffff  }
0x4b0: {  	v4 =	vld.idx.msk [tilespmem:v4+s2+$0x0], $0xffff  }
0x4b1: {  	v5 =	vld.idx.msk [tilespmem:v5+s2+$0x0], $0xffff  }
0x4b2: {  	v6 =	vld.idx.msk [tilespmem:v6+s2+$0x0], $0xffff  }
0x4b3: {  	v25 =	vld [tilespmem:s3+$0x18D50];
	[tilespmem:s3+$0x1A6A0] =	vst v0  }
0x4b4: {  	[tilespmem:s3+$0x1AB20] =	vst v28;
	v28 =	vld [tilespmem:s3+$0x18BE0]  }
0x4b5: {  	[tilespmem:s3+$0x1A720] =	vst v1;
	v0 =	vld.idx.msk [tilespmem:v35+s2+$0x0], $0xffff  }
0x4b6: {  	[tilespmem:s3+$0x1A7A0] =	vst v2;
	v1 =	vld.idx.msk [tilespmem:v36+s2+$0x0], $0xffff  }
0x4b7: {  	[tilespmem:s3+$0x1A820] =	vst v3;
	v2 =	vld.idx.msk [tilespmem:v45+s2+$0x0], $0xffff  }
0x4b8: {  	[tilespmem:s3+$0x1A8A0] =	vst v4;
	v3 =	vld.idx.msk [tilespmem:v46+s2+$0x0], $0xffff  }
0x4b9: {  	[tilespmem:s3+$0x1A920] =	vst v5;
	v4 =	vld.idx.msk [tilespmem:v51+s2+$0x0], $0xffff  }
0x4ba: {  	[tilespmem:s3+$0x1A9A0] =	vst v6;
	v5 =	vld.idx.msk [tilespmem:v52+s2+$0x0], $0xffff  }
0x4bb: {  	v6 =	vld.idx.msk [tilespmem:v53+s2+$0x0], $0xffff  }
0x4bc: {  	v35 =	vld [tilespmem:s3+$0x18900]  }
0x4bd: {  	v36 =	vld [tilespmem:s3+$0x18980]  }
0x4be: {  	v45 =	vld [tilespmem:s3+$0x18A90]  }
0x4bf: {  	v51 =	vld [tilespmem:s3+$0x18D20]  }
0x4c0: {  	v52 =	vld [tilespmem:s3+$0x18E20]  }
0x4c1: {  	v53 =	vld [tilespmem:s3+$0x18B60];
	[tilespmem:s3+$0x1A6B0] =	vst v0  }
0x4c2: {  	[tilespmem:s3+$0x1A7B0] =	vst v2;
	v2 =	vld.idx.msk [tilespmem:v47+s2+$0x0], $0xffff  }
0x4c3: {  	[tilespmem:s3+$0x1A730] =	vst v1;
	v0 =	vld.idx.msk [tilespmem:v37+s2+$0x0], $0xffff  }
0x4c4: {  	v1 =	vld.idx.msk [tilespmem:v38+s2+$0x0], $0xffff  }
0x4c5: {  	[tilespmem:s3+$0x1A8B0] =	vst v4;
	v7 =	vld.idx.msk [tilespmem:v7+s2+$0x0], $0xffff  }
0x4c6: {  	[tilespmem:s3+$0x1A930] =	vst v5;
	v9 =	vld.idx.msk [tilespmem:v57+s2+$0x0], $0xffff  }
0x4c7: {  	[tilespmem:s3+$0x1A9B0] =	vst v6;
	v10 =	vld.idx.msk [tilespmem:v58+s2+$0x0], $0xffff  }
0x4c8: {  	v11 =	vld.idx.msk [tilespmem:v59+s2+$0x0], $0xffff  }
0x4c9: {  	v37 =	vld [tilespmem:s3+$0x18A00]  }
0x4ca: {  	v38 =	vld [tilespmem:s3+$0x18A80]  }
0x4cb: {  	v57 =	vld [tilespmem:s3+$0x18D30]  }
0x4cc: {  	v58 =	vld [tilespmem:s3+$0x18DB0]  }
0x4cd: {  	v59 =	vld [tilespmem:s3+$0x18E30];
	[tilespmem:s3+$0x1AA20] =	vst v2  }
0x4ce: {  	v2 =	vld.idx.msk [tilespmem:v54+s2+$0x0], $0xffff  }
0x4cf: {  	[tilespmem:s3+$0x1A8C0] =	vst v9;
	v9 =	vld [tilespmem:s3+$0x18870]  }
0x4d0: {  	[tilespmem:s3+$0x1A940] =	vst v10;
	v10 =	vld [tilespmem:s3+$0x18890]  }
0x4d1: {  	[tilespmem:s3+$0x1A9C0] =	vst v11;
	v11 =	vld [tilespmem:s3+$0x18A10]  }
0x4d2: {  	[tilespmem:s3+$0x1A6C0] =	vst v0;
	v54 =	vld [tilespmem:s3+$0x18BB0]  }
0x4d3: {  	[tilespmem:s3+$0x1A740] =	vst v1;
	v0 =	vld.idx.msk [tilespmem:v39+s2+$0x0], $0xffff  }
0x4d4: {  	[tilespmem:s3+$0x1A7C0] =	vst v7;
	v1 =	vld.idx.msk [tilespmem:v40+s2+$0x0], $0xffff  }
0x4d5: {  	v7 =	vld.idx.msk [tilespmem:v55+s2+$0x0], $0xffff  }
0x4d6: {  	v18 =	vld.idx.msk [tilespmem:v13+s2+$0x0], $0xffff  }
0x4d7: {  	v4 =	vld.idx.msk [tilespmem:v14+s2+$0x0], $0xffff  }
0x4d8: {  	v5 =	vld.idx.msk [tilespmem:v15+s2+$0x0], $0xffff  }
0x4d9: {  	v39 =	vld [tilespmem:s3+$0x18AC0]  }
0x4da: {  	v40 =	vld [tilespmem:s3+$0x18B40]  }
0x4db: {  	v13 =	vld [tilespmem:s3+$0x18B50]  }
0x4dc: {  	v14 =	vld [tilespmem:s3+$0x18DA0]  }
0x4dd: {  	v15 =	vld [tilespmem:s3+$0x18AE0]  }
0x4de: {  	v55 =	vld [tilespmem:s3+$0x18C30];
	[tilespmem:s3+$0x1AA30] =	vst v2  }
0x4df: {  	v2 =	vld.idx.msk [tilespmem:v60+s2+$0x0], $0xffff  }
0x4e0: {  	[tilespmem:s3+$0x1A6D0] =	vst v0;
	v60 =	vld [tilespmem:s3+$0x18BC0]  }
0x4e1: {  	[tilespmem:s3+$0x1A8D0] =	vst v18;
	v18 =	vld [tilespmem:s3+$0x18DC0]  }
0x4e2: {  	[tilespmem:s3+$0x1A750] =	vst v1;
	v0 =	vld.idx.msk [tilespmem:v41+s2+$0x0], $0xffff  }
0x4e3: {  	[tilespmem:s3+$0x1A7D0] =	vst v7;
	v1 =	vld.idx.msk [tilespmem:v42+s2+$0x0], $0xffff  }
0x4e4: {  	[tilespmem:s3+$0x1A950] =	vst v4;
	v12 =	vld.idx.msk [tilespmem:v61+s2+$0x0], $0xffff  }
0x4e5: {  	[tilespmem:s3+$0x1A9D0] =	vst v5;
	v4 =	vld.idx.msk [tilespmem:v21+s2+$0x0], $0xffff  }
0x4e6: {  	v5 =	vld.idx.msk [tilespmem:v22+s2+$0x0], $0xffff  }
0x4e7: {  	v41 =	vld [tilespmem:s3+$0x18810]  }
0x4e8: {  	v61 =	vld [tilespmem:s3+$0x18C40]  }
0x4e9: {  	v21 =	vld [tilespmem:s3+$0x18B70]  }
0x4ea: {  	v22 =	vld [tilespmem:s3+$0x18BD0]  }
0x4eb: {  	v14 =	vld.idx.msk [tilespmem:v14+s2+$0x0], $0xffff;
	[tilespmem:s3+$0x1AA40] =	vst v2  }
0x4ec: {  	[tilespmem:s3+$0x1A6E0] =	vst v0;
	v2 =	vld.idx.msk [tilespmem:v16+s2+$0x0], $0xffff  }
0x4ed: {  	[tilespmem:s3+$0x1A7E0] =	vst v12;
	v12 =	vld [tilespmem:s3+$0x18AD0]  }
0x4ee: {  	[tilespmem:s3+$0x1A760] =	vst v1;
	v0 =	vld.idx.msk [tilespmem:v43+s2+$0x0], $0xffff  }
0x4ef: {  	v1 =	vld.idx.msk [tilespmem:v44+s2+$0x0], $0xffff  }
0x4f0: {  	[tilespmem:s3+$0x1A960] =	vst v4;
	v6 =	vld.idx.msk [tilespmem:v17+s2+$0x0], $0xffff  }
0x4f1: {  	[tilespmem:s3+$0x1A9E0] =	vst v5;
	v4 =	vld.idx.msk [tilespmem:v30+s2+$0x0], $0xffff  }
0x4f2: {  	v5 =	vld.idx.msk [tilespmem:v31+s2+$0x0], $0xffff  }
0x4f3: {  	v43 =	vld [tilespmem:s3+$0x18910]  }
0x4f4: {  	v44 =	vld [tilespmem:s3+$0x18990]  }
0x4f5: {  	[tilespmem:s3+$0x1A830] =	vst v3;
	v30 =	vld [tilespmem:s3+$0x18CE0]  }
0x4f6: {  	v31 =	vld [tilespmem:s3+$0x18D60];
	[tilespmem:s3+$0x1ADA0] =	vst v14  }
0x4f7: {  	v14 =	vld.idx.msk [tilespmem:v58+s2+$0x0], $0xffff;
	[tilespmem:s3+$0x1AA50] =	vst v2  }
0x4f8: {  	[tilespmem:s3+$0x1A6F0] =	vst v0;
	v0 =	vld.idx.msk [tilespmem:v48+s2+$0x0], $0xffff  }
0x4f9: {  	v2 =	vld.idx.msk [tilespmem:v23+s2+$0x0], $0xffff  }
0x4fa: {  	v48 =	vld [tilespmem:s3+$0x18BA0]  }
0x4fb: {  	v23 =	vld [tilespmem:s3+$0x18C50]  }
0x4fc: {  	[tilespmem:s3+$0x1A770] =	vst v1;
	v3 =	vld.idx.msk [tilespmem:v49+s2+$0x0], $0xffff  }
0x4fd: {  	[tilespmem:s3+$0x1A970] =	vst v4;
	v1 =	vld.idx.msk [tilespmem:v50+s2+$0x0], $0xffff  }
0x4fe: {  	[tilespmem:s3+$0x1A9F0] =	vst v5;
	v4 =	vld.idx.msk [tilespmem:v36+s2+$0x0], $0xffff  }
0x4ff: {  	v5 =	vld.idx.msk [tilespmem:v37+s2+$0x0], $0xffff  }
0x500: {  	v49 =	vld [tilespmem:s3+$0x18C20]  }
0x501: {  	v50 =	vld [tilespmem:s3+$0x18CA0]  }
0x502: {  	v36 =	vld [tilespmem:s3+$0x18BF0]  }
0x503: {  	v37 =	vld [tilespmem:s3+$0x18C70];
	[tilespmem:s3+$0x1ADB0] =	vst v14  }
0x504: {  	v14 =	vld.idx.msk [tilespmem:v18+s2+$0x0], $0xffff;
	[tilespmem:s3+$0x1A840] =	vst v0  }
0x505: {  	[tilespmem:s3+$0x1AA60] =	vst v2;
	v0 =	vld.idx.msk [tilespmem:v56+s2+$0x0], $0xffff  }
0x506: {  	[tilespmem:s3+$0x1A700] =	vst v3;
	v3 =	vld.idx.msk [tilespmem:v20+s2+$0x0], $0xffff  }
0x507: {  	v2 =	vld.idx.msk [tilespmem:v32+s2+$0x0], $0xffff  }
0x508: {  	v56 =	vld [tilespmem:s3+$0x18CB0]  }
0x509: {  	v20 =	vld [tilespmem:s3+$0x18AF0]  }
0x50a: {  	[tilespmem:s3+$0x1A780] =	vst v1;
	v32 =	vld [tilespmem:s3+$0x18DE0]  }
0x50b: {  	[tilespmem:s3+$0x1A980] =	vst v4;
	v1 =	vld.idx.msk [tilespmem:v63+s2+$0x0], $0xffff  }
0x50c: {  	v4 =	vld.idx.msk [tilespmem:v44+s2+$0x0], $0xffff  }
0x50d: {  	v63 =	vld [tilespmem:s3+$0x18D40]  }
0x50e: {  	v44 =	vld [tilespmem:s3+$0x18D00]  }
0x50f: {  	[tilespmem:s3+$0x1A8E0] =	vst v3;
	v3 =	vld.idx.msk [tilespmem:v34+s2+$0x0], $0xffff  }
0x510: {  	[tilespmem:s3+$0x1A850] =	vst v0;
	v34 =	vld [tilespmem:s3+$0x18B00]  }
0x511: {  	[tilespmem:s3+$0x1A7F0] =	vst v6;
	v0 =	vld.idx.msk [tilespmem:v62+s2+$0x0], $0xffff  }
0x512: {  	[tilespmem:s3+$0x1AA70] =	vst v2;
	v6 =	vld.idx.msk [tilespmem:v29+s2+$0x0], $0xffff  }
0x513: {  	v2 =	vld.idx.msk [tilespmem:v38+s2+$0x0], $0xffff  }
0x514: {  	v62 =	vld [tilespmem:s3+$0x18CC0]  }
0x515: {  	v29 =	vld [tilespmem:s3+$0x18C60]  }
0x516: {  	v38 =	vld [tilespmem:s3+$0x18CF0]  }
0x517: {  	[tilespmem:s3+$0x1A860] =	vst v0;
	v0 =	vld.idx.msk [tilespmem:v8+s2+$0x0], $0xffff  }
0x518: {  	[tilespmem:s3+$0x1AB30] =	vst v3;
	v8 =	vld.idx.msk [tilespmem:v24+s2+$0x0], $0xffff  }
0x519: {  	v3 =	vld.idx.msk [tilespmem:v40+s2+$0x0], $0xffff  }
0x51a: {  	v24 =	vld [tilespmem:s3+$0x18CD0]  }
0x51b: {  	v40 =	vld [tilespmem:s3+$0x18DF0]  }
0x51c: {  	v19 =	vld.idx.msk [tilespmem:v9+s2+$0x0], $0xffff  }
0x51d: {  	[tilespmem:s3+$0x1A8F0] =	vst v6;
	v9 =	vld.idx.msk [tilespmem:v26+s2+$0x0], $0xffff  }
0x51e: {  	[tilespmem:s3+$0x1AA80] =	vst v2;
	v6 =	vld.idx.msk [tilespmem:v35+s2+$0x0], $0xffff  }
0x51f: {  	v2 =	vld.idx.msk [tilespmem:v45+s2+$0x0], $0xffff  }
0x520: {  	v26 =	vld [tilespmem:s3+$0x18DD0]  }
0x521: {  	v35 =	vld [tilespmem:s3+$0x18B80]  }
0x522: {  	[tilespmem:s3+$0x1AA00] =	vst v5;
	v45 =	vld [tilespmem:s3+$0x18D80]  }
0x523: {  	[tilespmem:s3+$0x1AB40] =	vst v3;
	v3 =	vld.idx.msk [tilespmem:v11+s2+$0x0], $0xffff  }
0x524: {  	v11 =	vld.idx.msk [tilespmem:v49+s2+$0x0], $0xffff  }
0x525: {  	[tilespmem:s3+$0x1AAA0] =	vst v8;
	v49 =	vld [tilespmem:s3+$0x18B90]  }
0x526: {  	v8 =	vld.idx.msk [tilespmem:v33+s2+$0x0], $0xffff  }
0x527: {  	v47 =	vld.idx.msk [tilespmem:v13+s2+$0x0], $0xffff  }
0x528: {  	v13 =	vld.idx.msk [tilespmem:v51+s2+$0x0], $0xffff  }
0x529: {  	[tilespmem:s3+$0x1A870] =	vst v19;
	v19 =	vld [tilespmem:s3+$0x18E40]  }
0x52a: {  	v33 =	vld [tilespmem:s3+$0x18E60]  }
0x52b: {  	[tilespmem:s3+$0x1A900] =	vst v6;
	v7 =	vld.idx.msk [tilespmem:v27+s2+$0x0], $0xffff  }
0x52c: {  	v5 =	vld.idx.msk [tilespmem:v43+s2+$0x0], $0xffff  }
0x52d: {  	v27 =	vld [tilespmem:s3+$0x18E50]  }
0x52e: {  	[tilespmem:s3+$0x1ADC0] =	vst v14;
	v43 =	vld [tilespmem:s3+$0x18C80]  }
0x52f: {  	v14 =	vld.idx.msk [tilespmem:v26+s2+$0x0], $0xffff;
	[tilespmem:s3+$0x1AC20] =	vst v11  }
0x530: {  	[tilespmem:s3+$0x1AAB0] =	vst v8;
	v8 =	vld.idx.msk [tilespmem:v52+s2+$0x0], $0xffff  }
0x531: {  	v11 =	vld.idx.msk [tilespmem:v55+s2+$0x0], $0xffff  }
0x532: {  	[tilespmem:s3+$0x1AB50] =	vst v47;
	v47 =	vld [tilespmem:s3+$0x18E80]  }
0x533: {  	v52 =	vld [tilespmem:s3+$0x18C10]  }
0x534: {  	v55 =	vld [tilespmem:s3+$0x18D90]  }
0x535: {  	[tilespmem:s3+$0x1A800] =	vst v9;
	v42 =	vld.idx.msk [tilespmem:v39+s2+$0x0], $0xffff  }
0x536: {  	[tilespmem:s3+$0x1A880] =	vst v7;
	v7 =	vld.idx.msk [tilespmem:v41+s2+$0x0], $0xffff  }
0x537: {  	[tilespmem:s3+$0x1AD20] =	vst v13;
	v9 =	vld.idx.msk [tilespmem:v53+s2+$0x0], $0xffff  }
0x538: {  	v13 =	vld.idx.msk [tilespmem:v57+s2+$0x0], $0xffff  }
0x539: {  	v39 =	vld [tilespmem:s3+$0x18D70]  }
0x53a: {  	[tilespmem:s3+$0x1A710] =	vst v1;
	v41 =	vld [tilespmem:s3+$0x18E70]  }
0x53b: {  	[tilespmem:s3+$0x1A990] =	vst v4;
	v53 =	vld [tilespmem:s3+$0x18C90]  }
0x53c: {  	[tilespmem:s3+$0x1A790] =	vst v0;
	v57 =	vld [tilespmem:s3+$0x18E90]  }
0x53d: {  	[tilespmem:s3+$0x1AA90] =	vst v2;
	v6 =	vld.idx.msk [tilespmem:v10+s2+$0x0], $0xffff  }
0x53e: {  	[tilespmem:s3+$0x1AA10] =	vst v3;
	v10 =	vld.idx.msk [tilespmem:v48+s2+$0x0], $0xffff  }
0x53f: {  	v48 =	vld [tilespmem:s3+$0x18B10];
	[tilespmem:s3+$0x1ADD0] =	vst v14  }
0x540: {  	v14 =	vld.idx.msk [tilespmem:v32+s2+$0x0], $0xffff;
	[tilespmem:s3+$0x1AE20] =	vst v8  }
0x541: {  	[tilespmem:s3+$0x1AC30] =	vst v11;
	v8 =	vld.idx.msk [tilespmem:v59+s2+$0x0], $0xffff  }
0x542: {  	[tilespmem:s3+$0x1A910] =	vst v5;
	v11 =	vld.idx.msk [tilespmem:v61+s2+$0x0], $0xffff  }
0x543: {  	[tilespmem:s3+$0x1AAC0] =	vst v42;
	v42 =	vld [tilespmem:s3+$0x18C00]  }
0x544: {  	[tilespmem:s3+$0x1AD30] =	vst v13;
	v46 =	vld.idx.msk [tilespmem:v12+s2+$0x0], $0xffff  }
0x545: {  	[tilespmem:s3+$0x1AB60] =	vst v9;
	v12 =	vld.idx.msk [tilespmem:v50+s2+$0x0], $0xffff  }
0x546: {  	[tilespmem:s3+$0x1A810] =	vst v7;
	v13 =	vld.idx.msk [tilespmem:v63+s2+$0x0], $0xffff  }
0x547: {  	[tilespmem:s3+$0x1ABA0] =	vst v10;
	v9 =	vld.idx.msk [tilespmem:v21+s2+$0x0], $0xffff  }
0x548: {  	[tilespmem:s3+$0x1A890] =	vst v6;
	v10 =	vld.idx.msk [tilespmem:v54+s2+$0x0], $0xffff  }
0x549: {  	v54 =	vld [tilespmem:s3+$0x18D10];
	[tilespmem:s3+$0x1ADE0] =	vst v14  }
0x54a: {  	v14 =	vld.idx.msk [tilespmem:v40+s2+$0x0], $0xffff;
	[tilespmem:s3+$0x1AE30] =	vst v8  }
0x54b: {  	[tilespmem:s3+$0x1AC40] =	vst v11;
	v8 =	vld.idx.msk [tilespmem:v19+s2+$0x0], $0xffff  }
0x54c: {  	[tilespmem:s3+$0x1ACA0] =	vst v12;
	v11 =	vld.idx.msk [tilespmem:v23+s2+$0x0], $0xffff  }
0x54d: {  	[tilespmem:s3+$0x1AAD0] =	vst v46;
	v12 =	vld.idx.msk [tilespmem:v56+s2+$0x0], $0xffff  }
0x54e: {  	[tilespmem:s3+$0x1AD40] =	vst v13;
	v46 =	vld [tilespmem:s3+$0x18E00]  }
0x54f: {  	[tilespmem:s3+$0x1AB70] =	vst v9;
	v15 =	vld.idx.msk [tilespmem:v15+s2+$0x0], $0xffff  }
0x550: {  	[tilespmem:s3+$0x1ABB0] =	vst v10;
	v13 =	vld.idx.msk [tilespmem:v25+s2+$0x0], $0xffff  }
0x551: {  	v9 =	vld.idx.msk [tilespmem:v35+s2+$0x0], $0xffff;
	[tilespmem:s3+$0x1ADF0] =	vst v14  }
0x552: {  	v10 =	vld.idx.msk [tilespmem:v60+s2+$0x0], $0xffff;
	[tilespmem:s3+$0x1ACB0] =	vst v12  }
0x553: {  	[tilespmem:s3+$0x1AE40] =	vst v8;
	v12 =	vld.idx.msk [tilespmem:v62+s2+$0x0], $0xffff  }
0x554: {  	v56 =	vld [tilespmem:s3+$0x18E10];
	[tilespmem:s3+$0x1AC50] =	vst v11  }
0x555: {  	[tilespmem:s3+$0x1AAE0] =	vst v15;
	v8 =	vld.idx.msk [tilespmem:v27+s2+$0x0], $0xffff  }
0x556: {  	[tilespmem:s3+$0x1AD50] =	vst v13;
	v11 =	vld.idx.msk [tilespmem:v29+s2+$0x0], $0xffff  }
0x557: {  	[tilespmem:s3+$0x1ABC0] =	vst v10;
	v15 =	vld.idx.msk [tilespmem:v20+s2+$0x0], $0xffff  }
0x558: {  	v10 =	vld.idx.msk [tilespmem:v22+s2+$0x0], $0xffff;
	[tilespmem:s3+$0x1ACC0] =	vst v12  }
0x559: {  	[tilespmem:s3+$0x1AB80] =	vst v9;
	v12 =	vld.idx.msk [tilespmem:v24+s2+$0x0], $0xffff  }
0x55a: {  	v13 =	vld.idx.msk [tilespmem:v31+s2+$0x0], $0xffff;
	[tilespmem:s3+$0x1AE50] =	vst v8  }
0x55b: {  	v59 =	vld.idx.msk [tilespmem:v49+s2+$0x0], $0xffff;
	[tilespmem:s3+$0x1AC60] =	vst v11  }
0x55c: {  	v51 =	vld.idx.msk [tilespmem:v46+s2+$0x0], $0xffff;
	[tilespmem:s3+$0x1AAF0] =	vst v15  }
0x55d: {  	v8 =	vld.idx.msk [tilespmem:v33+s2+$0x0], $0xffff;
	[tilespmem:s3+$0x1ABD0] =	vst v10  }
0x55e: {  	v10 =	vld.idx.msk [tilespmem:v28+s2+$0x0], $0xffff;
	[tilespmem:s3+$0x1ACD0] =	vst v12  }
0x55f: {  	[tilespmem:s3+$0x1AD60] =	vst v13;
	v12 =	vld.idx.msk [tilespmem:v30+s2+$0x0], $0xffff  }
0x560: {  	v11 =	vld.idx.msk [tilespmem:v37+s2+$0x0], $0xffff;
	[tilespmem:s3+$0x1AB90] =	vst v59  }
0x561: {  	v13 =	vld.idx.msk [tilespmem:v39+s2+$0x0], $0xffff;
	[tilespmem:s3+$0x1AE00] =	vst v51  }
0x562: {  	v15 =	vld.idx.msk [tilespmem:v34+s2+$0x0], $0xffff;
	[tilespmem:s3+$0x1AE60] =	vst v8  }
0x563: {  	v8 =	vld.idx.msk [tilespmem:v41+s2+$0x0], $0xffff;
	[tilespmem:s3+$0x1ABE0] =	vst v10  }
0x564: {  	v10 =	vld.idx.msk [tilespmem:v36+s2+$0x0], $0xffff;
	[tilespmem:s3+$0x1ACE0] =	vst v12  }
0x565: {  	[tilespmem:s3+$0x1AC70] =	vst v11;
	v12 =	vld.idx.msk [tilespmem:v38+s2+$0x0], $0xffff  }
0x566: {  	v62 =	vld.idx.msk [tilespmem:v56+s2+$0x0], $0xffff;
	[tilespmem:s3+$0x1AD70] =	vst v13  }
0x567: {  	[tilespmem:s3+$0x1AB00] =	vst v15;
	v11 =	vld.idx.msk [tilespmem:v43+s2+$0x0], $0xffff  }
0x568: {  	v50 =	vld.idx.msk [tilespmem:v45+s2+$0x0], $0xffff;
	[tilespmem:s3+$0x1AE70] =	vst v8  }
0x569: {  	v8 =	vld.idx.msk [tilespmem:v47+s2+$0x0], $0xffff;
	[tilespmem:s3+$0x1ABF0] =	vst v10  }
0x56a: {  	v10 =	vld.idx.msk [tilespmem:v42+s2+$0x0], $0xffff;
	[tilespmem:s3+$0x1ACF0] =	vst v12  }
0x56b: {  	[tilespmem:s3+$0x1AE10] =	vst v62;
	v12 =	vld.idx.msk [tilespmem:v44+s2+$0x0], $0xffff  }
0x56c: {  	v58 =	vld.idx.msk [tilespmem:v48+s2+$0x0], $0xffff;
	[tilespmem:s3+$0x1AC80] =	vst v11  }
0x56d: {  	[tilespmem:s3+$0x1AD80] =	vst v50;
	v61 =	vld.idx.msk [tilespmem:v53+s2+$0x0], $0xffff  }
0x56e: {  	v0 =	vld.idx.msk [tilespmem:v55+s2+$0x0], $0xffff;
	[tilespmem:s3+$0x1AE80] =	vst v8  }
0x56f: {  	v63 =	vld.idx.msk [tilespmem:v57+s2+$0x0], $0xffff;
	[tilespmem:s3+$0x1AC00] =	vst v10  }
0x570: {  	v60 =	vld.idx.msk [tilespmem:v52+s2+$0x0], $0xffff;
	[tilespmem:s3+$0x1AD00] =	vst v12  }
0x571: {  	p2 =	por p1, p1;
	[tilespmem:s3+$0x1AB10] =	vst v58;
	v1 =	vld.idx.msk [tilespmem:v54+s2+$0x0], $0xffff  }
.Ltmp5:
0x572: {  	[tilespmem:s3+$0x1AC90] =	vst v61;
	(pc) =	sbr.rel @p2 .LBB2_12-.Ltmp5, $4  }
0x573: {  	[tilespmem:s3+$0x1AD90] =	vst v0  }
0x574: {  	[tilespmem:s3+$0x1AE90] =	vst v63  }
0x575: {  	[tilespmem:s3+$0x1AC10] =	vst v60  }
0x576: {  	p1 =	por $0x0, $0x0;
	[tilespmem:s3+$0x1AD10] =	vst v1;
	s3 =	simm.s32 $0x800  }
0x577: {  	[tilespmem:s19], [sflag:$0x1] =	stream.linear.gather [spmem:s8], $0x1000, $0x38;
	[tilespmem:$0x1F8A0] =	vst v63  }
0x578: {  	_ = 	snop  }
0x579: {  	[hbm4b:s15+s23] =	stream.strided.scatter [tilespmem:s25], [sflag:$0x3], $0x1000, s24, s23, $0x38;
	[tilespmem:$0x1F8A0] =	vst v63  }
0x57a: {  	_ =	swait.ge [sflag:s26], $0x1000  }
0x57b: {  	[sflag:s26] =	ssyncset.done $0x0  }
0x57c: {  	s3 =	simm.s32 $0x0;
	p1 =	por $0x1, $0x1;
	[sflag:s26] =	ssyncadd.s32 $0xFFFFF000  }
.LBB2_14:
0x57d: {  	v0 =	vld [tilespmem:s3+$0x196A0]  }
0x57e: {  	v1 =	vld [tilespmem:s3+$0x19720]  }
0x57f: {  	v35 =	vld [tilespmem:s3+$0x196B0]  }
0x580: {  	v36 =	vld [tilespmem:s3+$0x19730]  }
0x581: {  	v37 =	vld [tilespmem:s3+$0x196C0]  }
0x582: {  	v38 =	vld [tilespmem:s3+$0x19740]  }
0x583: {  	v39 =	vld [tilespmem:s3+$0x196D0]  }
0x584: {  	v40 =	vld [tilespmem:s3+$0x19750]  }
0x585: {  	v41 =	vld [tilespmem:s3+$0x196E0]  }
0x586: {  	v42 =	vld [tilespmem:s3+$0x19760]  }
0x587: {  	v2 =	vld [tilespmem:s3+$0x197A0]  }
0x588: {  	v3 =	vld [tilespmem:s3+$0x19820]  }
0x589: {  	v43 =	vld [tilespmem:s3+$0x196F0]  }
0x58a: {  	v44 =	vld [tilespmem:s3+$0x19770]  }
0x58b: {  	v45 =	vld [tilespmem:s3+$0x197B0]  }
0x58c: {  	v46 =	vld [tilespmem:s3+$0x19830]  }
0x58d: {  	v4 =	vld [tilespmem:s3+$0x198A0]  }
0x58e: {  	v5 =	vld [tilespmem:s3+$0x19920]  }
0x58f: {  	v6 =	vld [tilespmem:s3+$0x199A0]  }
0x590: {  	v47 =	vld [tilespmem:s3+$0x19A20]  }
0x591: {  	v7 =	vld [tilespmem:s3+$0x197C0]  }
0x592: {  	v48 =	vld [tilespmem:s3+$0x19840]  }
0x593: {  	v49 =	vld [tilespmem:s3+$0x19700]  }
0x594: {  	v50 =	vld [tilespmem:s3+$0x19780]  }
0x595: {  	v51 =	vld [tilespmem:s3+$0x198B0]  }
0x596: {  	v52 =	vld [tilespmem:s3+$0x19930]  }
0x597: {  	v53 =	vld [tilespmem:s3+$0x199B0]  }
0x598: {  	v54 =	vld [tilespmem:s3+$0x19A30]  }
0x599: {  	v55 =	vld [tilespmem:s3+$0x197D0]  }
0x59a: {  	v56 =	vld [tilespmem:s3+$0x19850]  }
0x59b: {  	v57 =	vld [tilespmem:s3+$0x198C0]  }
0x59c: {  	v58 =	vld [tilespmem:s3+$0x19940]  }
0x59d: {  	v59 =	vld [tilespmem:s3+$0x199C0]  }
0x59e: {  	v60 =	vld [tilespmem:s3+$0x19A40]  }
0x59f: {  	v61 =	vld [tilespmem:s3+$0x197E0]  }
0x5a0: {  	v62 =	vld [tilespmem:s3+$0x19860]  }
0x5a1: {  	v63 =	vld [tilespmem:s3+$0x19710]  }
0x5a2: {  	v8 =	vld [tilespmem:s3+$0x19790]  }
0x5a3: {  	v13 =	vld [tilespmem:s3+$0x198D0]  }
0x5a4: {  	v14 =	vld [tilespmem:s3+$0x19950]  }
0x5a5: {  	v15 =	vld [tilespmem:s3+$0x199D0]  }
0x5a6: {  	v16 =	vld [tilespmem:s3+$0x19A50]  }
0x5a7: {  	v17 =	vld [tilespmem:s3+$0x197F0]  }
0x5a8: {  	v20 =	vld [tilespmem:s3+$0x198E0]  }
0x5a9: {  	v21 =	vld [tilespmem:s3+$0x19960]  }
0x5aa: {  	v22 =	vld [tilespmem:s3+$0x199E0]  }
0x5ab: {  	v23 =	vld [tilespmem:s3+$0x19A60]  }
0x5ac: {  	v24 =	vld [tilespmem:s3+$0x19AA0]  }
0x5ad: {  	v25 =	vld [tilespmem:s3+$0x19B20]  }
0x5ae: {  	v26 =	vld [tilespmem:s3+$0x19800]  }
0x5af: {  	v27 =	vld [tilespmem:s3+$0x19880]  }
0x5b0: {  	v29 =	vld [tilespmem:s3+$0x198F0]  }
0x5b1: {  	v30 =	vld [tilespmem:s3+$0x19970]  }
0x5b2: {  	v31 =	vld [tilespmem:s3+$0x199F0]  }
0x5b3: {  	v32 =	vld [tilespmem:s3+$0x19A70]  }
0x5b4: {  	v33 =	vld [tilespmem:s3+$0x19AB0]  }
0x5b5: {  	v34 =	vld [tilespmem:s3+$0x19B30]  }
0x5b6: {  	v0 =	vld.idx.msk [tilespmem:v0+s2+$0x0], $0xffff  }
0x5b7: {  	v1 =	vld.idx.msk [tilespmem:v1+s2+$0x0], $0xffff  }
0x5b8: {  	v2 =	vld.idx.msk [tilespmem:v2+s2+$0x0], $0xffff  }
0x5b9: {  	v3 =	vld.idx.msk [tilespmem:v3+s2+$0x0], $0xffff  }
0x5ba: {  	v28 =	vld.idx.msk [tilespmem:v25+s2+$0x0], $0xffff  }
0x5bb: {  	v4 =	vld.idx.msk [tilespmem:v4+s2+$0x0], $0xffff  }
0x5bc: {  	v5 =	vld.idx.msk [tilespmem:v5+s2+$0x0], $0xffff  }
0x5bd: {  	v6 =	vld.idx.msk [tilespmem:v6+s2+$0x0], $0xffff  }
0x5be: {  	v25 =	vld [tilespmem:s3+$0x19D50];
	[tilespmem:s3+$0x1B6A0] =	vst v0  }
0x5bf: {  	[tilespmem:s3+$0x1BB20] =	vst v28;
	v28 =	vld [tilespmem:s3+$0x19BE0]  }
0x5c0: {  	[tilespmem:s3+$0x1B720] =	vst v1;
	v0 =	vld.idx.msk [tilespmem:v35+s2+$0x0], $0xffff  }
0x5c1: {  	[tilespmem:s3+$0x1B7A0] =	vst v2;
	v1 =	vld.idx.msk [tilespmem:v36+s2+$0x0], $0xffff  }
0x5c2: {  	[tilespmem:s3+$0x1B820] =	vst v3;
	v2 =	vld.idx.msk [tilespmem:v45+s2+$0x0], $0xffff  }
0x5c3: {  	[tilespmem:s3+$0x1B8A0] =	vst v4;
	v3 =	vld.idx.msk [tilespmem:v46+s2+$0x0], $0xffff  }
0x5c4: {  	[tilespmem:s3+$0x1B920] =	vst v5;
	v4 =	vld.idx.msk [tilespmem:v51+s2+$0x0], $0xffff  }
0x5c5: {  	[tilespmem:s3+$0x1B9A0] =	vst v6;
	v5 =	vld.idx.msk [tilespmem:v52+s2+$0x0], $0xffff  }
0x5c6: {  	v6 =	vld.idx.msk [tilespmem:v53+s2+$0x0], $0xffff  }
0x5c7: {  	v35 =	vld [tilespmem:s3+$0x19900]  }
0x5c8: {  	v36 =	vld [tilespmem:s3+$0x19980]  }
0x5c9: {  	v45 =	vld [tilespmem:s3+$0x19A90]  }
0x5ca: {  	v51 =	vld [tilespmem:s3+$0x19D20]  }
0x5cb: {  	v52 =	vld [tilespmem:s3+$0x19E20]  }
0x5cc: {  	v53 =	vld [tilespmem:s3+$0x19B60];
	[tilespmem:s3+$0x1B6B0] =	vst v0  }
0x5cd: {  	[tilespmem:s3+$0x1B7B0] =	vst v2;
	v2 =	vld.idx.msk [tilespmem:v47+s2+$0x0], $0xffff  }
0x5ce: {  	[tilespmem:s3+$0x1B730] =	vst v1;
	v0 =	vld.idx.msk [tilespmem:v37+s2+$0x0], $0xffff  }
0x5cf: {  	v1 =	vld.idx.msk [tilespmem:v38+s2+$0x0], $0xffff  }
0x5d0: {  	[tilespmem:s3+$0x1B8B0] =	vst v4;
	v7 =	vld.idx.msk [tilespmem:v7+s2+$0x0], $0xffff  }
0x5d1: {  	[tilespmem:s3+$0x1B930] =	vst v5;
	v9 =	vld.idx.msk [tilespmem:v57+s2+$0x0], $0xffff  }
0x5d2: {  	[tilespmem:s3+$0x1B9B0] =	vst v6;
	v10 =	vld.idx.msk [tilespmem:v58+s2+$0x0], $0xffff  }
0x5d3: {  	v11 =	vld.idx.msk [tilespmem:v59+s2+$0x0], $0xffff  }
0x5d4: {  	v37 =	vld [tilespmem:s3+$0x19A00]  }
0x5d5: {  	v38 =	vld [tilespmem:s3+$0x19A80]  }
0x5d6: {  	v57 =	vld [tilespmem:s3+$0x19D30]  }
0x5d7: {  	v58 =	vld [tilespmem:s3+$0x19DB0]  }
0x5d8: {  	v59 =	vld [tilespmem:s3+$0x19E30];
	[tilespmem:s3+$0x1BA20] =	vst v2  }
0x5d9: {  	v2 =	vld.idx.msk [tilespmem:v54+s2+$0x0], $0xffff  }
0x5da: {  	[tilespmem:s3+$0x1B8C0] =	vst v9;
	v9 =	vld [tilespmem:s3+$0x19870]  }
0x5db: {  	[tilespmem:s3+$0x1B940] =	vst v10;
	v10 =	vld [tilespmem:s3+$0x19890]  }
0x5dc: {  	[tilespmem:s3+$0x1B9C0] =	vst v11;
	v11 =	vld [tilespmem:s3+$0x19A10]  }
0x5dd: {  	[tilespmem:s3+$0x1B6C0] =	vst v0;
	v54 =	vld [tilespmem:s3+$0x19BB0]  }
0x5de: {  	[tilespmem:s3+$0x1B740] =	vst v1;
	v0 =	vld.idx.msk [tilespmem:v39+s2+$0x0], $0xffff  }
0x5df: {  	[tilespmem:s3+$0x1B7C0] =	vst v7;
	v1 =	vld.idx.msk [tilespmem:v40+s2+$0x0], $0xffff  }
0x5e0: {  	v7 =	vld.idx.msk [tilespmem:v55+s2+$0x0], $0xffff  }
0x5e1: {  	v18 =	vld.idx.msk [tilespmem:v13+s2+$0x0], $0xffff  }
0x5e2: {  	v4 =	vld.idx.msk [tilespmem:v14+s2+$0x0], $0xffff  }
0x5e3: {  	v5 =	vld.idx.msk [tilespmem:v15+s2+$0x0], $0xffff  }
0x5e4: {  	v39 =	vld [tilespmem:s3+$0x19AC0]  }
0x5e5: {  	v40 =	vld [tilespmem:s3+$0x19B40]  }
0x5e6: {  	v13 =	vld [tilespmem:s3+$0x19B50]  }
0x5e7: {  	v14 =	vld [tilespmem:s3+$0x19DA0]  }
0x5e8: {  	v15 =	vld [tilespmem:s3+$0x19AE0]  }
0x5e9: {  	v55 =	vld [tilespmem:s3+$0x19C30];
	[tilespmem:s3+$0x1BA30] =	vst v2  }
0x5ea: {  	v2 =	vld.idx.msk [tilespmem:v60+s2+$0x0], $0xffff  }
0x5eb: {  	[tilespmem:s3+$0x1B6D0] =	vst v0;
	v60 =	vld [tilespmem:s3+$0x19BC0]  }
0x5ec: {  	[tilespmem:s3+$0x1B8D0] =	vst v18;
	v18 =	vld [tilespmem:s3+$0x19DC0]  }
0x5ed: {  	[tilespmem:s3+$0x1B750] =	vst v1;
	v0 =	vld.idx.msk [tilespmem:v41+s2+$0x0], $0xffff  }
0x5ee: {  	[tilespmem:s3+$0x1B7D0] =	vst v7;
	v1 =	vld.idx.msk [tilespmem:v42+s2+$0x0], $0xffff  }
0x5ef: {  	[tilespmem:s3+$0x1B950] =	vst v4;
	v12 =	vld.idx.msk [tilespmem:v61+s2+$0x0], $0xffff  }
0x5f0: {  	[tilespmem:s3+$0x1B9D0] =	vst v5;
	v4 =	vld.idx.msk [tilespmem:v21+s2+$0x0], $0xffff  }
0x5f1: {  	v5 =	vld.idx.msk [tilespmem:v22+s2+$0x0], $0xffff  }
0x5f2: {  	v41 =	vld [tilespmem:s3+$0x19810]  }
0x5f3: {  	v61 =	vld [tilespmem:s3+$0x19C40]  }
0x5f4: {  	v21 =	vld [tilespmem:s3+$0x19B70]  }
0x5f5: {  	v22 =	vld [tilespmem:s3+$0x19BD0]  }
0x5f6: {  	v14 =	vld.idx.msk [tilespmem:v14+s2+$0x0], $0xffff;
	[tilespmem:s3+$0x1BA40] =	vst v2  }
0x5f7: {  	[tilespmem:s3+$0x1B6E0] =	vst v0;
	v2 =	vld.idx.msk [tilespmem:v16+s2+$0x0], $0xffff  }
0x5f8: {  	[tilespmem:s3+$0x1B7E0] =	vst v12;
	v12 =	vld [tilespmem:s3+$0x19AD0]  }
0x5f9: {  	[tilespmem:s3+$0x1B760] =	vst v1;
	v0 =	vld.idx.msk [tilespmem:v43+s2+$0x0], $0xffff  }
0x5fa: {  	v1 =	vld.idx.msk [tilespmem:v44+s2+$0x0], $0xffff  }
0x5fb: {  	[tilespmem:s3+$0x1B960] =	vst v4;
	v6 =	vld.idx.msk [tilespmem:v17+s2+$0x0], $0xffff  }
0x5fc: {  	[tilespmem:s3+$0x1B9E0] =	vst v5;
	v4 =	vld.idx.msk [tilespmem:v30+s2+$0x0], $0xffff  }
0x5fd: {  	v5 =	vld.idx.msk [tilespmem:v31+s2+$0x0], $0xffff  }
0x5fe: {  	v43 =	vld [tilespmem:s3+$0x19910]  }
0x5ff: {  	v44 =	vld [tilespmem:s3+$0x19990]  }
0x600: {  	[tilespmem:s3+$0x1B830] =	vst v3;
	v30 =	vld [tilespmem:s3+$0x19CE0]  }
0x601: {  	v31 =	vld [tilespmem:s3+$0x19D60];
	[tilespmem:s3+$0x1BDA0] =	vst v14  }
0x602: {  	v14 =	vld.idx.msk [tilespmem:v58+s2+$0x0], $0xffff;
	[tilespmem:s3+$0x1BA50] =	vst v2  }
0x603: {  	[tilespmem:s3+$0x1B6F0] =	vst v0;
	v0 =	vld.idx.msk [tilespmem:v48+s2+$0x0], $0xffff  }
0x604: {  	v2 =	vld.idx.msk [tilespmem:v23+s2+$0x0], $0xffff  }
0x605: {  	v48 =	vld [tilespmem:s3+$0x19BA0]  }
0x606: {  	v23 =	vld [tilespmem:s3+$0x19C50]  }
0x607: {  	[tilespmem:s3+$0x1B770] =	vst v1;
	v3 =	vld.idx.msk [tilespmem:v49+s2+$0x0], $0xffff  }
0x608: {  	[tilespmem:s3+$0x1B970] =	vst v4;
	v1 =	vld.idx.msk [tilespmem:v50+s2+$0x0], $0xffff  }
0x609: {  	[tilespmem:s3+$0x1B9F0] =	vst v5;
	v4 =	vld.idx.msk [tilespmem:v36+s2+$0x0], $0xffff  }
0x60a: {  	v5 =	vld.idx.msk [tilespmem:v37+s2+$0x0], $0xffff  }
0x60b: {  	v49 =	vld [tilespmem:s3+$0x19C20]  }
0x60c: {  	v50 =	vld [tilespmem:s3+$0x19CA0]  }
0x60d: {  	v36 =	vld [tilespmem:s3+$0x19BF0]  }
0x60e: {  	v37 =	vld [tilespmem:s3+$0x19C70];
	[tilespmem:s3+$0x1BDB0] =	vst v14  }
0x60f: {  	v14 =	vld.idx.msk [tilespmem:v18+s2+$0x0], $0xffff;
	[tilespmem:s3+$0x1B840] =	vst v0  }
0x610: {  	[tilespmem:s3+$0x1BA60] =	vst v2;
	v0 =	vld.idx.msk [tilespmem:v56+s2+$0x0], $0xffff  }
0x611: {  	[tilespmem:s3+$0x1B700] =	vst v3;
	v3 =	vld.idx.msk [tilespmem:v20+s2+$0x0], $0xffff  }
0x612: {  	v2 =	vld.idx.msk [tilespmem:v32+s2+$0x0], $0xffff  }
0x613: {  	v56 =	vld [tilespmem:s3+$0x19CB0]  }
0x614: {  	v20 =	vld [tilespmem:s3+$0x19AF0]  }
0x615: {  	[tilespmem:s3+$0x1B780] =	vst v1;
	v32 =	vld [tilespmem:s3+$0x19DE0]  }
0x616: {  	[tilespmem:s3+$0x1B980] =	vst v4;
	v1 =	vld.idx.msk [tilespmem:v63+s2+$0x0], $0xffff  }
0x617: {  	v4 =	vld.idx.msk [tilespmem:v44+s2+$0x0], $0xffff  }
0x618: {  	v63 =	vld [tilespmem:s3+$0x19D40]  }
0x619: {  	v44 =	vld [tilespmem:s3+$0x19D00]  }
0x61a: {  	[tilespmem:s3+$0x1B8E0] =	vst v3;
	v3 =	vld.idx.msk [tilespmem:v34+s2+$0x0], $0xffff  }
0x61b: {  	[tilespmem:s3+$0x1B850] =	vst v0;
	v34 =	vld [tilespmem:s3+$0x19B00]  }
0x61c: {  	[tilespmem:s3+$0x1B7F0] =	vst v6;
	v0 =	vld.idx.msk [tilespmem:v62+s2+$0x0], $0xffff  }
0x61d: {  	[tilespmem:s3+$0x1BA70] =	vst v2;
	v6 =	vld.idx.msk [tilespmem:v29+s2+$0x0], $0xffff  }
0x61e: {  	v2 =	vld.idx.msk [tilespmem:v38+s2+$0x0], $0xffff  }
0x61f: {  	v62 =	vld [tilespmem:s3+$0x19CC0]  }
0x620: {  	v29 =	vld [tilespmem:s3+$0x19C60]  }
0x621: {  	v38 =	vld [tilespmem:s3+$0x19CF0]  }
0x622: {  	[tilespmem:s3+$0x1B860] =	vst v0;
	v0 =	vld.idx.msk [tilespmem:v8+s2+$0x0], $0xffff  }
0x623: {  	[tilespmem:s3+$0x1BB30] =	vst v3;
	v8 =	vld.idx.msk [tilespmem:v24+s2+$0x0], $0xffff  }
0x624: {  	v3 =	vld.idx.msk [tilespmem:v40+s2+$0x0], $0xffff  }
0x625: {  	v24 =	vld [tilespmem:s3+$0x19CD0]  }
0x626: {  	v40 =	vld [tilespmem:s3+$0x19DF0]  }
0x627: {  	v19 =	vld.idx.msk [tilespmem:v9+s2+$0x0], $0xffff  }
0x628: {  	[tilespmem:s3+$0x1B8F0] =	vst v6;
	v9 =	vld.idx.msk [tilespmem:v26+s2+$0x0], $0xffff  }
0x629: {  	[tilespmem:s3+$0x1BA80] =	vst v2;
	v6 =	vld.idx.msk [tilespmem:v35+s2+$0x0], $0xffff  }
0x62a: {  	v2 =	vld.idx.msk [tilespmem:v45+s2+$0x0], $0xffff  }
0x62b: {  	v26 =	vld [tilespmem:s3+$0x19DD0]  }
0x62c: {  	v35 =	vld [tilespmem:s3+$0x19B80]  }
0x62d: {  	[tilespmem:s3+$0x1BA00] =	vst v5;
	v45 =	vld [tilespmem:s3+$0x19D80]  }
0x62e: {  	[tilespmem:s3+$0x1BB40] =	vst v3;
	v3 =	vld.idx.msk [tilespmem:v11+s2+$0x0], $0xffff  }
0x62f: {  	v11 =	vld.idx.msk [tilespmem:v49+s2+$0x0], $0xffff  }
0x630: {  	[tilespmem:s3+$0x1BAA0] =	vst v8;
	v49 =	vld [tilespmem:s3+$0x19B90]  }
0x631: {  	v8 =	vld.idx.msk [tilespmem:v33+s2+$0x0], $0xffff  }
0x632: {  	v47 =	vld.idx.msk [tilespmem:v13+s2+$0x0], $0xffff  }
0x633: {  	v13 =	vld.idx.msk [tilespmem:v51+s2+$0x0], $0xffff  }
0x634: {  	[tilespmem:s3+$0x1B870] =	vst v19;
	v19 =	vld [tilespmem:s3+$0x19E40]  }
0x635: {  	v33 =	vld [tilespmem:s3+$0x19E60]  }
0x636: {  	[tilespmem:s3+$0x1B900] =	vst v6;
	v7 =	vld.idx.msk [tilespmem:v27+s2+$0x0], $0xffff  }
0x637: {  	v5 =	vld.idx.msk [tilespmem:v43+s2+$0x0], $0xffff  }
0x638: {  	v27 =	vld [tilespmem:s3+$0x19E50]  }
0x639: {  	[tilespmem:s3+$0x1BDC0] =	vst v14;
	v43 =	vld [tilespmem:s3+$0x19C80]  }
0x63a: {  	v14 =	vld.idx.msk [tilespmem:v26+s2+$0x0], $0xffff;
	[tilespmem:s3+$0x1BC20] =	vst v11  }
0x63b: {  	[tilespmem:s3+$0x1BAB0] =	vst v8;
	v8 =	vld.idx.msk [tilespmem:v52+s2+$0x0], $0xffff  }
0x63c: {  	v11 =	vld.idx.msk [tilespmem:v55+s2+$0x0], $0xffff  }
0x63d: {  	[tilespmem:s3+$0x1BB50] =	vst v47;
	v47 =	vld [tilespmem:s3+$0x19E80]  }
0x63e: {  	v52 =	vld [tilespmem:s3+$0x19C10]  }
0x63f: {  	v55 =	vld [tilespmem:s3+$0x19D90]  }
0x640: {  	[tilespmem:s3+$0x1B800] =	vst v9;
	v42 =	vld.idx.msk [tilespmem:v39+s2+$0x0], $0xffff  }
0x641: {  	[tilespmem:s3+$0x1B880] =	vst v7;
	v7 =	vld.idx.msk [tilespmem:v41+s2+$0x0], $0xffff  }
0x642: {  	[tilespmem:s3+$0x1BD20] =	vst v13;
	v9 =	vld.idx.msk [tilespmem:v53+s2+$0x0], $0xffff  }
0x643: {  	v13 =	vld.idx.msk [tilespmem:v57+s2+$0x0], $0xffff  }
0x644: {  	v39 =	vld [tilespmem:s3+$0x19D70]  }
0x645: {  	[tilespmem:s3+$0x1B710] =	vst v1;
	v41 =	vld [tilespmem:s3+$0x19E70]  }
0x646: {  	[tilespmem:s3+$0x1B990] =	vst v4;
	v53 =	vld [tilespmem:s3+$0x19C90]  }
0x647: {  	[tilespmem:s3+$0x1B790] =	vst v0;
	v57 =	vld [tilespmem:s3+$0x19E90]  }
0x648: {  	[tilespmem:s3+$0x1BA90] =	vst v2;
	v6 =	vld.idx.msk [tilespmem:v10+s2+$0x0], $0xffff  }
0x649: {  	[tilespmem:s3+$0x1BA10] =	vst v3;
	v10 =	vld.idx.msk [tilespmem:v48+s2+$0x0], $0xffff  }
0x64a: {  	v48 =	vld [tilespmem:s3+$0x19B10];
	[tilespmem:s3+$0x1BDD0] =	vst v14  }
0x64b: {  	v14 =	vld.idx.msk [tilespmem:v32+s2+$0x0], $0xffff;
	[tilespmem:s3+$0x1BE20] =	vst v8  }
0x64c: {  	[tilespmem:s3+$0x1BC30] =	vst v11;
	v8 =	vld.idx.msk [tilespmem:v59+s2+$0x0], $0xffff  }
0x64d: {  	[tilespmem:s3+$0x1B910] =	vst v5;
	v11 =	vld.idx.msk [tilespmem:v61+s2+$0x0], $0xffff  }
0x64e: {  	[tilespmem:s3+$0x1BAC0] =	vst v42;
	v42 =	vld [tilespmem:s3+$0x19C00]  }
0x64f: {  	[tilespmem:s3+$0x1BD30] =	vst v13;
	v46 =	vld.idx.msk [tilespmem:v12+s2+$0x0], $0xffff  }
0x650: {  	[tilespmem:s3+$0x1BB60] =	vst v9;
	v12 =	vld.idx.msk [tilespmem:v50+s2+$0x0], $0xffff  }
0x651: {  	[tilespmem:s3+$0x1B810] =	vst v7;
	v13 =	vld.idx.msk [tilespmem:v63+s2+$0x0], $0xffff  }
0x652: {  	[tilespmem:s3+$0x1BBA0] =	vst v10;
	v9 =	vld.idx.msk [tilespmem:v21+s2+$0x0], $0xffff  }
0x653: {  	[tilespmem:s3+$0x1B890] =	vst v6;
	v10 =	vld.idx.msk [tilespmem:v54+s2+$0x0], $0xffff  }
0x654: {  	v54 =	vld [tilespmem:s3+$0x19D10];
	[tilespmem:s3+$0x1BDE0] =	vst v14  }
0x655: {  	v14 =	vld.idx.msk [tilespmem:v40+s2+$0x0], $0xffff;
	[tilespmem:s3+$0x1BE30] =	vst v8  }
0x656: {  	[tilespmem:s3+$0x1BC40] =	vst v11;
	v8 =	vld.idx.msk [tilespmem:v19+s2+$0x0], $0xffff  }
0x657: {  	[tilespmem:s3+$0x1BCA0] =	vst v12;
	v11 =	vld.idx.msk [tilespmem:v23+s2+$0x0], $0xffff  }
0x658: {  	[tilespmem:s3+$0x1BAD0] =	vst v46;
	v12 =	vld.idx.msk [tilespmem:v56+s2+$0x0], $0xffff  }
0x659: {  	[tilespmem:s3+$0x1BD40] =	vst v13;
	v46 =	vld [tilespmem:s3+$0x19E00]  }
0x65a: {  	[tilespmem:s3+$0x1BB70] =	vst v9;
	v15 =	vld.idx.msk [tilespmem:v15+s2+$0x0], $0xffff  }
0x65b: {  	[tilespmem:s3+$0x1BBB0] =	vst v10;
	v13 =	vld.idx.msk [tilespmem:v25+s2+$0x0], $0xffff  }
0x65c: {  	v9 =	vld.idx.msk [tilespmem:v35+s2+$0x0], $0xffff;
	[tilespmem:s3+$0x1BDF0] =	vst v14  }
0x65d: {  	v10 =	vld.idx.msk [tilespmem:v60+s2+$0x0], $0xffff;
	[tilespmem:s3+$0x1BCB0] =	vst v12  }
0x65e: {  	[tilespmem:s3+$0x1BE40] =	vst v8;
	v12 =	vld.idx.msk [tilespmem:v62+s2+$0x0], $0xffff  }
0x65f: {  	v56 =	vld [tilespmem:s3+$0x19E10];
	[tilespmem:s3+$0x1BC50] =	vst v11  }
0x660: {  	[tilespmem:s3+$0x1BAE0] =	vst v15;
	v8 =	vld.idx.msk [tilespmem:v27+s2+$0x0], $0xffff  }
0x661: {  	[tilespmem:s3+$0x1BD50] =	vst v13;
	v11 =	vld.idx.msk [tilespmem:v29+s2+$0x0], $0xffff  }
0x662: {  	[tilespmem:s3+$0x1BBC0] =	vst v10;
	v15 =	vld.idx.msk [tilespmem:v20+s2+$0x0], $0xffff  }
0x663: {  	v10 =	vld.idx.msk [tilespmem:v22+s2+$0x0], $0xffff;
	[tilespmem:s3+$0x1BCC0] =	vst v12  }
0x664: {  	[tilespmem:s3+$0x1BB80] =	vst v9;
	v12 =	vld.idx.msk [tilespmem:v24+s2+$0x0], $0xffff  }
0x665: {  	v13 =	vld.idx.msk [tilespmem:v31+s2+$0x0], $0xffff;
	[tilespmem:s3+$0x1BE50] =	vst v8  }
0x666: {  	v59 =	vld.idx.msk [tilespmem:v49+s2+$0x0], $0xffff;
	[tilespmem:s3+$0x1BC60] =	vst v11  }
0x667: {  	v51 =	vld.idx.msk [tilespmem:v46+s2+$0x0], $0xffff;
	[tilespmem:s3+$0x1BAF0] =	vst v15  }
0x668: {  	v8 =	vld.idx.msk [tilespmem:v33+s2+$0x0], $0xffff;
	[tilespmem:s3+$0x1BBD0] =	vst v10  }
0x669: {  	v10 =	vld.idx.msk [tilespmem:v28+s2+$0x0], $0xffff;
	[tilespmem:s3+$0x1BCD0] =	vst v12  }
0x66a: {  	[tilespmem:s3+$0x1BD60] =	vst v13;
	v12 =	vld.idx.msk [tilespmem:v30+s2+$0x0], $0xffff  }
0x66b: {  	v11 =	vld.idx.msk [tilespmem:v37+s2+$0x0], $0xffff;
	[tilespmem:s3+$0x1BB90] =	vst v59  }
0x66c: {  	v13 =	vld.idx.msk [tilespmem:v39+s2+$0x0], $0xffff;
	[tilespmem:s3+$0x1BE00] =	vst v51  }
0x66d: {  	v15 =	vld.idx.msk [tilespmem:v34+s2+$0x0], $0xffff;
	[tilespmem:s3+$0x1BE60] =	vst v8  }
0x66e: {  	v8 =	vld.idx.msk [tilespmem:v41+s2+$0x0], $0xffff;
	[tilespmem:s3+$0x1BBE0] =	vst v10  }
0x66f: {  	v10 =	vld.idx.msk [tilespmem:v36+s2+$0x0], $0xffff;
	[tilespmem:s3+$0x1BCE0] =	vst v12  }
0x670: {  	[tilespmem:s3+$0x1BC70] =	vst v11;
	v12 =	vld.idx.msk [tilespmem:v38+s2+$0x0], $0xffff  }
0x671: {  	v62 =	vld.idx.msk [tilespmem:v56+s2+$0x0], $0xffff;
	[tilespmem:s3+$0x1BD70] =	vst v13  }
0x672: {  	[tilespmem:s3+$0x1BB00] =	vst v15;
	v11 =	vld.idx.msk [tilespmem:v43+s2+$0x0], $0xffff  }
0x673: {  	v50 =	vld.idx.msk [tilespmem:v45+s2+$0x0], $0xffff;
	[tilespmem:s3+$0x1BE70] =	vst v8  }
0x674: {  	v8 =	vld.idx.msk [tilespmem:v47+s2+$0x0], $0xffff;
	[tilespmem:s3+$0x1BBF0] =	vst v10  }
0x675: {  	v10 =	vld.idx.msk [tilespmem:v42+s2+$0x0], $0xffff;
	[tilespmem:s3+$0x1BCF0] =	vst v12  }
0x676: {  	[tilespmem:s3+$0x1BE10] =	vst v62;
	v12 =	vld.idx.msk [tilespmem:v44+s2+$0x0], $0xffff  }
0x677: {  	v58 =	vld.idx.msk [tilespmem:v48+s2+$0x0], $0xffff;
	[tilespmem:s3+$0x1BC80] =	vst v11  }
0x678: {  	[tilespmem:s3+$0x1BD80] =	vst v50;
	v61 =	vld.idx.msk [tilespmem:v53+s2+$0x0], $0xffff  }
0x679: {  	v0 =	vld.idx.msk [tilespmem:v55+s2+$0x0], $0xffff;
	[tilespmem:s3+$0x1BE80] =	vst v8  }
0x67a: {  	v63 =	vld.idx.msk [tilespmem:v57+s2+$0x0], $0xffff;
	[tilespmem:s3+$0x1BC00] =	vst v10  }
0x67b: {  	v60 =	vld.idx.msk [tilespmem:v52+s2+$0x0], $0xffff;
	[tilespmem:s3+$0x1BD00] =	vst v12  }
0x67c: {  	p2 =	por p1, p1;
	[tilespmem:s3+$0x1BB10] =	vst v58;
	v1 =	vld.idx.msk [tilespmem:v54+s2+$0x0], $0xffff  }
.Ltmp6:
0x67d: {  	[tilespmem:s3+$0x1BC90] =	vst v61;
	(pc) =	sbr.rel @p2 .LBB2_14-.Ltmp6, $4  }
0x67e: {  	[tilespmem:s3+$0x1BD90] =	vst v0  }
0x67f: {  	[tilespmem:s3+$0x1BE90] =	vst v63  }
0x680: {  	[tilespmem:s3+$0x1BC10] =	vst v60  }
0x681: {  	p1 =	por $0x0, $0x0;
	[tilespmem:s3+$0x1BD10] =	vst v1;
	s3 =	simm.s32 $0x800  }
0x682: {  	[tilespmem:s20], [sflag:$0x2] =	stream.linear.gather [spmem:s10], $0x1000, $0x38;
	[tilespmem:$0x1F8A0] =	vst v63  }
0x683: {  	s3 =	simm.s32 $0x1  }
0x684: {  	[hbm4b:s16+s23] =	stream.strided.scatter [tilespmem:s28], [sflag:$0x4], $0x1000, s24, s23, $0x38;
	[tilespmem:$0x1F8A0] =	vst v63  }
.LBB2_16:
0x685: {  	_ =	swait.ge [sflag:s22], $0x1000  }
0x686: {  	[sflag:s22] =	ssyncset.done $0x0  }
0x687: {  	[sflag:s22] =	ssyncadd.s32 $0xFFFFF000  }
0x688: {  	_ =	swait.ge [sflag:s29], $0x1000  }
0x689: {  	[sflag:s29] =	ssyncset.done $0x0  }
0x68a: {  	s5 =	simm.s32 $0x0;
	p1 =	por $0x1, $0x1;
	[sflag:s29] =	ssyncadd.s32 $0xFFFFF000  }
.LBB2_17:
0x68b: {  	v0 =	vld [tilespmem:s5+$0x186A0]  }
0x68c: {  	v1 =	vld [tilespmem:s5+$0x18720]  }
0x68d: {  	v35 =	vld [tilespmem:s5+$0x186B0]  }
0x68e: {  	v36 =	vld [tilespmem:s5+$0x18730]  }
0x68f: {  	v37 =	vld [tilespmem:s5+$0x186C0]  }
0x690: {  	v38 =	vld [tilespmem:s5+$0x18740]  }
0x691: {  	v39 =	vld [tilespmem:s5+$0x186D0]  }
0x692: {  	v40 =	vld [tilespmem:s5+$0x18750]  }
0x693: {  	v41 =	vld [tilespmem:s5+$0x186E0]  }
0x694: {  	v42 =	vld [tilespmem:s5+$0x18760]  }
0x695: {  	v2 =	vld [tilespmem:s5+$0x187A0]  }
0x696: {  	v3 =	vld [tilespmem:s5+$0x18820]  }
0x697: {  	v43 =	vld [tilespmem:s5+$0x186F0]  }
0x698: {  	v44 =	vld [tilespmem:s5+$0x18770]  }
0x699: {  	v45 =	vld [tilespmem:s5+$0x187B0]  }
0x69a: {  	v46 =	vld [tilespmem:s5+$0x18830]  }
0x69b: {  	v4 =	vld [tilespmem:s5+$0x188A0]  }
0x69c: {  	v5 =	vld [tilespmem:s5+$0x18920]  }
0x69d: {  	v6 =	vld [tilespmem:s5+$0x189A0]  }
0x69e: {  	v47 =	vld [tilespmem:s5+$0x18A20]  }
0x69f: {  	v7 =	vld [tilespmem:s5+$0x187C0]  }
0x6a0: {  	v48 =	vld [tilespmem:s5+$0x18840]  }
0x6a1: {  	v49 =	vld [tilespmem:s5+$0x18700]  }
0x6a2: {  	v50 =	vld [tilespmem:s5+$0x18780]  }
0x6a3: {  	v51 =	vld [tilespmem:s5+$0x188B0]  }
0x6a4: {  	v52 =	vld [tilespmem:s5+$0x18930]  }
0x6a5: {  	v53 =	vld [tilespmem:s5+$0x189B0]  }
0x6a6: {  	v54 =	vld [tilespmem:s5+$0x18A30]  }
0x6a7: {  	v55 =	vld [tilespmem:s5+$0x187D0]  }
0x6a8: {  	v56 =	vld [tilespmem:s5+$0x18850]  }
0x6a9: {  	v57 =	vld [tilespmem:s5+$0x188C0]  }
0x6aa: {  	v58 =	vld [tilespmem:s5+$0x18940]  }
0x6ab: {  	v59 =	vld [tilespmem:s5+$0x189C0]  }
0x6ac: {  	v60 =	vld [tilespmem:s5+$0x18A40]  }
0x6ad: {  	v61 =	vld [tilespmem:s5+$0x187E0]  }
0x6ae: {  	v62 =	vld [tilespmem:s5+$0x18860]  }
0x6af: {  	v63 =	vld [tilespmem:s5+$0x18710]  }
0x6b0: {  	v8 =	vld [tilespmem:s5+$0x18790]  }
0x6b1: {  	v13 =	vld [tilespmem:s5+$0x188D0]  }
0x6b2: {  	v14 =	vld [tilespmem:s5+$0x18950]  }
0x6b3: {  	v15 =	vld [tilespmem:s5+$0x189D0]  }
0x6b4: {  	v16 =	vld [tilespmem:s5+$0x18A50]  }
0x6b5: {  	v17 =	vld [tilespmem:s5+$0x187F0]  }
0x6b6: {  	v20 =	vld [tilespmem:s5+$0x188E0]  }
0x6b7: {  	v21 =	vld [tilespmem:s5+$0x18960]  }
0x6b8: {  	v22 =	vld [tilespmem:s5+$0x189E0]  }
0x6b9: {  	v23 =	vld [tilespmem:s5+$0x18A60]  }
0x6ba: {  	v24 =	vld [tilespmem:s5+$0x18AA0]  }
0x6bb: {  	v25 =	vld [tilespmem:s5+$0x18B20]  }
0x6bc: {  	v26 =	vld [tilespmem:s5+$0x18800]  }
0x6bd: {  	v27 =	vld [tilespmem:s5+$0x18880]  }
0x6be: {  	v29 =	vld [tilespmem:s5+$0x188F0]  }
0x6bf: {  	v30 =	vld [tilespmem:s5+$0x18970]  }
0x6c0: {  	v31 =	vld [tilespmem:s5+$0x189F0]  }
0x6c1: {  	v32 =	vld [tilespmem:s5+$0x18A70]  }
0x6c2: {  	v33 =	vld [tilespmem:s5+$0x18AB0]  }
0x6c3: {  	v34 =	vld [tilespmem:s5+$0x18B30]  }
0x6c4: {  	v0 =	vld.idx.msk [tilespmem:v0+s2+$0x0], $0xffff  }
0x6c5: {  	v1 =	vld.idx.msk [tilespmem:v1+s2+$0x0], $0xffff  }
0x6c6: {  	v2 =	vld.idx.msk [tilespmem:v2+s2+$0x0], $0xffff  }
0x6c7: {  	v3 =	vld.idx.msk [tilespmem:v3+s2+$0x0], $0xffff  }
0x6c8: {  	v28 =	vld.idx.msk [tilespmem:v25+s2+$0x0], $0xffff  }
0x6c9: {  	v4 =	vld.idx.msk [tilespmem:v4+s2+$0x0], $0xffff  }
0x6ca: {  	v5 =	vld.idx.msk [tilespmem:v5+s2+$0x0], $0xffff  }
0x6cb: {  	v6 =	vld.idx.msk [tilespmem:v6+s2+$0x0], $0xffff  }
0x6cc: {  	v25 =	vld [tilespmem:s5+$0x18D50];
	[tilespmem:s5+$0x1A6A0] =	vst v0  }
0x6cd: {  	[tilespmem:s5+$0x1AB20] =	vst v28;
	v28 =	vld [tilespmem:s5+$0x18BE0]  }
0x6ce: {  	[tilespmem:s5+$0x1A720] =	vst v1;
	v0 =	vld.idx.msk [tilespmem:v35+s2+$0x0], $0xffff  }
0x6cf: {  	[tilespmem:s5+$0x1A7A0] =	vst v2;
	v1 =	vld.idx.msk [tilespmem:v36+s2+$0x0], $0xffff  }
0x6d0: {  	[tilespmem:s5+$0x1A820] =	vst v3;
	v2 =	vld.idx.msk [tilespmem:v45+s2+$0x0], $0xffff  }
0x6d1: {  	[tilespmem:s5+$0x1A8A0] =	vst v4;
	v3 =	vld.idx.msk [tilespmem:v46+s2+$0x0], $0xffff  }
0x6d2: {  	[tilespmem:s5+$0x1A920] =	vst v5;
	v4 =	vld.idx.msk [tilespmem:v51+s2+$0x0], $0xffff  }
0x6d3: {  	[tilespmem:s5+$0x1A9A0] =	vst v6;
	v5 =	vld.idx.msk [tilespmem:v52+s2+$0x0], $0xffff  }
0x6d4: {  	v6 =	vld.idx.msk [tilespmem:v53+s2+$0x0], $0xffff  }
0x6d5: {  	v35 =	vld [tilespmem:s5+$0x18900]  }
0x6d6: {  	v36 =	vld [tilespmem:s5+$0x18980]  }
0x6d7: {  	v45 =	vld [tilespmem:s5+$0x18A90]  }
0x6d8: {  	v51 =	vld [tilespmem:s5+$0x18D20]  }
0x6d9: {  	v52 =	vld [tilespmem:s5+$0x18E20]  }
0x6da: {  	v53 =	vld [tilespmem:s5+$0x18B60];
	[tilespmem:s5+$0x1A6B0] =	vst v0  }
0x6db: {  	[tilespmem:s5+$0x1A7B0] =	vst v2;
	v2 =	vld.idx.msk [tilespmem:v47+s2+$0x0], $0xffff  }
0x6dc: {  	[tilespmem:s5+$0x1A730] =	vst v1;
	v0 =	vld.idx.msk [tilespmem:v37+s2+$0x0], $0xffff  }
0x6dd: {  	v1 =	vld.idx.msk [tilespmem:v38+s2+$0x0], $0xffff  }
0x6de: {  	[tilespmem:s5+$0x1A8B0] =	vst v4;
	v7 =	vld.idx.msk [tilespmem:v7+s2+$0x0], $0xffff  }
0x6df: {  	[tilespmem:s5+$0x1A930] =	vst v5;
	v9 =	vld.idx.msk [tilespmem:v57+s2+$0x0], $0xffff  }
0x6e0: {  	[tilespmem:s5+$0x1A9B0] =	vst v6;
	v10 =	vld.idx.msk [tilespmem:v58+s2+$0x0], $0xffff  }
0x6e1: {  	v11 =	vld.idx.msk [tilespmem:v59+s2+$0x0], $0xffff  }
0x6e2: {  	v37 =	vld [tilespmem:s5+$0x18A00]  }
0x6e3: {  	v38 =	vld [tilespmem:s5+$0x18A80]  }
0x6e4: {  	v57 =	vld [tilespmem:s5+$0x18D30]  }
0x6e5: {  	v58 =	vld [tilespmem:s5+$0x18DB0]  }
0x6e6: {  	v59 =	vld [tilespmem:s5+$0x18E30];
	[tilespmem:s5+$0x1AA20] =	vst v2  }
0x6e7: {  	v2 =	vld.idx.msk [tilespmem:v54+s2+$0x0], $0xffff  }
0x6e8: {  	[tilespmem:s5+$0x1A8C0] =	vst v9;
	v9 =	vld [tilespmem:s5+$0x18870]  }
0x6e9: {  	[tilespmem:s5+$0x1A940] =	vst v10;
	v10 =	vld [tilespmem:s5+$0x18890]  }
0x6ea: {  	[tilespmem:s5+$0x1A9C0] =	vst v11;
	v11 =	vld [tilespmem:s5+$0x18A10]  }
0x6eb: {  	[tilespmem:s5+$0x1A6C0] =	vst v0;
	v54 =	vld [tilespmem:s5+$0x18BB0]  }
0x6ec: {  	[tilespmem:s5+$0x1A740] =	vst v1;
	v0 =	vld.idx.msk [tilespmem:v39+s2+$0x0], $0xffff  }
0x6ed: {  	[tilespmem:s5+$0x1A7C0] =	vst v7;
	v1 =	vld.idx.msk [tilespmem:v40+s2+$0x0], $0xffff  }
0x6ee: {  	v7 =	vld.idx.msk [tilespmem:v55+s2+$0x0], $0xffff  }
0x6ef: {  	v18 =	vld.idx.msk [tilespmem:v13+s2+$0x0], $0xffff  }
0x6f0: {  	v4 =	vld.idx.msk [tilespmem:v14+s2+$0x0], $0xffff  }
0x6f1: {  	v5 =	vld.idx.msk [tilespmem:v15+s2+$0x0], $0xffff  }
0x6f2: {  	v39 =	vld [tilespmem:s5+$0x18AC0]  }
0x6f3: {  	v40 =	vld [tilespmem:s5+$0x18B40]  }
0x6f4: {  	v13 =	vld [tilespmem:s5+$0x18B50]  }
0x6f5: {  	v14 =	vld [tilespmem:s5+$0x18DA0]  }
0x6f6: {  	v15 =	vld [tilespmem:s5+$0x18AE0]  }
0x6f7: {  	v55 =	vld [tilespmem:s5+$0x18C30];
	[tilespmem:s5+$0x1AA30] =	vst v2  }
0x6f8: {  	v2 =	vld.idx.msk [tilespmem:v60+s2+$0x0], $0xffff  }
0x6f9: {  	[tilespmem:s5+$0x1A6D0] =	vst v0;
	v60 =	vld [tilespmem:s5+$0x18BC0]  }
0x6fa: {  	[tilespmem:s5+$0x1A8D0] =	vst v18;
	v18 =	vld [tilespmem:s5+$0x18DC0]  }
0x6fb: {  	[tilespmem:s5+$0x1A750] =	vst v1;
	v0 =	vld.idx.msk [tilespmem:v41+s2+$0x0], $0xffff  }
0x6fc: {  	[tilespmem:s5+$0x1A7D0] =	vst v7;
	v1 =	vld.idx.msk [tilespmem:v42+s2+$0x0], $0xffff  }
0x6fd: {  	[tilespmem:s5+$0x1A950] =	vst v4;
	v12 =	vld.idx.msk [tilespmem:v61+s2+$0x0], $0xffff  }
0x6fe: {  	[tilespmem:s5+$0x1A9D0] =	vst v5;
	v4 =	vld.idx.msk [tilespmem:v21+s2+$0x0], $0xffff  }
0x6ff: {  	v5 =	vld.idx.msk [tilespmem:v22+s2+$0x0], $0xffff  }
0x700: {  	v41 =	vld [tilespmem:s5+$0x18810]  }
0x701: {  	v61 =	vld [tilespmem:s5+$0x18C40]  }
0x702: {  	v21 =	vld [tilespmem:s5+$0x18B70]  }
0x703: {  	v22 =	vld [tilespmem:s5+$0x18BD0]  }
0x704: {  	v14 =	vld.idx.msk [tilespmem:v14+s2+$0x0], $0xffff;
	[tilespmem:s5+$0x1AA40] =	vst v2  }
0x705: {  	[tilespmem:s5+$0x1A6E0] =	vst v0;
	v2 =	vld.idx.msk [tilespmem:v16+s2+$0x0], $0xffff  }
0x706: {  	[tilespmem:s5+$0x1A7E0] =	vst v12;
	v12 =	vld [tilespmem:s5+$0x18AD0]  }
0x707: {  	[tilespmem:s5+$0x1A760] =	vst v1;
	v0 =	vld.idx.msk [tilespmem:v43+s2+$0x0], $0xffff  }
0x708: {  	v1 =	vld.idx.msk [tilespmem:v44+s2+$0x0], $0xffff  }
0x709: {  	[tilespmem:s5+$0x1A960] =	vst v4;
	v6 =	vld.idx.msk [tilespmem:v17+s2+$0x0], $0xffff  }
0x70a: {  	[tilespmem:s5+$0x1A9E0] =	vst v5;
	v4 =	vld.idx.msk [tilespmem:v30+s2+$0x0], $0xffff  }
0x70b: {  	v5 =	vld.idx.msk [tilespmem:v31+s2+$0x0], $0xffff  }
0x70c: {  	v43 =	vld [tilespmem:s5+$0x18910]  }
0x70d: {  	v44 =	vld [tilespmem:s5+$0x18990]  }
0x70e: {  	[tilespmem:s5+$0x1A830] =	vst v3;
	v30 =	vld [tilespmem:s5+$0x18CE0]  }
0x70f: {  	v31 =	vld [tilespmem:s5+$0x18D60];
	[tilespmem:s5+$0x1ADA0] =	vst v14  }
0x710: {  	v14 =	vld.idx.msk [tilespmem:v58+s2+$0x0], $0xffff;
	[tilespmem:s5+$0x1AA50] =	vst v2  }
0x711: {  	[tilespmem:s5+$0x1A6F0] =	vst v0;
	v0 =	vld.idx.msk [tilespmem:v48+s2+$0x0], $0xffff  }
0x712: {  	v2 =	vld.idx.msk [tilespmem:v23+s2+$0x0], $0xffff  }
0x713: {  	v48 =	vld [tilespmem:s5+$0x18BA0]  }
0x714: {  	v23 =	vld [tilespmem:s5+$0x18C50]  }
0x715: {  	[tilespmem:s5+$0x1A770] =	vst v1;
	v3 =	vld.idx.msk [tilespmem:v49+s2+$0x0], $0xffff  }
0x716: {  	[tilespmem:s5+$0x1A970] =	vst v4;
	v1 =	vld.idx.msk [tilespmem:v50+s2+$0x0], $0xffff  }
0x717: {  	[tilespmem:s5+$0x1A9F0] =	vst v5;
	v4 =	vld.idx.msk [tilespmem:v36+s2+$0x0], $0xffff  }
0x718: {  	v5 =	vld.idx.msk [tilespmem:v37+s2+$0x0], $0xffff  }
0x719: {  	v49 =	vld [tilespmem:s5+$0x18C20]  }
0x71a: {  	v50 =	vld [tilespmem:s5+$0x18CA0]  }
0x71b: {  	v36 =	vld [tilespmem:s5+$0x18BF0]  }
0x71c: {  	v37 =	vld [tilespmem:s5+$0x18C70];
	[tilespmem:s5+$0x1ADB0] =	vst v14  }
0x71d: {  	v14 =	vld.idx.msk [tilespmem:v18+s2+$0x0], $0xffff;
	[tilespmem:s5+$0x1A840] =	vst v0  }
0x71e: {  	[tilespmem:s5+$0x1AA60] =	vst v2;
	v0 =	vld.idx.msk [tilespmem:v56+s2+$0x0], $0xffff  }
0x71f: {  	[tilespmem:s5+$0x1A700] =	vst v3;
	v3 =	vld.idx.msk [tilespmem:v20+s2+$0x0], $0xffff  }
0x720: {  	v2 =	vld.idx.msk [tilespmem:v32+s2+$0x0], $0xffff  }
0x721: {  	v56 =	vld [tilespmem:s5+$0x18CB0]  }
0x722: {  	v20 =	vld [tilespmem:s5+$0x18AF0]  }
0x723: {  	[tilespmem:s5+$0x1A780] =	vst v1;
	v32 =	vld [tilespmem:s5+$0x18DE0]  }
0x724: {  	[tilespmem:s5+$0x1A980] =	vst v4;
	v1 =	vld.idx.msk [tilespmem:v63+s2+$0x0], $0xffff  }
0x725: {  	v4 =	vld.idx.msk [tilespmem:v44+s2+$0x0], $0xffff  }
0x726: {  	v63 =	vld [tilespmem:s5+$0x18D40]  }
0x727: {  	v44 =	vld [tilespmem:s5+$0x18D00]  }
0x728: {  	[tilespmem:s5+$0x1A8E0] =	vst v3;
	v3 =	vld.idx.msk [tilespmem:v34+s2+$0x0], $0xffff  }
0x729: {  	[tilespmem:s5+$0x1A850] =	vst v0;
	v34 =	vld [tilespmem:s5+$0x18B00]  }
0x72a: {  	[tilespmem:s5+$0x1A7F0] =	vst v6;
	v0 =	vld.idx.msk [tilespmem:v62+s2+$0x0], $0xffff  }
0x72b: {  	[tilespmem:s5+$0x1AA70] =	vst v2;
	v6 =	vld.idx.msk [tilespmem:v29+s2+$0x0], $0xffff  }
0x72c: {  	v2 =	vld.idx.msk [tilespmem:v38+s2+$0x0], $0xffff  }
0x72d: {  	v62 =	vld [tilespmem:s5+$0x18CC0]  }
0x72e: {  	v29 =	vld [tilespmem:s5+$0x18C60]  }
0x72f: {  	v38 =	vld [tilespmem:s5+$0x18CF0]  }
0x730: {  	[tilespmem:s5+$0x1A860] =	vst v0;
	v0 =	vld.idx.msk [tilespmem:v8+s2+$0x0], $0xffff  }
0x731: {  	[tilespmem:s5+$0x1AB30] =	vst v3;
	v8 =	vld.idx.msk [tilespmem:v24+s2+$0x0], $0xffff  }
0x732: {  	v3 =	vld.idx.msk [tilespmem:v40+s2+$0x0], $0xffff  }
0x733: {  	v24 =	vld [tilespmem:s5+$0x18CD0]  }
0x734: {  	v40 =	vld [tilespmem:s5+$0x18DF0]  }
0x735: {  	v19 =	vld.idx.msk [tilespmem:v9+s2+$0x0], $0xffff  }
0x736: {  	[tilespmem:s5+$0x1A8F0] =	vst v6;
	v9 =	vld.idx.msk [tilespmem:v26+s2+$0x0], $0xffff  }
0x737: {  	[tilespmem:s5+$0x1AA80] =	vst v2;
	v6 =	vld.idx.msk [tilespmem:v35+s2+$0x0], $0xffff  }
0x738: {  	v2 =	vld.idx.msk [tilespmem:v45+s2+$0x0], $0xffff  }
0x739: {  	v26 =	vld [tilespmem:s5+$0x18DD0]  }
0x73a: {  	v35 =	vld [tilespmem:s5+$0x18B80]  }
0x73b: {  	[tilespmem:s5+$0x1AA00] =	vst v5;
	v45 =	vld [tilespmem:s5+$0x18D80]  }
0x73c: {  	[tilespmem:s5+$0x1AB40] =	vst v3;
	v3 =	vld.idx.msk [tilespmem:v11+s2+$0x0], $0xffff  }
0x73d: {  	v11 =	vld.idx.msk [tilespmem:v49+s2+$0x0], $0xffff  }
0x73e: {  	[tilespmem:s5+$0x1AAA0] =	vst v8;
	v49 =	vld [tilespmem:s5+$0x18B90]  }
0x73f: {  	v8 =	vld.idx.msk [tilespmem:v33+s2+$0x0], $0xffff  }
0x740: {  	v47 =	vld.idx.msk [tilespmem:v13+s2+$0x0], $0xffff  }
0x741: {  	v13 =	vld.idx.msk [tilespmem:v51+s2+$0x0], $0xffff  }
0x742: {  	[tilespmem:s5+$0x1A870] =	vst v19;
	v19 =	vld [tilespmem:s5+$0x18E40]  }
0x743: {  	v33 =	vld [tilespmem:s5+$0x18E60]  }
0x744: {  	[tilespmem:s5+$0x1A900] =	vst v6;
	v7 =	vld.idx.msk [tilespmem:v27+s2+$0x0], $0xffff  }
0x745: {  	v5 =	vld.idx.msk [tilespmem:v43+s2+$0x0], $0xffff  }
0x746: {  	v27 =	vld [tilespmem:s5+$0x18E50]  }
0x747: {  	[tilespmem:s5+$0x1ADC0] =	vst v14;
	v43 =	vld [tilespmem:s5+$0x18C80]  }
0x748: {  	v14 =	vld.idx.msk [tilespmem:v26+s2+$0x0], $0xffff;
	[tilespmem:s5+$0x1AC20] =	vst v11  }
0x749: {  	[tilespmem:s5+$0x1AAB0] =	vst v8;
	v8 =	vld.idx.msk [tilespmem:v52+s2+$0x0], $0xffff  }
0x74a: {  	v11 =	vld.idx.msk [tilespmem:v55+s2+$0x0], $0xffff  }
0x74b: {  	[tilespmem:s5+$0x1AB50] =	vst v47;
	v47 =	vld [tilespmem:s5+$0x18E80]  }
0x74c: {  	v52 =	vld [tilespmem:s5+$0x18C10]  }
0x74d: {  	v55 =	vld [tilespmem:s5+$0x18D90]  }
0x74e: {  	[tilespmem:s5+$0x1A800] =	vst v9;
	v42 =	vld.idx.msk [tilespmem:v39+s2+$0x0], $0xffff  }
0x74f: {  	[tilespmem:s5+$0x1A880] =	vst v7;
	v7 =	vld.idx.msk [tilespmem:v41+s2+$0x0], $0xffff  }
0x750: {  	[tilespmem:s5+$0x1AD20] =	vst v13;
	v9 =	vld.idx.msk [tilespmem:v53+s2+$0x0], $0xffff  }
0x751: {  	v13 =	vld.idx.msk [tilespmem:v57+s2+$0x0], $0xffff  }
0x752: {  	v39 =	vld [tilespmem:s5+$0x18D70]  }
0x753: {  	[tilespmem:s5+$0x1A710] =	vst v1;
	v41 =	vld [tilespmem:s5+$0x18E70]  }
0x754: {  	[tilespmem:s5+$0x1A990] =	vst v4;
	v53 =	vld [tilespmem:s5+$0x18C90]  }
0x755: {  	[tilespmem:s5+$0x1A790] =	vst v0;
	v57 =	vld [tilespmem:s5+$0x18E90]  }
0x756: {  	[tilespmem:s5+$0x1AA90] =	vst v2;
	v6 =	vld.idx.msk [tilespmem:v10+s2+$0x0], $0xffff  }
0x757: {  	[tilespmem:s5+$0x1AA10] =	vst v3;
	v10 =	vld.idx.msk [tilespmem:v48+s2+$0x0], $0xffff  }
0x758: {  	v48 =	vld [tilespmem:s5+$0x18B10];
	[tilespmem:s5+$0x1ADD0] =	vst v14  }
0x759: {  	v14 =	vld.idx.msk [tilespmem:v32+s2+$0x0], $0xffff;
	[tilespmem:s5+$0x1AE20] =	vst v8  }
0x75a: {  	[tilespmem:s5+$0x1AC30] =	vst v11;
	v8 =	vld.idx.msk [tilespmem:v59+s2+$0x0], $0xffff  }
0x75b: {  	[tilespmem:s5+$0x1A910] =	vst v5;
	v11 =	vld.idx.msk [tilespmem:v61+s2+$0x0], $0xffff  }
0x75c: {  	[tilespmem:s5+$0x1AAC0] =	vst v42;
	v42 =	vld [tilespmem:s5+$0x18C00]  }
0x75d: {  	[tilespmem:s5+$0x1AD30] =	vst v13;
	v46 =	vld.idx.msk [tilespmem:v12+s2+$0x0], $0xffff  }
0x75e: {  	[tilespmem:s5+$0x1AB60] =	vst v9;
	v12 =	vld.idx.msk [tilespmem:v50+s2+$0x0], $0xffff  }
0x75f: {  	[tilespmem:s5+$0x1A810] =	vst v7;
	v13 =	vld.idx.msk [tilespmem:v63+s2+$0x0], $0xffff  }
0x760: {  	[tilespmem:s5+$0x1ABA0] =	vst v10;
	v9 =	vld.idx.msk [tilespmem:v21+s2+$0x0], $0xffff  }
0x761: {  	[tilespmem:s5+$0x1A890] =	vst v6;
	v10 =	vld.idx.msk [tilespmem:v54+s2+$0x0], $0xffff  }
0x762: {  	v54 =	vld [tilespmem:s5+$0x18D10];
	[tilespmem:s5+$0x1ADE0] =	vst v14  }
0x763: {  	v14 =	vld.idx.msk [tilespmem:v40+s2+$0x0], $0xffff;
	[tilespmem:s5+$0x1AE30] =	vst v8  }
0x764: {  	[tilespmem:s5+$0x1AC40] =	vst v11;
	v8 =	vld.idx.msk [tilespmem:v19+s2+$0x0], $0xffff  }
0x765: {  	[tilespmem:s5+$0x1ACA0] =	vst v12;
	v11 =	vld.idx.msk [tilespmem:v23+s2+$0x0], $0xffff  }
0x766: {  	[tilespmem:s5+$0x1AAD0] =	vst v46;
	v12 =	vld.idx.msk [tilespmem:v56+s2+$0x0], $0xffff  }
0x767: {  	[tilespmem:s5+$0x1AD40] =	vst v13;
	v46 =	vld [tilespmem:s5+$0x18E00]  }
0x768: {  	[tilespmem:s5+$0x1AB70] =	vst v9;
	v15 =	vld.idx.msk [tilespmem:v15+s2+$0x0], $0xffff  }
0x769: {  	[tilespmem:s5+$0x1ABB0] =	vst v10;
	v13 =	vld.idx.msk [tilespmem:v25+s2+$0x0], $0xffff  }
0x76a: {  	v9 =	vld.idx.msk [tilespmem:v35+s2+$0x0], $0xffff;
	[tilespmem:s5+$0x1ADF0] =	vst v14  }
0x76b: {  	v10 =	vld.idx.msk [tilespmem:v60+s2+$0x0], $0xffff;
	[tilespmem:s5+$0x1ACB0] =	vst v12  }
0x76c: {  	[tilespmem:s5+$0x1AE40] =	vst v8;
	v12 =	vld.idx.msk [tilespmem:v62+s2+$0x0], $0xffff  }
0x76d: {  	v56 =	vld [tilespmem:s5+$0x18E10];
	[tilespmem:s5+$0x1AC50] =	vst v11  }
0x76e: {  	[tilespmem:s5+$0x1AAE0] =	vst v15;
	v8 =	vld.idx.msk [tilespmem:v27+s2+$0x0], $0xffff  }
0x76f: {  	[tilespmem:s5+$0x1AD50] =	vst v13;
	v11 =	vld.idx.msk [tilespmem:v29+s2+$0x0], $0xffff  }
0x770: {  	[tilespmem:s5+$0x1ABC0] =	vst v10;
	v15 =	vld.idx.msk [tilespmem:v20+s2+$0x0], $0xffff  }
0x771: {  	v10 =	vld.idx.msk [tilespmem:v22+s2+$0x0], $0xffff;
	[tilespmem:s5+$0x1ACC0] =	vst v12  }
0x772: {  	[tilespmem:s5+$0x1AB80] =	vst v9;
	v12 =	vld.idx.msk [tilespmem:v24+s2+$0x0], $0xffff  }
0x773: {  	v13 =	vld.idx.msk [tilespmem:v31+s2+$0x0], $0xffff;
	[tilespmem:s5+$0x1AE50] =	vst v8  }
0x774: {  	v59 =	vld.idx.msk [tilespmem:v49+s2+$0x0], $0xffff;
	[tilespmem:s5+$0x1AC60] =	vst v11  }
0x775: {  	v51 =	vld.idx.msk [tilespmem:v46+s2+$0x0], $0xffff;
	[tilespmem:s5+$0x1AAF0] =	vst v15  }
0x776: {  	v8 =	vld.idx.msk [tilespmem:v33+s2+$0x0], $0xffff;
	[tilespmem:s5+$0x1ABD0] =	vst v10  }
0x777: {  	v10 =	vld.idx.msk [tilespmem:v28+s2+$0x0], $0xffff;
	[tilespmem:s5+$0x1ACD0] =	vst v12  }
0x778: {  	[tilespmem:s5+$0x1AD60] =	vst v13;
	v12 =	vld.idx.msk [tilespmem:v30+s2+$0x0], $0xffff  }
0x779: {  	v11 =	vld.idx.msk [tilespmem:v37+s2+$0x0], $0xffff;
	[tilespmem:s5+$0x1AB90] =	vst v59  }
0x77a: {  	v13 =	vld.idx.msk [tilespmem:v39+s2+$0x0], $0xffff;
	[tilespmem:s5+$0x1AE00] =	vst v51  }
0x77b: {  	v15 =	vld.idx.msk [tilespmem:v34+s2+$0x0], $0xffff;
	[tilespmem:s5+$0x1AE60] =	vst v8  }
0x77c: {  	v8 =	vld.idx.msk [tilespmem:v41+s2+$0x0], $0xffff;
	[tilespmem:s5+$0x1ABE0] =	vst v10  }
0x77d: {  	v10 =	vld.idx.msk [tilespmem:v36+s2+$0x0], $0xffff;
	[tilespmem:s5+$0x1ACE0] =	vst v12  }
0x77e: {  	[tilespmem:s5+$0x1AC70] =	vst v11;
	v12 =	vld.idx.msk [tilespmem:v38+s2+$0x0], $0xffff  }
0x77f: {  	v62 =	vld.idx.msk [tilespmem:v56+s2+$0x0], $0xffff;
	[tilespmem:s5+$0x1AD70] =	vst v13  }
0x780: {  	[tilespmem:s5+$0x1AB00] =	vst v15;
	v11 =	vld.idx.msk [tilespmem:v43+s2+$0x0], $0xffff  }
0x781: {  	v50 =	vld.idx.msk [tilespmem:v45+s2+$0x0], $0xffff;
	[tilespmem:s5+$0x1AE70] =	vst v8  }
0x782: {  	v8 =	vld.idx.msk [tilespmem:v47+s2+$0x0], $0xffff;
	[tilespmem:s5+$0x1ABF0] =	vst v10  }
0x783: {  	v10 =	vld.idx.msk [tilespmem:v42+s2+$0x0], $0xffff;
	[tilespmem:s5+$0x1ACF0] =	vst v12  }
0x784: {  	[tilespmem:s5+$0x1AE10] =	vst v62;
	v12 =	vld.idx.msk [tilespmem:v44+s2+$0x0], $0xffff  }
0x785: {  	v58 =	vld.idx.msk [tilespmem:v48+s2+$0x0], $0xffff;
	[tilespmem:s5+$0x1AC80] =	vst v11  }
0x786: {  	[tilespmem:s5+$0x1AD80] =	vst v50;
	v61 =	vld.idx.msk [tilespmem:v53+s2+$0x0], $0xffff  }
0x787: {  	v0 =	vld.idx.msk [tilespmem:v55+s2+$0x0], $0xffff;
	[tilespmem:s5+$0x1AE80] =	vst v8  }
0x788: {  	v63 =	vld.idx.msk [tilespmem:v57+s2+$0x0], $0xffff;
	[tilespmem:s5+$0x1AC00] =	vst v10  }
0x789: {  	v60 =	vld.idx.msk [tilespmem:v52+s2+$0x0], $0xffff;
	[tilespmem:s5+$0x1AD00] =	vst v12  }
0x78a: {  	p2 =	por p1, p1;
	[tilespmem:s5+$0x1AB10] =	vst v58;
	v1 =	vld.idx.msk [tilespmem:v54+s2+$0x0], $0xffff  }
.Ltmp7:
0x78b: {  	[tilespmem:s5+$0x1AC90] =	vst v61;
	(pc) =	sbr.rel @p2 .LBB2_17-.Ltmp7, $4  }
0x78c: {  	[tilespmem:s5+$0x1AD90] =	vst v0  }
0x78d: {  	[tilespmem:s5+$0x1AE90] =	vst v63  }
0x78e: {  	[tilespmem:s5+$0x1AC10] =	vst v60  }
0x78f: {  	p1 =	por $0x0, $0x0;
	[tilespmem:s5+$0x1AD10] =	vst v1;
	s5 =	simm.s32 $0x800  }
0x790: {  	p1 =	seq.s32 s3, $0x18  }
0x791: {  	s5 =	sshll.u32 @!p1 s3, $0xD  }
0x792: {  	s9 =	sshll.u32 s3, $0x13;
	s5 =	sand.u32 @!p1 $0x3FFFE000, s5  }
0x793: {  	s9 =	sor.u32 s12, s9;
	s5 =	sadd.s32 @!p1 s5, s1  }
0x794: {  	s14 =	simm.s32 @!p1 $0x186A0;
	s9 =	sshrl.u32 s9, $0x3;
	s13 =	sadd.s32 @!p1 $0x2000, s5  }
0x795: {  	[tilespmem:s14], [sflag:$0x1] =	stream.linear.gather @!p1 [spmem:s13], $0x1000, $0x38;
	[tilespmem:$0x1F8A0] =	vst v63  }
0x796: {  	s14 =	sadd.s32 s4, s9  }
0x797: {  	[hbm4b:s14+s23] =	stream.strided.scatter [tilespmem:s25], [sflag:$0x3], $0x1000, s24, s23, $0x38;
	[tilespmem:$0x1F8A0] =	vst v63  }
0x798: {  	_ =	swait.ge [sflag:s26], $0x1000  }
0x799: {  	[sflag:s26] =	ssyncset.done $0x0  }
0x79a: {  	[sflag:s26] =	ssyncadd.s32 $0xFFFFF000  }
0x79b: {  	_ =	swait.ge [sflag:s30], $0x1000  }
0x79c: {  	[sflag:s30] =	ssyncset.done $0x0  }
0x79d: {  	p2 =	por $0x1, $0x1;
	s13 =	simm.s32 $0x0;
	[sflag:s30] =	ssyncadd.s32 $0xFFFFF000  }
.LBB2_19:
0x79e: {  	v0 =	vld [tilespmem:s13+$0x196A0]  }
0x79f: {  	v1 =	vld [tilespmem:s13+$0x19720]  }
0x7a0: {  	v35 =	vld [tilespmem:s13+$0x196B0]  }
0x7a1: {  	v36 =	vld [tilespmem:s13+$0x19730]  }
0x7a2: {  	v37 =	vld [tilespmem:s13+$0x196C0]  }
0x7a3: {  	v38 =	vld [tilespmem:s13+$0x19740]  }
0x7a4: {  	v39 =	vld [tilespmem:s13+$0x196D0]  }
0x7a5: {  	v40 =	vld [tilespmem:s13+$0x19750]  }
0x7a6: {  	v41 =	vld [tilespmem:s13+$0x196E0]  }
0x7a7: {  	v42 =	vld [tilespmem:s13+$0x19760]  }
0x7a8: {  	v2 =	vld [tilespmem:s13+$0x197A0]  }
0x7a9: {  	v3 =	vld [tilespmem:s13+$0x19820]  }
0x7aa: {  	v43 =	vld [tilespmem:s13+$0x196F0]  }
0x7ab: {  	v44 =	vld [tilespmem:s13+$0x19770]  }
0x7ac: {  	v45 =	vld [tilespmem:s13+$0x197B0]  }
0x7ad: {  	v46 =	vld [tilespmem:s13+$0x19830]  }
0x7ae: {  	v4 =	vld [tilespmem:s13+$0x198A0]  }
0x7af: {  	v5 =	vld [tilespmem:s13+$0x19920]  }
0x7b0: {  	v6 =	vld [tilespmem:s13+$0x199A0]  }
0x7b1: {  	v47 =	vld [tilespmem:s13+$0x19A20]  }
0x7b2: {  	v7 =	vld [tilespmem:s13+$0x197C0]  }
0x7b3: {  	v48 =	vld [tilespmem:s13+$0x19840]  }
0x7b4: {  	v49 =	vld [tilespmem:s13+$0x19700]  }
0x7b5: {  	v50 =	vld [tilespmem:s13+$0x19780]  }
0x7b6: {  	v51 =	vld [tilespmem:s13+$0x198B0]  }
0x7b7: {  	v52 =	vld [tilespmem:s13+$0x19930]  }
0x7b8: {  	v53 =	vld [tilespmem:s13+$0x199B0]  }
0x7b9: {  	v54 =	vld [tilespmem:s13+$0x19A30]  }
0x7ba: {  	v55 =	vld [tilespmem:s13+$0x197D0]  }
0x7bb: {  	v56 =	vld [tilespmem:s13+$0x19850]  }
0x7bc: {  	v57 =	vld [tilespmem:s13+$0x198C0]  }
0x7bd: {  	v58 =	vld [tilespmem:s13+$0x19940]  }
0x7be: {  	v59 =	vld [tilespmem:s13+$0x199C0]  }
0x7bf: {  	v60 =	vld [tilespmem:s13+$0x19A40]  }
0x7c0: {  	v61 =	vld [tilespmem:s13+$0x197E0]  }
0x7c1: {  	v62 =	vld [tilespmem:s13+$0x19860]  }
0x7c2: {  	v63 =	vld [tilespmem:s13+$0x19710]  }
0x7c3: {  	v8 =	vld [tilespmem:s13+$0x19790]  }
0x7c4: {  	v13 =	vld [tilespmem:s13+$0x198D0]  }
0x7c5: {  	v14 =	vld [tilespmem:s13+$0x19950]  }
0x7c6: {  	v15 =	vld [tilespmem:s13+$0x199D0]  }
0x7c7: {  	v16 =	vld [tilespmem:s13+$0x19A50]  }
0x7c8: {  	v17 =	vld [tilespmem:s13+$0x197F0]  }
0x7c9: {  	v20 =	vld [tilespmem:s13+$0x198E0]  }
0x7ca: {  	v21 =	vld [tilespmem:s13+$0x19960]  }
0x7cb: {  	v22 =	vld [tilespmem:s13+$0x199E0]  }
0x7cc: {  	v23 =	vld [tilespmem:s13+$0x19A60]  }
0x7cd: {  	v24 =	vld [tilespmem:s13+$0x19AA0]  }
0x7ce: {  	v25 =	vld [tilespmem:s13+$0x19B20]  }
0x7cf: {  	v26 =	vld [tilespmem:s13+$0x19800]  }
0x7d0: {  	v27 =	vld [tilespmem:s13+$0x19880]  }
0x7d1: {  	v29 =	vld [tilespmem:s13+$0x198F0]  }
0x7d2: {  	v30 =	vld [tilespmem:s13+$0x19970]  }
0x7d3: {  	v31 =	vld [tilespmem:s13+$0x199F0]  }
0x7d4: {  	v32 =	vld [tilespmem:s13+$0x19A70]  }
0x7d5: {  	v33 =	vld [tilespmem:s13+$0x19AB0]  }
0x7d6: {  	v34 =	vld [tilespmem:s13+$0x19B30]  }
0x7d7: {  	v0 =	vld.idx.msk [tilespmem:v0+s2+$0x0], $0xffff  }
0x7d8: {  	v1 =	vld.idx.msk [tilespmem:v1+s2+$0x0], $0xffff  }
0x7d9: {  	v2 =	vld.idx.msk [tilespmem:v2+s2+$0x0], $0xffff  }
0x7da: {  	v3 =	vld.idx.msk [tilespmem:v3+s2+$0x0], $0xffff  }
0x7db: {  	v28 =	vld.idx.msk [tilespmem:v25+s2+$0x0], $0xffff  }
0x7dc: {  	v4 =	vld.idx.msk [tilespmem:v4+s2+$0x0], $0xffff  }
0x7dd: {  	v5 =	vld.idx.msk [tilespmem:v5+s2+$0x0], $0xffff  }
0x7de: {  	v6 =	vld.idx.msk [tilespmem:v6+s2+$0x0], $0xffff  }
0x7df: {  	v25 =	vld [tilespmem:s13+$0x19D50];
	[tilespmem:s13+$0x1B6A0] =	vst v0  }
0x7e0: {  	[tilespmem:s13+$0x1BB20] =	vst v28;
	v28 =	vld [tilespmem:s13+$0x19BE0]  }
0x7e1: {  	[tilespmem:s13+$0x1B720] =	vst v1;
	v0 =	vld.idx.msk [tilespmem:v35+s2+$0x0], $0xffff  }
0x7e2: {  	[tilespmem:s13+$0x1B7A0] =	vst v2;
	v1 =	vld.idx.msk [tilespmem:v36+s2+$0x0], $0xffff  }
0x7e3: {  	[tilespmem:s13+$0x1B820] =	vst v3;
	v2 =	vld.idx.msk [tilespmem:v45+s2+$0x0], $0xffff  }
0x7e4: {  	[tilespmem:s13+$0x1B8A0] =	vst v4;
	v3 =	vld.idx.msk [tilespmem:v46+s2+$0x0], $0xffff  }
0x7e5: {  	[tilespmem:s13+$0x1B920] =	vst v5;
	v4 =	vld.idx.msk [tilespmem:v51+s2+$0x0], $0xffff  }
0x7e6: {  	[tilespmem:s13+$0x1B9A0] =	vst v6;
	v5 =	vld.idx.msk [tilespmem:v52+s2+$0x0], $0xffff  }
0x7e7: {  	v6 =	vld.idx.msk [tilespmem:v53+s2+$0x0], $0xffff  }
0x7e8: {  	v35 =	vld [tilespmem:s13+$0x19900]  }
0x7e9: {  	v36 =	vld [tilespmem:s13+$0x19980]  }
0x7ea: {  	v45 =	vld [tilespmem:s13+$0x19A90]  }
0x7eb: {  	v51 =	vld [tilespmem:s13+$0x19D20]  }
0x7ec: {  	v52 =	vld [tilespmem:s13+$0x19E20]  }
0x7ed: {  	v53 =	vld [tilespmem:s13+$0x19B60];
	[tilespmem:s13+$0x1B6B0] =	vst v0  }
0x7ee: {  	[tilespmem:s13+$0x1B7B0] =	vst v2;
	v2 =	vld.idx.msk [tilespmem:v47+s2+$0x0], $0xffff  }
0x7ef: {  	[tilespmem:s13+$0x1B730] =	vst v1;
	v0 =	vld.idx.msk [tilespmem:v37+s2+$0x0], $0xffff  }
0x7f0: {  	v1 =	vld.idx.msk [tilespmem:v38+s2+$0x0], $0xffff  }
0x7f1: {  	[tilespmem:s13+$0x1B8B0] =	vst v4;
	v7 =	vld.idx.msk [tilespmem:v7+s2+$0x0], $0xffff  }
0x7f2: {  	[tilespmem:s13+$0x1B930] =	vst v5;
	v9 =	vld.idx.msk [tilespmem:v57+s2+$0x0], $0xffff  }
0x7f3: {  	[tilespmem:s13+$0x1B9B0] =	vst v6;
	v10 =	vld.idx.msk [tilespmem:v58+s2+$0x0], $0xffff  }
0x7f4: {  	v11 =	vld.idx.msk [tilespmem:v59+s2+$0x0], $0xffff  }
0x7f5: {  	v37 =	vld [tilespmem:s13+$0x19A00]  }
0x7f6: {  	v38 =	vld [tilespmem:s13+$0x19A80]  }
0x7f7: {  	v57 =	vld [tilespmem:s13+$0x19D30]  }
0x7f8: {  	v58 =	vld [tilespmem:s13+$0x19DB0]  }
0x7f9: {  	v59 =	vld [tilespmem:s13+$0x19E30];
	[tilespmem:s13+$0x1BA20] =	vst v2  }
0x7fa: {  	v2 =	vld.idx.msk [tilespmem:v54+s2+$0x0], $0xffff  }
0x7fb: {  	[tilespmem:s13+$0x1B8C0] =	vst v9;
	v9 =	vld [tilespmem:s13+$0x19870]  }
0x7fc: {  	[tilespmem:s13+$0x1B940] =	vst v10;
	v10 =	vld [tilespmem:s13+$0x19890]  }
0x7fd: {  	[tilespmem:s13+$0x1B9C0] =	vst v11;
	v11 =	vld [tilespmem:s13+$0x19A10]  }
0x7fe: {  	[tilespmem:s13+$0x1B6C0] =	vst v0;
	v54 =	vld [tilespmem:s13+$0x19BB0]  }
0x7ff: {  	[tilespmem:s13+$0x1B740] =	vst v1;
	v0 =	vld.idx.msk [tilespmem:v39+s2+$0x0], $0xffff  }
0x800: {  	[tilespmem:s13+$0x1B7C0] =	vst v7;
	v1 =	vld.idx.msk [tilespmem:v40+s2+$0x0], $0xffff  }
0x801: {  	v7 =	vld.idx.msk [tilespmem:v55+s2+$0x0], $0xffff  }
0x802: {  	v18 =	vld.idx.msk [tilespmem:v13+s2+$0x0], $0xffff  }
0x803: {  	v4 =	vld.idx.msk [tilespmem:v14+s2+$0x0], $0xffff  }
0x804: {  	v5 =	vld.idx.msk [tilespmem:v15+s2+$0x0], $0xffff  }
0x805: {  	v39 =	vld [tilespmem:s13+$0x19AC0]  }
0x806: {  	v40 =	vld [tilespmem:s13+$0x19B40]  }
0x807: {  	v13 =	vld [tilespmem:s13+$0x19B50]  }
0x808: {  	v14 =	vld [tilespmem:s13+$0x19DA0]  }
0x809: {  	v15 =	vld [tilespmem:s13+$0x19AE0]  }
0x80a: {  	v55 =	vld [tilespmem:s13+$0x19C30];
	[tilespmem:s13+$0x1BA30] =	vst v2  }
0x80b: {  	v2 =	vld.idx.msk [tilespmem:v60+s2+$0x0], $0xffff  }
0x80c: {  	[tilespmem:s13+$0x1B6D0] =	vst v0;
	v60 =	vld [tilespmem:s13+$0x19BC0]  }
0x80d: {  	[tilespmem:s13+$0x1B8D0] =	vst v18;
	v18 =	vld [tilespmem:s13+$0x19DC0]  }
0x80e: {  	[tilespmem:s13+$0x1B750] =	vst v1;
	v0 =	vld.idx.msk [tilespmem:v41+s2+$0x0], $0xffff  }
0x80f: {  	[tilespmem:s13+$0x1B7D0] =	vst v7;
	v1 =	vld.idx.msk [tilespmem:v42+s2+$0x0], $0xffff  }
0x810: {  	[tilespmem:s13+$0x1B950] =	vst v4;
	v12 =	vld.idx.msk [tilespmem:v61+s2+$0x0], $0xffff  }
0x811: {  	[tilespmem:s13+$0x1B9D0] =	vst v5;
	v4 =	vld.idx.msk [tilespmem:v21+s2+$0x0], $0xffff  }
0x812: {  	v5 =	vld.idx.msk [tilespmem:v22+s2+$0x0], $0xffff  }
0x813: {  	v41 =	vld [tilespmem:s13+$0x19810]  }
0x814: {  	v61 =	vld [tilespmem:s13+$0x19C40]  }
0x815: {  	v21 =	vld [tilespmem:s13+$0x19B70]  }
0x816: {  	v22 =	vld [tilespmem:s13+$0x19BD0]  }
0x817: {  	v14 =	vld.idx.msk [tilespmem:v14+s2+$0x0], $0xffff;
	[tilespmem:s13+$0x1BA40] =	vst v2  }
0x818: {  	[tilespmem:s13+$0x1B6E0] =	vst v0;
	v2 =	vld.idx.msk [tilespmem:v16+s2+$0x0], $0xffff  }
0x819: {  	[tilespmem:s13+$0x1B7E0] =	vst v12;
	v12 =	vld [tilespmem:s13+$0x19AD0]  }
0x81a: {  	[tilespmem:s13+$0x1B760] =	vst v1;
	v0 =	vld.idx.msk [tilespmem:v43+s2+$0x0], $0xffff  }
0x81b: {  	v1 =	vld.idx.msk [tilespmem:v44+s2+$0x0], $0xffff  }
0x81c: {  	[tilespmem:s13+$0x1B960] =	vst v4;
	v6 =	vld.idx.msk [tilespmem:v17+s2+$0x0], $0xffff  }
0x81d: {  	[tilespmem:s13+$0x1B9E0] =	vst v5;
	v4 =	vld.idx.msk [tilespmem:v30+s2+$0x0], $0xffff  }
0x81e: {  	v5 =	vld.idx.msk [tilespmem:v31+s2+$0x0], $0xffff  }
0x81f: {  	v43 =	vld [tilespmem:s13+$0x19910]  }
0x820: {  	v44 =	vld [tilespmem:s13+$0x19990]  }
0x821: {  	[tilespmem:s13+$0x1B830] =	vst v3;
	v30 =	vld [tilespmem:s13+$0x19CE0]  }
0x822: {  	v31 =	vld [tilespmem:s13+$0x19D60];
	[tilespmem:s13+$0x1BDA0] =	vst v14  }
0x823: {  	v14 =	vld.idx.msk [tilespmem:v58+s2+$0x0], $0xffff;
	[tilespmem:s13+$0x1BA50] =	vst v2  }
0x824: {  	[tilespmem:s13+$0x1B6F0] =	vst v0;
	v0 =	vld.idx.msk [tilespmem:v48+s2+$0x0], $0xffff  }
0x825: {  	v2 =	vld.idx.msk [tilespmem:v23+s2+$0x0], $0xffff  }
0x826: {  	v48 =	vld [tilespmem:s13+$0x19BA0]  }
0x827: {  	v23 =	vld [tilespmem:s13+$0x19C50]  }
0x828: {  	[tilespmem:s13+$0x1B770] =	vst v1;
	v3 =	vld.idx.msk [tilespmem:v49+s2+$0x0], $0xffff  }
0x829: {  	[tilespmem:s13+$0x1B970] =	vst v4;
	v1 =	vld.idx.msk [tilespmem:v50+s2+$0x0], $0xffff  }
0x82a: {  	[tilespmem:s13+$0x1B9F0] =	vst v5;
	v4 =	vld.idx.msk [tilespmem:v36+s2+$0x0], $0xffff  }
0x82b: {  	v5 =	vld.idx.msk [tilespmem:v37+s2+$0x0], $0xffff  }
0x82c: {  	v49 =	vld [tilespmem:s13+$0x19C20]  }
0x82d: {  	v50 =	vld [tilespmem:s13+$0x19CA0]  }
0x82e: {  	v36 =	vld [tilespmem:s13+$0x19BF0]  }
0x82f: {  	v37 =	vld [tilespmem:s13+$0x19C70];
	[tilespmem:s13+$0x1BDB0] =	vst v14  }
0x830: {  	v14 =	vld.idx.msk [tilespmem:v18+s2+$0x0], $0xffff;
	[tilespmem:s13+$0x1B840] =	vst v0  }
0x831: {  	[tilespmem:s13+$0x1BA60] =	vst v2;
	v0 =	vld.idx.msk [tilespmem:v56+s2+$0x0], $0xffff  }
0x832: {  	[tilespmem:s13+$0x1B700] =	vst v3;
	v3 =	vld.idx.msk [tilespmem:v20+s2+$0x0], $0xffff  }
0x833: {  	v2 =	vld.idx.msk [tilespmem:v32+s2+$0x0], $0xffff  }
0x834: {  	v56 =	vld [tilespmem:s13+$0x19CB0]  }
0x835: {  	v20 =	vld [tilespmem:s13+$0x19AF0]  }
0x836: {  	[tilespmem:s13+$0x1B780] =	vst v1;
	v32 =	vld [tilespmem:s13+$0x19DE0]  }
0x837: {  	[tilespmem:s13+$0x1B980] =	vst v4;
	v1 =	vld.idx.msk [tilespmem:v63+s2+$0x0], $0xffff  }
0x838: {  	v4 =	vld.idx.msk [tilespmem:v44+s2+$0x0], $0xffff  }
0x839: {  	v63 =	vld [tilespmem:s13+$0x19D40]  }
0x83a: {  	v44 =	vld [tilespmem:s13+$0x19D00]  }
0x83b: {  	[tilespmem:s13+$0x1B8E0] =	vst v3;
	v3 =	vld.idx.msk [tilespmem:v34+s2+$0x0], $0xffff  }
0x83c: {  	[tilespmem:s13+$0x1B850] =	vst v0;
	v34 =	vld [tilespmem:s13+$0x19B00]  }
0x83d: {  	[tilespmem:s13+$0x1B7F0] =	vst v6;
	v0 =	vld.idx.msk [tilespmem:v62+s2+$0x0], $0xffff  }
0x83e: {  	[tilespmem:s13+$0x1BA70] =	vst v2;
	v6 =	vld.idx.msk [tilespmem:v29+s2+$0x0], $0xffff  }
0x83f: {  	v2 =	vld.idx.msk [tilespmem:v38+s2+$0x0], $0xffff  }
0x840: {  	v62 =	vld [tilespmem:s13+$0x19CC0]  }
0x841: {  	v29 =	vld [tilespmem:s13+$0x19C60]  }
0x842: {  	v38 =	vld [tilespmem:s13+$0x19CF0]  }
0x843: {  	[tilespmem:s13+$0x1B860] =	vst v0;
	v0 =	vld.idx.msk [tilespmem:v8+s2+$0x0], $0xffff  }
0x844: {  	[tilespmem:s13+$0x1BB30] =	vst v3;
	v8 =	vld.idx.msk [tilespmem:v24+s2+$0x0], $0xffff  }
0x845: {  	v3 =	vld.idx.msk [tilespmem:v40+s2+$0x0], $0xffff  }
0x846: {  	v24 =	vld [tilespmem:s13+$0x19CD0]  }
0x847: {  	v40 =	vld [tilespmem:s13+$0x19DF0]  }
0x848: {  	v19 =	vld.idx.msk [tilespmem:v9+s2+$0x0], $0xffff  }
0x849: {  	[tilespmem:s13+$0x1B8F0] =	vst v6;
	v9 =	vld.idx.msk [tilespmem:v26+s2+$0x0], $0xffff  }
0x84a: {  	[tilespmem:s13+$0x1BA80] =	vst v2;
	v6 =	vld.idx.msk [tilespmem:v35+s2+$0x0], $0xffff  }
0x84b: {  	v2 =	vld.idx.msk [tilespmem:v45+s2+$0x0], $0xffff  }
0x84c: {  	v26 =	vld [tilespmem:s13+$0x19DD0]  }
0x84d: {  	v35 =	vld [tilespmem:s13+$0x19B80]  }
0x84e: {  	[tilespmem:s13+$0x1BA00] =	vst v5;
	v45 =	vld [tilespmem:s13+$0x19D80]  }
0x84f: {  	[tilespmem:s13+$0x1BB40] =	vst v3;
	v3 =	vld.idx.msk [tilespmem:v11+s2+$0x0], $0xffff  }
0x850: {  	v11 =	vld.idx.msk [tilespmem:v49+s2+$0x0], $0xffff  }
0x851: {  	[tilespmem:s13+$0x1BAA0] =	vst v8;
	v49 =	vld [tilespmem:s13+$0x19B90]  }
0x852: {  	v8 =	vld.idx.msk [tilespmem:v33+s2+$0x0], $0xffff  }
0x853: {  	v47 =	vld.idx.msk [tilespmem:v13+s2+$0x0], $0xffff  }
0x854: {  	v13 =	vld.idx.msk [tilespmem:v51+s2+$0x0], $0xffff  }
0x855: {  	[tilespmem:s13+$0x1B870] =	vst v19;
	v19 =	vld [tilespmem:s13+$0x19E40]  }
0x856: {  	v33 =	vld [tilespmem:s13+$0x19E60]  }
0x857: {  	[tilespmem:s13+$0x1B900] =	vst v6;
	v7 =	vld.idx.msk [tilespmem:v27+s2+$0x0], $0xffff  }
0x858: {  	v5 =	vld.idx.msk [tilespmem:v43+s2+$0x0], $0xffff  }
0x859: {  	v27 =	vld [tilespmem:s13+$0x19E50]  }
0x85a: {  	[tilespmem:s13+$0x1BDC0] =	vst v14;
	v43 =	vld [tilespmem:s13+$0x19C80]  }
0x85b: {  	v14 =	vld.idx.msk [tilespmem:v26+s2+$0x0], $0xffff;
	[tilespmem:s13+$0x1BC20] =	vst v11  }
0x85c: {  	[tilespmem:s13+$0x1BAB0] =	vst v8;
	v8 =	vld.idx.msk [tilespmem:v52+s2+$0x0], $0xffff  }
0x85d: {  	v11 =	vld.idx.msk [tilespmem:v55+s2+$0x0], $0xffff  }
0x85e: {  	[tilespmem:s13+$0x1BB50] =	vst v47;
	v47 =	vld [tilespmem:s13+$0x19E80]  }
0x85f: {  	v52 =	vld [tilespmem:s13+$0x19C10]  }
0x860: {  	v55 =	vld [tilespmem:s13+$0x19D90]  }
0x861: {  	[tilespmem:s13+$0x1B800] =	vst v9;
	v42 =	vld.idx.msk [tilespmem:v39+s2+$0x0], $0xffff  }
0x862: {  	[tilespmem:s13+$0x1B880] =	vst v7;
	v7 =	vld.idx.msk [tilespmem:v41+s2+$0x0], $0xffff  }
0x863: {  	[tilespmem:s13+$0x1BD20] =	vst v13;
	v9 =	vld.idx.msk [tilespmem:v53+s2+$0x0], $0xffff  }
0x864: {  	v13 =	vld.idx.msk [tilespmem:v57+s2+$0x0], $0xffff  }
0x865: {  	v39 =	vld [tilespmem:s13+$0x19D70]  }
0x866: {  	[tilespmem:s13+$0x1B710] =	vst v1;
	v41 =	vld [tilespmem:s13+$0x19E70]  }
0x867: {  	[tilespmem:s13+$0x1B990] =	vst v4;
	v53 =	vld [tilespmem:s13+$0x19C90]  }
0x868: {  	[tilespmem:s13+$0x1B790] =	vst v0;
	v57 =	vld [tilespmem:s13+$0x19E90]  }
0x869: {  	[tilespmem:s13+$0x1BA90] =	vst v2;
	v6 =	vld.idx.msk [tilespmem:v10+s2+$0x0], $0xffff  }
0x86a: {  	[tilespmem:s13+$0x1BA10] =	vst v3;
	v10 =	vld.idx.msk [tilespmem:v48+s2+$0x0], $0xffff  }
0x86b: {  	v48 =	vld [tilespmem:s13+$0x19B10];
	[tilespmem:s13+$0x1BDD0] =	vst v14  }
0x86c: {  	v14 =	vld.idx.msk [tilespmem:v32+s2+$0x0], $0xffff;
	[tilespmem:s13+$0x1BE20] =	vst v8  }
0x86d: {  	[tilespmem:s13+$0x1BC30] =	vst v11;
	v8 =	vld.idx.msk [tilespmem:v59+s2+$0x0], $0xffff  }
0x86e: {  	[tilespmem:s13+$0x1B910] =	vst v5;
	v11 =	vld.idx.msk [tilespmem:v61+s2+$0x0], $0xffff  }
0x86f: {  	[tilespmem:s13+$0x1BAC0] =	vst v42;
	v42 =	vld [tilespmem:s13+$0x19C00]  }
0x870: {  	[tilespmem:s13+$0x1BD30] =	vst v13;
	v46 =	vld.idx.msk [tilespmem:v12+s2+$0x0], $0xffff  }
0x871: {  	[tilespmem:s13+$0x1BB60] =	vst v9;
	v12 =	vld.idx.msk [tilespmem:v50+s2+$0x0], $0xffff  }
0x872: {  	[tilespmem:s13+$0x1B810] =	vst v7;
	v13 =	vld.idx.msk [tilespmem:v63+s2+$0x0], $0xffff  }
0x873: {  	[tilespmem:s13+$0x1BBA0] =	vst v10;
	v9 =	vld.idx.msk [tilespmem:v21+s2+$0x0], $0xffff  }
0x874: {  	[tilespmem:s13+$0x1B890] =	vst v6;
	v10 =	vld.idx.msk [tilespmem:v54+s2+$0x0], $0xffff  }
0x875: {  	v54 =	vld [tilespmem:s13+$0x19D10];
	[tilespmem:s13+$0x1BDE0] =	vst v14  }
0x876: {  	v14 =	vld.idx.msk [tilespmem:v40+s2+$0x0], $0xffff;
	[tilespmem:s13+$0x1BE30] =	vst v8  }
0x877: {  	[tilespmem:s13+$0x1BC40] =	vst v11;
	v8 =	vld.idx.msk [tilespmem:v19+s2+$0x0], $0xffff  }
0x878: {  	[tilespmem:s13+$0x1BCA0] =	vst v12;
	v11 =	vld.idx.msk [tilespmem:v23+s2+$0x0], $0xffff  }
0x879: {  	[tilespmem:s13+$0x1BAD0] =	vst v46;
	v12 =	vld.idx.msk [tilespmem:v56+s2+$0x0], $0xffff  }
0x87a: {  	[tilespmem:s13+$0x1BD40] =	vst v13;
	v46 =	vld [tilespmem:s13+$0x19E00]  }
0x87b: {  	[tilespmem:s13+$0x1BB70] =	vst v9;
	v15 =	vld.idx.msk [tilespmem:v15+s2+$0x0], $0xffff  }
0x87c: {  	[tilespmem:s13+$0x1BBB0] =	vst v10;
	v13 =	vld.idx.msk [tilespmem:v25+s2+$0x0], $0xffff  }
0x87d: {  	v9 =	vld.idx.msk [tilespmem:v35+s2+$0x0], $0xffff;
	[tilespmem:s13+$0x1BDF0] =	vst v14  }
0x87e: {  	v10 =	vld.idx.msk [tilespmem:v60+s2+$0x0], $0xffff;
	[tilespmem:s13+$0x1BCB0] =	vst v12  }
0x87f: {  	[tilespmem:s13+$0x1BE40] =	vst v8;
	v12 =	vld.idx.msk [tilespmem:v62+s2+$0x0], $0xffff  }
0x880: {  	v56 =	vld [tilespmem:s13+$0x19E10];
	[tilespmem:s13+$0x1BC50] =	vst v11  }
0x881: {  	[tilespmem:s13+$0x1BAE0] =	vst v15;
	v8 =	vld.idx.msk [tilespmem:v27+s2+$0x0], $0xffff  }
0x882: {  	[tilespmem:s13+$0x1BD50] =	vst v13;
	v11 =	vld.idx.msk [tilespmem:v29+s2+$0x0], $0xffff  }
0x883: {  	[tilespmem:s13+$0x1BBC0] =	vst v10;
	v15 =	vld.idx.msk [tilespmem:v20+s2+$0x0], $0xffff  }
0x884: {  	v10 =	vld.idx.msk [tilespmem:v22+s2+$0x0], $0xffff;
	[tilespmem:s13+$0x1BCC0] =	vst v12  }
0x885: {  	[tilespmem:s13+$0x1BB80] =	vst v9;
	v12 =	vld.idx.msk [tilespmem:v24+s2+$0x0], $0xffff  }
0x886: {  	v13 =	vld.idx.msk [tilespmem:v31+s2+$0x0], $0xffff;
	[tilespmem:s13+$0x1BE50] =	vst v8  }
0x887: {  	v59 =	vld.idx.msk [tilespmem:v49+s2+$0x0], $0xffff;
	[tilespmem:s13+$0x1BC60] =	vst v11  }
0x888: {  	v51 =	vld.idx.msk [tilespmem:v46+s2+$0x0], $0xffff;
	[tilespmem:s13+$0x1BAF0] =	vst v15  }
0x889: {  	v8 =	vld.idx.msk [tilespmem:v33+s2+$0x0], $0xffff;
	[tilespmem:s13+$0x1BBD0] =	vst v10  }
0x88a: {  	v10 =	vld.idx.msk [tilespmem:v28+s2+$0x0], $0xffff;
	[tilespmem:s13+$0x1BCD0] =	vst v12  }
0x88b: {  	[tilespmem:s13+$0x1BD60] =	vst v13;
	v12 =	vld.idx.msk [tilespmem:v30+s2+$0x0], $0xffff  }
0x88c: {  	v11 =	vld.idx.msk [tilespmem:v37+s2+$0x0], $0xffff;
	[tilespmem:s13+$0x1BB90] =	vst v59  }
0x88d: {  	v13 =	vld.idx.msk [tilespmem:v39+s2+$0x0], $0xffff;
	[tilespmem:s13+$0x1BE00] =	vst v51  }
0x88e: {  	v15 =	vld.idx.msk [tilespmem:v34+s2+$0x0], $0xffff;
	[tilespmem:s13+$0x1BE60] =	vst v8  }
0x88f: {  	v8 =	vld.idx.msk [tilespmem:v41+s2+$0x0], $0xffff;
	[tilespmem:s13+$0x1BBE0] =	vst v10  }
0x890: {  	v10 =	vld.idx.msk [tilespmem:v36+s2+$0x0], $0xffff;
	[tilespmem:s13+$0x1BCE0] =	vst v12  }
0x891: {  	[tilespmem:s13+$0x1BC70] =	vst v11;
	v12 =	vld.idx.msk [tilespmem:v38+s2+$0x0], $0xffff  }
0x892: {  	v62 =	vld.idx.msk [tilespmem:v56+s2+$0x0], $0xffff;
	[tilespmem:s13+$0x1BD70] =	vst v13  }
0x893: {  	[tilespmem:s13+$0x1BB00] =	vst v15;
	v11 =	vld.idx.msk [tilespmem:v43+s2+$0x0], $0xffff  }
0x894: {  	v50 =	vld.idx.msk [tilespmem:v45+s2+$0x0], $0xffff;
	[tilespmem:s13+$0x1BE70] =	vst v8  }
0x895: {  	v8 =	vld.idx.msk [tilespmem:v47+s2+$0x0], $0xffff;
	[tilespmem:s13+$0x1BBF0] =	vst v10  }
0x896: {  	v10 =	vld.idx.msk [tilespmem:v42+s2+$0x0], $0xffff;
	[tilespmem:s13+$0x1BCF0] =	vst v12  }
0x897: {  	[tilespmem:s13+$0x1BE10] =	vst v62;
	v12 =	vld.idx.msk [tilespmem:v44+s2+$0x0], $0xffff  }
0x898: {  	v58 =	vld.idx.msk [tilespmem:v48+s2+$0x0], $0xffff;
	[tilespmem:s13+$0x1BC80] =	vst v11  }
0x899: {  	[tilespmem:s13+$0x1BD80] =	vst v50;
	v61 =	vld.idx.msk [tilespmem:v53+s2+$0x0], $0xffff  }
0x89a: {  	v0 =	vld.idx.msk [tilespmem:v55+s2+$0x0], $0xffff;
	[tilespmem:s13+$0x1BE80] =	vst v8  }
0x89b: {  	v63 =	vld.idx.msk [tilespmem:v57+s2+$0x0], $0xffff;
	[tilespmem:s13+$0x1BC00] =	vst v10  }
0x89c: {  	v60 =	vld.idx.msk [tilespmem:v52+s2+$0x0], $0xffff;
	[tilespmem:s13+$0x1BD00] =	vst v12  }
0x89d: {  	p3 =	por p2, p2;
	[tilespmem:s13+$0x1BB10] =	vst v58;
	v1 =	vld.idx.msk [tilespmem:v54+s2+$0x0], $0xffff  }
.Ltmp8:
0x89e: {  	[tilespmem:s13+$0x1BC90] =	vst v61;
	(pc) =	sbr.rel @p3 .LBB2_19-.Ltmp8, $4  }
0x89f: {  	[tilespmem:s13+$0x1BD90] =	vst v0  }
0x8a0: {  	[tilespmem:s13+$0x1BE90] =	vst v63  }
0x8a1: {  	[tilespmem:s13+$0x1BC10] =	vst v60  }
0x8a2: {  	p2 =	por $0x0, $0x0;
	[tilespmem:s13+$0x1BD10] =	vst v1;
	s13 =	simm.s32 $0x800  }
0x8a3: {  	s5 =	sadd.s32 @!p1 $0x3000, s5;
	s13 =	simm.s32 @!p1 $0x196A0;
	s3 =	sadd.s32 $0x1, s3  }
0x8a4: {  	[tilespmem:s13], [sflag:$0x2] =	stream.linear.gather @!p1 [spmem:s5], $0x1000, $0x38;
	[tilespmem:$0x1F8A0] =	vst v63  }
0x8a5: {  	p1 =	sne.s32 s3, $0x19  }
.Ltmp9:
0x8a6: {  	_ = 	snop;
	(pc) =	sbr.rel @p1 .LBB2_16-.Ltmp9, $3  }
0x8a7: {  	_ =	sdelay $0x1  }
0x8a8: {  	s14 =	sadd.s32 s9, s11  }
0x8a9: {  	[hbm4b:s14+s23] =	stream.strided.scatter [tilespmem:s28], [sflag:$0x4], $0x1000, s24, s23, $0x38;
	[tilespmem:$0x1F8A0] =	vst v63  }
0x8aa: {  	s0 =	sadd.s32 $0x1, s0  }
0x8ab: {  	_ =	swait.ge [sflag:s29], $0x1000;
	p1 =	sne.s32 s0, s17  }
.Ltmp10:
0x8ac: {  	[sflag:s29] =	ssyncset.done $0x0;
	(pc) =	sbr.rel @p1 .LBB2_1-.Ltmp10, $4  }
0x8ad: {  	[sflag:s29] =	ssyncadd.s32 $0xFFFFF000  }
0x8ae: {  	_ =	swait.ge [sflag:s30], $0x1000  }
0x8af: {  	[sflag:s30] =	ssyncset.done $0x0  }
0x8b0: {  	[sflag:s30] =	ssyncadd.s32 $0xFFFFF000  }
0x8b1: {  	_ =	sfence.sel $0x180000  }
0x8b2: {  	[bflag:$0x0] =	sbarrier.arrive $0xFFFF  }
0x8b3: {  	_ =	strace $0x90000047  }
0x8b4: {  	[bflag:$0x2] =	sbarrier.arrive $0xFFFF  }
0x8b5: {  	s0 =	rddreg [dreg:$0x3]  }
0x8b6: {  	s0 =	sadd.s32 @!p0 $0x100000, s0  }
0x8b7: {  	[sflag:s0] =	ssyncadd.tile.s32 @!p0 $0x1;
	_ =	shalt  }
.Lfunc_end2:
_tile_overlayer_lowered:
.L_overlay_start_2:
0x8b8: {  	(tag) =	ssettag $0x2  }
0x8b9: {  	s0 =	rddreg [dreg:$0x0];
	s2 =	stileid.u32  }
0x8ba: {  	s1 =	rddreg [dreg:$0x1];
	p0 =	sne.s32 s2, $0x0  }
0x8bb: {  	s3 =	rddreg [dreg:$0x2];
	[bflag:$0x3] =	sbarrier.arrive $0xFFFF;
	s2 =	simm.s32 @!p0 $0x1C06  }
0x8bc: {  	[timem:s3], [sflag:s2] =	dma.local @!p0 [hbm:s0], s1  }
0x8bd: {  	s0 =	simm.s32 @!p0 $0x6  }
0x8be: {  	_ =	swait.ge @!p0 [sflag:s0], s1  }
0x8bf: {  	s1 =	ssub.s32 @!p0 $0x0, s1;
	[sflag:s0] =	ssyncset.done @!p0 $0x0  }
0x8c0: {  	[sflag:s0] =	ssyncadd.s32 @!p0 s1  }
0x8c1: {  	[bflag:$0x3] =	sbarrier.arrive $0xFFFF  }
0x8c2: {  	_ =	shalt  }

</sc_bundles>
